<compile_context>
chip_gen: v7x
topology: tpu7x:2x2x1
jax: 0.10.2.dev20260603
libtpu: 0.0.44.dev20260713+nightly
codegen_flags: <defaults>
</compile_context>

<pallas_src>
import functools

import jax
import jax.numpy as jnp
import numpy as np
from jax import lax
from jax.experimental import pallas as pl
from jax.experimental.pallas import tpu as pltpu
from jax.experimental.pallas import tpu_sc as plsc

B = 64
S = 32768
K = 128

NC = 2
NS = 16
L = 16
ROWS_PER_W = B // (NC * NS)
NCHUNK = S // L
CAP = 4096

INT_MIN = np.int32(-2147483648)
NEG_INF_BITS = np.int32(-8388608)

_mesh = plsc.VectorSubcoreMesh(
    core_axis_name="c", subcore_axis_name="s", num_cores=NC, num_subcores=NS
)


def _sload(ref, i):
    return ref[pl.ds(i, L)][0]


def _popcnt(m):
    return plsc.all_reduce_population_count(m)[0]


@functools.partial(
    pl.kernel,
    out_type=(
        jax.ShapeDtypeStruct((B, K), jnp.float32),
        jax.ShapeDtypeStruct((B, K), jnp.int32),
    ),
    mesh=_mesh,
    compiler_params=pltpu.CompilerParams(needs_layout_passes=False),
    scratch_types=[
        pltpu.VMEM((S,), jnp.int32),
        pltpu.VMEM((L * 256,), jnp.int32),
        pltpu.VMEM((256,), jnp.int32),
        pltpu.VMEM((NCHUNK + L,), jnp.int32),
        pltpu.VMEM((CAP,), jnp.int32),
        pltpu.VMEM((CAP,), jnp.int32),
        pltpu.VMEM((160,), jnp.int32),
        pltpu.VMEM((160,), jnp.int32),
        pltpu.VMEM((K,), jnp.int32),
        pltpu.VMEM((K,), jnp.int32),
        pltpu.VMEM((K,), jnp.float32),
        pltpu.VMEM((B + L,), jnp.int32),
        pltpu.VMEM((B + L,), jnp.int32),
        pltpu.SemaphoreType.DMA,
    ],
)
def _topk_body(scores, starts, ends, vals_o, idx_o,
               buf, hist_v, tot_v, cnt_v, spill_k, spill_i,
               candk_v, candi_v, outk_v, outi_v, outv_v, st_v, en_v,
               sem0):
    wid = lax.axis_index("s") * NC + lax.axis_index("c")
    iota = lax.iota(jnp.int32, L)
    lane_base = iota * 256
    lane0 = iota == 0
    zero16 = jnp.zeros((L,), jnp.int32)
    ones16 = jnp.ones((L,), jnp.int32)

    def _zero_hist():
        def body(c, _):
            for l in range(L):
                hist_v[pl.ds(l * 256 + c * L, L)] = zero16
            return 0
        lax.fori_loop(0, 256 // L, body, 0)

    def _search(r_need):
        def tot_body(c, _):
            acc = zero16
            for l in range(L):
                acc = acc + hist_v[pl.ds(l * 256 + c * L, L)]
            tot_v[pl.ds(c * L, L)] = acc
            return 0
        lax.fori_loop(0, 256 // L, tot_body, 0)

        def body(c2, carry):
            running, bfound, a_add = carry
            found = bfound >= 0
            c = 15 - c2
            chunk = tot_v[pl.ds(c * L, L)]
            s_c = jnp.sum(chunk)
            here = jnp.logical_and(~found, running + s_c >= r_need)
            rev = lax.rev(chunk, (0,))
            incl = lax.rev(plsc.cumsum(rev), (0,))
            excl = incl - chunk
            cond = here & (running + excl < r_need) & \
                (running + incl >= r_need)
            i_val = jnp.sum(jnp.where(cond, iota, 0))
            e_val = jnp.sum(jnp.where(cond, excl, 0))
            bfound = jnp.where(here, c * L + i_val, bfound)
            a_add = jnp.where(here, running + e_val, a_add)
            running = jnp.where(found | here, running, running + s_c)
            return running, bfound, a_add

        _, b_val, a_add = lax.fori_loop(
            0, 256 // L, body, (np.int32(0), np.int32(-1), np.int32(0)))
        return b_val, a_add

    pltpu.sync_copy(starts, st_v.at[pl.ds(0, B)])
    pltpu.sync_copy(ends, en_v.at[pl.ds(0, B)])

    row0 = wid * ROWS_PER_W

    def _row_body(rr, _):
        row = row0 + rr
        pltpu.sync_copy(scores.at[row], buf)
        start_s = _sload(st_v, row)
        end_s = _sload(en_v, row)

        _zero_hist()

        @plsc.parallel_loop(0, NCHUNK, unroll=8)
        def _pass_a(i):
            bits = buf[pl.ds(i * L, L)]
            u = bits ^ ((bits >> 31) | INT_MIN)
            pos = i * L + iota
            valid = (pos >= start_s) & (pos < end_s)
            u = jnp.where(valid, u, np.int32(0))
            buf[pl.ds(i * L, L)] = u
            slot = lane_base + ((u >> 24) & np.int32(0xFF))
            plsc.addupdate_scatter(hist_v, [slot], ones16)

        b1, a1 = _search(np.int32(K))
        p1 = b1

        @plsc.parallel_loop(0, NCHUNK, unroll=8)
        def _count_pass(i):
            u = buf[pl.ds(i * L, L)]
            ge8 = (((u >> 24) & np.int32(0xFF)) >= p1) & (u != 0)
            cnt = plsc.all_reduce_population_count(ge8)
            plsc.store_compressed(cnt_v.at[pl.ds(i, L)], cnt, mask=lane0)

        def _scan_body(j, total):
            c = cnt_v[pl.ds(j * L, L)]
            cs = plsc.cumsum(c)
            cnt_v[pl.ds(j * L, L)] = total + (cs - c)
            return total + cs[L - 1]
        n_spill = lax.fori_loop(0, NCHUNK // L, _scan_body, np.int32(0))

        _zero_hist()

        @plsc.parallel_loop(0, NCHUNK, unroll=8)
        def _fill_pass(i):
            u = buf[pl.ds(i * L, L)]
            top8 = (u >> 24) & np.int32(0xFF)
            ge8 = (top8 >= p1) & (u != 0)
            match = top8 == p1
            pos = i * L + iota
            base = _sload(cnt_v, i)
            sp = jnp.minimum(base, np.int32(CAP - L))
            smask = ge8 & (base <= np.int32(CAP - L))
            plsc.store_compressed(spill_k.at[pl.ds(sp, L)], u, mask=smask)
            plsc.store_compressed(spill_i.at[pl.ds(sp, L)], pos, mask=smask)
            slot = lane_base + ((u >> 16) & np.int32(0xFF))
            plsc.addupdate_scatter(hist_v, [slot], ones16, mask=match)

        b2, a2 = _search(np.int32(K) - a1)
        a_cnt2 = a1 + a2
        p2 = p1 * 256 + b2
        nv = jnp.maximum(end_s - start_s, np.int32(0))
        nz = np.int32(S) - nv

        def _levels34_collect(nch, kref, iref, limit):
            _zero_hist()

            def h3(j, _):
                u = kref[pl.ds(j * L, L)]
                lv = (j * L + iota) < limit
                m = (((u >> 16) & np.int32(0xFFFF)) == p2) & lv
                slot = lane_base + ((u >> 8) & np.int32(0xFF))
                plsc.addupdate_scatter(hist_v, [slot], ones16, mask=m)
                return 0
            lax.fori_loop(0, nch, h3, 0)
            addz = jnp.where(p2 == 0, nz, np.int32(0))
            hist_v[pl.ds(0, L)] = hist_v[pl.ds(0, L)] + \
                jnp.where(lane0, addz, np.int32(0))
            b3, a3 = _search(np.int32(K) - a_cnt2)
            a_cnt3 = a_cnt2 + a3
            p3 = p2 * 256 + b3

            _zero_hist()

            def h4(j, _):
                u = kref[pl.ds(j * L, L)]
                lv = (j * L + iota) < limit
                m = (((u >> 8) & np.int32(0xFFFFFF)) == p3) & lv
                slot = lane_base + (u & np.int32(0xFF))
                plsc.addupdate_scatter(hist_v, [slot], ones16, mask=m)
                return 0
            lax.fori_loop(0, nch, h4, 0)
            addz4 = jnp.where(p3 == 0, nz, np.int32(0))
            hist_v[pl.ds(0, L)] = hist_v[pl.ds(0, L)] + \
                jnp.where(lane0, addz4, np.int32(0))
            b4, a4 = _search(np.int32(K) - a_cnt3)
            a_cnt4 = a_cnt3 + a4
            t_full = p3 * 256 + b4
            t_s = t_full ^ INT_MIN
            r4 = np.int32(K) - a_cnt4

            def coll(j, carry):
                cp, cnt_eq = carry
                u = kref[pl.ds(j * L, L)]
                if iref is None:
                    posv = j * L + iota
                else:
                    posv = iref[pl.ds(j * L, L)]
                lv = (j * L + iota) < limit
                s = u ^ INT_MIN
                gt = (s > t_s) & lv
                eq = (u == t_full) & lv
                incl = plsc.cumsum(eq.astype(jnp.int32))
                take = eq & ((cnt_eq + incl) <= r4)
                sel = gt | take
                plsc.store_compressed(candk_v.at[pl.ds(cp, L)], s, mask=sel)
                plsc.store_compressed(candi_v.at[pl.ds(cp, L)], posv,
                                      mask=sel)
                cp = cp + _popcnt(sel)
                cnt_eq = cnt_eq + _popcnt(eq)
                return cp, cnt_eq
            cp_fin, _ = lax.fori_loop(0, nch, coll,
                                      (np.int32(0), np.int32(0)))
            for c in range(K // L):
                m = c * L + iota
                pad = m >= cp_fin
                q = m - cp_fin
                idxq = jnp.where(q < start_s, q, end_s + q - start_s)
                ck = candk_v[pl.ds(c * L, L)]
                ci = candi_v[pl.ds(c * L, L)]
                candk_v[pl.ds(c * L, L)] = jnp.where(pad, INT_MIN, ck)
                candi_v[pl.ds(c * L, L)] = jnp.where(pad, idxq, ci)

        nch = (n_spill + np.int32(L - 1)) // np.int32(L)
        _levels34_collect(nch, spill_k, spill_i, n_spill)

        kcs = [candk_v[pl.ds(c * L, L)] for c in range(K // L)]
        ics = [candi_v[pl.ds(c * L, L)] for c in range(K // L)]

        @plsc.parallel_loop(0, K, unroll=1,
                            carry=tuple(zero16 for _ in range(K // L)))
        def _rank(j, ranks):
            kj = _sload(candk_v, j)
            ij = _sload(candi_v, j)
            out = []
            for c in range(K // L):
                m = (kj > kcs[c]) | ((kj == kcs[c]) & (ij < ics[c]))
                out.append(ranks[c] + m.astype(jnp.int32))
            return tuple(out)

        for c in range(K // L):
            plsc.store_scatter(outk_v, [_rank[c]], kcs[c])
            plsc.store_scatter(outi_v, [_rank[c]], ics[c])

        for c in range(K // L):
            s = outk_v[pl.ds(c * L, L)]
            bits = jnp.where(s >= 0, s, s ^ np.int32(0x7FFFFFFF))
            bits = jnp.where(s == INT_MIN, NEG_INF_BITS, bits)
            outv_v[pl.ds(c * L, L)] = lax.bitcast_convert_type(
                bits, jnp.float32)

        pltpu.sync_copy(outv_v, vals_o.at[row])
        pltpu.sync_copy(outi_v, idx_o.at[row])
        return 0

    lax.fori_loop(0, ROWS_PER_W, _row_body, 0)


def kernel(index_scores, starts, ends):
    scores_bits = lax.bitcast_convert_type(index_scores, jnp.int32)
    return _topk_body(scores_bits, starts, ends)

# --- scband reference (transcript-rebuilt; emitter-appended) ---
"""Pipeline reference for scband-topk-selector-layer-16965120819288 (READ-ONLY COPY).

The authoritative reference and input builder live on the scoring server;
editing this copy changes nothing except your own understanding.
"""

import jax, jax.numpy as jnp
import numpy as np

B = 64
S = 32768
K = 128

def setup_inputs(seed: int = 0) -> dict:
    key = jax.random.key(seed)
    k1, k2 = jax.random.split(key)
    index_scores = jax.random.normal(k1, (B, S), dtype=jnp.float32)
    starts = jnp.zeros((B,), dtype=jnp.int32)
    ends = jax.random.randint(k2, (B,), 0, S, dtype=jnp.int32)
    return {"index_scores": index_scores, "starts": starts, "ends": ends}

def reference(index_scores, starts, ends):
    # Per-row variable-range top-k selection: positions outside [start, end) are
    # masked to -inf, then top-k values/indices are selected along seq_len.
    pos = jnp.arange(index_scores.shape[1], dtype=jnp.int32)[None, :]
    valid = (pos >= starts[:, None]) & (pos < ends[:, None])
    masked = jnp.where(valid, index_scores, jnp.float32(-jnp.inf))
    vals, idx = jax.lax.top_k(masked, K)
    return vals, idx.astype(jnp.int32)

if __name__ == "__main__":
    import jax
    _d = setup_inputs()
    print(jax.jit(kernel)(*tuple(_d.values())))

</pallas_src>

<mosaic_0001>
#map = affine_map<(d0, d1) -> (0, 0)>
#map1 = affine_map<(d0, d1) -> (0)>
module attributes {stable_mosaic.version = 14 : i64} {
  func.func @_topk_body(%arg0: i32, %arg1: i32, %arg2: memref<64x32768xi32, #tpu.memory_space<hbm>>, %arg3: memref<64xi32, #tpu.memory_space<hbm>>, %arg4: memref<64xi32, #tpu.memory_space<hbm>>, %arg5: memref<64x128xf32, #tpu.memory_space<hbm>>, %arg6: memref<64x128xi32, #tpu.memory_space<hbm>>, %arg7: memref<32768xi32, #tpu.memory_space<vmem>>, %arg8: memref<4096xi32, #tpu.memory_space<vmem>>, %arg9: memref<256xi32, #tpu.memory_space<vmem>>, %arg10: memref<2064xi32, #tpu.memory_space<vmem>>, %arg11: memref<4096xi32, #tpu.memory_space<vmem>>, %arg12: memref<4096xi32, #tpu.memory_space<vmem>>, %arg13: memref<160xi32, #tpu.memory_space<vmem>>, %arg14: memref<160xi32, #tpu.memory_space<vmem>>, %arg15: memref<128xi32, #tpu.memory_space<vmem>>, %arg16: memref<128xi32, #tpu.memory_space<vmem>>, %arg17: memref<128xf32, #tpu.memory_space<vmem>>, %arg18: memref<80xi32, #tpu.memory_space<vmem>>, %arg19: memref<80xi32, #tpu.memory_space<vmem>>, %arg20: memref<!tpu.dma_semaphore, #tpu.memory_space<semaphore_mem>>) attributes {dimension_semantics = [#tpu.dimension_semantics<core_parallel>, #tpu.dimension_semantics<subcore_parallel>], iteration_bounds = array<i64: 2, 16>, scalar_prefetch = 0 : i64, scratch_operands = 14 : i64, tpu.core_type = #tpu.core_type<sc_vector_subcore>, window_params = [{transform_indices = #map}, {transform_indices = #map1}, {transform_indices = #map1}, {transform_indices = #map}, {transform_indices = #map}]} {
    %mul3A = arith.constant 2 : i32
    %mul3A_0 = arith.muli %arg1, %mul3A : i32
    %add3A = arith.addi %mul3A_0, %arg0 : i32
    %iota3A = tpu.iota {dimensions = array<i32: 0>} : vector<16xi32>
    %mul3A_1 = arith.constant 256 : i32
    %mul3A_2 = vector.broadcast %mul3A_1 : i32 to vector<16xi32>
    %mul3A_3 = arith.muli %iota3A, %mul3A_2 : vector<16xi32>
    %eq3A = arith.constant 0 : i32
    %eq3A_4 = vector.broadcast %eq3A : i32 to vector<16xi32>
    %eq3A_5 = arith.cmpi eq, %iota3A, %eq3A_4 : vector<16xi32>
    %broadcast_in_dim3A = arith.constant 0 : i32
    %broadcast_in_dim3A_6 = vector.broadcast %broadcast_in_dim3A : i32 to vector<16xi32>
    %broadcast_in_dim3A_7 = arith.constant 1 : i32
    %broadcast_in_dim3A_8 = vector.broadcast %broadcast_in_dim3A_7 : i32 to vector<16xi32>
    "tpu.region"() ({
      %run_scoped3A = tpu.sem_alloc : memref<!tpu.dma_semaphore, #tpu.memory_space<semaphore_mem>>
      %dma_start3A = arith.constant 0 : i32
      %dma_start3A_17 = tpu.memref_slice %arg18[%dma_start3A] : memref<80xi32, #tpu.memory_space<vmem>> -> memref<64xi32, #tpu.memory_space<vmem>>
      %dma_start3A_18 = arith.constant 0 : i32
      %dma_start3A_19 = tpu.memref_slice %arg18[%dma_start3A_18] : memref<80xi32, #tpu.memory_space<vmem>> -> memref<64xi32, #tpu.memory_space<vmem>>
      tpu.enqueue_dma source(%arg3 : memref<64xi32, #tpu.memory_space<hbm>>) target(%dma_start3A_19 : memref<64xi32, #tpu.memory_space<vmem>>) target_semaphore(%run_scoped3A : memref<!tpu.dma_semaphore, #tpu.memory_space<semaphore_mem>>)
      %dma_wait3A = arith.constant 0 : i32
      %dma_wait3A_20 = tpu.memref_slice %arg18[%dma_wait3A] : memref<80xi32, #tpu.memory_space<vmem>> -> memref<64xi32, #tpu.memory_space<vmem>>
      %dma_wait3A_21 = arith.constant 0 : i32
      %dma_wait3A_22 = tpu.memref_slice %arg18[%dma_wait3A_21] : memref<80xi32, #tpu.memory_space<vmem>> -> memref<64xi32, #tpu.memory_space<vmem>>
      tpu.wait_dma2 semaphore(%run_scoped3A : memref<!tpu.dma_semaphore, #tpu.memory_space<semaphore_mem>>) src(%arg3 : memref<64xi32, #tpu.memory_space<hbm>>) dst(%dma_wait3A_22 : memref<64xi32, #tpu.memory_space<vmem>>)
      tpu.yield
    }) : () -> ()
    "tpu.region"() ({
      %run_scoped3A = tpu.sem_alloc : memref<!tpu.dma_semaphore, #tpu.memory_space<semaphore_mem>>
      %dma_start3A = arith.constant 0 : i32
      %dma_start3A_17 = tpu.memref_slice %arg19[%dma_start3A] : memref<80xi32, #tpu.memory_space<vmem>> -> memref<64xi32, #tpu.memory_space<vmem>>
      %dma_start3A_18 = arith.constant 0 : i32
      %dma_start3A_19 = tpu.memref_slice %arg19[%dma_start3A_18] : memref<80xi32, #tpu.memory_space<vmem>> -> memref<64xi32, #tpu.memory_space<vmem>>
      tpu.enqueue_dma source(%arg4 : memref<64xi32, #tpu.memory_space<hbm>>) target(%dma_start3A_19 : memref<64xi32, #tpu.memory_space<vmem>>) target_semaphore(%run_scoped3A : memref<!tpu.dma_semaphore, #tpu.memory_space<semaphore_mem>>)
      %dma_wait3A = arith.constant 0 : i32
      %dma_wait3A_20 = tpu.memref_slice %arg19[%dma_wait3A] : memref<80xi32, #tpu.memory_space<vmem>> -> memref<64xi32, #tpu.memory_space<vmem>>
      %dma_wait3A_21 = arith.constant 0 : i32
      %dma_wait3A_22 = tpu.memref_slice %arg19[%dma_wait3A_21] : memref<80xi32, #tpu.memory_space<vmem>> -> memref<64xi32, #tpu.memory_space<vmem>>
      tpu.wait_dma2 semaphore(%run_scoped3A : memref<!tpu.dma_semaphore, #tpu.memory_space<semaphore_mem>>) src(%arg4 : memref<64xi32, #tpu.memory_space<hbm>>) dst(%dma_wait3A_22 : memref<64xi32, #tpu.memory_space<vmem>>)
      tpu.yield
    }) : () -> ()
    %mul3A_9 = arith.constant 2 : i32
    %mul3A_10 = arith.muli %add3A, %mul3A_9 : i32
    %scan3A = arith.constant 0 : i32
    %scan3A_11 = arith.constant 0 : i32
    %scan3A_12 = arith.constant 2 : i32
    %scan3A_13 = arith.addi %scan3A_11, %scan3A_12 : i32
    %scan3A_14 = arith.constant 1 : i32
    %scan3A_15 = scf.for %scan3A_17 = %scan3A_11 to %scan3A_13 step %scan3A_14 iter_args(%scan3A_18 = %scan3A) -> (i32)  : i32 {
      %add3A_19 = arith.addi %mul3A_10, %scan3A_17 : i32
      "tpu.region"() ({
        %run_scoped3A = tpu.sem_alloc : memref<!tpu.dma_semaphore, #tpu.memory_space<semaphore_mem>>
        %dma_start3A = arith.constant 0 : i32
        %dma_start3A_622 = tpu.memref_slice %arg2[%add3A_19, %dma_start3A] : memref<64x32768xi32, #tpu.memory_space<hbm>> -> memref<1x32768xi32, #tpu.memory_space<hbm>>
        %dma_start3A_623 = tpu.memref_squeeze %dma_start3A_622 : memref<1x32768xi32, #tpu.memory_space<hbm>> -> memref<32768xi32, #tpu.memory_space<hbm>>
        %dma_start3A_624 = arith.constant 0 : i32
        %dma_start3A_625 = tpu.memref_slice %arg2[%add3A_19, %dma_start3A_624] : memref<64x32768xi32, #tpu.memory_space<hbm>> -> memref<1x32768xi32, #tpu.memory_space<hbm>>
        %dma_start3A_626 = tpu.memref_squeeze %dma_start3A_625 : memref<1x32768xi32, #tpu.memory_space<hbm>> -> memref<32768xi32, #tpu.memory_space<hbm>>
        tpu.enqueue_dma source(%dma_start3A_626 : memref<32768xi32, #tpu.memory_space<hbm>>) target(%arg7 : memref<32768xi32, #tpu.memory_space<vmem>>) target_semaphore(%run_scoped3A : memref<!tpu.dma_semaphore, #tpu.memory_space<semaphore_mem>>)
        %dma_wait3A = arith.constant 0 : i32
        %dma_wait3A_627 = tpu.memref_slice %arg2[%add3A_19, %dma_wait3A] : memref<64x32768xi32, #tpu.memory_space<hbm>> -> memref<1x32768xi32, #tpu.memory_space<hbm>>
        %dma_wait3A_628 = tpu.memref_squeeze %dma_wait3A_627 : memref<1x32768xi32, #tpu.memory_space<hbm>> -> memref<32768xi32, #tpu.memory_space<hbm>>
        %dma_wait3A_629 = arith.constant 0 : i32
        %dma_wait3A_630 = tpu.memref_slice %arg2[%add3A_19, %dma_wait3A_629] : memref<64x32768xi32, #tpu.memory_space<hbm>> -> memref<1x32768xi32, #tpu.memory_space<hbm>>
        %dma_wait3A_631 = tpu.memref_squeeze %dma_wait3A_630 : memref<1x32768xi32, #tpu.memory_space<hbm>> -> memref<32768xi32, #tpu.memory_space<hbm>>
        tpu.wait_dma2 semaphore(%run_scoped3A : memref<!tpu.dma_semaphore, #tpu.memory_space<semaphore_mem>>) src(%dma_wait3A_631 : memref<32768xi32, #tpu.memory_space<hbm>>) dst(%arg7 : memref<32768xi32, #tpu.memory_space<vmem>>)
        tpu.yield
      }) : () -> ()
      %get3A = arith.index_cast %add3A_19 : i32 to index
      %get3A_20 = tpu.vector_load %arg18[%get3A] {strides = array<i32>} : memref<80xi32, #tpu.memory_space<vmem>>, vector<16xi32>,
      %slice3A = vector.extract_strided_slice %get3A_20 {offsets = [0], sizes = [1], strides = [1]} : vector<16xi32> to vector<1xi32>
      %squeeze3A = vector.extract %slice3A[0] : i32 from vector<1xi32>
      %get3A_21 = arith.index_cast %add3A_19 : i32 to index
      %get3A_22 = tpu.vector_load %arg19[%get3A_21] {strides = array<i32>} : memref<80xi32, #tpu.memory_space<vmem>>, vector<16xi32>,
      %slice3A_23 = vector.extract_strided_slice %get3A_22 {offsets = [0], sizes = [1], strides = [1]} : vector<16xi32> to vector<1xi32>
      %squeeze3A_24 = vector.extract %slice3A_23[0] : i32 from vector<1xi32>
      %scan3A_25 = arith.constant 0 : i32
      %scan3A_26 = arith.constant 0 : i32
      %scan3A_27 = arith.constant 16 : i32
      %scan3A_28 = arith.addi %scan3A_26, %scan3A_27 : i32
      %scan3A_29 = arith.constant 1 : i32
      %scan3A_30 = scf.for %scan3A_622 = %scan3A_26 to %scan3A_28 step %scan3A_29 iter_args(%scan3A_623 = %scan3A_25) -> (i32)  : i32 {
        %mul3A_624 = arith.constant 16 : i32
        %mul3A_625 = arith.muli %scan3A_622, %mul3A_624 : i32
        %add3A_626 = arith.constant 0 : i32
        %add3A_627 = arith.addi %add3A_626, %mul3A_625 : i32
        %swap3A_628 = arith.index_cast %add3A_627 : i32 to index
        %swap3A_629 = tpu.vector_load %arg8[%swap3A_628] {strides = array<i32>} : memref<4096xi32, #tpu.memory_space<vmem>>, vector<16xi32>,
        tpu.vector_store %arg8[%swap3A_628], %broadcast_in_dim3A_6 {strides = array<i32>} : memref<4096xi32, #tpu.memory_space<vmem>>, vector<16xi32>,
        %mul3A_630 = arith.constant 16 : i32
        %mul3A_631 = arith.muli %scan3A_622, %mul3A_630 : i32
        %add3A_632 = arith.constant 256 : i32
        %add3A_633 = arith.addi %add3A_632, %mul3A_631 : i32
        %swap3A_634 = arith.index_cast %add3A_633 : i32 to index
        %swap3A_635 = tpu.vector_load %arg8[%swap3A_634] {strides = array<i32>} : memref<4096xi32, #tpu.memory_space<vmem>>, vector<16xi32>,
        tpu.vector_store %arg8[%swap3A_634], %broadcast_in_dim3A_6 {strides = array<i32>} : memref<4096xi32, #tpu.memory_space<vmem>>, vector<16xi32>,
        %mul3A_636 = arith.constant 16 : i32
        %mul3A_637 = arith.muli %scan3A_622, %mul3A_636 : i32
        %add3A_638 = arith.constant 512 : i32
        %add3A_639 = arith.addi %add3A_638, %mul3A_637 : i32
        %swap3A_640 = arith.index_cast %add3A_639 : i32 to index
        %swap3A_641 = tpu.vector_load %arg8[%swap3A_640] {strides = array<i32>} : memref<4096xi32, #tpu.memory_space<vmem>>, vector<16xi32>,
        tpu.vector_store %arg8[%swap3A_640], %broadcast_in_dim3A_6 {strides = array<i32>} : memref<4096xi32, #tpu.memory_space<vmem>>, vector<16xi32>,
        %mul3A_642 = arith.constant 16 : i32
        %mul3A_643 = arith.muli %scan3A_622, %mul3A_642 : i32
        %add3A_644 = arith.constant 768 : i32
        %add3A_645 = arith.addi %add3A_644, %mul3A_643 : i32
        %swap3A_646 = arith.index_cast %add3A_645 : i32 to index
        %swap3A_647 = tpu.vector_load %arg8[%swap3A_646] {strides = array<i32>} : memref<4096xi32, #tpu.memory_space<vmem>>, vector<16xi32>,
        tpu.vector_store %arg8[%swap3A_646], %broadcast_in_dim3A_6 {strides = array<i32>} : memref<4096xi32, #tpu.memory_space<vmem>>, vector<16xi32>,
        %mul3A_648 = arith.constant 16 : i32
        %mul3A_649 = arith.muli %scan3A_622, %mul3A_648 : i32
        %add3A_650 = arith.constant 1024 : i32
        %add3A_651 = arith.addi %add3A_650, %mul3A_649 : i32
        %swap3A_652 = arith.index_cast %add3A_651 : i32 to index
        %swap3A_653 = tpu.vector_load %arg8[%swap3A_652] {strides = array<i32>} : memref<4096xi32, #tpu.memory_space<vmem>>, vector<16xi32>,
        tpu.vector_store %arg8[%swap3A_652], %broadcast_in_dim3A_6 {strides = array<i32>} : memref<4096xi32, #tpu.memory_space<vmem>>, vector<16xi32>,
        %mul3A_654 = arith.constant 16 : i32
        %mul3A_655 = arith.muli %scan3A_622, %mul3A_654 : i32
        %add3A_656 = arith.constant 1280 : i32
        %add3A_657 = arith.addi %add3A_656, %mul3A_655 : i32
        %swap3A_658 = arith.index_cast %add3A_657 : i32 to index
        %swap3A_659 = tpu.vector_load %arg8[%swap3A_658] {strides = array<i32>} : memref<4096xi32, #tpu.memory_space<vmem>>, vector<16xi32>,
        tpu.vector_store %arg8[%swap3A_658], %broadcast_in_dim3A_6 {strides = array<i32>} : memref<4096xi32, #tpu.memory_space<vmem>>, vector<16xi32>,
        %mul3A_660 = arith.constant 16 : i32
        %mul3A_661 = arith.muli %scan3A_622, %mul3A_660 : i32
        %add3A_662 = arith.constant 1536 : i32
        %add3A_663 = arith.addi %add3A_662, %mul3A_661 : i32
        %swap3A_664 = arith.index_cast %add3A_663 : i32 to index
        %swap3A_665 = tpu.vector_load %arg8[%swap3A_664] {strides = array<i32>} : memref<4096xi32, #tpu.memory_space<vmem>>, vector<16xi32>,
        tpu.vector_store %arg8[%swap3A_664], %broadcast_in_dim3A_6 {strides = array<i32>} : memref<4096xi32, #tpu.memory_space<vmem>>, vector<16xi32>,
        %mul3A_666 = arith.constant 16 : i32
        %mul3A_667 = arith.muli %scan3A_622, %mul3A_666 : i32
        %add3A_668 = arith.constant 1792 : i32
        %add3A_669 = arith.addi %add3A_668, %mul3A_667 : i32
        %swap3A_670 = arith.index_cast %add3A_669 : i32 to index
        %swap3A_671 = tpu.vector_load %arg8[%swap3A_670] {strides = array<i32>} : memref<4096xi32, #tpu.memory_space<vmem>>, vector<16xi32>,
        tpu.vector_store %arg8[%swap3A_670], %broadcast_in_dim3A_6 {strides = array<i32>} : memref<4096xi32, #tpu.memory_space<vmem>>, vector<16xi32>,
        %mul3A_672 = arith.constant 16 : i32
        %mul3A_673 = arith.muli %scan3A_622, %mul3A_672 : i32
        %add3A_674 = arith.constant 2048 : i32
        %add3A_675 = arith.addi %add3A_674, %mul3A_673 : i32
        %swap3A_676 = arith.index_cast %add3A_675 : i32 to index
        %swap3A_677 = tpu.vector_load %arg8[%swap3A_676] {strides = array<i32>} : memref<4096xi32, #tpu.memory_space<vmem>>, vector<16xi32>,
        tpu.vector_store %arg8[%swap3A_676], %broadcast_in_dim3A_6 {strides = array<i32>} : memref<4096xi32, #tpu.memory_space<vmem>>, vector<16xi32>,
        %mul3A_678 = arith.constant 16 : i32
        %mul3A_679 = arith.muli %scan3A_622, %mul3A_678 : i32
        %add3A_680 = arith.constant 2304 : i32
        %add3A_681 = arith.addi %add3A_680, %mul3A_679 : i32
        %swap3A_682 = arith.index_cast %add3A_681 : i32 to index
        %swap3A_683 = tpu.vector_load %arg8[%swap3A_682] {strides = array<i32>} : memref<4096xi32, #tpu.memory_space<vmem>>, vector<16xi32>,
        tpu.vector_store %arg8[%swap3A_682], %broadcast_in_dim3A_6 {strides = array<i32>} : memref<4096xi32, #tpu.memory_space<vmem>>, vector<16xi32>,
        %mul3A_684 = arith.constant 16 : i32
        %mul3A_685 = arith.muli %scan3A_622, %mul3A_684 : i32
        %add3A_686 = arith.constant 2560 : i32
        %add3A_687 = arith.addi %add3A_686, %mul3A_685 : i32
        %swap3A_688 = arith.index_cast %add3A_687 : i32 to index
        %swap3A_689 = tpu.vector_load %arg8[%swap3A_688] {strides = array<i32>} : memref<4096xi32, #tpu.memory_space<vmem>>, vector<16xi32>,
        tpu.vector_store %arg8[%swap3A_688], %broadcast_in_dim3A_6 {strides = array<i32>} : memref<4096xi32, #tpu.memory_space<vmem>>, vector<16xi32>,
        %mul3A_690 = arith.constant 16 : i32
        %mul3A_691 = arith.muli %scan3A_622, %mul3A_690 : i32
        %add3A_692 = arith.constant 2816 : i32
        %add3A_693 = arith.addi %add3A_692, %mul3A_691 : i32
        %swap3A_694 = arith.index_cast %add3A_693 : i32 to index
        %swap3A_695 = tpu.vector_load %arg8[%swap3A_694] {strides = array<i32>} : memref<4096xi32, #tpu.memory_space<vmem>>, vector<16xi32>,
        tpu.vector_store %arg8[%swap3A_694], %broadcast_in_dim3A_6 {strides = array<i32>} : memref<4096xi32, #tpu.memory_space<vmem>>, vector<16xi32>,
        %mul3A_696 = arith.constant 16 : i32
        %mul3A_697 = arith.muli %scan3A_622, %mul3A_696 : i32
        %add3A_698 = arith.constant 3072 : i32
        %add3A_699 = arith.addi %add3A_698, %mul3A_697 : i32
        %swap3A_700 = arith.index_cast %add3A_699 : i32 to index
        %swap3A_701 = tpu.vector_load %arg8[%swap3A_700] {strides = array<i32>} : memref<4096xi32, #tpu.memory_space<vmem>>, vector<16xi32>,
        tpu.vector_store %arg8[%swap3A_700], %broadcast_in_dim3A_6 {strides = array<i32>} : memref<4096xi32, #tpu.memory_space<vmem>>, vector<16xi32>,
        %mul3A_702 = arith.constant 16 : i32
        %mul3A_703 = arith.muli %scan3A_622, %mul3A_702 : i32
        %add3A_704 = arith.constant 3328 : i32
        %add3A_705 = arith.addi %add3A_704, %mul3A_703 : i32
        %swap3A_706 = arith.index_cast %add3A_705 : i32 to index
        %swap3A_707 = tpu.vector_load %arg8[%swap3A_706] {strides = array<i32>} : memref<4096xi32, #tpu.memory_space<vmem>>, vector<16xi32>,
        tpu.vector_store %arg8[%swap3A_706], %broadcast_in_dim3A_6 {strides = array<i32>} : memref<4096xi32, #tpu.memory_space<vmem>>, vector<16xi32>,
        %mul3A_708 = arith.constant 16 : i32
        %mul3A_709 = arith.muli %scan3A_622, %mul3A_708 : i32
        %add3A_710 = arith.constant 3584 : i32
        %add3A_711 = arith.addi %add3A_710, %mul3A_709 : i32
        %swap3A_712 = arith.index_cast %add3A_711 : i32 to index
        %swap3A_713 = tpu.vector_load %arg8[%swap3A_712] {strides = array<i32>} : memref<4096xi32, #tpu.memory_space<vmem>>, vector<16xi32>,
        tpu.vector_store %arg8[%swap3A_712], %broadcast_in_dim3A_6 {strides = array<i32>} : memref<4096xi32, #tpu.memory_space<vmem>>, vector<16xi32>,
        %mul3A_714 = arith.constant 16 : i32
        %mul3A_715 = arith.muli %scan3A_622, %mul3A_714 : i32
        %add3A_716 = arith.constant 3840 : i32
        %add3A_717 = arith.addi %add3A_716, %mul3A_715 : i32
        %swap3A_718 = arith.index_cast %add3A_717 : i32 to index
        %swap3A_719 = tpu.vector_load %arg8[%swap3A_718] {strides = array<i32>} : memref<4096xi32, #tpu.memory_space<vmem>>, vector<16xi32>,
        tpu.vector_store %arg8[%swap3A_718], %broadcast_in_dim3A_6 {strides = array<i32>} : memref<4096xi32, #tpu.memory_space<vmem>>, vector<16xi32>,
        %scan3A_720 = arith.constant 0 : i32
        scf.yield %scan3A_720 : i32
      }
      %scan3A_31 = arith.constant 16 : i32
      %parallel_loop3A = arith.constant 0 : i32
      %parallel_loop3A_32 = arith.constant 2048 : i32
      %parallel_loop3A_33 = arith.constant 1 : i32
      scf.for %parallel_loop3A_622 = %parallel_loop3A to %parallel_loop3A_32 step %parallel_loop3A_33  : i32 {
        %parallel_loop3A_623 = arith.constant 16 : i32
        %parallel_loop3A_624 = arith.muli %parallel_loop3A_622, %parallel_loop3A_623 : i32
        %parallel_loop3A_625 = arith.index_cast %parallel_loop3A_624 : i32 to index
        %parallel_loop3A_626 = tpu.vector_load %arg7[%parallel_loop3A_625] {strides = array<i32>} : memref<32768xi32, #tpu.memory_space<vmem>>, vector<16xi32>,
        %parallel_loop3A_627 = arith.constant 31 : i32
        %parallel_loop3A_628 = vector.broadcast %parallel_loop3A_627 : i32 to vector<16xi32>
        %parallel_loop3A_629 = arith.shrsi %parallel_loop3A_626, %parallel_loop3A_628 : vector<16xi32>
        %parallel_loop3A_630 = arith.constant -2147483648 : i32
        %parallel_loop3A_631 = vector.broadcast %parallel_loop3A_630 : i32 to vector<16xi32>
        %parallel_loop3A_632 = arith.ori %parallel_loop3A_629, %parallel_loop3A_631 : vector<16xi32>
        %parallel_loop3A_633 = arith.xori %parallel_loop3A_626, %parallel_loop3A_632 : vector<16xi32>
        %parallel_loop3A_634 = arith.constant 16 : i32
        %parallel_loop3A_635 = arith.muli %parallel_loop3A_622, %parallel_loop3A_634 : i32
        %parallel_loop3A_636 = vector.broadcast %parallel_loop3A_635 : i32 to vector<16xi32>
        %parallel_loop3A_637 = arith.addi %parallel_loop3A_636, %iota3A : vector<16xi32>
        %parallel_loop3A_638 = vector.broadcast %squeeze3A : i32 to vector<16xi32>
        %parallel_loop3A_639 = arith.cmpi sge, %parallel_loop3A_637, %parallel_loop3A_638 : vector<16xi32>
        %parallel_loop3A_640 = vector.broadcast %squeeze3A_24 : i32 to vector<16xi32>
        %parallel_loop3A_641 = arith.cmpi slt, %parallel_loop3A_637, %parallel_loop3A_640 : vector<16xi32>
        %parallel_loop3A_642 = arith.andi %parallel_loop3A_639, %parallel_loop3A_641 : vector<16xi1>
        %parallel_loop3A_643 = arith.constant 0 : i32
        %parallel_loop3A_644 = vector.broadcast %parallel_loop3A_643 : i32 to vector<16xi32>
        %parallel_loop3A_645 = arith.select %parallel_loop3A_642, %parallel_loop3A_633, %parallel_loop3A_644 : vector<16xi1>, vector<16xi32>
        %parallel_loop3A_646 = arith.constant 16 : i32
        %parallel_loop3A_647 = arith.muli %parallel_loop3A_622, %parallel_loop3A_646 : i32
        %parallel_loop3A_648 = arith.index_cast %parallel_loop3A_647 : i32 to index
        %parallel_loop3A_649 = tpu.vector_load %arg7[%parallel_loop3A_648] {strides = array<i32>} : memref<32768xi32, #tpu.memory_space<vmem>>, vector<16xi32>,
        tpu.vector_store %arg7[%parallel_loop3A_648], %parallel_loop3A_645 {strides = array<i32>} : memref<32768xi32, #tpu.memory_space<vmem>>, vector<16xi32>,
        %parallel_loop3A_650 = arith.constant 24 : i32
        %parallel_loop3A_651 = vector.broadcast %parallel_loop3A_650 : i32 to vector<16xi32>
        %parallel_loop3A_652 = arith.shrsi %parallel_loop3A_645, %parallel_loop3A_651 : vector<16xi32>
        %parallel_loop3A_653 = arith.constant 255 : i32
        %parallel_loop3A_654 = vector.broadcast %parallel_loop3A_653 : i32 to vector<16xi32>
        %parallel_loop3A_655 = arith.andi %parallel_loop3A_652, %parallel_loop3A_654 : vector<16xi32>
        %parallel_loop3A_656 = arith.addi %mul3A_3, %parallel_loop3A_655 : vector<16xi32>
        tpu.vector_store_idx %arg8[%parallel_loop3A_656], %broadcast_in_dim3A_8 {add = true} : memref<4096xi32, #tpu.memory_space<vmem>>[vector<16xi32>], vector<16xi32>,
      } {sc.loop_unroll_factor = 8 : i64, sc.parallel_access}
      %scan3A_34 = arith.constant 0 : i32
      %scan3A_35 = arith.constant 0 : i32
      %scan3A_36 = arith.constant 16 : i32
      %scan3A_37 = arith.addi %scan3A_35, %scan3A_36 : i32
      %scan3A_38 = arith.constant 1 : i32
      %scan3A_39 = scf.for %scan3A_622 = %scan3A_35 to %scan3A_37 step %scan3A_38 iter_args(%scan3A_623 = %scan3A_34) -> (i32)  : i32 {
        %mul3A_624 = arith.constant 16 : i32
        %mul3A_625 = arith.muli %scan3A_622, %mul3A_624 : i32
        %add3A_626 = arith.constant 0 : i32
        %add3A_627 = arith.addi %add3A_626, %mul3A_625 : i32
        %get3A_628 = arith.index_cast %add3A_627 : i32 to index
        %get3A_629 = tpu.vector_load %arg8[%get3A_628] {strides = array<i32>} : memref<4096xi32, #tpu.memory_space<vmem>>, vector<16xi32>,
        %add3A_630 = arith.addi %broadcast_in_dim3A_6, %get3A_629 : vector<16xi32>
        %mul3A_631 = arith.constant 16 : i32
        %mul3A_632 = arith.muli %scan3A_622, %mul3A_631 : i32
        %add3A_633 = arith.constant 256 : i32
        %add3A_634 = arith.addi %add3A_633, %mul3A_632 : i32
        %get3A_635 = arith.index_cast %add3A_634 : i32 to index
        %get3A_636 = tpu.vector_load %arg8[%get3A_635] {strides = array<i32>} : memref<4096xi32, #tpu.memory_space<vmem>>, vector<16xi32>,
        %add3A_637 = arith.addi %add3A_630, %get3A_636 : vector<16xi32>
        %mul3A_638 = arith.constant 16 : i32
        %mul3A_639 = arith.muli %scan3A_622, %mul3A_638 : i32
        %add3A_640 = arith.constant 512 : i32
        %add3A_641 = arith.addi %add3A_640, %mul3A_639 : i32
        %get3A_642 = arith.index_cast %add3A_641 : i32 to index
        %get3A_643 = tpu.vector_load %arg8[%get3A_642] {strides = array<i32>} : memref<4096xi32, #tpu.memory_space<vmem>>, vector<16xi32>,
        %add3A_644 = arith.addi %add3A_637, %get3A_643 : vector<16xi32>
        %mul3A_645 = arith.constant 16 : i32
        %mul3A_646 = arith.muli %scan3A_622, %mul3A_645 : i32
        %add3A_647 = arith.constant 768 : i32
        %add3A_648 = arith.addi %add3A_647, %mul3A_646 : i32
        %get3A_649 = arith.index_cast %add3A_648 : i32 to index
        %get3A_650 = tpu.vector_load %arg8[%get3A_649] {strides = array<i32>} : memref<4096xi32, #tpu.memory_space<vmem>>, vector<16xi32>,
        %add3A_651 = arith.addi %add3A_644, %get3A_650 : vector<16xi32>
        %mul3A_652 = arith.constant 16 : i32
        %mul3A_653 = arith.muli %scan3A_622, %mul3A_652 : i32
        %add3A_654 = arith.constant 1024 : i32
        %add3A_655 = arith.addi %add3A_654, %mul3A_653 : i32
        %get3A_656 = arith.index_cast %add3A_655 : i32 to index
        %get3A_657 = tpu.vector_load %arg8[%get3A_656] {strides = array<i32>} : memref<4096xi32, #tpu.memory_space<vmem>>, vector<16xi32>,
        %add3A_658 = arith.addi %add3A_651, %get3A_657 : vector<16xi32>
        %mul3A_659 = arith.constant 16 : i32
        %mul3A_660 = arith.muli %scan3A_622, %mul3A_659 : i32
        %add3A_661 = arith.constant 1280 : i32
        %add3A_662 = arith.addi %add3A_661, %mul3A_660 : i32
        %get3A_663 = arith.index_cast %add3A_662 : i32 to index
        %get3A_664 = tpu.vector_load %arg8[%get3A_663] {strides = array<i32>} : memref<4096xi32, #tpu.memory_space<vmem>>, vector<16xi32>,
        %add3A_665 = arith.addi %add3A_658, %get3A_664 : vector<16xi32>
        %mul3A_666 = arith.constant 16 : i32
        %mul3A_667 = arith.muli %scan3A_622, %mul3A_666 : i32
        %add3A_668 = arith.constant 1536 : i32
        %add3A_669 = arith.addi %add3A_668, %mul3A_667 : i32
        %get3A_670 = arith.index_cast %add3A_669 : i32 to index
        %get3A_671 = tpu.vector_load %arg8[%get3A_670] {strides = array<i32>} : memref<4096xi32, #tpu.memory_space<vmem>>, vector<16xi32>,
        %add3A_672 = arith.addi %add3A_665, %get3A_671 : vector<16xi32>
        %mul3A_673 = arith.constant 16 : i32
        %mul3A_674 = arith.muli %scan3A_622, %mul3A_673 : i32
        %add3A_675 = arith.constant 1792 : i32
        %add3A_676 = arith.addi %add3A_675, %mul3A_674 : i32
        %get3A_677 = arith.index_cast %add3A_676 : i32 to index
        %get3A_678 = tpu.vector_load %arg8[%get3A_677] {strides = array<i32>} : memref<4096xi32, #tpu.memory_space<vmem>>, vector<16xi32>,
        %add3A_679 = arith.addi %add3A_672, %get3A_678 : vector<16xi32>
        %mul3A_680 = arith.constant 16 : i32
        %mul3A_681 = arith.muli %scan3A_622, %mul3A_680 : i32
        %add3A_682 = arith.constant 2048 : i32
        %add3A_683 = arith.addi %add3A_682, %mul3A_681 : i32
        %get3A_684 = arith.index_cast %add3A_683 : i32 to index
        %get3A_685 = tpu.vector_load %arg8[%get3A_684] {strides = array<i32>} : memref<4096xi32, #tpu.memory_space<vmem>>, vector<16xi32>,
        %add3A_686 = arith.addi %add3A_679, %get3A_685 : vector<16xi32>
        %mul3A_687 = arith.constant 16 : i32
        %mul3A_688 = arith.muli %scan3A_622, %mul3A_687 : i32
        %add3A_689 = arith.constant 2304 : i32
        %add3A_690 = arith.addi %add3A_689, %mul3A_688 : i32
        %get3A_691 = arith.index_cast %add3A_690 : i32 to index
        %get3A_692 = tpu.vector_load %arg8[%get3A_691] {strides = array<i32>} : memref<4096xi32, #tpu.memory_space<vmem>>, vector<16xi32>,
        %add3A_693 = arith.addi %add3A_686, %get3A_692 : vector<16xi32>
        %mul3A_694 = arith.constant 16 : i32
        %mul3A_695 = arith.muli %scan3A_622, %mul3A_694 : i32
        %add3A_696 = arith.constant 2560 : i32
        %add3A_697 = arith.addi %add3A_696, %mul3A_695 : i32
        %get3A_698 = arith.index_cast %add3A_697 : i32 to index
        %get3A_699 = tpu.vector_load %arg8[%get3A_698] {strides = array<i32>} : memref<4096xi32, #tpu.memory_space<vmem>>, vector<16xi32>,
        %add3A_700 = arith.addi %add3A_693, %get3A_699 : vector<16xi32>
        %mul3A_701 = arith.constant 16 : i32
        %mul3A_702 = arith.muli %scan3A_622, %mul3A_701 : i32
        %add3A_703 = arith.constant 2816 : i32
        %add3A_704 = arith.addi %add3A_703, %mul3A_702 : i32
        %get3A_705 = arith.index_cast %add3A_704 : i32 to index
        %get3A_706 = tpu.vector_load %arg8[%get3A_705] {strides = array<i32>} : memref<4096xi32, #tpu.memory_space<vmem>>, vector<16xi32>,
        %add3A_707 = arith.addi %add3A_700, %get3A_706 : vector<16xi32>
        %mul3A_708 = arith.constant 16 : i32
        %mul3A_709 = arith.muli %scan3A_622, %mul3A_708 : i32
        %add3A_710 = arith.constant 3072 : i32
        %add3A_711 = arith.addi %add3A_710, %mul3A_709 : i32
        %get3A_712 = arith.index_cast %add3A_711 : i32 to index
        %get3A_713 = tpu.vector_load %arg8[%get3A_712] {strides = array<i32>} : memref<4096xi32, #tpu.memory_space<vmem>>, vector<16xi32>,
        %add3A_714 = arith.addi %add3A_707, %get3A_713 : vector<16xi32>
        %mul3A_715 = arith.constant 16 : i32
        %mul3A_716 = arith.muli %scan3A_622, %mul3A_715 : i32
        %add3A_717 = arith.constant 3328 : i32
        %add3A_718 = arith.addi %add3A_717, %mul3A_716 : i32
        %get3A_719 = arith.index_cast %add3A_718 : i32 to index
        %get3A_720 = tpu.vector_load %arg8[%get3A_719] {strides = array<i32>} : memref<4096xi32, #tpu.memory_space<vmem>>, vector<16xi32>,
        %add3A_721 = arith.addi %add3A_714, %get3A_720 : vector<16xi32>
        %mul3A_722 = arith.constant 16 : i32
        %mul3A_723 = arith.muli %scan3A_622, %mul3A_722 : i32
        %add3A_724 = arith.constant 3584 : i32
        %add3A_725 = arith.addi %add3A_724, %mul3A_723 : i32
        %get3A_726 = arith.index_cast %add3A_725 : i32 to index
        %get3A_727 = tpu.vector_load %arg8[%get3A_726] {strides = array<i32>} : memref<4096xi32, #tpu.memory_space<vmem>>, vector<16xi32>,
        %add3A_728 = arith.addi %add3A_721, %get3A_727 : vector<16xi32>
        %mul3A_729 = arith.constant 16 : i32
        %mul3A_730 = arith.muli %scan3A_622, %mul3A_729 : i32
        %add3A_731 = arith.constant 3840 : i32
        %add3A_732 = arith.addi %add3A_731, %mul3A_730 : i32
        %get3A_733 = arith.index_cast %add3A_732 : i32 to index
        %get3A_734 = tpu.vector_load %arg8[%get3A_733] {strides = array<i32>} : memref<4096xi32, #tpu.memory_space<vmem>>, vector<16xi32>,
        %add3A_735 = arith.addi %add3A_728, %get3A_734 : vector<16xi32>
        %mul3A_736 = arith.constant 16 : i32
        %mul3A_737 = arith.muli %scan3A_622, %mul3A_736 : i32
        %swap3A_738 = arith.index_cast %mul3A_737 : i32 to index
        %swap3A_739 = tpu.vector_load %arg9[%swap3A_738] {strides = array<i32>} : memref<256xi32, #tpu.memory_space<vmem>>, vector<16xi32>,
        tpu.vector_store %arg9[%swap3A_738], %add3A_735 {strides = array<i32>} : memref<256xi32, #tpu.memory_space<vmem>>, vector<16xi32>,
        %scan3A_740 = arith.constant 0 : i32
        scf.yield %scan3A_740 : i32
      }
      %scan3A_40 = arith.constant 16 : i32
      %scan3A_41 = arith.constant 0 : i32
      %scan3A_42 = arith.constant -1 : i32
      %scan3A_43 = arith.constant 0 : i32
      %scan3A_44 = arith.constant 0 : i32
      %scan3A_45 = arith.constant 16 : i32
      %scan3A_46 = arith.addi %scan3A_44, %scan3A_45 : i32
      %scan3A_47 = arith.constant 1 : i32
      %scan3A_48:3 = scf.for %scan3A_622 = %scan3A_44 to %scan3A_46 step %scan3A_47 iter_args(%scan3A_623 = %scan3A_41, %scan3A_624 = %scan3A_42, %scan3A_625 = %scan3A_43) -> (i32, i32, i32)  : i32 {
        %ge3A_626 = arith.constant 0 : i32
        %ge3A_627 = arith.cmpi sge, %scan3A_624, %ge3A_626 : i32
        %sub3A_628 = arith.constant 15 : i32
        %sub3A_629 = arith.subi %sub3A_628, %scan3A_622 : i32
        %mul3A_630 = arith.constant 16 : i32
        %mul3A_631 = arith.muli %sub3A_629, %mul3A_630 : i32
        %get3A_632 = arith.index_cast %mul3A_631 : i32 to index
        %get3A_633 = tpu.vector_load %arg9[%get3A_632] {strides = array<i32>} : memref<256xi32, #tpu.memory_space<vmem>>, vector<16xi32>,
        %reduce_sum3A = arith.constant true
        %reduce_sum3A_634 = vector.broadcast %reduce_sum3A : i1 to vector<16xi1>
        %reduce_sum3A_635 = tpu.scan <sum>, %get3A_633 masked %reduce_sum3A_634 : vector<16xi32>, vector<16xi1> -> vector<16xi32>
        %reduce_sum3A_636 = vector.extract %reduce_sum3A_635[15] : i32 from vector<16xi32>
        %not3A = arith.constant true
        %not3A_637 = arith.xori %ge3A_627, %not3A : i1
        %add3A_638 = arith.addi %scan3A_623, %reduce_sum3A_636 : i32
        %ge3A_639 = arith.constant 128 : i32
        %ge3A_640 = arith.cmpi sge, %add3A_638, %ge3A_639 : i32
        %and3A_641 = arith.andi %not3A_637, %ge3A_640 : i1
        %rev3A = arith.constant 15 : i32
        %rev3A_642 = vector.broadcast %rev3A : i32 to vector<16xi32>
        %rev3A_643 = tpu.iota {dimensions = array<i32: 0>} : vector<16xi32>
        %rev3A_644 = arith.subi %rev3A_642, %rev3A_643 : vector<16xi32>
        %rev3A_645 = tpu.dynamic_gather %get3A_633[%rev3A_644] in [0] : vector<16xi32>, vector<16xi32> -> vector<16xi32>
        %broadcast_in_dim3A_646 = arith.constant true
        %broadcast_in_dim3A_647 = vector.broadcast %broadcast_in_dim3A_646 : i1 to vector<16xi1>
        %masked_cumsum3A = tpu.scan <sum>, %rev3A_645 masked %broadcast_in_dim3A_647 : vector<16xi32>, vector<16xi1> -> vector<16xi32>
        %rev3A_648 = arith.constant 15 : i32
        %rev3A_649 = vector.broadcast %rev3A_648 : i32 to vector<16xi32>
        %rev3A_650 = tpu.iota {dimensions = array<i32: 0>} : vector<16xi32>
        %rev3A_651 = arith.subi %rev3A_649, %rev3A_650 : vector<16xi32>
        %rev3A_652 = tpu.dynamic_gather %masked_cumsum3A[%rev3A_651] in [0] : vector<16xi32>, vector<16xi32> -> vector<16xi32>
        %sub3A_653 = arith.subi %rev3A_652, %get3A_633 : vector<16xi32>
        %add3A_654 = vector.broadcast %scan3A_623 : i32 to vector<16xi32>
        %add3A_655 = arith.addi %add3A_654, %sub3A_653 : vector<16xi32>
        %lt3A_656 = arith.constant 128 : i32
        %lt3A_657 = vector.broadcast %lt3A_656 : i32 to vector<16xi32>
        %lt3A_658 = arith.cmpi slt, %add3A_655, %lt3A_657 : vector<16xi32>
        %and3A_659 = vector.broadcast %and3A_641 : i1 to vector<16xi1>
        %and3A_660 = arith.andi %and3A_659, %lt3A_658 : vector<16xi1>
        %add3A_661 = vector.broadcast %scan3A_623 : i32 to vector<16xi32>
        %add3A_662 = arith.addi %add3A_661, %rev3A_652 : vector<16xi32>
        %ge3A_663 = arith.constant 128 : i32
        %ge3A_664 = vector.broadcast %ge3A_663 : i32 to vector<16xi32>
        %ge3A_665 = arith.cmpi sge, %add3A_662, %ge3A_664 : vector<16xi32>
        %and3A_666 = arith.andi %and3A_660, %ge3A_665 : vector<16xi1>
        %jit3A_667 = arith.constant 0 : i32
        %broadcast_in_dim3A_668 = vector.broadcast %jit3A_667 : i32 to vector<16xi32>
        %select_n3A_669 = arith.select %and3A_666, %iota3A, %broadcast_in_dim3A_668 : vector<16xi1>, vector<16xi32>
        %reduce_sum3A_670 = arith.constant true
        %reduce_sum3A_671 = vector.broadcast %reduce_sum3A_670 : i1 to vector<16xi1>
        %reduce_sum3A_672 = tpu.scan <sum>, %select_n3A_669 masked %reduce_sum3A_671 : vector<16xi32>, vector<16xi1> -> vector<16xi32>
        %reduce_sum3A_673 = vector.extract %reduce_sum3A_672[15] : i32 from vector<16xi32>
        %jit3A_674 = arith.constant 0 : i32
        %broadcast_in_dim3A_675 = vector.broadcast %jit3A_674 : i32 to vector<16xi32>
        %select_n3A_676 = arith.select %and3A_666, %sub3A_653, %broadcast_in_dim3A_675 : vector<16xi1>, vector<16xi32>
        %reduce_sum3A_677 = arith.constant true
        %reduce_sum3A_678 = vector.broadcast %reduce_sum3A_677 : i1 to vector<16xi1>
        %reduce_sum3A_679 = tpu.scan <sum>, %select_n3A_676 masked %reduce_sum3A_678 : vector<16xi32>, vector<16xi1> -> vector<16xi32>
        %reduce_sum3A_680 = vector.extract %reduce_sum3A_679[15] : i32 from vector<16xi32>
        %mul3A_681 = arith.constant 16 : i32
        %mul3A_682 = arith.muli %sub3A_629, %mul3A_681 : i32
        %add3A_683 = arith.addi %mul3A_682, %reduce_sum3A_673 : i32
        %select_n3A_684 = arith.select %and3A_641, %add3A_683, %scan3A_624 : i32
        %add3A_685 = arith.addi %scan3A_623, %reduce_sum3A_680 : i32
        %select_n3A_686 = arith.select %and3A_641, %add3A_685, %scan3A_625 : i32
        %or3A = arith.ori %ge3A_627, %and3A_641 : i1
        %add3A_687 = arith.addi %scan3A_623, %reduce_sum3A_636 : i32
        %select_n3A_688 = arith.select %or3A, %scan3A_623, %add3A_687 : i32
        scf.yield %select_n3A_688, %select_n3A_684, %select_n3A_686 : i32, i32, i32
      }
      %scan3A_49 = arith.constant 16 : i32
      %parallel_loop3A_50 = arith.constant 0 : i32
      %parallel_loop3A_51 = arith.constant 2048 : i32
      %parallel_loop3A_52 = arith.constant 1 : i32
      scf.for %parallel_loop3A_622 = %parallel_loop3A_50 to %parallel_loop3A_51 step %parallel_loop3A_52  : i32 {
        %parallel_loop3A_623 = arith.constant 16 : i32
        %parallel_loop3A_624 = arith.muli %parallel_loop3A_622, %parallel_loop3A_623 : i32
        %parallel_loop3A_625 = arith.index_cast %parallel_loop3A_624 : i32 to index
        %parallel_loop3A_626 = tpu.vector_load %arg7[%parallel_loop3A_625] {strides = array<i32>} : memref<32768xi32, #tpu.memory_space<vmem>>, vector<16xi32>,
        %parallel_loop3A_627 = arith.constant 24 : i32
        %parallel_loop3A_628 = vector.broadcast %parallel_loop3A_627 : i32 to vector<16xi32>
        %parallel_loop3A_629 = arith.shrsi %parallel_loop3A_626, %parallel_loop3A_628 : vector<16xi32>
        %parallel_loop3A_630 = arith.constant 255 : i32
        %parallel_loop3A_631 = vector.broadcast %parallel_loop3A_630 : i32 to vector<16xi32>
        %parallel_loop3A_632 = arith.andi %parallel_loop3A_629, %parallel_loop3A_631 : vector<16xi32>
        %parallel_loop3A_633 = vector.broadcast %scan3A_48#1 : i32 to vector<16xi32>
        %parallel_loop3A_634 = arith.cmpi sge, %parallel_loop3A_632, %parallel_loop3A_633 : vector<16xi32>
        %parallel_loop3A_635 = arith.constant 0 : i32
        %parallel_loop3A_636 = vector.broadcast %parallel_loop3A_635 : i32 to vector<16xi32>
        %parallel_loop3A_637 = arith.cmpi ne, %parallel_loop3A_626, %parallel_loop3A_636 : vector<16xi32>
        %parallel_loop3A_638 = arith.andi %parallel_loop3A_634, %parallel_loop3A_637 : vector<16xi1>
        %parallel_loop3A_639 = tpu.all_reduce %parallel_loop3A_638 {dim = 0 : i64, kind = #tpu.reduction_kind<sum>} : vector<16xi1> -> vector<16xi32>
        %parallel_loop3A_640 = arith.index_cast %parallel_loop3A_622 : i32 to index
        %parallel_loop3A_641 = tpu.vector_load %arg10[%parallel_loop3A_640] masked %eq3A_5 {strides = array<i32>} : memref<2064xi32, #tpu.memory_space<vmem>>, vector<16xi32>, vector<16xi1>
        tpu.vector_store %arg10[%parallel_loop3A_640], %parallel_loop3A_639 masked %eq3A_5 {strides = array<i32>} : memref<2064xi32, #tpu.memory_space<vmem>>, vector<16xi32>, vector<16xi1>
      } {sc.loop_unroll_factor = 8 : i64, sc.parallel_access}
      %scan3A_53 = arith.constant 0 : i32
      %scan3A_54 = arith.constant 0 : i32
      %scan3A_55 = arith.constant 128 : i32
      %scan3A_56 = arith.addi %scan3A_54, %scan3A_55 : i32
      %scan3A_57 = arith.constant 1 : i32
      %scan3A_58 = scf.for %scan3A_622 = %scan3A_54 to %scan3A_56 step %scan3A_57 iter_args(%scan3A_623 = %scan3A_53) -> (i32)  : i32 {
        %mul3A_624 = arith.constant 16 : i32
        %mul3A_625 = arith.muli %scan3A_622, %mul3A_624 : i32
        %get3A_626 = arith.index_cast %mul3A_625 : i32 to index
        %get3A_627 = tpu.vector_load %arg10[%get3A_626] {strides = array<i32>} : memref<2064xi32, #tpu.memory_space<vmem>>, vector<16xi32>,
        %broadcast_in_dim3A_628 = arith.constant true
        %broadcast_in_dim3A_629 = vector.broadcast %broadcast_in_dim3A_628 : i1 to vector<16xi1>
        %masked_cumsum3A = tpu.scan <sum>, %get3A_627 masked %broadcast_in_dim3A_629 : vector<16xi32>, vector<16xi1> -> vector<16xi32>
        %sub3A_630 = arith.subi %masked_cumsum3A, %get3A_627 : vector<16xi32>
        %add3A_631 = vector.broadcast %scan3A_623 : i32 to vector<16xi32>
        %add3A_632 = arith.addi %add3A_631, %sub3A_630 : vector<16xi32>
        %mul3A_633 = arith.constant 16 : i32
        %mul3A_634 = arith.muli %scan3A_622, %mul3A_633 : i32
        %swap3A_635 = arith.index_cast %mul3A_634 : i32 to index
        %swap3A_636 = tpu.vector_load %arg10[%swap3A_635] {strides = array<i32>} : memref<2064xi32, #tpu.memory_space<vmem>>, vector<16xi32>,
        tpu.vector_store %arg10[%swap3A_635], %add3A_632 {strides = array<i32>} : memref<2064xi32, #tpu.memory_space<vmem>>, vector<16xi32>,
        %slice3A_637 = vector.extract_strided_slice %masked_cumsum3A {offsets = [15], sizes = [1], strides = [1]} : vector<16xi32> to vector<1xi32>
        %squeeze3A_638 = vector.extract %slice3A_637[0] : i32 from vector<1xi32>
        %add3A_639 = arith.addi %scan3A_623, %squeeze3A_638 : i32
        scf.yield %add3A_639 : i32
      }
      %scan3A_59 = arith.constant 128 : i32
      %scan3A_60 = arith.constant 0 : i32
      %scan3A_61 = arith.constant 0 : i32
      %scan3A_62 = arith.constant 16 : i32
      %scan3A_63 = arith.addi %scan3A_61, %scan3A_62 : i32
      %scan3A_64 = arith.constant 1 : i32
      %scan3A_65 = scf.for %scan3A_622 = %scan3A_61 to %scan3A_63 step %scan3A_64 iter_args(%scan3A_623 = %scan3A_60) -> (i32)  : i32 {
        %mul3A_624 = arith.constant 16 : i32
        %mul3A_625 = arith.muli %scan3A_622, %mul3A_624 : i32
        %add3A_626 = arith.constant 0 : i32
        %add3A_627 = arith.addi %add3A_626, %mul3A_625 : i32
        %swap3A_628 = arith.index_cast %add3A_627 : i32 to index
        %swap3A_629 = tpu.vector_load %arg8[%swap3A_628] {strides = array<i32>} : memref<4096xi32, #tpu.memory_space<vmem>>, vector<16xi32>,
        tpu.vector_store %arg8[%swap3A_628], %broadcast_in_dim3A_6 {strides = array<i32>} : memref<4096xi32, #tpu.memory_space<vmem>>, vector<16xi32>,
        %mul3A_630 = arith.constant 16 : i32
        %mul3A_631 = arith.muli %scan3A_622, %mul3A_630 : i32
        %add3A_632 = arith.constant 256 : i32
        %add3A_633 = arith.addi %add3A_632, %mul3A_631 : i32
        %swap3A_634 = arith.index_cast %add3A_633 : i32 to index
        %swap3A_635 = tpu.vector_load %arg8[%swap3A_634] {strides = array<i32>} : memref<4096xi32, #tpu.memory_space<vmem>>, vector<16xi32>,
        tpu.vector_store %arg8[%swap3A_634], %broadcast_in_dim3A_6 {strides = array<i32>} : memref<4096xi32, #tpu.memory_space<vmem>>, vector<16xi32>,
        %mul3A_636 = arith.constant 16 : i32
        %mul3A_637 = arith.muli %scan3A_622, %mul3A_636 : i32
        %add3A_638 = arith.constant 512 : i32
        %add3A_639 = arith.addi %add3A_638, %mul3A_637 : i32
        %swap3A_640 = arith.index_cast %add3A_639 : i32 to index
        %swap3A_641 = tpu.vector_load %arg8[%swap3A_640] {strides = array<i32>} : memref<4096xi32, #tpu.memory_space<vmem>>, vector<16xi32>,
        tpu.vector_store %arg8[%swap3A_640], %broadcast_in_dim3A_6 {strides = array<i32>} : memref<4096xi32, #tpu.memory_space<vmem>>, vector<16xi32>,
        %mul3A_642 = arith.constant 16 : i32
        %mul3A_643 = arith.muli %scan3A_622, %mul3A_642 : i32
        %add3A_644 = arith.constant 768 : i32
        %add3A_645 = arith.addi %add3A_644, %mul3A_643 : i32
        %swap3A_646 = arith.index_cast %add3A_645 : i32 to index
        %swap3A_647 = tpu.vector_load %arg8[%swap3A_646] {strides = array<i32>} : memref<4096xi32, #tpu.memory_space<vmem>>, vector<16xi32>,
        tpu.vector_store %arg8[%swap3A_646], %broadcast_in_dim3A_6 {strides = array<i32>} : memref<4096xi32, #tpu.memory_space<vmem>>, vector<16xi32>,
        %mul3A_648 = arith.constant 16 : i32
        %mul3A_649 = arith.muli %scan3A_622, %mul3A_648 : i32
        %add3A_650 = arith.constant 1024 : i32
        %add3A_651 = arith.addi %add3A_650, %mul3A_649 : i32
        %swap3A_652 = arith.index_cast %add3A_651 : i32 to index
        %swap3A_653 = tpu.vector_load %arg8[%swap3A_652] {strides = array<i32>} : memref<4096xi32, #tpu.memory_space<vmem>>, vector<16xi32>,
        tpu.vector_store %arg8[%swap3A_652], %broadcast_in_dim3A_6 {strides = array<i32>} : memref<4096xi32, #tpu.memory_space<vmem>>, vector<16xi32>,
        %mul3A_654 = arith.constant 16 : i32
        %mul3A_655 = arith.muli %scan3A_622, %mul3A_654 : i32
        %add3A_656 = arith.constant 1280 : i32
        %add3A_657 = arith.addi %add3A_656, %mul3A_655 : i32
        %swap3A_658 = arith.index_cast %add3A_657 : i32 to index
        %swap3A_659 = tpu.vector_load %arg8[%swap3A_658] {strides = array<i32>} : memref<4096xi32, #tpu.memory_space<vmem>>, vector<16xi32>,
        tpu.vector_store %arg8[%swap3A_658], %broadcast_in_dim3A_6 {strides = array<i32>} : memref<4096xi32, #tpu.memory_space<vmem>>, vector<16xi32>,
        %mul3A_660 = arith.constant 16 : i32
        %mul3A_661 = arith.muli %scan3A_622, %mul3A_660 : i32
        %add3A_662 = arith.constant 1536 : i32
        %add3A_663 = arith.addi %add3A_662, %mul3A_661 : i32
        %swap3A_664 = arith.index_cast %add3A_663 : i32 to index
        %swap3A_665 = tpu.vector_load %arg8[%swap3A_664] {strides = array<i32>} : memref<4096xi32, #tpu.memory_space<vmem>>, vector<16xi32>,
        tpu.vector_store %arg8[%swap3A_664], %broadcast_in_dim3A_6 {strides = array<i32>} : memref<4096xi32, #tpu.memory_space<vmem>>, vector<16xi32>,
        %mul3A_666 = arith.constant 16 : i32
        %mul3A_667 = arith.muli %scan3A_622, %mul3A_666 : i32
        %add3A_668 = arith.constant 1792 : i32
        %add3A_669 = arith.addi %add3A_668, %mul3A_667 : i32
        %swap3A_670 = arith.index_cast %add3A_669 : i32 to index
        %swap3A_671 = tpu.vector_load %arg8[%swap3A_670] {strides = array<i32>} : memref<4096xi32, #tpu.memory_space<vmem>>, vector<16xi32>,
        tpu.vector_store %arg8[%swap3A_670], %broadcast_in_dim3A_6 {strides = array<i32>} : memref<4096xi32, #tpu.memory_space<vmem>>, vector<16xi32>,
        %mul3A_672 = arith.constant 16 : i32
        %mul3A_673 = arith.muli %scan3A_622, %mul3A_672 : i32
        %add3A_674 = arith.constant 2048 : i32
        %add3A_675 = arith.addi %add3A_674, %mul3A_673 : i32
        %swap3A_676 = arith.index_cast %add3A_675 : i32 to index
        %swap3A_677 = tpu.vector_load %arg8[%swap3A_676] {strides = array<i32>} : memref<4096xi32, #tpu.memory_space<vmem>>, vector<16xi32>,
        tpu.vector_store %arg8[%swap3A_676], %broadcast_in_dim3A_6 {strides = array<i32>} : memref<4096xi32, #tpu.memory_space<vmem>>, vector<16xi32>,
        %mul3A_678 = arith.constant 16 : i32
        %mul3A_679 = arith.muli %scan3A_622, %mul3A_678 : i32
        %add3A_680 = arith.constant 2304 : i32
        %add3A_681 = arith.addi %add3A_680, %mul3A_679 : i32
        %swap3A_682 = arith.index_cast %add3A_681 : i32 to index
        %swap3A_683 = tpu.vector_load %arg8[%swap3A_682] {strides = array<i32>} : memref<4096xi32, #tpu.memory_space<vmem>>, vector<16xi32>,
        tpu.vector_store %arg8[%swap3A_682], %broadcast_in_dim3A_6 {strides = array<i32>} : memref<4096xi32, #tpu.memory_space<vmem>>, vector<16xi32>,
        %mul3A_684 = arith.constant 16 : i32
        %mul3A_685 = arith.muli %scan3A_622, %mul3A_684 : i32
        %add3A_686 = arith.constant 2560 : i32
        %add3A_687 = arith.addi %add3A_686, %mul3A_685 : i32
        %swap3A_688 = arith.index_cast %add3A_687 : i32 to index
        %swap3A_689 = tpu.vector_load %arg8[%swap3A_688] {strides = array<i32>} : memref<4096xi32, #tpu.memory_space<vmem>>, vector<16xi32>,
        tpu.vector_store %arg8[%swap3A_688], %broadcast_in_dim3A_6 {strides = array<i32>} : memref<4096xi32, #tpu.memory_space<vmem>>, vector<16xi32>,
        %mul3A_690 = arith.constant 16 : i32
        %mul3A_691 = arith.muli %scan3A_622, %mul3A_690 : i32
        %add3A_692 = arith.constant 2816 : i32
        %add3A_693 = arith.addi %add3A_692, %mul3A_691 : i32
        %swap3A_694 = arith.index_cast %add3A_693 : i32 to index
        %swap3A_695 = tpu.vector_load %arg8[%swap3A_694] {strides = array<i32>} : memref<4096xi32, #tpu.memory_space<vmem>>, vector<16xi32>,
        tpu.vector_store %arg8[%swap3A_694], %broadcast_in_dim3A_6 {strides = array<i32>} : memref<4096xi32, #tpu.memory_space<vmem>>, vector<16xi32>,
        %mul3A_696 = arith.constant 16 : i32
        %mul3A_697 = arith.muli %scan3A_622, %mul3A_696 : i32
        %add3A_698 = arith.constant 3072 : i32
        %add3A_699 = arith.addi %add3A_698, %mul3A_697 : i32
        %swap3A_700 = arith.index_cast %add3A_699 : i32 to index
        %swap3A_701 = tpu.vector_load %arg8[%swap3A_700] {strides = array<i32>} : memref<4096xi32, #tpu.memory_space<vmem>>, vector<16xi32>,
        tpu.vector_store %arg8[%swap3A_700], %broadcast_in_dim3A_6 {strides = array<i32>} : memref<4096xi32, #tpu.memory_space<vmem>>, vector<16xi32>,
        %mul3A_702 = arith.constant 16 : i32
        %mul3A_703 = arith.muli %scan3A_622, %mul3A_702 : i32
        %add3A_704 = arith.constant 3328 : i32
        %add3A_705 = arith.addi %add3A_704, %mul3A_703 : i32
        %swap3A_706 = arith.index_cast %add3A_705 : i32 to index
        %swap3A_707 = tpu.vector_load %arg8[%swap3A_706] {strides = array<i32>} : memref<4096xi32, #tpu.memory_space<vmem>>, vector<16xi32>,
        tpu.vector_store %arg8[%swap3A_706], %broadcast_in_dim3A_6 {strides = array<i32>} : memref<4096xi32, #tpu.memory_space<vmem>>, vector<16xi32>,
        %mul3A_708 = arith.constant 16 : i32
        %mul3A_709 = arith.muli %scan3A_622, %mul3A_708 : i32
        %add3A_710 = arith.constant 3584 : i32
        %add3A_711 = arith.addi %add3A_710, %mul3A_709 : i32
        %swap3A_712 = arith.index_cast %add3A_711 : i32 to index
        %swap3A_713 = tpu.vector_load %arg8[%swap3A_712] {strides = array<i32>} : memref<4096xi32, #tpu.memory_space<vmem>>, vector<16xi32>,
        tpu.vector_store %arg8[%swap3A_712], %broadcast_in_dim3A_6 {strides = array<i32>} : memref<4096xi32, #tpu.memory_space<vmem>>, vector<16xi32>,
        %mul3A_714 = arith.constant 16 : i32
        %mul3A_715 = arith.muli %scan3A_622, %mul3A_714 : i32
        %add3A_716 = arith.constant 3840 : i32
        %add3A_717 = arith.addi %add3A_716, %mul3A_715 : i32
        %swap3A_718 = arith.index_cast %add3A_717 : i32 to index
        %swap3A_719 = tpu.vector_load %arg8[%swap3A_718] {strides = array<i32>} : memref<4096xi32, #tpu.memory_space<vmem>>, vector<16xi32>,
        tpu.vector_store %arg8[%swap3A_718], %broadcast_in_dim3A_6 {strides = array<i32>} : memref<4096xi32, #tpu.memory_space<vmem>>, vector<16xi32>,
        %scan3A_720 = arith.constant 0 : i32
        scf.yield %scan3A_720 : i32
      }
      %scan3A_66 = arith.constant 16 : i32
      %parallel_loop3A_67 = arith.constant 0 : i32
      %parallel_loop3A_68 = arith.constant 2048 : i32
      %parallel_loop3A_69 = arith.constant 1 : i32
      scf.for %parallel_loop3A_622 = %parallel_loop3A_67 to %parallel_loop3A_68 step %parallel_loop3A_69  : i32 {
        %parallel_loop3A_623 = arith.constant 16 : i32
        %parallel_loop3A_624 = arith.muli %parallel_loop3A_622, %parallel_loop3A_623 : i32
        %parallel_loop3A_625 = arith.index_cast %parallel_loop3A_624 : i32 to index
        %parallel_loop3A_626 = tpu.vector_load %arg7[%parallel_loop3A_625] {strides = array<i32>} : memref<32768xi32, #tpu.memory_space<vmem>>, vector<16xi32>,
        %parallel_loop3A_627 = arith.constant 24 : i32
        %parallel_loop3A_628 = vector.broadcast %parallel_loop3A_627 : i32 to vector<16xi32>
        %parallel_loop3A_629 = arith.shrsi %parallel_loop3A_626, %parallel_loop3A_628 : vector<16xi32>
        %parallel_loop3A_630 = arith.constant 255 : i32
        %parallel_loop3A_631 = vector.broadcast %parallel_loop3A_630 : i32 to vector<16xi32>
        %parallel_loop3A_632 = arith.andi %parallel_loop3A_629, %parallel_loop3A_631 : vector<16xi32>
        %parallel_loop3A_633 = vector.broadcast %scan3A_48#1 : i32 to vector<16xi32>
        %parallel_loop3A_634 = arith.cmpi sge, %parallel_loop3A_632, %parallel_loop3A_633 : vector<16xi32>
        %parallel_loop3A_635 = arith.constant 0 : i32
        %parallel_loop3A_636 = vector.broadcast %parallel_loop3A_635 : i32 to vector<16xi32>
        %parallel_loop3A_637 = arith.cmpi ne, %parallel_loop3A_626, %parallel_loop3A_636 : vector<16xi32>
        %parallel_loop3A_638 = arith.andi %parallel_loop3A_634, %parallel_loop3A_637 : vector<16xi1>
        %parallel_loop3A_639 = vector.broadcast %scan3A_48#1 : i32 to vector<16xi32>
        %parallel_loop3A_640 = arith.cmpi eq, %parallel_loop3A_632, %parallel_loop3A_639 : vector<16xi32>
        %parallel_loop3A_641 = arith.constant 16 : i32
        %parallel_loop3A_642 = arith.muli %parallel_loop3A_622, %parallel_loop3A_641 : i32
        %parallel_loop3A_643 = vector.broadcast %parallel_loop3A_642 : i32 to vector<16xi32>
        %parallel_loop3A_644 = arith.addi %parallel_loop3A_643, %iota3A : vector<16xi32>
        %parallel_loop3A_645 = arith.index_cast %parallel_loop3A_622 : i32 to index
        %parallel_loop3A_646 = tpu.vector_load %arg10[%parallel_loop3A_645] {strides = array<i32>} : memref<2064xi32, #tpu.memory_space<vmem>>, vector<16xi32>,
        %parallel_loop3A_647 = vector.extract_strided_slice %parallel_loop3A_646 {offsets = [0], sizes = [1], strides = [1]} : vector<16xi32> to vector<1xi32>
        %parallel_loop3A_648 = vector.extract %parallel_loop3A_647[0] : i32 from vector<1xi32>
        %parallel_loop3A_649 = arith.constant 4080 : i32
        %parallel_loop3A_650 = arith.minsi %parallel_loop3A_648, %parallel_loop3A_649 : i32
        %parallel_loop3A_651 = arith.constant 4080 : i32
        %parallel_loop3A_652 = arith.cmpi sle, %parallel_loop3A_648, %parallel_loop3A_651 : i32
        %parallel_loop3A_653 = vector.broadcast %parallel_loop3A_652 : i1 to vector<16xi1>
        %parallel_loop3A_654 = arith.andi %parallel_loop3A_638, %parallel_loop3A_653 : vector<16xi1>
        %parallel_loop3A_655 = arith.index_cast %parallel_loop3A_650 : i32 to index
        %parallel_loop3A_656 = tpu.vector_load %arg11[%parallel_loop3A_655] masked %parallel_loop3A_654 {strides = array<i32>} : memref<4096xi32, #tpu.memory_space<vmem>>, vector<16xi32>, vector<16xi1>
        tpu.vector_store %arg11[%parallel_loop3A_655], %parallel_loop3A_626 masked %parallel_loop3A_654 {strides = array<i32>} : memref<4096xi32, #tpu.memory_space<vmem>>, vector<16xi32>, vector<16xi1>
        %parallel_loop3A_657 = arith.index_cast %parallel_loop3A_650 : i32 to index
        %parallel_loop3A_658 = tpu.vector_load %arg12[%parallel_loop3A_657] masked %parallel_loop3A_654 {strides = array<i32>} : memref<4096xi32, #tpu.memory_space<vmem>>, vector<16xi32>, vector<16xi1>
        tpu.vector_store %arg12[%parallel_loop3A_657], %parallel_loop3A_644 masked %parallel_loop3A_654 {strides = array<i32>} : memref<4096xi32, #tpu.memory_space<vmem>>, vector<16xi32>, vector<16xi1>
        %parallel_loop3A_659 = arith.constant 16 : i32
        %parallel_loop3A_660 = vector.broadcast %parallel_loop3A_659 : i32 to vector<16xi32>
        %parallel_loop3A_661 = arith.shrsi %parallel_loop3A_626, %parallel_loop3A_660 : vector<16xi32>
        %parallel_loop3A_662 = arith.constant 255 : i32
        %parallel_loop3A_663 = vector.broadcast %parallel_loop3A_662 : i32 to vector<16xi32>
        %parallel_loop3A_664 = arith.andi %parallel_loop3A_661, %parallel_loop3A_663 : vector<16xi32>
        %parallel_loop3A_665 = arith.addi %mul3A_3, %parallel_loop3A_664 : vector<16xi32>
        tpu.vector_store_idx %arg8[%parallel_loop3A_665], %broadcast_in_dim3A_8 masked %parallel_loop3A_640 {add = true} : memref<4096xi32, #tpu.memory_space<vmem>>[vector<16xi32>], vector<16xi32>, vector<16xi1>
      } {sc.loop_unroll_factor = 8 : i64, sc.parallel_access}
      %sub3A = arith.constant 128 : i32
      %sub3A_70 = arith.subi %sub3A, %scan3A_48#2 : i32
      %scan3A_71 = arith.constant 0 : i32
      %scan3A_72 = arith.constant 0 : i32
      %scan3A_73 = arith.constant 16 : i32
      %scan3A_74 = arith.addi %scan3A_72, %scan3A_73 : i32
      %scan3A_75 = arith.constant 1 : i32
      %scan3A_76 = scf.for %scan3A_622 = %scan3A_72 to %scan3A_74 step %scan3A_75 iter_args(%scan3A_623 = %scan3A_71) -> (i32)  : i32 {
        %mul3A_624 = arith.constant 16 : i32
        %mul3A_625 = arith.muli %scan3A_622, %mul3A_624 : i32
        %add3A_626 = arith.constant 0 : i32
        %add3A_627 = arith.addi %add3A_626, %mul3A_625 : i32
        %get3A_628 = arith.index_cast %add3A_627 : i32 to index
        %get3A_629 = tpu.vector_load %arg8[%get3A_628] {strides = array<i32>} : memref<4096xi32, #tpu.memory_space<vmem>>, vector<16xi32>,
        %add3A_630 = arith.addi %broadcast_in_dim3A_6, %get3A_629 : vector<16xi32>
        %mul3A_631 = arith.constant 16 : i32
        %mul3A_632 = arith.muli %scan3A_622, %mul3A_631 : i32
        %add3A_633 = arith.constant 256 : i32
        %add3A_634 = arith.addi %add3A_633, %mul3A_632 : i32
        %get3A_635 = arith.index_cast %add3A_634 : i32 to index
        %get3A_636 = tpu.vector_load %arg8[%get3A_635] {strides = array<i32>} : memref<4096xi32, #tpu.memory_space<vmem>>, vector<16xi32>,
        %add3A_637 = arith.addi %add3A_630, %get3A_636 : vector<16xi32>
        %mul3A_638 = arith.constant 16 : i32
        %mul3A_639 = arith.muli %scan3A_622, %mul3A_638 : i32
        %add3A_640 = arith.constant 512 : i32
        %add3A_641 = arith.addi %add3A_640, %mul3A_639 : i32
        %get3A_642 = arith.index_cast %add3A_641 : i32 to index
        %get3A_643 = tpu.vector_load %arg8[%get3A_642] {strides = array<i32>} : memref<4096xi32, #tpu.memory_space<vmem>>, vector<16xi32>,
        %add3A_644 = arith.addi %add3A_637, %get3A_643 : vector<16xi32>
        %mul3A_645 = arith.constant 16 : i32
        %mul3A_646 = arith.muli %scan3A_622, %mul3A_645 : i32
        %add3A_647 = arith.constant 768 : i32
        %add3A_648 = arith.addi %add3A_647, %mul3A_646 : i32
        %get3A_649 = arith.index_cast %add3A_648 : i32 to index
        %get3A_650 = tpu.vector_load %arg8[%get3A_649] {strides = array<i32>} : memref<4096xi32, #tpu.memory_space<vmem>>, vector<16xi32>,
        %add3A_651 = arith.addi %add3A_644, %get3A_650 : vector<16xi32>
        %mul3A_652 = arith.constant 16 : i32
        %mul3A_653 = arith.muli %scan3A_622, %mul3A_652 : i32
        %add3A_654 = arith.constant 1024 : i32
        %add3A_655 = arith.addi %add3A_654, %mul3A_653 : i32
        %get3A_656 = arith.index_cast %add3A_655 : i32 to index
        %get3A_657 = tpu.vector_load %arg8[%get3A_656] {strides = array<i32>} : memref<4096xi32, #tpu.memory_space<vmem>>, vector<16xi32>,
        %add3A_658 = arith.addi %add3A_651, %get3A_657 : vector<16xi32>
        %mul3A_659 = arith.constant 16 : i32
        %mul3A_660 = arith.muli %scan3A_622, %mul3A_659 : i32
        %add3A_661 = arith.constant 1280 : i32
        %add3A_662 = arith.addi %add3A_661, %mul3A_660 : i32
        %get3A_663 = arith.index_cast %add3A_662 : i32 to index
        %get3A_664 = tpu.vector_load %arg8[%get3A_663] {strides = array<i32>} : memref<4096xi32, #tpu.memory_space<vmem>>, vector<16xi32>,
        %add3A_665 = arith.addi %add3A_658, %get3A_664 : vector<16xi32>
        %mul3A_666 = arith.constant 16 : i32
        %mul3A_667 = arith.muli %scan3A_622, %mul3A_666 : i32
        %add3A_668 = arith.constant 1536 : i32
        %add3A_669 = arith.addi %add3A_668, %mul3A_667 : i32
        %get3A_670 = arith.index_cast %add3A_669 : i32 to index
        %get3A_671 = tpu.vector_load %arg8[%get3A_670] {strides = array<i32>} : memref<4096xi32, #tpu.memory_space<vmem>>, vector<16xi32>,
        %add3A_672 = arith.addi %add3A_665, %get3A_671 : vector<16xi32>
        %mul3A_673 = arith.constant 16 : i32
        %mul3A_674 = arith.muli %scan3A_622, %mul3A_673 : i32
        %add3A_675 = arith.constant 1792 : i32
        %add3A_676 = arith.addi %add3A_675, %mul3A_674 : i32
        %get3A_677 = arith.index_cast %add3A_676 : i32 to index
        %get3A_678 = tpu.vector_load %arg8[%get3A_677] {strides = array<i32>} : memref<4096xi32, #tpu.memory_space<vmem>>, vector<16xi32>,
        %add3A_679 = arith.addi %add3A_672, %get3A_678 : vector<16xi32>
        %mul3A_680 = arith.constant 16 : i32
        %mul3A_681 = arith.muli %scan3A_622, %mul3A_680 : i32
        %add3A_682 = arith.constant 2048 : i32
        %add3A_683 = arith.addi %add3A_682, %mul3A_681 : i32
        %get3A_684 = arith.index_cast %add3A_683 : i32 to index
        %get3A_685 = tpu.vector_load %arg8[%get3A_684] {strides = array<i32>} : memref<4096xi32, #tpu.memory_space<vmem>>, vector<16xi32>,
        %add3A_686 = arith.addi %add3A_679, %get3A_685 : vector<16xi32>
        %mul3A_687 = arith.constant 16 : i32
        %mul3A_688 = arith.muli %scan3A_622, %mul3A_687 : i32
        %add3A_689 = arith.constant 2304 : i32
        %add3A_690 = arith.addi %add3A_689, %mul3A_688 : i32
        %get3A_691 = arith.index_cast %add3A_690 : i32 to index
        %get3A_692 = tpu.vector_load %arg8[%get3A_691] {strides = array<i32>} : memref<4096xi32, #tpu.memory_space<vmem>>, vector<16xi32>,
        %add3A_693 = arith.addi %add3A_686, %get3A_692 : vector<16xi32>
        %mul3A_694 = arith.constant 16 : i32
        %mul3A_695 = arith.muli %scan3A_622, %mul3A_694 : i32
        %add3A_696 = arith.constant 2560 : i32
        %add3A_697 = arith.addi %add3A_696, %mul3A_695 : i32
        %get3A_698 = arith.index_cast %add3A_697 : i32 to index
        %get3A_699 = tpu.vector_load %arg8[%get3A_698] {strides = array<i32>} : memref<4096xi32, #tpu.memory_space<vmem>>, vector<16xi32>,
        %add3A_700 = arith.addi %add3A_693, %get3A_699 : vector<16xi32>
        %mul3A_701 = arith.constant 16 : i32
        %mul3A_702 = arith.muli %scan3A_622, %mul3A_701 : i32
        %add3A_703 = arith.constant 2816 : i32
        %add3A_704 = arith.addi %add3A_703, %mul3A_702 : i32
        %get3A_705 = arith.index_cast %add3A_704 : i32 to index
        %get3A_706 = tpu.vector_load %arg8[%get3A_705] {strides = array<i32>} : memref<4096xi32, #tpu.memory_space<vmem>>, vector<16xi32>,
        %add3A_707 = arith.addi %add3A_700, %get3A_706 : vector<16xi32>
        %mul3A_708 = arith.constant 16 : i32
        %mul3A_709 = arith.muli %scan3A_622, %mul3A_708 : i32
        %add3A_710 = arith.constant 3072 : i32
        %add3A_711 = arith.addi %add3A_710, %mul3A_709 : i32
        %get3A_712 = arith.index_cast %add3A_711 : i32 to index
        %get3A_713 = tpu.vector_load %arg8[%get3A_712] {strides = array<i32>} : memref<4096xi32, #tpu.memory_space<vmem>>, vector<16xi32>,
        %add3A_714 = arith.addi %add3A_707, %get3A_713 : vector<16xi32>
        %mul3A_715 = arith.constant 16 : i32
        %mul3A_716 = arith.muli %scan3A_622, %mul3A_715 : i32
        %add3A_717 = arith.constant 3328 : i32
        %add3A_718 = arith.addi %add3A_717, %mul3A_716 : i32
        %get3A_719 = arith.index_cast %add3A_718 : i32 to index
        %get3A_720 = tpu.vector_load %arg8[%get3A_719] {strides = array<i32>} : memref<4096xi32, #tpu.memory_space<vmem>>, vector<16xi32>,
        %add3A_721 = arith.addi %add3A_714, %get3A_720 : vector<16xi32>
        %mul3A_722 = arith.constant 16 : i32
        %mul3A_723 = arith.muli %scan3A_622, %mul3A_722 : i32
        %add3A_724 = arith.constant 3584 : i32
        %add3A_725 = arith.addi %add3A_724, %mul3A_723 : i32
        %get3A_726 = arith.index_cast %add3A_725 : i32 to index
        %get3A_727 = tpu.vector_load %arg8[%get3A_726] {strides = array<i32>} : memref<4096xi32, #tpu.memory_space<vmem>>, vector<16xi32>,
        %add3A_728 = arith.addi %add3A_721, %get3A_727 : vector<16xi32>
        %mul3A_729 = arith.constant 16 : i32
        %mul3A_730 = arith.muli %scan3A_622, %mul3A_729 : i32
        %add3A_731 = arith.constant 3840 : i32
        %add3A_732 = arith.addi %add3A_731, %mul3A_730 : i32
        %get3A_733 = arith.index_cast %add3A_732 : i32 to index
        %get3A_734 = tpu.vector_load %arg8[%get3A_733] {strides = array<i32>} : memref<4096xi32, #tpu.memory_space<vmem>>, vector<16xi32>,
        %add3A_735 = arith.addi %add3A_728, %get3A_734 : vector<16xi32>
        %mul3A_736 = arith.constant 16 : i32
        %mul3A_737 = arith.muli %scan3A_622, %mul3A_736 : i32
        %swap3A_738 = arith.index_cast %mul3A_737 : i32 to index
        %swap3A_739 = tpu.vector_load %arg9[%swap3A_738] {strides = array<i32>} : memref<256xi32, #tpu.memory_space<vmem>>, vector<16xi32>,
        tpu.vector_store %arg9[%swap3A_738], %add3A_735 {strides = array<i32>} : memref<256xi32, #tpu.memory_space<vmem>>, vector<16xi32>,
        %scan3A_740 = arith.constant 0 : i32
        scf.yield %scan3A_740 : i32
      }
      %scan3A_77 = arith.constant 16 : i32
      %scan3A_78 = arith.constant 0 : i32
      %scan3A_79 = arith.constant -1 : i32
      %scan3A_80 = arith.constant 0 : i32
      %scan3A_81 = arith.constant 0 : i32
      %scan3A_82 = arith.constant 16 : i32
      %scan3A_83 = arith.addi %scan3A_81, %scan3A_82 : i32
      %scan3A_84 = arith.constant 1 : i32
      %scan3A_85:3 = scf.for %scan3A_622 = %scan3A_81 to %scan3A_83 step %scan3A_84 iter_args(%scan3A_623 = %scan3A_78, %scan3A_624 = %scan3A_79, %scan3A_625 = %scan3A_80) -> (i32, i32, i32)  : i32 {
        %ge3A_626 = arith.constant 0 : i32
        %ge3A_627 = arith.cmpi sge, %scan3A_624, %ge3A_626 : i32
        %sub3A_628 = arith.constant 15 : i32
        %sub3A_629 = arith.subi %sub3A_628, %scan3A_622 : i32
        %mul3A_630 = arith.constant 16 : i32
        %mul3A_631 = arith.muli %sub3A_629, %mul3A_630 : i32
        %get3A_632 = arith.index_cast %mul3A_631 : i32 to index
        %get3A_633 = tpu.vector_load %arg9[%get3A_632] {strides = array<i32>} : memref<256xi32, #tpu.memory_space<vmem>>, vector<16xi32>,
        %reduce_sum3A = arith.constant true
        %reduce_sum3A_634 = vector.broadcast %reduce_sum3A : i1 to vector<16xi1>
        %reduce_sum3A_635 = tpu.scan <sum>, %get3A_633 masked %reduce_sum3A_634 : vector<16xi32>, vector<16xi1> -> vector<16xi32>
        %reduce_sum3A_636 = vector.extract %reduce_sum3A_635[15] : i32 from vector<16xi32>
        %not3A = arith.constant true
        %not3A_637 = arith.xori %ge3A_627, %not3A : i1
        %add3A_638 = arith.addi %scan3A_623, %reduce_sum3A_636 : i32
        %ge3A_639 = arith.cmpi sge, %add3A_638, %sub3A_70 : i32
        %and3A_640 = arith.andi %not3A_637, %ge3A_639 : i1
        %rev3A = arith.constant 15 : i32
        %rev3A_641 = vector.broadcast %rev3A : i32 to vector<16xi32>
        %rev3A_642 = tpu.iota {dimensions = array<i32: 0>} : vector<16xi32>
        %rev3A_643 = arith.subi %rev3A_641, %rev3A_642 : vector<16xi32>
        %rev3A_644 = tpu.dynamic_gather %get3A_633[%rev3A_643] in [0] : vector<16xi32>, vector<16xi32> -> vector<16xi32>
        %broadcast_in_dim3A_645 = arith.constant true
        %broadcast_in_dim3A_646 = vector.broadcast %broadcast_in_dim3A_645 : i1 to vector<16xi1>
        %masked_cumsum3A = tpu.scan <sum>, %rev3A_644 masked %broadcast_in_dim3A_646 : vector<16xi32>, vector<16xi1> -> vector<16xi32>
        %rev3A_647 = arith.constant 15 : i32
        %rev3A_648 = vector.broadcast %rev3A_647 : i32 to vector<16xi32>
        %rev3A_649 = tpu.iota {dimensions = array<i32: 0>} : vector<16xi32>
        %rev3A_650 = arith.subi %rev3A_648, %rev3A_649 : vector<16xi32>
        %rev3A_651 = tpu.dynamic_gather %masked_cumsum3A[%rev3A_650] in [0] : vector<16xi32>, vector<16xi32> -> vector<16xi32>
        %sub3A_652 = arith.subi %rev3A_651, %get3A_633 : vector<16xi32>
        %add3A_653 = vector.broadcast %scan3A_623 : i32 to vector<16xi32>
        %add3A_654 = arith.addi %add3A_653, %sub3A_652 : vector<16xi32>
        %lt3A_655 = vector.broadcast %sub3A_70 : i32 to vector<16xi32>
        %lt3A_656 = arith.cmpi slt, %add3A_654, %lt3A_655 : vector<16xi32>
        %and3A_657 = vector.broadcast %and3A_640 : i1 to vector<16xi1>
        %and3A_658 = arith.andi %and3A_657, %lt3A_656 : vector<16xi1>
        %add3A_659 = vector.broadcast %scan3A_623 : i32 to vector<16xi32>
        %add3A_660 = arith.addi %add3A_659, %rev3A_651 : vector<16xi32>
        %ge3A_661 = vector.broadcast %sub3A_70 : i32 to vector<16xi32>
        %ge3A_662 = arith.cmpi sge, %add3A_660, %ge3A_661 : vector<16xi32>
        %and3A_663 = arith.andi %and3A_658, %ge3A_662 : vector<16xi1>
        %jit3A_664 = arith.constant 0 : i32
        %broadcast_in_dim3A_665 = vector.broadcast %jit3A_664 : i32 to vector<16xi32>
        %select_n3A_666 = arith.select %and3A_663, %iota3A, %broadcast_in_dim3A_665 : vector<16xi1>, vector<16xi32>
        %reduce_sum3A_667 = arith.constant true
        %reduce_sum3A_668 = vector.broadcast %reduce_sum3A_667 : i1 to vector<16xi1>
        %reduce_sum3A_669 = tpu.scan <sum>, %select_n3A_666 masked %reduce_sum3A_668 : vector<16xi32>, vector<16xi1> -> vector<16xi32>
        %reduce_sum3A_670 = vector.extract %reduce_sum3A_669[15] : i32 from vector<16xi32>
        %jit3A_671 = arith.constant 0 : i32
        %broadcast_in_dim3A_672 = vector.broadcast %jit3A_671 : i32 to vector<16xi32>
        %select_n3A_673 = arith.select %and3A_663, %sub3A_652, %broadcast_in_dim3A_672 : vector<16xi1>, vector<16xi32>
        %reduce_sum3A_674 = arith.constant true
        %reduce_sum3A_675 = vector.broadcast %reduce_sum3A_674 : i1 to vector<16xi1>
        %reduce_sum3A_676 = tpu.scan <sum>, %select_n3A_673 masked %reduce_sum3A_675 : vector<16xi32>, vector<16xi1> -> vector<16xi32>
        %reduce_sum3A_677 = vector.extract %reduce_sum3A_676[15] : i32 from vector<16xi32>
        %mul3A_678 = arith.constant 16 : i32
        %mul3A_679 = arith.muli %sub3A_629, %mul3A_678 : i32
        %add3A_680 = arith.addi %mul3A_679, %reduce_sum3A_670 : i32
        %select_n3A_681 = arith.select %and3A_640, %add3A_680, %scan3A_624 : i32
        %add3A_682 = arith.addi %scan3A_623, %reduce_sum3A_677 : i32
        %select_n3A_683 = arith.select %and3A_640, %add3A_682, %scan3A_625 : i32
        %or3A = arith.ori %ge3A_627, %and3A_640 : i1
        %add3A_684 = arith.addi %scan3A_623, %reduce_sum3A_636 : i32
        %select_n3A_685 = arith.select %or3A, %scan3A_623, %add3A_684 : i32
        scf.yield %select_n3A_685, %select_n3A_681, %select_n3A_683 : i32, i32, i32
      }
      %scan3A_86 = arith.constant 16 : i32
      %add3A_87 = arith.addi %scan3A_48#2, %scan3A_85#2 : i32
      %mul3A_88 = arith.constant 256 : i32
      %mul3A_89 = arith.muli %scan3A_48#1, %mul3A_88 : i32
      %add3A_90 = arith.addi %mul3A_89, %scan3A_85#1 : i32
      %sub3A_91 = arith.subi %squeeze3A_24, %squeeze3A : i32
      %max3A = arith.constant 0 : i32
      %max3A_92 = arith.maxsi %sub3A_91, %max3A : i32
      %sub3A_93 = arith.constant 32768 : i32
      %sub3A_94 = arith.subi %sub3A_93, %max3A_92 : i32
      %add3A_95 = arith.constant 15 : i32
      %add3A_96 = arith.addi %scan3A_58, %add3A_95 : i32
      %jit3A = arith.constant 16 : i32
      %div3A = arith.divsi %add3A_96, %jit3A : i32
      %sign3A = arith.constant 0 : i32
      %sign3A_97 = arith.cmpi sgt, %add3A_96, %sign3A : i32
      %sign3A_98 = arith.extui %sign3A_97 : i1 to i32
      %sign3A_99 = arith.constant 0 : i32
      %sign3A_100 = arith.cmpi slt, %add3A_96, %sign3A_99 : i32
      %sign3A_101 = arith.extui %sign3A_100 : i1 to i32
      %sign3A_102 = arith.subi %sign3A_98, %sign3A_101 : i32
      %sign3A_103 = arith.constant 0 : i32
      %sign3A_104 = arith.cmpi sgt, %jit3A, %sign3A_103 : i32
      %sign3A_105 = arith.extui %sign3A_104 : i1 to i32
      %sign3A_106 = arith.constant 0 : i32
      %sign3A_107 = arith.cmpi slt, %jit3A, %sign3A_106 : i32
      %sign3A_108 = arith.extui %sign3A_107 : i1 to i32
      %sign3A_109 = arith.subi %sign3A_105, %sign3A_108 : i32
      %ne3A = arith.cmpi ne, %sign3A_102, %sign3A_109 : i32
      %rem3A = arith.remsi %add3A_96, %jit3A : i32
      %ne3A_110 = arith.constant 0 : i32
      %ne3A_111 = arith.cmpi ne, %rem3A, %ne3A_110 : i32
      %and3A = arith.andi %ne3A, %ne3A_111 : i1
      %sub3A_112 = arith.constant 1 : i32
      %sub3A_113 = arith.subi %div3A, %sub3A_112 : i32
      %select_n3A = arith.select %and3A, %sub3A_113, %div3A : i32
      %scan3A_114 = arith.constant 0 : i32
      %scan3A_115 = arith.constant 0 : i32
      %scan3A_116 = arith.constant 16 : i32
      %scan3A_117 = arith.addi %scan3A_115, %scan3A_116 : i32
      %scan3A_118 = arith.constant 1 : i32
      %scan3A_119 = scf.for %scan3A_622 = %scan3A_115 to %scan3A_117 step %scan3A_118 iter_args(%scan3A_623 = %scan3A_114) -> (i32)  : i32 {
        %mul3A_624 = arith.constant 16 : i32
        %mul3A_625 = arith.muli %scan3A_622, %mul3A_624 : i32
        %add3A_626 = arith.constant 0 : i32
        %add3A_627 = arith.addi %add3A_626, %mul3A_625 : i32
        %swap3A_628 = arith.index_cast %add3A_627 : i32 to index
        %swap3A_629 = tpu.vector_load %arg8[%swap3A_628] {strides = array<i32>} : memref<4096xi32, #tpu.memory_space<vmem>>, vector<16xi32>,
        tpu.vector_store %arg8[%swap3A_628], %broadcast_in_dim3A_6 {strides = array<i32>} : memref<4096xi32, #tpu.memory_space<vmem>>, vector<16xi32>,
        %mul3A_630 = arith.constant 16 : i32
        %mul3A_631 = arith.muli %scan3A_622, %mul3A_630 : i32
        %add3A_632 = arith.constant 256 : i32
        %add3A_633 = arith.addi %add3A_632, %mul3A_631 : i32
        %swap3A_634 = arith.index_cast %add3A_633 : i32 to index
        %swap3A_635 = tpu.vector_load %arg8[%swap3A_634] {strides = array<i32>} : memref<4096xi32, #tpu.memory_space<vmem>>, vector<16xi32>,
        tpu.vector_store %arg8[%swap3A_634], %broadcast_in_dim3A_6 {strides = array<i32>} : memref<4096xi32, #tpu.memory_space<vmem>>, vector<16xi32>,
        %mul3A_636 = arith.constant 16 : i32
        %mul3A_637 = arith.muli %scan3A_622, %mul3A_636 : i32
        %add3A_638 = arith.constant 512 : i32
        %add3A_639 = arith.addi %add3A_638, %mul3A_637 : i32
        %swap3A_640 = arith.index_cast %add3A_639 : i32 to index
        %swap3A_641 = tpu.vector_load %arg8[%swap3A_640] {strides = array<i32>} : memref<4096xi32, #tpu.memory_space<vmem>>, vector<16xi32>,
        tpu.vector_store %arg8[%swap3A_640], %broadcast_in_dim3A_6 {strides = array<i32>} : memref<4096xi32, #tpu.memory_space<vmem>>, vector<16xi32>,
        %mul3A_642 = arith.constant 16 : i32
        %mul3A_643 = arith.muli %scan3A_622, %mul3A_642 : i32
        %add3A_644 = arith.constant 768 : i32
        %add3A_645 = arith.addi %add3A_644, %mul3A_643 : i32
        %swap3A_646 = arith.index_cast %add3A_645 : i32 to index
        %swap3A_647 = tpu.vector_load %arg8[%swap3A_646] {strides = array<i32>} : memref<4096xi32, #tpu.memory_space<vmem>>, vector<16xi32>,
        tpu.vector_store %arg8[%swap3A_646], %broadcast_in_dim3A_6 {strides = array<i32>} : memref<4096xi32, #tpu.memory_space<vmem>>, vector<16xi32>,
        %mul3A_648 = arith.constant 16 : i32
        %mul3A_649 = arith.muli %scan3A_622, %mul3A_648 : i32
        %add3A_650 = arith.constant 1024 : i32
        %add3A_651 = arith.addi %add3A_650, %mul3A_649 : i32
        %swap3A_652 = arith.index_cast %add3A_651 : i32 to index
        %swap3A_653 = tpu.vector_load %arg8[%swap3A_652] {strides = array<i32>} : memref<4096xi32, #tpu.memory_space<vmem>>, vector<16xi32>,
        tpu.vector_store %arg8[%swap3A_652], %broadcast_in_dim3A_6 {strides = array<i32>} : memref<4096xi32, #tpu.memory_space<vmem>>, vector<16xi32>,
        %mul3A_654 = arith.constant 16 : i32
        %mul3A_655 = arith.muli %scan3A_622, %mul3A_654 : i32
        %add3A_656 = arith.constant 1280 : i32
        %add3A_657 = arith.addi %add3A_656, %mul3A_655 : i32
        %swap3A_658 = arith.index_cast %add3A_657 : i32 to index
        %swap3A_659 = tpu.vector_load %arg8[%swap3A_658] {strides = array<i32>} : memref<4096xi32, #tpu.memory_space<vmem>>, vector<16xi32>,
        tpu.vector_store %arg8[%swap3A_658], %broadcast_in_dim3A_6 {strides = array<i32>} : memref<4096xi32, #tpu.memory_space<vmem>>, vector<16xi32>,
        %mul3A_660 = arith.constant 16 : i32
        %mul3A_661 = arith.muli %scan3A_622, %mul3A_660 : i32
        %add3A_662 = arith.constant 1536 : i32
        %add3A_663 = arith.addi %add3A_662, %mul3A_661 : i32
        %swap3A_664 = arith.index_cast %add3A_663 : i32 to index
        %swap3A_665 = tpu.vector_load %arg8[%swap3A_664] {strides = array<i32>} : memref<4096xi32, #tpu.memory_space<vmem>>, vector<16xi32>,
        tpu.vector_store %arg8[%swap3A_664], %broadcast_in_dim3A_6 {strides = array<i32>} : memref<4096xi32, #tpu.memory_space<vmem>>, vector<16xi32>,
        %mul3A_666 = arith.constant 16 : i32
        %mul3A_667 = arith.muli %scan3A_622, %mul3A_666 : i32
        %add3A_668 = arith.constant 1792 : i32
        %add3A_669 = arith.addi %add3A_668, %mul3A_667 : i32
        %swap3A_670 = arith.index_cast %add3A_669 : i32 to index
        %swap3A_671 = tpu.vector_load %arg8[%swap3A_670] {strides = array<i32>} : memref<4096xi32, #tpu.memory_space<vmem>>, vector<16xi32>,
        tpu.vector_store %arg8[%swap3A_670], %broadcast_in_dim3A_6 {strides = array<i32>} : memref<4096xi32, #tpu.memory_space<vmem>>, vector<16xi32>,
        %mul3A_672 = arith.constant 16 : i32
        %mul3A_673 = arith.muli %scan3A_622, %mul3A_672 : i32
        %add3A_674 = arith.constant 2048 : i32
        %add3A_675 = arith.addi %add3A_674, %mul3A_673 : i32
        %swap3A_676 = arith.index_cast %add3A_675 : i32 to index
        %swap3A_677 = tpu.vector_load %arg8[%swap3A_676] {strides = array<i32>} : memref<4096xi32, #tpu.memory_space<vmem>>, vector<16xi32>,
        tpu.vector_store %arg8[%swap3A_676], %broadcast_in_dim3A_6 {strides = array<i32>} : memref<4096xi32, #tpu.memory_space<vmem>>, vector<16xi32>,
        %mul3A_678 = arith.constant 16 : i32
        %mul3A_679 = arith.muli %scan3A_622, %mul3A_678 : i32
        %add3A_680 = arith.constant 2304 : i32
        %add3A_681 = arith.addi %add3A_680, %mul3A_679 : i32
        %swap3A_682 = arith.index_cast %add3A_681 : i32 to index
        %swap3A_683 = tpu.vector_load %arg8[%swap3A_682] {strides = array<i32>} : memref<4096xi32, #tpu.memory_space<vmem>>, vector<16xi32>,
        tpu.vector_store %arg8[%swap3A_682], %broadcast_in_dim3A_6 {strides = array<i32>} : memref<4096xi32, #tpu.memory_space<vmem>>, vector<16xi32>,
        %mul3A_684 = arith.constant 16 : i32
        %mul3A_685 = arith.muli %scan3A_622, %mul3A_684 : i32
        %add3A_686 = arith.constant 2560 : i32
        %add3A_687 = arith.addi %add3A_686, %mul3A_685 : i32
        %swap3A_688 = arith.index_cast %add3A_687 : i32 to index
        %swap3A_689 = tpu.vector_load %arg8[%swap3A_688] {strides = array<i32>} : memref<4096xi32, #tpu.memory_space<vmem>>, vector<16xi32>,
        tpu.vector_store %arg8[%swap3A_688], %broadcast_in_dim3A_6 {strides = array<i32>} : memref<4096xi32, #tpu.memory_space<vmem>>, vector<16xi32>,
        %mul3A_690 = arith.constant 16 : i32
        %mul3A_691 = arith.muli %scan3A_622, %mul3A_690 : i32
        %add3A_692 = arith.constant 2816 : i32
        %add3A_693 = arith.addi %add3A_692, %mul3A_691 : i32
        %swap3A_694 = arith.index_cast %add3A_693 : i32 to index
        %swap3A_695 = tpu.vector_load %arg8[%swap3A_694] {strides = array<i32>} : memref<4096xi32, #tpu.memory_space<vmem>>, vector<16xi32>,
        tpu.vector_store %arg8[%swap3A_694], %broadcast_in_dim3A_6 {strides = array<i32>} : memref<4096xi32, #tpu.memory_space<vmem>>, vector<16xi32>,
        %mul3A_696 = arith.constant 16 : i32
        %mul3A_697 = arith.muli %scan3A_622, %mul3A_696 : i32
        %add3A_698 = arith.constant 3072 : i32
        %add3A_699 = arith.addi %add3A_698, %mul3A_697 : i32
        %swap3A_700 = arith.index_cast %add3A_699 : i32 to index
        %swap3A_701 = tpu.vector_load %arg8[%swap3A_700] {strides = array<i32>} : memref<4096xi32, #tpu.memory_space<vmem>>, vector<16xi32>,
        tpu.vector_store %arg8[%swap3A_700], %broadcast_in_dim3A_6 {strides = array<i32>} : memref<4096xi32, #tpu.memory_space<vmem>>, vector<16xi32>,
        %mul3A_702 = arith.constant 16 : i32
        %mul3A_703 = arith.muli %scan3A_622, %mul3A_702 : i32
        %add3A_704 = arith.constant 3328 : i32
        %add3A_705 = arith.addi %add3A_704, %mul3A_703 : i32
        %swap3A_706 = arith.index_cast %add3A_705 : i32 to index
        %swap3A_707 = tpu.vector_load %arg8[%swap3A_706] {strides = array<i32>} : memref<4096xi32, #tpu.memory_space<vmem>>, vector<16xi32>,
        tpu.vector_store %arg8[%swap3A_706], %broadcast_in_dim3A_6 {strides = array<i32>} : memref<4096xi32, #tpu.memory_space<vmem>>, vector<16xi32>,
        %mul3A_708 = arith.constant 16 : i32
        %mul3A_709 = arith.muli %scan3A_622, %mul3A_708 : i32
        %add3A_710 = arith.constant 3584 : i32
        %add3A_711 = arith.addi %add3A_710, %mul3A_709 : i32
        %swap3A_712 = arith.index_cast %add3A_711 : i32 to index
        %swap3A_713 = tpu.vector_load %arg8[%swap3A_712] {strides = array<i32>} : memref<4096xi32, #tpu.memory_space<vmem>>, vector<16xi32>,
        tpu.vector_store %arg8[%swap3A_712], %broadcast_in_dim3A_6 {strides = array<i32>} : memref<4096xi32, #tpu.memory_space<vmem>>, vector<16xi32>,
        %mul3A_714 = arith.constant 16 : i32
        %mul3A_715 = arith.muli %scan3A_622, %mul3A_714 : i32
        %add3A_716 = arith.constant 3840 : i32
        %add3A_717 = arith.addi %add3A_716, %mul3A_715 : i32
        %swap3A_718 = arith.index_cast %add3A_717 : i32 to index
        %swap3A_719 = tpu.vector_load %arg8[%swap3A_718] {strides = array<i32>} : memref<4096xi32, #tpu.memory_space<vmem>>, vector<16xi32>,
        tpu.vector_store %arg8[%swap3A_718], %broadcast_in_dim3A_6 {strides = array<i32>} : memref<4096xi32, #tpu.memory_space<vmem>>, vector<16xi32>,
        %scan3A_720 = arith.constant 0 : i32
        scf.yield %scan3A_720 : i32
      }
      %scan3A_120 = arith.constant 16 : i32
      %while3A = arith.constant 0 : i32
      %while3A_121 = arith.constant 0 : i32
      %while3A_122 = arith.subi %select_n3A, %while3A : i32
      %while3A_123 = arith.addi %while3A, %while3A_122 : i32
      %while3A_124 = arith.constant 1 : i32
      %while3A_125 = arith.divsi %while3A_122, %while3A_124 : i32
      %while3A_126 = arith.muli %while3A_125, %while3A_124 : i32
      %while3A_127 = arith.addi %while3A, %while3A_126 : i32
      %while3A_128 = arith.constant 1 : i32
      %while3A_129 = scf.for %while3A_622 = %while3A to %while3A_127 step %while3A_128 iter_args(%while3A_623 = %while3A_121) -> (i32)  : i32 {
        %mul3A_624 = arith.constant 16 : i32
        %mul3A_625 = arith.muli %while3A_622, %mul3A_624 : i32
        %get3A_626 = arith.index_cast %mul3A_625 : i32 to index
        %get3A_627 = tpu.vector_load %arg11[%get3A_626] {strides = array<i32>} : memref<4096xi32, #tpu.memory_space<vmem>>, vector<16xi32>,
        %mul3A_628 = arith.constant 16 : i32
        %mul3A_629 = arith.muli %while3A_622, %mul3A_628 : i32
        %add3A_630 = vector.broadcast %mul3A_629 : i32 to vector<16xi32>
        %add3A_631 = arith.addi %add3A_630, %iota3A : vector<16xi32>
        %lt3A_632 = vector.broadcast %scan3A_58 : i32 to vector<16xi32>
        %lt3A_633 = arith.cmpi slt, %add3A_631, %lt3A_632 : vector<16xi32>
        %shift_right_arithmetic3A = arith.constant 16 : i32
        %shift_right_arithmetic3A_634 = vector.broadcast %shift_right_arithmetic3A : i32 to vector<16xi32>
        %shift_right_arithmetic3A_635 = arith.shrsi %get3A_627, %shift_right_arithmetic3A_634 : vector<16xi32>
        %and3A_636 = arith.constant 65535 : i32
        %and3A_637 = vector.broadcast %and3A_636 : i32 to vector<16xi32>
        %and3A_638 = arith.andi %shift_right_arithmetic3A_635, %and3A_637 : vector<16xi32>
        %eq3A_639 = vector.broadcast %add3A_90 : i32 to vector<16xi32>
        %eq3A_640 = arith.cmpi eq, %and3A_638, %eq3A_639 : vector<16xi32>
        %and3A_641 = arith.andi %eq3A_640, %lt3A_633 : vector<16xi1>
        %shift_right_arithmetic3A_642 = arith.constant 8 : i32
        %shift_right_arithmetic3A_643 = vector.broadcast %shift_right_arithmetic3A_642 : i32 to vector<16xi32>
        %shift_right_arithmetic3A_644 = arith.shrsi %get3A_627, %shift_right_arithmetic3A_643 : vector<16xi32>
        %and3A_645 = arith.constant 255 : i32
        %and3A_646 = vector.broadcast %and3A_645 : i32 to vector<16xi32>
        %and3A_647 = arith.andi %shift_right_arithmetic3A_644, %and3A_646 : vector<16xi32>
        %add3A_648 = arith.addi %mul3A_3, %and3A_647 : vector<16xi32>
        tpu.vector_store_idx %arg8[%add3A_648], %broadcast_in_dim3A_8 masked %and3A_641 {add = true} : memref<4096xi32, #tpu.memory_space<vmem>>[vector<16xi32>], vector<16xi32>, vector<16xi1>
        %while3A_649 = arith.constant 0 : i32
        scf.yield %while3A_649 : i32
      }
      %while3A_130 = arith.constant 1 : i32
      %while3A_131 = scf.for %while3A_622 = %while3A_127 to %while3A_123 step %while3A_130 iter_args(%while3A_623 = %while3A_129) -> (i32)  : i32 {
        %mul3A_624 = arith.constant 16 : i32
        %mul3A_625 = arith.muli %while3A_622, %mul3A_624 : i32
        %get3A_626 = arith.index_cast %mul3A_625 : i32 to index
        %get3A_627 = tpu.vector_load %arg11[%get3A_626] {strides = array<i32>} : memref<4096xi32, #tpu.memory_space<vmem>>, vector<16xi32>,
        %mul3A_628 = arith.constant 16 : i32
        %mul3A_629 = arith.muli %while3A_622, %mul3A_628 : i32
        %add3A_630 = vector.broadcast %mul3A_629 : i32 to vector<16xi32>
        %add3A_631 = arith.addi %add3A_630, %iota3A : vector<16xi32>
        %lt3A_632 = vector.broadcast %scan3A_58 : i32 to vector<16xi32>
        %lt3A_633 = arith.cmpi slt, %add3A_631, %lt3A_632 : vector<16xi32>
        %shift_right_arithmetic3A = arith.constant 16 : i32
        %shift_right_arithmetic3A_634 = vector.broadcast %shift_right_arithmetic3A : i32 to vector<16xi32>
        %shift_right_arithmetic3A_635 = arith.shrsi %get3A_627, %shift_right_arithmetic3A_634 : vector<16xi32>
        %and3A_636 = arith.constant 65535 : i32
        %and3A_637 = vector.broadcast %and3A_636 : i32 to vector<16xi32>
        %and3A_638 = arith.andi %shift_right_arithmetic3A_635, %and3A_637 : vector<16xi32>
        %eq3A_639 = vector.broadcast %add3A_90 : i32 to vector<16xi32>
        %eq3A_640 = arith.cmpi eq, %and3A_638, %eq3A_639 : vector<16xi32>
        %and3A_641 = arith.andi %eq3A_640, %lt3A_633 : vector<16xi1>
        %shift_right_arithmetic3A_642 = arith.constant 8 : i32
        %shift_right_arithmetic3A_643 = vector.broadcast %shift_right_arithmetic3A_642 : i32 to vector<16xi32>
        %shift_right_arithmetic3A_644 = arith.shrsi %get3A_627, %shift_right_arithmetic3A_643 : vector<16xi32>
        %and3A_645 = arith.constant 255 : i32
        %and3A_646 = vector.broadcast %and3A_645 : i32 to vector<16xi32>
        %and3A_647 = arith.andi %shift_right_arithmetic3A_644, %and3A_646 : vector<16xi32>
        %add3A_648 = arith.addi %mul3A_3, %and3A_647 : vector<16xi32>
        tpu.vector_store_idx %arg8[%add3A_648], %broadcast_in_dim3A_8 masked %and3A_641 {add = true} : memref<4096xi32, #tpu.memory_space<vmem>>[vector<16xi32>], vector<16xi32>, vector<16xi1>
        %while3A_649 = arith.constant 0 : i32
        scf.yield %while3A_649 : i32
      }
      %eq3A_132 = arith.constant 0 : i32
      %eq3A_133 = arith.cmpi eq, %add3A_90, %eq3A_132 : i32
      %jit3A_134 = arith.constant 0 : i32
      %select_n3A_135 = arith.select %eq3A_133, %sub3A_94, %jit3A_134 : i32
      %get3A_136 = arith.constant 0 : index
      %get3A_137 = tpu.vector_load %arg8[%get3A_136] {strides = array<i32>} : memref<4096xi32, #tpu.memory_space<vmem>>, vector<16xi32>,
      %jit3A_138 = arith.constant 0 : i32
      %broadcast_in_dim3A_139 = vector.broadcast %select_n3A_135 : i32 to vector<16xi32>
      %broadcast_in_dim3A_140 = vector.broadcast %jit3A_138 : i32 to vector<16xi32>
      %select_n3A_141 = arith.select %eq3A_5, %broadcast_in_dim3A_139, %broadcast_in_dim3A_140 : vector<16xi1>, vector<16xi32>
      %add3A_142 = arith.addi %get3A_137, %select_n3A_141 : vector<16xi32>
      %swap3A = arith.constant 0 : index
      %swap3A_143 = tpu.vector_load %arg8[%swap3A] {strides = array<i32>} : memref<4096xi32, #tpu.memory_space<vmem>>, vector<16xi32>,
      tpu.vector_store %arg8[%swap3A], %add3A_142 {strides = array<i32>} : memref<4096xi32, #tpu.memory_space<vmem>>, vector<16xi32>,
      %sub3A_144 = arith.constant 128 : i32
      %sub3A_145 = arith.subi %sub3A_144, %add3A_87 : i32
      %scan3A_146 = arith.constant 0 : i32
      %scan3A_147 = arith.constant 0 : i32
      %scan3A_148 = arith.constant 16 : i32
      %scan3A_149 = arith.addi %scan3A_147, %scan3A_148 : i32
      %scan3A_150 = arith.constant 1 : i32
      %scan3A_151 = scf.for %scan3A_622 = %scan3A_147 to %scan3A_149 step %scan3A_150 iter_args(%scan3A_623 = %scan3A_146) -> (i32)  : i32 {
        %mul3A_624 = arith.constant 16 : i32
        %mul3A_625 = arith.muli %scan3A_622, %mul3A_624 : i32
        %add3A_626 = arith.constant 0 : i32
        %add3A_627 = arith.addi %add3A_626, %mul3A_625 : i32
        %get3A_628 = arith.index_cast %add3A_627 : i32 to index
        %get3A_629 = tpu.vector_load %arg8[%get3A_628] {strides = array<i32>} : memref<4096xi32, #tpu.memory_space<vmem>>, vector<16xi32>,
        %add3A_630 = arith.addi %broadcast_in_dim3A_6, %get3A_629 : vector<16xi32>
        %mul3A_631 = arith.constant 16 : i32
        %mul3A_632 = arith.muli %scan3A_622, %mul3A_631 : i32
        %add3A_633 = arith.constant 256 : i32
        %add3A_634 = arith.addi %add3A_633, %mul3A_632 : i32
        %get3A_635 = arith.index_cast %add3A_634 : i32 to index
        %get3A_636 = tpu.vector_load %arg8[%get3A_635] {strides = array<i32>} : memref<4096xi32, #tpu.memory_space<vmem>>, vector<16xi32>,
        %add3A_637 = arith.addi %add3A_630, %get3A_636 : vector<16xi32>
        %mul3A_638 = arith.constant 16 : i32
        %mul3A_639 = arith.muli %scan3A_622, %mul3A_638 : i32
        %add3A_640 = arith.constant 512 : i32
        %add3A_641 = arith.addi %add3A_640, %mul3A_639 : i32
        %get3A_642 = arith.index_cast %add3A_641 : i32 to index
        %get3A_643 = tpu.vector_load %arg8[%get3A_642] {strides = array<i32>} : memref<4096xi32, #tpu.memory_space<vmem>>, vector<16xi32>,
        %add3A_644 = arith.addi %add3A_637, %get3A_643 : vector<16xi32>
        %mul3A_645 = arith.constant 16 : i32
        %mul3A_646 = arith.muli %scan3A_622, %mul3A_645 : i32
        %add3A_647 = arith.constant 768 : i32
        %add3A_648 = arith.addi %add3A_647, %mul3A_646 : i32
        %get3A_649 = arith.index_cast %add3A_648 : i32 to index
        %get3A_650 = tpu.vector_load %arg8[%get3A_649] {strides = array<i32>} : memref<4096xi32, #tpu.memory_space<vmem>>, vector<16xi32>,
        %add3A_651 = arith.addi %add3A_644, %get3A_650 : vector<16xi32>
        %mul3A_652 = arith.constant 16 : i32
        %mul3A_653 = arith.muli %scan3A_622, %mul3A_652 : i32
        %add3A_654 = arith.constant 1024 : i32
        %add3A_655 = arith.addi %add3A_654, %mul3A_653 : i32
        %get3A_656 = arith.index_cast %add3A_655 : i32 to index
        %get3A_657 = tpu.vector_load %arg8[%get3A_656] {strides = array<i32>} : memref<4096xi32, #tpu.memory_space<vmem>>, vector<16xi32>,
        %add3A_658 = arith.addi %add3A_651, %get3A_657 : vector<16xi32>
        %mul3A_659 = arith.constant 16 : i32
        %mul3A_660 = arith.muli %scan3A_622, %mul3A_659 : i32
        %add3A_661 = arith.constant 1280 : i32
        %add3A_662 = arith.addi %add3A_661, %mul3A_660 : i32
        %get3A_663 = arith.index_cast %add3A_662 : i32 to index
        %get3A_664 = tpu.vector_load %arg8[%get3A_663] {strides = array<i32>} : memref<4096xi32, #tpu.memory_space<vmem>>, vector<16xi32>,
        %add3A_665 = arith.addi %add3A_658, %get3A_664 : vector<16xi32>
        %mul3A_666 = arith.constant 16 : i32
        %mul3A_667 = arith.muli %scan3A_622, %mul3A_666 : i32
        %add3A_668 = arith.constant 1536 : i32
        %add3A_669 = arith.addi %add3A_668, %mul3A_667 : i32
        %get3A_670 = arith.index_cast %add3A_669 : i32 to index
        %get3A_671 = tpu.vector_load %arg8[%get3A_670] {strides = array<i32>} : memref<4096xi32, #tpu.memory_space<vmem>>, vector<16xi32>,
        %add3A_672 = arith.addi %add3A_665, %get3A_671 : vector<16xi32>
        %mul3A_673 = arith.constant 16 : i32
        %mul3A_674 = arith.muli %scan3A_622, %mul3A_673 : i32
        %add3A_675 = arith.constant 1792 : i32
        %add3A_676 = arith.addi %add3A_675, %mul3A_674 : i32
        %get3A_677 = arith.index_cast %add3A_676 : i32 to index
        %get3A_678 = tpu.vector_load %arg8[%get3A_677] {strides = array<i32>} : memref<4096xi32, #tpu.memory_space<vmem>>, vector<16xi32>,
        %add3A_679 = arith.addi %add3A_672, %get3A_678 : vector<16xi32>
        %mul3A_680 = arith.constant 16 : i32
        %mul3A_681 = arith.muli %scan3A_622, %mul3A_680 : i32
        %add3A_682 = arith.constant 2048 : i32
        %add3A_683 = arith.addi %add3A_682, %mul3A_681 : i32
        %get3A_684 = arith.index_cast %add3A_683 : i32 to index
        %get3A_685 = tpu.vector_load %arg8[%get3A_684] {strides = array<i32>} : memref<4096xi32, #tpu.memory_space<vmem>>, vector<16xi32>,
        %add3A_686 = arith.addi %add3A_679, %get3A_685 : vector<16xi32>
        %mul3A_687 = arith.constant 16 : i32
        %mul3A_688 = arith.muli %scan3A_622, %mul3A_687 : i32
        %add3A_689 = arith.constant 2304 : i32
        %add3A_690 = arith.addi %add3A_689, %mul3A_688 : i32
        %get3A_691 = arith.index_cast %add3A_690 : i32 to index
        %get3A_692 = tpu.vector_load %arg8[%get3A_691] {strides = array<i32>} : memref<4096xi32, #tpu.memory_space<vmem>>, vector<16xi32>,
        %add3A_693 = arith.addi %add3A_686, %get3A_692 : vector<16xi32>
        %mul3A_694 = arith.constant 16 : i32
        %mul3A_695 = arith.muli %scan3A_622, %mul3A_694 : i32
        %add3A_696 = arith.constant 2560 : i32
        %add3A_697 = arith.addi %add3A_696, %mul3A_695 : i32
        %get3A_698 = arith.index_cast %add3A_697 : i32 to index
        %get3A_699 = tpu.vector_load %arg8[%get3A_698] {strides = array<i32>} : memref<4096xi32, #tpu.memory_space<vmem>>, vector<16xi32>,
        %add3A_700 = arith.addi %add3A_693, %get3A_699 : vector<16xi32>
        %mul3A_701 = arith.constant 16 : i32
        %mul3A_702 = arith.muli %scan3A_622, %mul3A_701 : i32
        %add3A_703 = arith.constant 2816 : i32
        %add3A_704 = arith.addi %add3A_703, %mul3A_702 : i32
        %get3A_705 = arith.index_cast %add3A_704 : i32 to index
        %get3A_706 = tpu.vector_load %arg8[%get3A_705] {strides = array<i32>} : memref<4096xi32, #tpu.memory_space<vmem>>, vector<16xi32>,
        %add3A_707 = arith.addi %add3A_700, %get3A_706 : vector<16xi32>
        %mul3A_708 = arith.constant 16 : i32
        %mul3A_709 = arith.muli %scan3A_622, %mul3A_708 : i32
        %add3A_710 = arith.constant 3072 : i32
        %add3A_711 = arith.addi %add3A_710, %mul3A_709 : i32
        %get3A_712 = arith.index_cast %add3A_711 : i32 to index
        %get3A_713 = tpu.vector_load %arg8[%get3A_712] {strides = array<i32>} : memref<4096xi32, #tpu.memory_space<vmem>>, vector<16xi32>,
        %add3A_714 = arith.addi %add3A_707, %get3A_713 : vector<16xi32>
        %mul3A_715 = arith.constant 16 : i32
        %mul3A_716 = arith.muli %scan3A_622, %mul3A_715 : i32
        %add3A_717 = arith.constant 3328 : i32
        %add3A_718 = arith.addi %add3A_717, %mul3A_716 : i32
        %get3A_719 = arith.index_cast %add3A_718 : i32 to index
        %get3A_720 = tpu.vector_load %arg8[%get3A_719] {strides = array<i32>} : memref<4096xi32, #tpu.memory_space<vmem>>, vector<16xi32>,
        %add3A_721 = arith.addi %add3A_714, %get3A_720 : vector<16xi32>
        %mul3A_722 = arith.constant 16 : i32
        %mul3A_723 = arith.muli %scan3A_622, %mul3A_722 : i32
        %add3A_724 = arith.constant 3584 : i32
        %add3A_725 = arith.addi %add3A_724, %mul3A_723 : i32
        %get3A_726 = arith.index_cast %add3A_725 : i32 to index
        %get3A_727 = tpu.vector_load %arg8[%get3A_726] {strides = array<i32>} : memref<4096xi32, #tpu.memory_space<vmem>>, vector<16xi32>,
        %add3A_728 = arith.addi %add3A_721, %get3A_727 : vector<16xi32>
        %mul3A_729 = arith.constant 16 : i32
        %mul3A_730 = arith.muli %scan3A_622, %mul3A_729 : i32
        %add3A_731 = arith.constant 3840 : i32
        %add3A_732 = arith.addi %add3A_731, %mul3A_730 : i32
        %get3A_733 = arith.index_cast %add3A_732 : i32 to index
        %get3A_734 = tpu.vector_load %arg8[%get3A_733] {strides = array<i32>} : memref<4096xi32, #tpu.memory_space<vmem>>, vector<16xi32>,
        %add3A_735 = arith.addi %add3A_728, %get3A_734 : vector<16xi32>
        %mul3A_736 = arith.constant 16 : i32
        %mul3A_737 = arith.muli %scan3A_622, %mul3A_736 : i32
        %swap3A_738 = arith.index_cast %mul3A_737 : i32 to index
        %swap3A_739 = tpu.vector_load %arg9[%swap3A_738] {strides = array<i32>} : memref<256xi32, #tpu.memory_space<vmem>>, vector<16xi32>,
        tpu.vector_store %arg9[%swap3A_738], %add3A_735 {strides = array<i32>} : memref<256xi32, #tpu.memory_space<vmem>>, vector<16xi32>,
        %scan3A_740 = arith.constant 0 : i32
        scf.yield %scan3A_740 : i32
      }
      %scan3A_152 = arith.constant 16 : i32
      %scan3A_153 = arith.constant 0 : i32
      %scan3A_154 = arith.constant -1 : i32
      %scan3A_155 = arith.constant 0 : i32
      %scan3A_156 = arith.constant 0 : i32
      %scan3A_157 = arith.constant 16 : i32
      %scan3A_158 = arith.addi %scan3A_156, %scan3A_157 : i32
      %scan3A_159 = arith.constant 1 : i32
      %scan3A_160:3 = scf.for %scan3A_622 = %scan3A_156 to %scan3A_158 step %scan3A_159 iter_args(%scan3A_623 = %scan3A_153, %scan3A_624 = %scan3A_154, %scan3A_625 = %scan3A_155) -> (i32, i32, i32)  : i32 {
        %ge3A_626 = arith.constant 0 : i32
        %ge3A_627 = arith.cmpi sge, %scan3A_624, %ge3A_626 : i32
        %sub3A_628 = arith.constant 15 : i32
        %sub3A_629 = arith.subi %sub3A_628, %scan3A_622 : i32
        %mul3A_630 = arith.constant 16 : i32
        %mul3A_631 = arith.muli %sub3A_629, %mul3A_630 : i32
        %get3A_632 = arith.index_cast %mul3A_631 : i32 to index
        %get3A_633 = tpu.vector_load %arg9[%get3A_632] {strides = array<i32>} : memref<256xi32, #tpu.memory_space<vmem>>, vector<16xi32>,
        %reduce_sum3A = arith.constant true
        %reduce_sum3A_634 = vector.broadcast %reduce_sum3A : i1 to vector<16xi1>
        %reduce_sum3A_635 = tpu.scan <sum>, %get3A_633 masked %reduce_sum3A_634 : vector<16xi32>, vector<16xi1> -> vector<16xi32>
        %reduce_sum3A_636 = vector.extract %reduce_sum3A_635[15] : i32 from vector<16xi32>
        %not3A = arith.constant true
        %not3A_637 = arith.xori %ge3A_627, %not3A : i1
        %add3A_638 = arith.addi %scan3A_623, %reduce_sum3A_636 : i32
        %ge3A_639 = arith.cmpi sge, %add3A_638, %sub3A_145 : i32
        %and3A_640 = arith.andi %not3A_637, %ge3A_639 : i1
        %rev3A = arith.constant 15 : i32
        %rev3A_641 = vector.broadcast %rev3A : i32 to vector<16xi32>
        %rev3A_642 = tpu.iota {dimensions = array<i32: 0>} : vector<16xi32>
        %rev3A_643 = arith.subi %rev3A_641, %rev3A_642 : vector<16xi32>
        %rev3A_644 = tpu.dynamic_gather %get3A_633[%rev3A_643] in [0] : vector<16xi32>, vector<16xi32> -> vector<16xi32>
        %broadcast_in_dim3A_645 = arith.constant true
        %broadcast_in_dim3A_646 = vector.broadcast %broadcast_in_dim3A_645 : i1 to vector<16xi1>
        %masked_cumsum3A = tpu.scan <sum>, %rev3A_644 masked %broadcast_in_dim3A_646 : vector<16xi32>, vector<16xi1> -> vector<16xi32>
        %rev3A_647 = arith.constant 15 : i32
        %rev3A_648 = vector.broadcast %rev3A_647 : i32 to vector<16xi32>
        %rev3A_649 = tpu.iota {dimensions = array<i32: 0>} : vector<16xi32>
        %rev3A_650 = arith.subi %rev3A_648, %rev3A_649 : vector<16xi32>
        %rev3A_651 = tpu.dynamic_gather %masked_cumsum3A[%rev3A_650] in [0] : vector<16xi32>, vector<16xi32> -> vector<16xi32>
        %sub3A_652 = arith.subi %rev3A_651, %get3A_633 : vector<16xi32>
        %add3A_653 = vector.broadcast %scan3A_623 : i32 to vector<16xi32>
        %add3A_654 = arith.addi %add3A_653, %sub3A_652 : vector<16xi32>
        %lt3A_655 = vector.broadcast %sub3A_145 : i32 to vector<16xi32>
        %lt3A_656 = arith.cmpi slt, %add3A_654, %lt3A_655 : vector<16xi32>
        %and3A_657 = vector.broadcast %and3A_640 : i1 to vector<16xi1>
        %and3A_658 = arith.andi %and3A_657, %lt3A_656 : vector<16xi1>
        %add3A_659 = vector.broadcast %scan3A_623 : i32 to vector<16xi32>
        %add3A_660 = arith.addi %add3A_659, %rev3A_651 : vector<16xi32>
        %ge3A_661 = vector.broadcast %sub3A_145 : i32 to vector<16xi32>
        %ge3A_662 = arith.cmpi sge, %add3A_660, %ge3A_661 : vector<16xi32>
        %and3A_663 = arith.andi %and3A_658, %ge3A_662 : vector<16xi1>
        %jit3A_664 = arith.constant 0 : i32
        %broadcast_in_dim3A_665 = vector.broadcast %jit3A_664 : i32 to vector<16xi32>
        %select_n3A_666 = arith.select %and3A_663, %iota3A, %broadcast_in_dim3A_665 : vector<16xi1>, vector<16xi32>
        %reduce_sum3A_667 = arith.constant true
        %reduce_sum3A_668 = vector.broadcast %reduce_sum3A_667 : i1 to vector<16xi1>
        %reduce_sum3A_669 = tpu.scan <sum>, %select_n3A_666 masked %reduce_sum3A_668 : vector<16xi32>, vector<16xi1> -> vector<16xi32>
        %reduce_sum3A_670 = vector.extract %reduce_sum3A_669[15] : i32 from vector<16xi32>
        %jit3A_671 = arith.constant 0 : i32
        %broadcast_in_dim3A_672 = vector.broadcast %jit3A_671 : i32 to vector<16xi32>
        %select_n3A_673 = arith.select %and3A_663, %sub3A_652, %broadcast_in_dim3A_672 : vector<16xi1>, vector<16xi32>
        %reduce_sum3A_674 = arith.constant true
        %reduce_sum3A_675 = vector.broadcast %reduce_sum3A_674 : i1 to vector<16xi1>
        %reduce_sum3A_676 = tpu.scan <sum>, %select_n3A_673 masked %reduce_sum3A_675 : vector<16xi32>, vector<16xi1> -> vector<16xi32>
        %reduce_sum3A_677 = vector.extract %reduce_sum3A_676[15] : i32 from vector<16xi32>
        %mul3A_678 = arith.constant 16 : i32
        %mul3A_679 = arith.muli %sub3A_629, %mul3A_678 : i32
        %add3A_680 = arith.addi %mul3A_679, %reduce_sum3A_670 : i32
        %select_n3A_681 = arith.select %and3A_640, %add3A_680, %scan3A_624 : i32
        %add3A_682 = arith.addi %scan3A_623, %reduce_sum3A_677 : i32
        %select_n3A_683 = arith.select %and3A_640, %add3A_682, %scan3A_625 : i32
        %or3A = arith.ori %ge3A_627, %and3A_640 : i1
        %add3A_684 = arith.addi %scan3A_623, %reduce_sum3A_636 : i32
        %select_n3A_685 = arith.select %or3A, %scan3A_623, %add3A_684 : i32
        scf.yield %select_n3A_685, %select_n3A_681, %select_n3A_683 : i32, i32, i32
      }
      %scan3A_161 = arith.constant 16 : i32
      %add3A_162 = arith.addi %add3A_87, %scan3A_160#2 : i32
      %mul3A_163 = arith.constant 256 : i32
      %mul3A_164 = arith.muli %add3A_90, %mul3A_163 : i32
      %add3A_165 = arith.addi %mul3A_164, %scan3A_160#1 : i32
      %scan3A_166 = arith.constant 0 : i32
      %scan3A_167 = arith.constant 0 : i32
      %scan3A_168 = arith.constant 16 : i32
      %scan3A_169 = arith.addi %scan3A_167, %scan3A_168 : i32
      %scan3A_170 = arith.constant 1 : i32
      %scan3A_171 = scf.for %scan3A_622 = %scan3A_167 to %scan3A_169 step %scan3A_170 iter_args(%scan3A_623 = %scan3A_166) -> (i32)  : i32 {
        %mul3A_624 = arith.constant 16 : i32
        %mul3A_625 = arith.muli %scan3A_622, %mul3A_624 : i32
        %add3A_626 = arith.constant 0 : i32
        %add3A_627 = arith.addi %add3A_626, %mul3A_625 : i32
        %swap3A_628 = arith.index_cast %add3A_627 : i32 to index
        %swap3A_629 = tpu.vector_load %arg8[%swap3A_628] {strides = array<i32>} : memref<4096xi32, #tpu.memory_space<vmem>>, vector<16xi32>,
        tpu.vector_store %arg8[%swap3A_628], %broadcast_in_dim3A_6 {strides = array<i32>} : memref<4096xi32, #tpu.memory_space<vmem>>, vector<16xi32>,
        %mul3A_630 = arith.constant 16 : i32
        %mul3A_631 = arith.muli %scan3A_622, %mul3A_630 : i32
        %add3A_632 = arith.constant 256 : i32
        %add3A_633 = arith.addi %add3A_632, %mul3A_631 : i32
        %swap3A_634 = arith.index_cast %add3A_633 : i32 to index
        %swap3A_635 = tpu.vector_load %arg8[%swap3A_634] {strides = array<i32>} : memref<4096xi32, #tpu.memory_space<vmem>>, vector<16xi32>,
        tpu.vector_store %arg8[%swap3A_634], %broadcast_in_dim3A_6 {strides = array<i32>} : memref<4096xi32, #tpu.memory_space<vmem>>, vector<16xi32>,
        %mul3A_636 = arith.constant 16 : i32
        %mul3A_637 = arith.muli %scan3A_622, %mul3A_636 : i32
        %add3A_638 = arith.constant 512 : i32
        %add3A_639 = arith.addi %add3A_638, %mul3A_637 : i32
        %swap3A_640 = arith.index_cast %add3A_639 : i32 to index
        %swap3A_641 = tpu.vector_load %arg8[%swap3A_640] {strides = array<i32>} : memref<4096xi32, #tpu.memory_space<vmem>>, vector<16xi32>,
        tpu.vector_store %arg8[%swap3A_640], %broadcast_in_dim3A_6 {strides = array<i32>} : memref<4096xi32, #tpu.memory_space<vmem>>, vector<16xi32>,
        %mul3A_642 = arith.constant 16 : i32
        %mul3A_643 = arith.muli %scan3A_622, %mul3A_642 : i32
        %add3A_644 = arith.constant 768 : i32
        %add3A_645 = arith.addi %add3A_644, %mul3A_643 : i32
        %swap3A_646 = arith.index_cast %add3A_645 : i32 to index
        %swap3A_647 = tpu.vector_load %arg8[%swap3A_646] {strides = array<i32>} : memref<4096xi32, #tpu.memory_space<vmem>>, vector<16xi32>,
        tpu.vector_store %arg8[%swap3A_646], %broadcast_in_dim3A_6 {strides = array<i32>} : memref<4096xi32, #tpu.memory_space<vmem>>, vector<16xi32>,
        %mul3A_648 = arith.constant 16 : i32
        %mul3A_649 = arith.muli %scan3A_622, %mul3A_648 : i32
        %add3A_650 = arith.constant 1024 : i32
        %add3A_651 = arith.addi %add3A_650, %mul3A_649 : i32
        %swap3A_652 = arith.index_cast %add3A_651 : i32 to index
        %swap3A_653 = tpu.vector_load %arg8[%swap3A_652] {strides = array<i32>} : memref<4096xi32, #tpu.memory_space<vmem>>, vector<16xi32>,
        tpu.vector_store %arg8[%swap3A_652], %broadcast_in_dim3A_6 {strides = array<i32>} : memref<4096xi32, #tpu.memory_space<vmem>>, vector<16xi32>,
        %mul3A_654 = arith.constant 16 : i32
        %mul3A_655 = arith.muli %scan3A_622, %mul3A_654 : i32
        %add3A_656 = arith.constant 1280 : i32
        %add3A_657 = arith.addi %add3A_656, %mul3A_655 : i32
        %swap3A_658 = arith.index_cast %add3A_657 : i32 to index
        %swap3A_659 = tpu.vector_load %arg8[%swap3A_658] {strides = array<i32>} : memref<4096xi32, #tpu.memory_space<vmem>>, vector<16xi32>,
        tpu.vector_store %arg8[%swap3A_658], %broadcast_in_dim3A_6 {strides = array<i32>} : memref<4096xi32, #tpu.memory_space<vmem>>, vector<16xi32>,
        %mul3A_660 = arith.constant 16 : i32
        %mul3A_661 = arith.muli %scan3A_622, %mul3A_660 : i32
        %add3A_662 = arith.constant 1536 : i32
        %add3A_663 = arith.addi %add3A_662, %mul3A_661 : i32
        %swap3A_664 = arith.index_cast %add3A_663 : i32 to index
        %swap3A_665 = tpu.vector_load %arg8[%swap3A_664] {strides = array<i32>} : memref<4096xi32, #tpu.memory_space<vmem>>, vector<16xi32>,
        tpu.vector_store %arg8[%swap3A_664], %broadcast_in_dim3A_6 {strides = array<i32>} : memref<4096xi32, #tpu.memory_space<vmem>>, vector<16xi32>,
        %mul3A_666 = arith.constant 16 : i32
        %mul3A_667 = arith.muli %scan3A_622, %mul3A_666 : i32
        %add3A_668 = arith.constant 1792 : i32
        %add3A_669 = arith.addi %add3A_668, %mul3A_667 : i32
        %swap3A_670 = arith.index_cast %add3A_669 : i32 to index
        %swap3A_671 = tpu.vector_load %arg8[%swap3A_670] {strides = array<i32>} : memref<4096xi32, #tpu.memory_space<vmem>>, vector<16xi32>,
        tpu.vector_store %arg8[%swap3A_670], %broadcast_in_dim3A_6 {strides = array<i32>} : memref<4096xi32, #tpu.memory_space<vmem>>, vector<16xi32>,
        %mul3A_672 = arith.constant 16 : i32
        %mul3A_673 = arith.muli %scan3A_622, %mul3A_672 : i32
        %add3A_674 = arith.constant 2048 : i32
        %add3A_675 = arith.addi %add3A_674, %mul3A_673 : i32
        %swap3A_676 = arith.index_cast %add3A_675 : i32 to index
        %swap3A_677 = tpu.vector_load %arg8[%swap3A_676] {strides = array<i32>} : memref<4096xi32, #tpu.memory_space<vmem>>, vector<16xi32>,
        tpu.vector_store %arg8[%swap3A_676], %broadcast_in_dim3A_6 {strides = array<i32>} : memref<4096xi32, #tpu.memory_space<vmem>>, vector<16xi32>,
        %mul3A_678 = arith.constant 16 : i32
        %mul3A_679 = arith.muli %scan3A_622, %mul3A_678 : i32
        %add3A_680 = arith.constant 2304 : i32
        %add3A_681 = arith.addi %add3A_680, %mul3A_679 : i32
        %swap3A_682 = arith.index_cast %add3A_681 : i32 to index
        %swap3A_683 = tpu.vector_load %arg8[%swap3A_682] {strides = array<i32>} : memref<4096xi32, #tpu.memory_space<vmem>>, vector<16xi32>,
        tpu.vector_store %arg8[%swap3A_682], %broadcast_in_dim3A_6 {strides = array<i32>} : memref<4096xi32, #tpu.memory_space<vmem>>, vector<16xi32>,
        %mul3A_684 = arith.constant 16 : i32
        %mul3A_685 = arith.muli %scan3A_622, %mul3A_684 : i32
        %add3A_686 = arith.constant 2560 : i32
        %add3A_687 = arith.addi %add3A_686, %mul3A_685 : i32
        %swap3A_688 = arith.index_cast %add3A_687 : i32 to index
        %swap3A_689 = tpu.vector_load %arg8[%swap3A_688] {strides = array<i32>} : memref<4096xi32, #tpu.memory_space<vmem>>, vector<16xi32>,
        tpu.vector_store %arg8[%swap3A_688], %broadcast_in_dim3A_6 {strides = array<i32>} : memref<4096xi32, #tpu.memory_space<vmem>>, vector<16xi32>,
        %mul3A_690 = arith.constant 16 : i32
        %mul3A_691 = arith.muli %scan3A_622, %mul3A_690 : i32
        %add3A_692 = arith.constant 2816 : i32
        %add3A_693 = arith.addi %add3A_692, %mul3A_691 : i32
        %swap3A_694 = arith.index_cast %add3A_693 : i32 to index
        %swap3A_695 = tpu.vector_load %arg8[%swap3A_694] {strides = array<i32>} : memref<4096xi32, #tpu.memory_space<vmem>>, vector<16xi32>,
        tpu.vector_store %arg8[%swap3A_694], %broadcast_in_dim3A_6 {strides = array<i32>} : memref<4096xi32, #tpu.memory_space<vmem>>, vector<16xi32>,
        %mul3A_696 = arith.constant 16 : i32
        %mul3A_697 = arith.muli %scan3A_622, %mul3A_696 : i32
        %add3A_698 = arith.constant 3072 : i32
        %add3A_699 = arith.addi %add3A_698, %mul3A_697 : i32
        %swap3A_700 = arith.index_cast %add3A_699 : i32 to index
        %swap3A_701 = tpu.vector_load %arg8[%swap3A_700] {strides = array<i32>} : memref<4096xi32, #tpu.memory_space<vmem>>, vector<16xi32>,
        tpu.vector_store %arg8[%swap3A_700], %broadcast_in_dim3A_6 {strides = array<i32>} : memref<4096xi32, #tpu.memory_space<vmem>>, vector<16xi32>,
        %mul3A_702 = arith.constant 16 : i32
        %mul3A_703 = arith.muli %scan3A_622, %mul3A_702 : i32
        %add3A_704 = arith.constant 3328 : i32
        %add3A_705 = arith.addi %add3A_704, %mul3A_703 : i32
        %swap3A_706 = arith.index_cast %add3A_705 : i32 to index
        %swap3A_707 = tpu.vector_load %arg8[%swap3A_706] {strides = array<i32>} : memref<4096xi32, #tpu.memory_space<vmem>>, vector<16xi32>,
        tpu.vector_store %arg8[%swap3A_706], %broadcast_in_dim3A_6 {strides = array<i32>} : memref<4096xi32, #tpu.memory_space<vmem>>, vector<16xi32>,
        %mul3A_708 = arith.constant 16 : i32
        %mul3A_709 = arith.muli %scan3A_622, %mul3A_708 : i32
        %add3A_710 = arith.constant 3584 : i32
        %add3A_711 = arith.addi %add3A_710, %mul3A_709 : i32
        %swap3A_712 = arith.index_cast %add3A_711 : i32 to index
        %swap3A_713 = tpu.vector_load %arg8[%swap3A_712] {strides = array<i32>} : memref<4096xi32, #tpu.memory_space<vmem>>, vector<16xi32>,
        tpu.vector_store %arg8[%swap3A_712], %broadcast_in_dim3A_6 {strides = array<i32>} : memref<4096xi32, #tpu.memory_space<vmem>>, vector<16xi32>,
        %mul3A_714 = arith.constant 16 : i32
        %mul3A_715 = arith.muli %scan3A_622, %mul3A_714 : i32
        %add3A_716 = arith.constant 3840 : i32
        %add3A_717 = arith.addi %add3A_716, %mul3A_715 : i32
        %swap3A_718 = arith.index_cast %add3A_717 : i32 to index
        %swap3A_719 = tpu.vector_load %arg8[%swap3A_718] {strides = array<i32>} : memref<4096xi32, #tpu.memory_space<vmem>>, vector<16xi32>,
        tpu.vector_store %arg8[%swap3A_718], %broadcast_in_dim3A_6 {strides = array<i32>} : memref<4096xi32, #tpu.memory_space<vmem>>, vector<16xi32>,
        %scan3A_720 = arith.constant 0 : i32
        scf.yield %scan3A_720 : i32
      }
      %scan3A_172 = arith.constant 16 : i32
      %while3A_173 = arith.constant 0 : i32
      %while3A_174 = arith.constant 0 : i32
      %while3A_175 = arith.subi %select_n3A, %while3A_173 : i32
      %while3A_176 = arith.addi %while3A_173, %while3A_175 : i32
      %while3A_177 = arith.constant 1 : i32
      %while3A_178 = arith.divsi %while3A_175, %while3A_177 : i32
      %while3A_179 = arith.muli %while3A_178, %while3A_177 : i32
      %while3A_180 = arith.addi %while3A_173, %while3A_179 : i32
      %while3A_181 = arith.constant 1 : i32
      %while3A_182 = scf.for %while3A_622 = %while3A_173 to %while3A_180 step %while3A_181 iter_args(%while3A_623 = %while3A_174) -> (i32)  : i32 {
        %mul3A_624 = arith.constant 16 : i32
        %mul3A_625 = arith.muli %while3A_622, %mul3A_624 : i32
        %get3A_626 = arith.index_cast %mul3A_625 : i32 to index
        %get3A_627 = tpu.vector_load %arg11[%get3A_626] {strides = array<i32>} : memref<4096xi32, #tpu.memory_space<vmem>>, vector<16xi32>,
        %mul3A_628 = arith.constant 16 : i32
        %mul3A_629 = arith.muli %while3A_622, %mul3A_628 : i32
        %add3A_630 = vector.broadcast %mul3A_629 : i32 to vector<16xi32>
        %add3A_631 = arith.addi %add3A_630, %iota3A : vector<16xi32>
        %lt3A_632 = vector.broadcast %scan3A_58 : i32 to vector<16xi32>
        %lt3A_633 = arith.cmpi slt, %add3A_631, %lt3A_632 : vector<16xi32>
        %shift_right_arithmetic3A = arith.constant 8 : i32
        %shift_right_arithmetic3A_634 = vector.broadcast %shift_right_arithmetic3A : i32 to vector<16xi32>
        %shift_right_arithmetic3A_635 = arith.shrsi %get3A_627, %shift_right_arithmetic3A_634 : vector<16xi32>
        %and3A_636 = arith.constant 16777215 : i32
        %and3A_637 = vector.broadcast %and3A_636 : i32 to vector<16xi32>
        %and3A_638 = arith.andi %shift_right_arithmetic3A_635, %and3A_637 : vector<16xi32>
        %eq3A_639 = vector.broadcast %add3A_165 : i32 to vector<16xi32>
        %eq3A_640 = arith.cmpi eq, %and3A_638, %eq3A_639 : vector<16xi32>
        %and3A_641 = arith.andi %eq3A_640, %lt3A_633 : vector<16xi1>
        %and3A_642 = arith.constant 255 : i32
        %and3A_643 = vector.broadcast %and3A_642 : i32 to vector<16xi32>
        %and3A_644 = arith.andi %get3A_627, %and3A_643 : vector<16xi32>
        %add3A_645 = arith.addi %mul3A_3, %and3A_644 : vector<16xi32>
        tpu.vector_store_idx %arg8[%add3A_645], %broadcast_in_dim3A_8 masked %and3A_641 {add = true} : memref<4096xi32, #tpu.memory_space<vmem>>[vector<16xi32>], vector<16xi32>, vector<16xi1>
        %while3A_646 = arith.constant 0 : i32
        scf.yield %while3A_646 : i32
      }
      %while3A_183 = arith.constant 1 : i32
      %while3A_184 = scf.for %while3A_622 = %while3A_180 to %while3A_176 step %while3A_183 iter_args(%while3A_623 = %while3A_182) -> (i32)  : i32 {
        %mul3A_624 = arith.constant 16 : i32
        %mul3A_625 = arith.muli %while3A_622, %mul3A_624 : i32
        %get3A_626 = arith.index_cast %mul3A_625 : i32 to index
        %get3A_627 = tpu.vector_load %arg11[%get3A_626] {strides = array<i32>} : memref<4096xi32, #tpu.memory_space<vmem>>, vector<16xi32>,
        %mul3A_628 = arith.constant 16 : i32
        %mul3A_629 = arith.muli %while3A_622, %mul3A_628 : i32
        %add3A_630 = vector.broadcast %mul3A_629 : i32 to vector<16xi32>
        %add3A_631 = arith.addi %add3A_630, %iota3A : vector<16xi32>
        %lt3A_632 = vector.broadcast %scan3A_58 : i32 to vector<16xi32>
        %lt3A_633 = arith.cmpi slt, %add3A_631, %lt3A_632 : vector<16xi32>
        %shift_right_arithmetic3A = arith.constant 8 : i32
        %shift_right_arithmetic3A_634 = vector.broadcast %shift_right_arithmetic3A : i32 to vector<16xi32>
        %shift_right_arithmetic3A_635 = arith.shrsi %get3A_627, %shift_right_arithmetic3A_634 : vector<16xi32>
        %and3A_636 = arith.constant 16777215 : i32
        %and3A_637 = vector.broadcast %and3A_636 : i32 to vector<16xi32>
        %and3A_638 = arith.andi %shift_right_arithmetic3A_635, %and3A_637 : vector<16xi32>
        %eq3A_639 = vector.broadcast %add3A_165 : i32 to vector<16xi32>
        %eq3A_640 = arith.cmpi eq, %and3A_638, %eq3A_639 : vector<16xi32>
        %and3A_641 = arith.andi %eq3A_640, %lt3A_633 : vector<16xi1>
        %and3A_642 = arith.constant 255 : i32
        %and3A_643 = vector.broadcast %and3A_642 : i32 to vector<16xi32>
        %and3A_644 = arith.andi %get3A_627, %and3A_643 : vector<16xi32>
        %add3A_645 = arith.addi %mul3A_3, %and3A_644 : vector<16xi32>
        tpu.vector_store_idx %arg8[%add3A_645], %broadcast_in_dim3A_8 masked %and3A_641 {add = true} : memref<4096xi32, #tpu.memory_space<vmem>>[vector<16xi32>], vector<16xi32>, vector<16xi1>
        %while3A_646 = arith.constant 0 : i32
        scf.yield %while3A_646 : i32
      }
      %eq3A_185 = arith.constant 0 : i32
      %eq3A_186 = arith.cmpi eq, %add3A_165, %eq3A_185 : i32
      %jit3A_187 = arith.constant 0 : i32
      %select_n3A_188 = arith.select %eq3A_186, %sub3A_94, %jit3A_187 : i32
      %get3A_189 = arith.constant 0 : index
      %get3A_190 = tpu.vector_load %arg8[%get3A_189] {strides = array<i32>} : memref<4096xi32, #tpu.memory_space<vmem>>, vector<16xi32>,
      %jit3A_191 = arith.constant 0 : i32
      %broadcast_in_dim3A_192 = vector.broadcast %select_n3A_188 : i32 to vector<16xi32>
      %broadcast_in_dim3A_193 = vector.broadcast %jit3A_191 : i32 to vector<16xi32>
      %select_n3A_194 = arith.select %eq3A_5, %broadcast_in_dim3A_192, %broadcast_in_dim3A_193 : vector<16xi1>, vector<16xi32>
      %add3A_195 = arith.addi %get3A_190, %select_n3A_194 : vector<16xi32>
      %swap3A_196 = arith.constant 0 : index
      %swap3A_197 = tpu.vector_load %arg8[%swap3A_196] {strides = array<i32>} : memref<4096xi32, #tpu.memory_space<vmem>>, vector<16xi32>,
      tpu.vector_store %arg8[%swap3A_196], %add3A_195 {strides = array<i32>} : memref<4096xi32, #tpu.memory_space<vmem>>, vector<16xi32>,
      %sub3A_198 = arith.constant 128 : i32
      %sub3A_199 = arith.subi %sub3A_198, %add3A_162 : i32
      %scan3A_200 = arith.constant 0 : i32
      %scan3A_201 = arith.constant 0 : i32
      %scan3A_202 = arith.constant 16 : i32
      %scan3A_203 = arith.addi %scan3A_201, %scan3A_202 : i32
      %scan3A_204 = arith.constant 1 : i32
      %scan3A_205 = scf.for %scan3A_622 = %scan3A_201 to %scan3A_203 step %scan3A_204 iter_args(%scan3A_623 = %scan3A_200) -> (i32)  : i32 {
        %mul3A_624 = arith.constant 16 : i32
        %mul3A_625 = arith.muli %scan3A_622, %mul3A_624 : i32
        %add3A_626 = arith.constant 0 : i32
        %add3A_627 = arith.addi %add3A_626, %mul3A_625 : i32
        %get3A_628 = arith.index_cast %add3A_627 : i32 to index
        %get3A_629 = tpu.vector_load %arg8[%get3A_628] {strides = array<i32>} : memref<4096xi32, #tpu.memory_space<vmem>>, vector<16xi32>,
        %add3A_630 = arith.addi %broadcast_in_dim3A_6, %get3A_629 : vector<16xi32>
        %mul3A_631 = arith.constant 16 : i32
        %mul3A_632 = arith.muli %scan3A_622, %mul3A_631 : i32
        %add3A_633 = arith.constant 256 : i32
        %add3A_634 = arith.addi %add3A_633, %mul3A_632 : i32
        %get3A_635 = arith.index_cast %add3A_634 : i32 to index
        %get3A_636 = tpu.vector_load %arg8[%get3A_635] {strides = array<i32>} : memref<4096xi32, #tpu.memory_space<vmem>>, vector<16xi32>,
        %add3A_637 = arith.addi %add3A_630, %get3A_636 : vector<16xi32>
        %mul3A_638 = arith.constant 16 : i32
        %mul3A_639 = arith.muli %scan3A_622, %mul3A_638 : i32
        %add3A_640 = arith.constant 512 : i32
        %add3A_641 = arith.addi %add3A_640, %mul3A_639 : i32
        %get3A_642 = arith.index_cast %add3A_641 : i32 to index
        %get3A_643 = tpu.vector_load %arg8[%get3A_642] {strides = array<i32>} : memref<4096xi32, #tpu.memory_space<vmem>>, vector<16xi32>,
        %add3A_644 = arith.addi %add3A_637, %get3A_643 : vector<16xi32>
        %mul3A_645 = arith.constant 16 : i32
        %mul3A_646 = arith.muli %scan3A_622, %mul3A_645 : i32
        %add3A_647 = arith.constant 768 : i32
        %add3A_648 = arith.addi %add3A_647, %mul3A_646 : i32
        %get3A_649 = arith.index_cast %add3A_648 : i32 to index
        %get3A_650 = tpu.vector_load %arg8[%get3A_649] {strides = array<i32>} : memref<4096xi32, #tpu.memory_space<vmem>>, vector<16xi32>,
        %add3A_651 = arith.addi %add3A_644, %get3A_650 : vector<16xi32>
        %mul3A_652 = arith.constant 16 : i32
        %mul3A_653 = arith.muli %scan3A_622, %mul3A_652 : i32
        %add3A_654 = arith.constant 1024 : i32
        %add3A_655 = arith.addi %add3A_654, %mul3A_653 : i32
        %get3A_656 = arith.index_cast %add3A_655 : i32 to index
        %get3A_657 = tpu.vector_load %arg8[%get3A_656] {strides = array<i32>} : memref<4096xi32, #tpu.memory_space<vmem>>, vector<16xi32>,
        %add3A_658 = arith.addi %add3A_651, %get3A_657 : vector<16xi32>
        %mul3A_659 = arith.constant 16 : i32
        %mul3A_660 = arith.muli %scan3A_622, %mul3A_659 : i32
        %add3A_661 = arith.constant 1280 : i32
        %add3A_662 = arith.addi %add3A_661, %mul3A_660 : i32
        %get3A_663 = arith.index_cast %add3A_662 : i32 to index
        %get3A_664 = tpu.vector_load %arg8[%get3A_663] {strides = array<i32>} : memref<4096xi32, #tpu.memory_space<vmem>>, vector<16xi32>,
        %add3A_665 = arith.addi %add3A_658, %get3A_664 : vector<16xi32>
        %mul3A_666 = arith.constant 16 : i32
        %mul3A_667 = arith.muli %scan3A_622, %mul3A_666 : i32
        %add3A_668 = arith.constant 1536 : i32
        %add3A_669 = arith.addi %add3A_668, %mul3A_667 : i32
        %get3A_670 = arith.index_cast %add3A_669 : i32 to index
        %get3A_671 = tpu.vector_load %arg8[%get3A_670] {strides = array<i32>} : memref<4096xi32, #tpu.memory_space<vmem>>, vector<16xi32>,
        %add3A_672 = arith.addi %add3A_665, %get3A_671 : vector<16xi32>
        %mul3A_673 = arith.constant 16 : i32
        %mul3A_674 = arith.muli %scan3A_622, %mul3A_673 : i32
        %add3A_675 = arith.constant 1792 : i32
        %add3A_676 = arith.addi %add3A_675, %mul3A_674 : i32
        %get3A_677 = arith.index_cast %add3A_676 : i32 to index
        %get3A_678 = tpu.vector_load %arg8[%get3A_677] {strides = array<i32>} : memref<4096xi32, #tpu.memory_space<vmem>>, vector<16xi32>,
        %add3A_679 = arith.addi %add3A_672, %get3A_678 : vector<16xi32>
        %mul3A_680 = arith.constant 16 : i32
        %mul3A_681 = arith.muli %scan3A_622, %mul3A_680 : i32
        %add3A_682 = arith.constant 2048 : i32
        %add3A_683 = arith.addi %add3A_682, %mul3A_681 : i32
        %get3A_684 = arith.index_cast %add3A_683 : i32 to index
        %get3A_685 = tpu.vector_load %arg8[%get3A_684] {strides = array<i32>} : memref<4096xi32, #tpu.memory_space<vmem>>, vector<16xi32>,
        %add3A_686 = arith.addi %add3A_679, %get3A_685 : vector<16xi32>
        %mul3A_687 = arith.constant 16 : i32
        %mul3A_688 = arith.muli %scan3A_622, %mul3A_687 : i32
        %add3A_689 = arith.constant 2304 : i32
        %add3A_690 = arith.addi %add3A_689, %mul3A_688 : i32
        %get3A_691 = arith.index_cast %add3A_690 : i32 to index
        %get3A_692 = tpu.vector_load %arg8[%get3A_691] {strides = array<i32>} : memref<4096xi32, #tpu.memory_space<vmem>>, vector<16xi32>,
        %add3A_693 = arith.addi %add3A_686, %get3A_692 : vector<16xi32>
        %mul3A_694 = arith.constant 16 : i32
        %mul3A_695 = arith.muli %scan3A_622, %mul3A_694 : i32
        %add3A_696 = arith.constant 2560 : i32
        %add3A_697 = arith.addi %add3A_696, %mul3A_695 : i32
        %get3A_698 = arith.index_cast %add3A_697 : i32 to index
        %get3A_699 = tpu.vector_load %arg8[%get3A_698] {strides = array<i32>} : memref<4096xi32, #tpu.memory_space<vmem>>, vector<16xi32>,
        %add3A_700 = arith.addi %add3A_693, %get3A_699 : vector<16xi32>
        %mul3A_701 = arith.constant 16 : i32
        %mul3A_702 = arith.muli %scan3A_622, %mul3A_701 : i32
        %add3A_703 = arith.constant 2816 : i32
        %add3A_704 = arith.addi %add3A_703, %mul3A_702 : i32
        %get3A_705 = arith.index_cast %add3A_704 : i32 to index
        %get3A_706 = tpu.vector_load %arg8[%get3A_705] {strides = array<i32>} : memref<4096xi32, #tpu.memory_space<vmem>>, vector<16xi32>,
        %add3A_707 = arith.addi %add3A_700, %get3A_706 : vector<16xi32>
        %mul3A_708 = arith.constant 16 : i32
        %mul3A_709 = arith.muli %scan3A_622, %mul3A_708 : i32
        %add3A_710 = arith.constant 3072 : i32
        %add3A_711 = arith.addi %add3A_710, %mul3A_709 : i32
        %get3A_712 = arith.index_cast %add3A_711 : i32 to index
        %get3A_713 = tpu.vector_load %arg8[%get3A_712] {strides = array<i32>} : memref<4096xi32, #tpu.memory_space<vmem>>, vector<16xi32>,
        %add3A_714 = arith.addi %add3A_707, %get3A_713 : vector<16xi32>
        %mul3A_715 = arith.constant 16 : i32
        %mul3A_716 = arith.muli %scan3A_622, %mul3A_715 : i32
        %add3A_717 = arith.constant 3328 : i32
        %add3A_718 = arith.addi %add3A_717, %mul3A_716 : i32
        %get3A_719 = arith.index_cast %add3A_718 : i32 to index
        %get3A_720 = tpu.vector_load %arg8[%get3A_719] {strides = array<i32>} : memref<4096xi32, #tpu.memory_space<vmem>>, vector<16xi32>,
        %add3A_721 = arith.addi %add3A_714, %get3A_720 : vector<16xi32>
        %mul3A_722 = arith.constant 16 : i32
        %mul3A_723 = arith.muli %scan3A_622, %mul3A_722 : i32
        %add3A_724 = arith.constant 3584 : i32
        %add3A_725 = arith.addi %add3A_724, %mul3A_723 : i32
        %get3A_726 = arith.index_cast %add3A_725 : i32 to index
        %get3A_727 = tpu.vector_load %arg8[%get3A_726] {strides = array<i32>} : memref<4096xi32, #tpu.memory_space<vmem>>, vector<16xi32>,
        %add3A_728 = arith.addi %add3A_721, %get3A_727 : vector<16xi32>
        %mul3A_729 = arith.constant 16 : i32
        %mul3A_730 = arith.muli %scan3A_622, %mul3A_729 : i32
        %add3A_731 = arith.constant 3840 : i32
        %add3A_732 = arith.addi %add3A_731, %mul3A_730 : i32
        %get3A_733 = arith.index_cast %add3A_732 : i32 to index
        %get3A_734 = tpu.vector_load %arg8[%get3A_733] {strides = array<i32>} : memref<4096xi32, #tpu.memory_space<vmem>>, vector<16xi32>,
        %add3A_735 = arith.addi %add3A_728, %get3A_734 : vector<16xi32>
        %mul3A_736 = arith.constant 16 : i32
        %mul3A_737 = arith.muli %scan3A_622, %mul3A_736 : i32
        %swap3A_738 = arith.index_cast %mul3A_737 : i32 to index
        %swap3A_739 = tpu.vector_load %arg9[%swap3A_738] {strides = array<i32>} : memref<256xi32, #tpu.memory_space<vmem>>, vector<16xi32>,
        tpu.vector_store %arg9[%swap3A_738], %add3A_735 {strides = array<i32>} : memref<256xi32, #tpu.memory_space<vmem>>, vector<16xi32>,
        %scan3A_740 = arith.constant 0 : i32
        scf.yield %scan3A_740 : i32
      }
      %scan3A_206 = arith.constant 16 : i32
      %scan3A_207 = arith.constant 0 : i32
      %scan3A_208 = arith.constant -1 : i32
      %scan3A_209 = arith.constant 0 : i32
      %scan3A_210 = arith.constant 0 : i32
      %scan3A_211 = arith.constant 16 : i32
      %scan3A_212 = arith.addi %scan3A_210, %scan3A_211 : i32
      %scan3A_213 = arith.constant 1 : i32
      %scan3A_214:3 = scf.for %scan3A_622 = %scan3A_210 to %scan3A_212 step %scan3A_213 iter_args(%scan3A_623 = %scan3A_207, %scan3A_624 = %scan3A_208, %scan3A_625 = %scan3A_209) -> (i32, i32, i32)  : i32 {
        %ge3A_626 = arith.constant 0 : i32
        %ge3A_627 = arith.cmpi sge, %scan3A_624, %ge3A_626 : i32
        %sub3A_628 = arith.constant 15 : i32
        %sub3A_629 = arith.subi %sub3A_628, %scan3A_622 : i32
        %mul3A_630 = arith.constant 16 : i32
        %mul3A_631 = arith.muli %sub3A_629, %mul3A_630 : i32
        %get3A_632 = arith.index_cast %mul3A_631 : i32 to index
        %get3A_633 = tpu.vector_load %arg9[%get3A_632] {strides = array<i32>} : memref<256xi32, #tpu.memory_space<vmem>>, vector<16xi32>,
        %reduce_sum3A = arith.constant true
        %reduce_sum3A_634 = vector.broadcast %reduce_sum3A : i1 to vector<16xi1>
        %reduce_sum3A_635 = tpu.scan <sum>, %get3A_633 masked %reduce_sum3A_634 : vector<16xi32>, vector<16xi1> -> vector<16xi32>
        %reduce_sum3A_636 = vector.extract %reduce_sum3A_635[15] : i32 from vector<16xi32>
        %not3A = arith.constant true
        %not3A_637 = arith.xori %ge3A_627, %not3A : i1
        %add3A_638 = arith.addi %scan3A_623, %reduce_sum3A_636 : i32
        %ge3A_639 = arith.cmpi sge, %add3A_638, %sub3A_199 : i32
        %and3A_640 = arith.andi %not3A_637, %ge3A_639 : i1
        %rev3A = arith.constant 15 : i32
        %rev3A_641 = vector.broadcast %rev3A : i32 to vector<16xi32>
        %rev3A_642 = tpu.iota {dimensions = array<i32: 0>} : vector<16xi32>
        %rev3A_643 = arith.subi %rev3A_641, %rev3A_642 : vector<16xi32>
        %rev3A_644 = tpu.dynamic_gather %get3A_633[%rev3A_643] in [0] : vector<16xi32>, vector<16xi32> -> vector<16xi32>
        %broadcast_in_dim3A_645 = arith.constant true
        %broadcast_in_dim3A_646 = vector.broadcast %broadcast_in_dim3A_645 : i1 to vector<16xi1>
        %masked_cumsum3A = tpu.scan <sum>, %rev3A_644 masked %broadcast_in_dim3A_646 : vector<16xi32>, vector<16xi1> -> vector<16xi32>
        %rev3A_647 = arith.constant 15 : i32
        %rev3A_648 = vector.broadcast %rev3A_647 : i32 to vector<16xi32>
        %rev3A_649 = tpu.iota {dimensions = array<i32: 0>} : vector<16xi32>
        %rev3A_650 = arith.subi %rev3A_648, %rev3A_649 : vector<16xi32>
        %rev3A_651 = tpu.dynamic_gather %masked_cumsum3A[%rev3A_650] in [0] : vector<16xi32>, vector<16xi32> -> vector<16xi32>
        %sub3A_652 = arith.subi %rev3A_651, %get3A_633 : vector<16xi32>
        %add3A_653 = vector.broadcast %scan3A_623 : i32 to vector<16xi32>
        %add3A_654 = arith.addi %add3A_653, %sub3A_652 : vector<16xi32>
        %lt3A_655 = vector.broadcast %sub3A_199 : i32 to vector<16xi32>
        %lt3A_656 = arith.cmpi slt, %add3A_654, %lt3A_655 : vector<16xi32>
        %and3A_657 = vector.broadcast %and3A_640 : i1 to vector<16xi1>
        %and3A_658 = arith.andi %and3A_657, %lt3A_656 : vector<16xi1>
        %add3A_659 = vector.broadcast %scan3A_623 : i32 to vector<16xi32>
        %add3A_660 = arith.addi %add3A_659, %rev3A_651 : vector<16xi32>
        %ge3A_661 = vector.broadcast %sub3A_199 : i32 to vector<16xi32>
        %ge3A_662 = arith.cmpi sge, %add3A_660, %ge3A_661 : vector<16xi32>
        %and3A_663 = arith.andi %and3A_658, %ge3A_662 : vector<16xi1>
        %jit3A_664 = arith.constant 0 : i32
        %broadcast_in_dim3A_665 = vector.broadcast %jit3A_664 : i32 to vector<16xi32>
        %select_n3A_666 = arith.select %and3A_663, %iota3A, %broadcast_in_dim3A_665 : vector<16xi1>, vector<16xi32>
        %reduce_sum3A_667 = arith.constant true
        %reduce_sum3A_668 = vector.broadcast %reduce_sum3A_667 : i1 to vector<16xi1>
        %reduce_sum3A_669 = tpu.scan <sum>, %select_n3A_666 masked %reduce_sum3A_668 : vector<16xi32>, vector<16xi1> -> vector<16xi32>
        %reduce_sum3A_670 = vector.extract %reduce_sum3A_669[15] : i32 from vector<16xi32>
        %jit3A_671 = arith.constant 0 : i32
        %broadcast_in_dim3A_672 = vector.broadcast %jit3A_671 : i32 to vector<16xi32>
        %select_n3A_673 = arith.select %and3A_663, %sub3A_652, %broadcast_in_dim3A_672 : vector<16xi1>, vector<16xi32>
        %reduce_sum3A_674 = arith.constant true
        %reduce_sum3A_675 = vector.broadcast %reduce_sum3A_674 : i1 to vector<16xi1>
        %reduce_sum3A_676 = tpu.scan <sum>, %select_n3A_673 masked %reduce_sum3A_675 : vector<16xi32>, vector<16xi1> -> vector<16xi32>
        %reduce_sum3A_677 = vector.extract %reduce_sum3A_676[15] : i32 from vector<16xi32>
        %mul3A_678 = arith.constant 16 : i32
        %mul3A_679 = arith.muli %sub3A_629, %mul3A_678 : i32
        %add3A_680 = arith.addi %mul3A_679, %reduce_sum3A_670 : i32
        %select_n3A_681 = arith.select %and3A_640, %add3A_680, %scan3A_624 : i32
        %add3A_682 = arith.addi %scan3A_623, %reduce_sum3A_677 : i32
        %select_n3A_683 = arith.select %and3A_640, %add3A_682, %scan3A_625 : i32
        %or3A = arith.ori %ge3A_627, %and3A_640 : i1
        %add3A_684 = arith.addi %scan3A_623, %reduce_sum3A_636 : i32
        %select_n3A_685 = arith.select %or3A, %scan3A_623, %add3A_684 : i32
        scf.yield %select_n3A_685, %select_n3A_681, %select_n3A_683 : i32, i32, i32
      }
      %scan3A_215 = arith.constant 16 : i32
      %add3A_216 = arith.addi %add3A_162, %scan3A_214#2 : i32
      %mul3A_217 = arith.constant 256 : i32
      %mul3A_218 = arith.muli %add3A_165, %mul3A_217 : i32
      %add3A_219 = arith.addi %mul3A_218, %scan3A_214#1 : i32
      %xor3A = arith.constant -2147483648 : i32
      %xor3A_220 = arith.xori %add3A_219, %xor3A : i32
      %sub3A_221 = arith.constant 128 : i32
      %sub3A_222 = arith.subi %sub3A_221, %add3A_216 : i32
      %while3A_223 = arith.constant 0 : i32
      %while3A_224 = arith.constant 0 : i32
      %while3A_225 = arith.constant 0 : i32
      %while3A_226 = arith.subi %select_n3A, %while3A_223 : i32
      %while3A_227 = arith.addi %while3A_223, %while3A_226 : i32
      %while3A_228 = arith.constant 1 : i32
      %while3A_229 = arith.divsi %while3A_226, %while3A_228 : i32
      %while3A_230 = arith.muli %while3A_229, %while3A_228 : i32
      %while3A_231 = arith.addi %while3A_223, %while3A_230 : i32
      %while3A_232 = arith.constant 1 : i32
      %while3A_233:2 = scf.for %while3A_622 = %while3A_223 to %while3A_231 step %while3A_232 iter_args(%while3A_623 = %while3A_224, %while3A_624 = %while3A_225) -> (i32, i32)  : i32 {
        %mul3A_625 = arith.constant 16 : i32
        %mul3A_626 = arith.muli %while3A_622, %mul3A_625 : i32
        %get3A_627 = arith.index_cast %mul3A_626 : i32 to index
        %get3A_628 = tpu.vector_load %arg11[%get3A_627] {strides = array<i32>} : memref<4096xi32, #tpu.memory_space<vmem>>, vector<16xi32>,
        %mul3A_629 = arith.constant 16 : i32
        %mul3A_630 = arith.muli %while3A_622, %mul3A_629 : i32
        %get3A_631 = arith.index_cast %mul3A_630 : i32 to index
        %get3A_632 = tpu.vector_load %arg12[%get3A_631] {strides = array<i32>} : memref<4096xi32, #tpu.memory_space<vmem>>, vector<16xi32>,
        %mul3A_633 = arith.constant 16 : i32
        %mul3A_634 = arith.muli %while3A_622, %mul3A_633 : i32
        %add3A_635 = vector.broadcast %mul3A_634 : i32 to vector<16xi32>
        %add3A_636 = arith.addi %add3A_635, %iota3A : vector<16xi32>
        %lt3A_637 = vector.broadcast %scan3A_58 : i32 to vector<16xi32>
        %lt3A_638 = arith.cmpi slt, %add3A_636, %lt3A_637 : vector<16xi32>
        %xor3A_639 = arith.constant -2147483648 : i32
        %xor3A_640 = vector.broadcast %xor3A_639 : i32 to vector<16xi32>
        %xor3A_641 = arith.xori %get3A_628, %xor3A_640 : vector<16xi32>
        %gt3A = vector.broadcast %xor3A_220 : i32 to vector<16xi32>
        %gt3A_642 = arith.cmpi sgt, %xor3A_641, %gt3A : vector<16xi32>
        %and3A_643 = arith.andi %gt3A_642, %lt3A_638 : vector<16xi1>
        %eq3A_644 = vector.broadcast %add3A_219 : i32 to vector<16xi32>
        %eq3A_645 = arith.cmpi eq, %get3A_628, %eq3A_644 : vector<16xi32>
        %and3A_646 = arith.andi %eq3A_645, %lt3A_638 : vector<16xi1>
        %convert_element_type3A = arith.extui %and3A_646 : vector<16xi1> to vector<16xi32>
        %broadcast_in_dim3A_647 = arith.constant true
        %broadcast_in_dim3A_648 = vector.broadcast %broadcast_in_dim3A_647 : i1 to vector<16xi1>
        %masked_cumsum3A = tpu.scan <sum>, %convert_element_type3A masked %broadcast_in_dim3A_648 : vector<16xi32>, vector<16xi1> -> vector<16xi32>
        %add3A_649 = vector.broadcast %while3A_624 : i32 to vector<16xi32>
        %add3A_650 = arith.addi %add3A_649, %masked_cumsum3A : vector<16xi32>
        %le3A = vector.broadcast %sub3A_222 : i32 to vector<16xi32>
        %le3A_651 = arith.cmpi sle, %add3A_650, %le3A : vector<16xi32>
        %and3A_652 = arith.andi %and3A_646, %le3A_651 : vector<16xi1>
        %or3A = arith.ori %and3A_643, %and3A_652 : vector<16xi1>
        %swap3A_653 = arith.index_cast %while3A_623 : i32 to index
        %swap3A_654 = tpu.vector_load %arg13[%swap3A_653] masked %or3A {strides = array<i32>} : memref<160xi32, #tpu.memory_space<vmem>>, vector<16xi32>, vector<16xi1>
        tpu.vector_store %arg13[%swap3A_653], %xor3A_641 masked %or3A {strides = array<i32>} : memref<160xi32, #tpu.memory_space<vmem>>, vector<16xi32>, vector<16xi1>
        %swap3A_655 = arith.index_cast %while3A_623 : i32 to index
        %swap3A_656 = tpu.vector_load %arg14[%swap3A_655] masked %or3A {strides = array<i32>} : memref<160xi32, #tpu.memory_space<vmem>>, vector<16xi32>, vector<16xi1>
        tpu.vector_store %arg14[%swap3A_655], %get3A_632 masked %or3A {strides = array<i32>} : memref<160xi32, #tpu.memory_space<vmem>>, vector<16xi32>, vector<16xi1>
        %all_reduce_population_count3A = tpu.all_reduce %or3A {dim = 0 : i64, kind = #tpu.reduction_kind<sum>} : vector<16xi1> -> vector<16xi32>
        %slice3A_657 = vector.extract_strided_slice %all_reduce_population_count3A {offsets = [0], sizes = [1], strides = [1]} : vector<16xi32> to vector<1xi32>
        %squeeze3A_658 = vector.extract %slice3A_657[0] : i32 from vector<1xi32>
        %add3A_659 = arith.addi %while3A_623, %squeeze3A_658 : i32
        %all_reduce_population_count3A_660 = tpu.all_reduce %and3A_646 {dim = 0 : i64, kind = #tpu.reduction_kind<sum>} : vector<16xi1> -> vector<16xi32>
        %slice3A_661 = vector.extract_strided_slice %all_reduce_population_count3A_660 {offsets = [0], sizes = [1], strides = [1]} : vector<16xi32> to vector<1xi32>
        %squeeze3A_662 = vector.extract %slice3A_661[0] : i32 from vector<1xi32>
        %add3A_663 = arith.addi %while3A_624, %squeeze3A_662 : i32
        scf.yield %add3A_659, %add3A_663 : i32, i32
      }
      %while3A_234 = arith.constant 1 : i32
      %while3A_235:2 = scf.for %while3A_622 = %while3A_231 to %while3A_227 step %while3A_234 iter_args(%while3A_623 = %while3A_233#0, %while3A_624 = %while3A_233#1) -> (i32, i32)  : i32 {
        %mul3A_625 = arith.constant 16 : i32
        %mul3A_626 = arith.muli %while3A_622, %mul3A_625 : i32
        %get3A_627 = arith.index_cast %mul3A_626 : i32 to index
        %get3A_628 = tpu.vector_load %arg11[%get3A_627] {strides = array<i32>} : memref<4096xi32, #tpu.memory_space<vmem>>, vector<16xi32>,
        %mul3A_629 = arith.constant 16 : i32
        %mul3A_630 = arith.muli %while3A_622, %mul3A_629 : i32
        %get3A_631 = arith.index_cast %mul3A_630 : i32 to index
        %get3A_632 = tpu.vector_load %arg12[%get3A_631] {strides = array<i32>} : memref<4096xi32, #tpu.memory_space<vmem>>, vector<16xi32>,
        %mul3A_633 = arith.constant 16 : i32
        %mul3A_634 = arith.muli %while3A_622, %mul3A_633 : i32
        %add3A_635 = vector.broadcast %mul3A_634 : i32 to vector<16xi32>
        %add3A_636 = arith.addi %add3A_635, %iota3A : vector<16xi32>
        %lt3A_637 = vector.broadcast %scan3A_58 : i32 to vector<16xi32>
        %lt3A_638 = arith.cmpi slt, %add3A_636, %lt3A_637 : vector<16xi32>
        %xor3A_639 = arith.constant -2147483648 : i32
        %xor3A_640 = vector.broadcast %xor3A_639 : i32 to vector<16xi32>
        %xor3A_641 = arith.xori %get3A_628, %xor3A_640 : vector<16xi32>
        %gt3A = vector.broadcast %xor3A_220 : i32 to vector<16xi32>
        %gt3A_642 = arith.cmpi sgt, %xor3A_641, %gt3A : vector<16xi32>
        %and3A_643 = arith.andi %gt3A_642, %lt3A_638 : vector<16xi1>
        %eq3A_644 = vector.broadcast %add3A_219 : i32 to vector<16xi32>
        %eq3A_645 = arith.cmpi eq, %get3A_628, %eq3A_644 : vector<16xi32>
        %and3A_646 = arith.andi %eq3A_645, %lt3A_638 : vector<16xi1>
        %convert_element_type3A = arith.extui %and3A_646 : vector<16xi1> to vector<16xi32>
        %broadcast_in_dim3A_647 = arith.constant true
        %broadcast_in_dim3A_648 = vector.broadcast %broadcast_in_dim3A_647 : i1 to vector<16xi1>
        %masked_cumsum3A = tpu.scan <sum>, %convert_element_type3A masked %broadcast_in_dim3A_648 : vector<16xi32>, vector<16xi1> -> vector<16xi32>
        %add3A_649 = vector.broadcast %while3A_624 : i32 to vector<16xi32>
        %add3A_650 = arith.addi %add3A_649, %masked_cumsum3A : vector<16xi32>
        %le3A = vector.broadcast %sub3A_222 : i32 to vector<16xi32>
        %le3A_651 = arith.cmpi sle, %add3A_650, %le3A : vector<16xi32>
        %and3A_652 = arith.andi %and3A_646, %le3A_651 : vector<16xi1>
        %or3A = arith.ori %and3A_643, %and3A_652 : vector<16xi1>
        %swap3A_653 = arith.index_cast %while3A_623 : i32 to index
        %swap3A_654 = tpu.vector_load %arg13[%swap3A_653] masked %or3A {strides = array<i32>} : memref<160xi32, #tpu.memory_space<vmem>>, vector<16xi32>, vector<16xi1>
        tpu.vector_store %arg13[%swap3A_653], %xor3A_641 masked %or3A {strides = array<i32>} : memref<160xi32, #tpu.memory_space<vmem>>, vector<16xi32>, vector<16xi1>
        %swap3A_655 = arith.index_cast %while3A_623 : i32 to index
        %swap3A_656 = tpu.vector_load %arg14[%swap3A_655] masked %or3A {strides = array<i32>} : memref<160xi32, #tpu.memory_space<vmem>>, vector<16xi32>, vector<16xi1>
        tpu.vector_store %arg14[%swap3A_655], %get3A_632 masked %or3A {strides = array<i32>} : memref<160xi32, #tpu.memory_space<vmem>>, vector<16xi32>, vector<16xi1>
        %all_reduce_population_count3A = tpu.all_reduce %or3A {dim = 0 : i64, kind = #tpu.reduction_kind<sum>} : vector<16xi1> -> vector<16xi32>
        %slice3A_657 = vector.extract_strided_slice %all_reduce_population_count3A {offsets = [0], sizes = [1], strides = [1]} : vector<16xi32> to vector<1xi32>
        %squeeze3A_658 = vector.extract %slice3A_657[0] : i32 from vector<1xi32>
        %add3A_659 = arith.addi %while3A_623, %squeeze3A_658 : i32
        %all_reduce_population_count3A_660 = tpu.all_reduce %and3A_646 {dim = 0 : i64, kind = #tpu.reduction_kind<sum>} : vector<16xi1> -> vector<16xi32>
        %slice3A_661 = vector.extract_strided_slice %all_reduce_population_count3A_660 {offsets = [0], sizes = [1], strides = [1]} : vector<16xi32> to vector<1xi32>
        %squeeze3A_662 = vector.extract %slice3A_661[0] : i32 from vector<1xi32>
        %add3A_663 = arith.addi %while3A_624, %squeeze3A_662 : i32
        scf.yield %add3A_659, %add3A_663 : i32, i32
      }
      %add3A_236 = arith.constant 0 : i32
      %add3A_237 = vector.broadcast %add3A_236 : i32 to vector<16xi32>
      %add3A_238 = arith.addi %add3A_237, %iota3A : vector<16xi32>
      %ge3A = vector.broadcast %while3A_235#0 : i32 to vector<16xi32>
      %ge3A_239 = arith.cmpi sge, %add3A_238, %ge3A : vector<16xi32>
      %sub3A_240 = vector.broadcast %while3A_235#0 : i32 to vector<16xi32>
      %sub3A_241 = arith.subi %add3A_238, %sub3A_240 : vector<16xi32>
      %lt3A = vector.broadcast %squeeze3A : i32 to vector<16xi32>
      %lt3A_242 = arith.cmpi slt, %sub3A_241, %lt3A : vector<16xi32>
      %add3A_243 = vector.broadcast %squeeze3A_24 : i32 to vector<16xi32>
      %add3A_244 = arith.addi %add3A_243, %sub3A_241 : vector<16xi32>
      %sub3A_245 = vector.broadcast %squeeze3A : i32 to vector<16xi32>
      %sub3A_246 = arith.subi %add3A_244, %sub3A_245 : vector<16xi32>
      %select_n3A_247 = arith.select %lt3A_242, %sub3A_241, %sub3A_246 : vector<16xi1>, vector<16xi32>
      %get3A_248 = arith.constant 0 : index
      %get3A_249 = tpu.vector_load %arg13[%get3A_248] {strides = array<i32>} : memref<160xi32, #tpu.memory_space<vmem>>, vector<16xi32>,
      %get3A_250 = arith.constant 0 : index
      %get3A_251 = tpu.vector_load %arg14[%get3A_250] {strides = array<i32>} : memref<160xi32, #tpu.memory_space<vmem>>, vector<16xi32>,
      %jit3A_252 = arith.constant -2147483648 : i32
      %broadcast_in_dim3A_253 = vector.broadcast %jit3A_252 : i32 to vector<16xi32>
      %select_n3A_254 = arith.select %ge3A_239, %broadcast_in_dim3A_253, %get3A_249 : vector<16xi1>, vector<16xi32>
      %swap3A_255 = arith.constant 0 : index
      %swap3A_256 = tpu.vector_load %arg13[%swap3A_255] {strides = array<i32>} : memref<160xi32, #tpu.memory_space<vmem>>, vector<16xi32>,
      tpu.vector_store %arg13[%swap3A_255], %select_n3A_254 {strides = array<i32>} : memref<160xi32, #tpu.memory_space<vmem>>, vector<16xi32>,
      %select_n3A_257 = arith.select %ge3A_239, %select_n3A_247, %get3A_251 : vector<16xi1>, vector<16xi32>
      %swap3A_258 = arith.constant 0 : index
      %swap3A_259 = tpu.vector_load %arg14[%swap3A_258] {strides = array<i32>} : memref<160xi32, #tpu.memory_space<vmem>>, vector<16xi32>,
      tpu.vector_store %arg14[%swap3A_258], %select_n3A_257 {strides = array<i32>} : memref<160xi32, #tpu.memory_space<vmem>>, vector<16xi32>,
      %add3A_260 = arith.constant 16 : i32
      %add3A_261 = vector.broadcast %add3A_260 : i32 to vector<16xi32>
      %add3A_262 = arith.addi %add3A_261, %iota3A : vector<16xi32>
      %ge3A_263 = vector.broadcast %while3A_235#0 : i32 to vector<16xi32>
      %ge3A_264 = arith.cmpi sge, %add3A_262, %ge3A_263 : vector<16xi32>
      %sub3A_265 = vector.broadcast %while3A_235#0 : i32 to vector<16xi32>
      %sub3A_266 = arith.subi %add3A_262, %sub3A_265 : vector<16xi32>
      %lt3A_267 = vector.broadcast %squeeze3A : i32 to vector<16xi32>
      %lt3A_268 = arith.cmpi slt, %sub3A_266, %lt3A_267 : vector<16xi32>
      %add3A_269 = vector.broadcast %squeeze3A_24 : i32 to vector<16xi32>
      %add3A_270 = arith.addi %add3A_269, %sub3A_266 : vector<16xi32>
      %sub3A_271 = vector.broadcast %squeeze3A : i32 to vector<16xi32>
      %sub3A_272 = arith.subi %add3A_270, %sub3A_271 : vector<16xi32>
      %select_n3A_273 = arith.select %lt3A_268, %sub3A_266, %sub3A_272 : vector<16xi1>, vector<16xi32>
      %get3A_274 = arith.constant 16 : index
      %get3A_275 = tpu.vector_load %arg13[%get3A_274] {strides = array<i32>} : memref<160xi32, #tpu.memory_space<vmem>>, vector<16xi32>,
      %get3A_276 = arith.constant 16 : index
      %get3A_277 = tpu.vector_load %arg14[%get3A_276] {strides = array<i32>} : memref<160xi32, #tpu.memory_space<vmem>>, vector<16xi32>,
      %jit3A_278 = arith.constant -2147483648 : i32
      %broadcast_in_dim3A_279 = vector.broadcast %jit3A_278 : i32 to vector<16xi32>
      %select_n3A_280 = arith.select %ge3A_264, %broadcast_in_dim3A_279, %get3A_275 : vector<16xi1>, vector<16xi32>
      %swap3A_281 = arith.constant 16 : index
      %swap3A_282 = tpu.vector_load %arg13[%swap3A_281] {strides = array<i32>} : memref<160xi32, #tpu.memory_space<vmem>>, vector<16xi32>,
      tpu.vector_store %arg13[%swap3A_281], %select_n3A_280 {strides = array<i32>} : memref<160xi32, #tpu.memory_space<vmem>>, vector<16xi32>,
      %select_n3A_283 = arith.select %ge3A_264, %select_n3A_273, %get3A_277 : vector<16xi1>, vector<16xi32>
      %swap3A_284 = arith.constant 16 : index
      %swap3A_285 = tpu.vector_load %arg14[%swap3A_284] {strides = array<i32>} : memref<160xi32, #tpu.memory_space<vmem>>, vector<16xi32>,
      tpu.vector_store %arg14[%swap3A_284], %select_n3A_283 {strides = array<i32>} : memref<160xi32, #tpu.memory_space<vmem>>, vector<16xi32>,
      %add3A_286 = arith.constant 32 : i32
      %add3A_287 = vector.broadcast %add3A_286 : i32 to vector<16xi32>
      %add3A_288 = arith.addi %add3A_287, %iota3A : vector<16xi32>
      %ge3A_289 = vector.broadcast %while3A_235#0 : i32 to vector<16xi32>
      %ge3A_290 = arith.cmpi sge, %add3A_288, %ge3A_289 : vector<16xi32>
      %sub3A_291 = vector.broadcast %while3A_235#0 : i32 to vector<16xi32>
      %sub3A_292 = arith.subi %add3A_288, %sub3A_291 : vector<16xi32>
      %lt3A_293 = vector.broadcast %squeeze3A : i32 to vector<16xi32>
      %lt3A_294 = arith.cmpi slt, %sub3A_292, %lt3A_293 : vector<16xi32>
      %add3A_295 = vector.broadcast %squeeze3A_24 : i32 to vector<16xi32>
      %add3A_296 = arith.addi %add3A_295, %sub3A_292 : vector<16xi32>
      %sub3A_297 = vector.broadcast %squeeze3A : i32 to vector<16xi32>
      %sub3A_298 = arith.subi %add3A_296, %sub3A_297 : vector<16xi32>
      %select_n3A_299 = arith.select %lt3A_294, %sub3A_292, %sub3A_298 : vector<16xi1>, vector<16xi32>
      %get3A_300 = arith.constant 32 : index
      %get3A_301 = tpu.vector_load %arg13[%get3A_300] {strides = array<i32>} : memref<160xi32, #tpu.memory_space<vmem>>, vector<16xi32>,
      %get3A_302 = arith.constant 32 : index
      %get3A_303 = tpu.vector_load %arg14[%get3A_302] {strides = array<i32>} : memref<160xi32, #tpu.memory_space<vmem>>, vector<16xi32>,
      %jit3A_304 = arith.constant -2147483648 : i32
      %broadcast_in_dim3A_305 = vector.broadcast %jit3A_304 : i32 to vector<16xi32>
      %select_n3A_306 = arith.select %ge3A_290, %broadcast_in_dim3A_305, %get3A_301 : vector<16xi1>, vector<16xi32>
      %swap3A_307 = arith.constant 32 : index
      %swap3A_308 = tpu.vector_load %arg13[%swap3A_307] {strides = array<i32>} : memref<160xi32, #tpu.memory_space<vmem>>, vector<16xi32>,
      tpu.vector_store %arg13[%swap3A_307], %select_n3A_306 {strides = array<i32>} : memref<160xi32, #tpu.memory_space<vmem>>, vector<16xi32>,
      %select_n3A_309 = arith.select %ge3A_290, %select_n3A_299, %get3A_303 : vector<16xi1>, vector<16xi32>
      %swap3A_310 = arith.constant 32 : index
      %swap3A_311 = tpu.vector_load %arg14[%swap3A_310] {strides = array<i32>} : memref<160xi32, #tpu.memory_space<vmem>>, vector<16xi32>,
      tpu.vector_store %arg14[%swap3A_310], %select_n3A_309 {strides = array<i32>} : memref<160xi32, #tpu.memory_space<vmem>>, vector<16xi32>,
      %add3A_312 = arith.constant 48 : i32
      %add3A_313 = vector.broadcast %add3A_312 : i32 to vector<16xi32>
      %add3A_314 = arith.addi %add3A_313, %iota3A : vector<16xi32>
      %ge3A_315 = vector.broadcast %while3A_235#0 : i32 to vector<16xi32>
      %ge3A_316 = arith.cmpi sge, %add3A_314, %ge3A_315 : vector<16xi32>
      %sub3A_317 = vector.broadcast %while3A_235#0 : i32 to vector<16xi32>
      %sub3A_318 = arith.subi %add3A_314, %sub3A_317 : vector<16xi32>
      %lt3A_319 = vector.broadcast %squeeze3A : i32 to vector<16xi32>
      %lt3A_320 = arith.cmpi slt, %sub3A_318, %lt3A_319 : vector<16xi32>
      %add3A_321 = vector.broadcast %squeeze3A_24 : i32 to vector<16xi32>
      %add3A_322 = arith.addi %add3A_321, %sub3A_318 : vector<16xi32>
      %sub3A_323 = vector.broadcast %squeeze3A : i32 to vector<16xi32>
      %sub3A_324 = arith.subi %add3A_322, %sub3A_323 : vector<16xi32>
      %select_n3A_325 = arith.select %lt3A_320, %sub3A_318, %sub3A_324 : vector<16xi1>, vector<16xi32>
      %get3A_326 = arith.constant 48 : index
      %get3A_327 = tpu.vector_load %arg13[%get3A_326] {strides = array<i32>} : memref<160xi32, #tpu.memory_space<vmem>>, vector<16xi32>,
      %get3A_328 = arith.constant 48 : index
      %get3A_329 = tpu.vector_load %arg14[%get3A_328] {strides = array<i32>} : memref<160xi32, #tpu.memory_space<vmem>>, vector<16xi32>,
      %jit3A_330 = arith.constant -2147483648 : i32
      %broadcast_in_dim3A_331 = vector.broadcast %jit3A_330 : i32 to vector<16xi32>
      %select_n3A_332 = arith.select %ge3A_316, %broadcast_in_dim3A_331, %get3A_327 : vector<16xi1>, vector<16xi32>
      %swap3A_333 = arith.constant 48 : index
      %swap3A_334 = tpu.vector_load %arg13[%swap3A_333] {strides = array<i32>} : memref<160xi32, #tpu.memory_space<vmem>>, vector<16xi32>,
      tpu.vector_store %arg13[%swap3A_333], %select_n3A_332 {strides = array<i32>} : memref<160xi32, #tpu.memory_space<vmem>>, vector<16xi32>,
      %select_n3A_335 = arith.select %ge3A_316, %select_n3A_325, %get3A_329 : vector<16xi1>, vector<16xi32>
      %swap3A_336 = arith.constant 48 : index
      %swap3A_337 = tpu.vector_load %arg14[%swap3A_336] {strides = array<i32>} : memref<160xi32, #tpu.memory_space<vmem>>, vector<16xi32>,
      tpu.vector_store %arg14[%swap3A_336], %select_n3A_335 {strides = array<i32>} : memref<160xi32, #tpu.memory_space<vmem>>, vector<16xi32>,
      %add3A_338 = arith.constant 64 : i32
      %add3A_339 = vector.broadcast %add3A_338 : i32 to vector<16xi32>
      %add3A_340 = arith.addi %add3A_339, %iota3A : vector<16xi32>
      %ge3A_341 = vector.broadcast %while3A_235#0 : i32 to vector<16xi32>
      %ge3A_342 = arith.cmpi sge, %add3A_340, %ge3A_341 : vector<16xi32>
      %sub3A_343 = vector.broadcast %while3A_235#0 : i32 to vector<16xi32>
      %sub3A_344 = arith.subi %add3A_340, %sub3A_343 : vector<16xi32>
      %lt3A_345 = vector.broadcast %squeeze3A : i32 to vector<16xi32>
      %lt3A_346 = arith.cmpi slt, %sub3A_344, %lt3A_345 : vector<16xi32>
      %add3A_347 = vector.broadcast %squeeze3A_24 : i32 to vector<16xi32>
      %add3A_348 = arith.addi %add3A_347, %sub3A_344 : vector<16xi32>
      %sub3A_349 = vector.broadcast %squeeze3A : i32 to vector<16xi32>
      %sub3A_350 = arith.subi %add3A_348, %sub3A_349 : vector<16xi32>
      %select_n3A_351 = arith.select %lt3A_346, %sub3A_344, %sub3A_350 : vector<16xi1>, vector<16xi32>
      %get3A_352 = arith.constant 64 : index
      %get3A_353 = tpu.vector_load %arg13[%get3A_352] {strides = array<i32>} : memref<160xi32, #tpu.memory_space<vmem>>, vector<16xi32>,
      %get3A_354 = arith.constant 64 : index
      %get3A_355 = tpu.vector_load %arg14[%get3A_354] {strides = array<i32>} : memref<160xi32, #tpu.memory_space<vmem>>, vector<16xi32>,
      %jit3A_356 = arith.constant -2147483648 : i32
      %broadcast_in_dim3A_357 = vector.broadcast %jit3A_356 : i32 to vector<16xi32>
      %select_n3A_358 = arith.select %ge3A_342, %broadcast_in_dim3A_357, %get3A_353 : vector<16xi1>, vector<16xi32>
      %swap3A_359 = arith.constant 64 : index
      %swap3A_360 = tpu.vector_load %arg13[%swap3A_359] {strides = array<i32>} : memref<160xi32, #tpu.memory_space<vmem>>, vector<16xi32>,
      tpu.vector_store %arg13[%swap3A_359], %select_n3A_358 {strides = array<i32>} : memref<160xi32, #tpu.memory_space<vmem>>, vector<16xi32>,
      %select_n3A_361 = arith.select %ge3A_342, %select_n3A_351, %get3A_355 : vector<16xi1>, vector<16xi32>
      %swap3A_362 = arith.constant 64 : index
      %swap3A_363 = tpu.vector_load %arg14[%swap3A_362] {strides = array<i32>} : memref<160xi32, #tpu.memory_space<vmem>>, vector<16xi32>,
      tpu.vector_store %arg14[%swap3A_362], %select_n3A_361 {strides = array<i32>} : memref<160xi32, #tpu.memory_space<vmem>>, vector<16xi32>,
      %add3A_364 = arith.constant 80 : i32
      %add3A_365 = vector.broadcast %add3A_364 : i32 to vector<16xi32>
      %add3A_366 = arith.addi %add3A_365, %iota3A : vector<16xi32>
      %ge3A_367 = vector.broadcast %while3A_235#0 : i32 to vector<16xi32>
      %ge3A_368 = arith.cmpi sge, %add3A_366, %ge3A_367 : vector<16xi32>
      %sub3A_369 = vector.broadcast %while3A_235#0 : i32 to vector<16xi32>
      %sub3A_370 = arith.subi %add3A_366, %sub3A_369 : vector<16xi32>
      %lt3A_371 = vector.broadcast %squeeze3A : i32 to vector<16xi32>
      %lt3A_372 = arith.cmpi slt, %sub3A_370, %lt3A_371 : vector<16xi32>
      %add3A_373 = vector.broadcast %squeeze3A_24 : i32 to vector<16xi32>
      %add3A_374 = arith.addi %add3A_373, %sub3A_370 : vector<16xi32>
      %sub3A_375 = vector.broadcast %squeeze3A : i32 to vector<16xi32>
      %sub3A_376 = arith.subi %add3A_374, %sub3A_375 : vector<16xi32>
      %select_n3A_377 = arith.select %lt3A_372, %sub3A_370, %sub3A_376 : vector<16xi1>, vector<16xi32>
      %get3A_378 = arith.constant 80 : index
      %get3A_379 = tpu.vector_load %arg13[%get3A_378] {strides = array<i32>} : memref<160xi32, #tpu.memory_space<vmem>>, vector<16xi32>,
      %get3A_380 = arith.constant 80 : index
      %get3A_381 = tpu.vector_load %arg14[%get3A_380] {strides = array<i32>} : memref<160xi32, #tpu.memory_space<vmem>>, vector<16xi32>,
      %jit3A_382 = arith.constant -2147483648 : i32
      %broadcast_in_dim3A_383 = vector.broadcast %jit3A_382 : i32 to vector<16xi32>
      %select_n3A_384 = arith.select %ge3A_368, %broadcast_in_dim3A_383, %get3A_379 : vector<16xi1>, vector<16xi32>
      %swap3A_385 = arith.constant 80 : index
      %swap3A_386 = tpu.vector_load %arg13[%swap3A_385] {strides = array<i32>} : memref<160xi32, #tpu.memory_space<vmem>>, vector<16xi32>,
      tpu.vector_store %arg13[%swap3A_385], %select_n3A_384 {strides = array<i32>} : memref<160xi32, #tpu.memory_space<vmem>>, vector<16xi32>,
      %select_n3A_387 = arith.select %ge3A_368, %select_n3A_377, %get3A_381 : vector<16xi1>, vector<16xi32>
      %swap3A_388 = arith.constant 80 : index
      %swap3A_389 = tpu.vector_load %arg14[%swap3A_388] {strides = array<i32>} : memref<160xi32, #tpu.memory_space<vmem>>, vector<16xi32>,
      tpu.vector_store %arg14[%swap3A_388], %select_n3A_387 {strides = array<i32>} : memref<160xi32, #tpu.memory_space<vmem>>, vector<16xi32>,
      %add3A_390 = arith.constant 96 : i32
      %add3A_391 = vector.broadcast %add3A_390 : i32 to vector<16xi32>
      %add3A_392 = arith.addi %add3A_391, %iota3A : vector<16xi32>
      %ge3A_393 = vector.broadcast %while3A_235#0 : i32 to vector<16xi32>
      %ge3A_394 = arith.cmpi sge, %add3A_392, %ge3A_393 : vector<16xi32>
      %sub3A_395 = vector.broadcast %while3A_235#0 : i32 to vector<16xi32>
      %sub3A_396 = arith.subi %add3A_392, %sub3A_395 : vector<16xi32>
      %lt3A_397 = vector.broadcast %squeeze3A : i32 to vector<16xi32>
      %lt3A_398 = arith.cmpi slt, %sub3A_396, %lt3A_397 : vector<16xi32>
      %add3A_399 = vector.broadcast %squeeze3A_24 : i32 to vector<16xi32>
      %add3A_400 = arith.addi %add3A_399, %sub3A_396 : vector<16xi32>
      %sub3A_401 = vector.broadcast %squeeze3A : i32 to vector<16xi32>
      %sub3A_402 = arith.subi %add3A_400, %sub3A_401 : vector<16xi32>
      %select_n3A_403 = arith.select %lt3A_398, %sub3A_396, %sub3A_402 : vector<16xi1>, vector<16xi32>
      %get3A_404 = arith.constant 96 : index
      %get3A_405 = tpu.vector_load %arg13[%get3A_404] {strides = array<i32>} : memref<160xi32, #tpu.memory_space<vmem>>, vector<16xi32>,
      %get3A_406 = arith.constant 96 : index
      %get3A_407 = tpu.vector_load %arg14[%get3A_406] {strides = array<i32>} : memref<160xi32, #tpu.memory_space<vmem>>, vector<16xi32>,
      %jit3A_408 = arith.constant -2147483648 : i32
      %broadcast_in_dim3A_409 = vector.broadcast %jit3A_408 : i32 to vector<16xi32>
      %select_n3A_410 = arith.select %ge3A_394, %broadcast_in_dim3A_409, %get3A_405 : vector<16xi1>, vector<16xi32>
      %swap3A_411 = arith.constant 96 : index
      %swap3A_412 = tpu.vector_load %arg13[%swap3A_411] {strides = array<i32>} : memref<160xi32, #tpu.memory_space<vmem>>, vector<16xi32>,
      tpu.vector_store %arg13[%swap3A_411], %select_n3A_410 {strides = array<i32>} : memref<160xi32, #tpu.memory_space<vmem>>, vector<16xi32>,
      %select_n3A_413 = arith.select %ge3A_394, %select_n3A_403, %get3A_407 : vector<16xi1>, vector<16xi32>
      %swap3A_414 = arith.constant 96 : index
      %swap3A_415 = tpu.vector_load %arg14[%swap3A_414] {strides = array<i32>} : memref<160xi32, #tpu.memory_space<vmem>>, vector<16xi32>,
      tpu.vector_store %arg14[%swap3A_414], %select_n3A_413 {strides = array<i32>} : memref<160xi32, #tpu.memory_space<vmem>>, vector<16xi32>,
      %add3A_416 = arith.constant 112 : i32
      %add3A_417 = vector.broadcast %add3A_416 : i32 to vector<16xi32>
      %add3A_418 = arith.addi %add3A_417, %iota3A : vector<16xi32>
      %ge3A_419 = vector.broadcast %while3A_235#0 : i32 to vector<16xi32>
      %ge3A_420 = arith.cmpi sge, %add3A_418, %ge3A_419 : vector<16xi32>
      %sub3A_421 = vector.broadcast %while3A_235#0 : i32 to vector<16xi32>
      %sub3A_422 = arith.subi %add3A_418, %sub3A_421 : vector<16xi32>
      %lt3A_423 = vector.broadcast %squeeze3A : i32 to vector<16xi32>
      %lt3A_424 = arith.cmpi slt, %sub3A_422, %lt3A_423 : vector<16xi32>
      %add3A_425 = vector.broadcast %squeeze3A_24 : i32 to vector<16xi32>
      %add3A_426 = arith.addi %add3A_425, %sub3A_422 : vector<16xi32>
      %sub3A_427 = vector.broadcast %squeeze3A : i32 to vector<16xi32>
      %sub3A_428 = arith.subi %add3A_426, %sub3A_427 : vector<16xi32>
      %select_n3A_429 = arith.select %lt3A_424, %sub3A_422, %sub3A_428 : vector<16xi1>, vector<16xi32>
      %get3A_430 = arith.constant 112 : index
      %get3A_431 = tpu.vector_load %arg13[%get3A_430] {strides = array<i32>} : memref<160xi32, #tpu.memory_space<vmem>>, vector<16xi32>,
      %get3A_432 = arith.constant 112 : index
      %get3A_433 = tpu.vector_load %arg14[%get3A_432] {strides = array<i32>} : memref<160xi32, #tpu.memory_space<vmem>>, vector<16xi32>,
      %jit3A_434 = arith.constant -2147483648 : i32
      %broadcast_in_dim3A_435 = vector.broadcast %jit3A_434 : i32 to vector<16xi32>
      %select_n3A_436 = arith.select %ge3A_420, %broadcast_in_dim3A_435, %get3A_431 : vector<16xi1>, vector<16xi32>
      %swap3A_437 = arith.constant 112 : index
      %swap3A_438 = tpu.vector_load %arg13[%swap3A_437] {strides = array<i32>} : memref<160xi32, #tpu.memory_space<vmem>>, vector<16xi32>,
      tpu.vector_store %arg13[%swap3A_437], %select_n3A_436 {strides = array<i32>} : memref<160xi32, #tpu.memory_space<vmem>>, vector<16xi32>,
      %select_n3A_439 = arith.select %ge3A_420, %select_n3A_429, %get3A_433 : vector<16xi1>, vector<16xi32>
      %swap3A_440 = arith.constant 112 : index
      %swap3A_441 = tpu.vector_load %arg14[%swap3A_440] {strides = array<i32>} : memref<160xi32, #tpu.memory_space<vmem>>, vector<16xi32>,
      tpu.vector_store %arg14[%swap3A_440], %select_n3A_439 {strides = array<i32>} : memref<160xi32, #tpu.memory_space<vmem>>, vector<16xi32>,
      %get3A_442 = arith.constant 0 : index
      %get3A_443 = tpu.vector_load %arg13[%get3A_442] {strides = array<i32>} : memref<160xi32, #tpu.memory_space<vmem>>, vector<16xi32>,
      %get3A_444 = arith.constant 16 : index
      %get3A_445 = tpu.vector_load %arg13[%get3A_444] {strides = array<i32>} : memref<160xi32, #tpu.memory_space<vmem>>, vector<16xi32>,
      %get3A_446 = arith.constant 32 : index
      %get3A_447 = tpu.vector_load %arg13[%get3A_446] {strides = array<i32>} : memref<160xi32, #tpu.memory_space<vmem>>, vector<16xi32>,
      %get3A_448 = arith.constant 48 : index
      %get3A_449 = tpu.vector_load %arg13[%get3A_448] {strides = array<i32>} : memref<160xi32, #tpu.memory_space<vmem>>, vector<16xi32>,
      %get3A_450 = arith.constant 64 : index
      %get3A_451 = tpu.vector_load %arg13[%get3A_450] {strides = array<i32>} : memref<160xi32, #tpu.memory_space<vmem>>, vector<16xi32>,
      %get3A_452 = arith.constant 80 : index
      %get3A_453 = tpu.vector_load %arg13[%get3A_452] {strides = array<i32>} : memref<160xi32, #tpu.memory_space<vmem>>, vector<16xi32>,
      %get3A_454 = arith.constant 96 : index
      %get3A_455 = tpu.vector_load %arg13[%get3A_454] {strides = array<i32>} : memref<160xi32, #tpu.memory_space<vmem>>, vector<16xi32>,
      %get3A_456 = arith.constant 112 : index
      %get3A_457 = tpu.vector_load %arg13[%get3A_456] {strides = array<i32>} : memref<160xi32, #tpu.memory_space<vmem>>, vector<16xi32>,
      %get3A_458 = arith.constant 0 : index
      %get3A_459 = tpu.vector_load %arg14[%get3A_458] {strides = array<i32>} : memref<160xi32, #tpu.memory_space<vmem>>, vector<16xi32>,
      %get3A_460 = arith.constant 16 : index
      %get3A_461 = tpu.vector_load %arg14[%get3A_460] {strides = array<i32>} : memref<160xi32, #tpu.memory_space<vmem>>, vector<16xi32>,
      %get3A_462 = arith.constant 32 : index
      %get3A_463 = tpu.vector_load %arg14[%get3A_462] {strides = array<i32>} : memref<160xi32, #tpu.memory_space<vmem>>, vector<16xi32>,
      %get3A_464 = arith.constant 48 : index
      %get3A_465 = tpu.vector_load %arg14[%get3A_464] {strides = array<i32>} : memref<160xi32, #tpu.memory_space<vmem>>, vector<16xi32>,
      %get3A_466 = arith.constant 64 : index
      %get3A_467 = tpu.vector_load %arg14[%get3A_466] {strides = array<i32>} : memref<160xi32, #tpu.memory_space<vmem>>, vector<16xi32>,
      %get3A_468 = arith.constant 80 : index
      %get3A_469 = tpu.vector_load %arg14[%get3A_468] {strides = array<i32>} : memref<160xi32, #tpu.memory_space<vmem>>, vector<16xi32>,
      %get3A_470 = arith.constant 96 : index
      %get3A_471 = tpu.vector_load %arg14[%get3A_470] {strides = array<i32>} : memref<160xi32, #tpu.memory_space<vmem>>, vector<16xi32>,
      %get3A_472 = arith.constant 112 : index
      %get3A_473 = tpu.vector_load %arg14[%get3A_472] {strides = array<i32>} : memref<160xi32, #tpu.memory_space<vmem>>, vector<16xi32>,
      %parallel_loop3A_474 = arith.constant 0 : i32
      %parallel_loop3A_475 = arith.constant 128 : i32
      %parallel_loop3A_476 = arith.constant 1 : i32
      %parallel_loop3A_477:8 = scf.for %parallel_loop3A_622 = %parallel_loop3A_474 to %parallel_loop3A_475 step %parallel_loop3A_476 iter_args(%parallel_loop3A_623 = %broadcast_in_dim3A_6, %parallel_loop3A_624 = %broadcast_in_dim3A_6, %parallel_loop3A_625 = %broadcast_in_dim3A_6, %parallel_loop3A_626 = %broadcast_in_dim3A_6, %parallel_loop3A_627 = %broadcast_in_dim3A_6, %parallel_loop3A_628 = %broadcast_in_dim3A_6, %parallel_loop3A_629 = %broadcast_in_dim3A_6, %parallel_loop3A_630 = %broadcast_in_dim3A_6) -> (vector<16xi32>, vector<16xi32>, vector<16xi32>, vector<16xi32>, vector<16xi32>, vector<16xi32>, vector<16xi32>, vector<16xi32>)  : i32 {
        %parallel_loop3A_631 = arith.index_cast %parallel_loop3A_622 : i32 to index
        %parallel_loop3A_632 = tpu.vector_load %arg13[%parallel_loop3A_631] {strides = array<i32>} : memref<160xi32, #tpu.memory_space<vmem>>, vector<16xi32>,
        %parallel_loop3A_633 = vector.extract_strided_slice %parallel_loop3A_632 {offsets = [0], sizes = [1], strides = [1]} : vector<16xi32> to vector<1xi32>
        %parallel_loop3A_634 = vector.extract %parallel_loop3A_633[0] : i32 from vector<1xi32>
        %parallel_loop3A_635 = arith.index_cast %parallel_loop3A_622 : i32 to index
        %parallel_loop3A_636 = tpu.vector_load %arg14[%parallel_loop3A_635] {strides = array<i32>} : memref<160xi32, #tpu.memory_space<vmem>>, vector<16xi32>,
        %parallel_loop3A_637 = vector.extract_strided_slice %parallel_loop3A_636 {offsets = [0], sizes = [1], strides = [1]} : vector<16xi32> to vector<1xi32>
        %parallel_loop3A_638 = vector.extract %parallel_loop3A_637[0] : i32 from vector<1xi32>
        %parallel_loop3A_639 = vector.broadcast %parallel_loop3A_634 : i32 to vector<16xi32>
        %parallel_loop3A_640 = arith.cmpi sgt, %parallel_loop3A_639, %get3A_443 : vector<16xi32>
        %parallel_loop3A_641 = vector.broadcast %parallel_loop3A_634 : i32 to vector<16xi32>
        %parallel_loop3A_642 = arith.cmpi eq, %parallel_loop3A_641, %get3A_443 : vector<16xi32>
        %parallel_loop3A_643 = vector.broadcast %parallel_loop3A_638 : i32 to vector<16xi32>
        %parallel_loop3A_644 = arith.cmpi slt, %parallel_loop3A_643, %get3A_459 : vector<16xi32>
        %parallel_loop3A_645 = arith.andi %parallel_loop3A_642, %parallel_loop3A_644 : vector<16xi1>
        %parallel_loop3A_646 = arith.ori %parallel_loop3A_640, %parallel_loop3A_645 : vector<16xi1>
        %parallel_loop3A_647 = arith.extui %parallel_loop3A_646 : vector<16xi1> to vector<16xi32>
        %parallel_loop3A_648 = arith.addi %parallel_loop3A_623, %parallel_loop3A_647 : vector<16xi32>
        %parallel_loop3A_649 = vector.broadcast %parallel_loop3A_634 : i32 to vector<16xi32>
        %parallel_loop3A_650 = arith.cmpi sgt, %parallel_loop3A_649, %get3A_445 : vector<16xi32>
        %parallel_loop3A_651 = vector.broadcast %parallel_loop3A_634 : i32 to vector<16xi32>
        %parallel_loop3A_652 = arith.cmpi eq, %parallel_loop3A_651, %get3A_445 : vector<16xi32>
        %parallel_loop3A_653 = vector.broadcast %parallel_loop3A_638 : i32 to vector<16xi32>
        %parallel_loop3A_654 = arith.cmpi slt, %parallel_loop3A_653, %get3A_461 : vector<16xi32>
        %parallel_loop3A_655 = arith.andi %parallel_loop3A_652, %parallel_loop3A_654 : vector<16xi1>
        %parallel_loop3A_656 = arith.ori %parallel_loop3A_650, %parallel_loop3A_655 : vector<16xi1>
        %parallel_loop3A_657 = arith.extui %parallel_loop3A_656 : vector<16xi1> to vector<16xi32>
        %parallel_loop3A_658 = arith.addi %parallel_loop3A_624, %parallel_loop3A_657 : vector<16xi32>
        %parallel_loop3A_659 = vector.broadcast %parallel_loop3A_634 : i32 to vector<16xi32>
        %parallel_loop3A_660 = arith.cmpi sgt, %parallel_loop3A_659, %get3A_447 : vector<16xi32>
        %parallel_loop3A_661 = vector.broadcast %parallel_loop3A_634 : i32 to vector<16xi32>
        %parallel_loop3A_662 = arith.cmpi eq, %parallel_loop3A_661, %get3A_447 : vector<16xi32>
        %parallel_loop3A_663 = vector.broadcast %parallel_loop3A_638 : i32 to vector<16xi32>
        %parallel_loop3A_664 = arith.cmpi slt, %parallel_loop3A_663, %get3A_463 : vector<16xi32>
        %parallel_loop3A_665 = arith.andi %parallel_loop3A_662, %parallel_loop3A_664 : vector<16xi1>
        %parallel_loop3A_666 = arith.ori %parallel_loop3A_660, %parallel_loop3A_665 : vector<16xi1>
        %parallel_loop3A_667 = arith.extui %parallel_loop3A_666 : vector<16xi1> to vector<16xi32>
        %parallel_loop3A_668 = arith.addi %parallel_loop3A_625, %parallel_loop3A_667 : vector<16xi32>
        %parallel_loop3A_669 = vector.broadcast %parallel_loop3A_634 : i32 to vector<16xi32>
        %parallel_loop3A_670 = arith.cmpi sgt, %parallel_loop3A_669, %get3A_449 : vector<16xi32>
        %parallel_loop3A_671 = vector.broadcast %parallel_loop3A_634 : i32 to vector<16xi32>
        %parallel_loop3A_672 = arith.cmpi eq, %parallel_loop3A_671, %get3A_449 : vector<16xi32>
        %parallel_loop3A_673 = vector.broadcast %parallel_loop3A_638 : i32 to vector<16xi32>
        %parallel_loop3A_674 = arith.cmpi slt, %parallel_loop3A_673, %get3A_465 : vector<16xi32>
        %parallel_loop3A_675 = arith.andi %parallel_loop3A_672, %parallel_loop3A_674 : vector<16xi1>
        %parallel_loop3A_676 = arith.ori %parallel_loop3A_670, %parallel_loop3A_675 : vector<16xi1>
        %parallel_loop3A_677 = arith.extui %parallel_loop3A_676 : vector<16xi1> to vector<16xi32>
        %parallel_loop3A_678 = arith.addi %parallel_loop3A_626, %parallel_loop3A_677 : vector<16xi32>
        %parallel_loop3A_679 = vector.broadcast %parallel_loop3A_634 : i32 to vector<16xi32>
        %parallel_loop3A_680 = arith.cmpi sgt, %parallel_loop3A_679, %get3A_451 : vector<16xi32>
        %parallel_loop3A_681 = vector.broadcast %parallel_loop3A_634 : i32 to vector<16xi32>
        %parallel_loop3A_682 = arith.cmpi eq, %parallel_loop3A_681, %get3A_451 : vector<16xi32>
        %parallel_loop3A_683 = vector.broadcast %parallel_loop3A_638 : i32 to vector<16xi32>
        %parallel_loop3A_684 = arith.cmpi slt, %parallel_loop3A_683, %get3A_467 : vector<16xi32>
        %parallel_loop3A_685 = arith.andi %parallel_loop3A_682, %parallel_loop3A_684 : vector<16xi1>
        %parallel_loop3A_686 = arith.ori %parallel_loop3A_680, %parallel_loop3A_685 : vector<16xi1>
        %parallel_loop3A_687 = arith.extui %parallel_loop3A_686 : vector<16xi1> to vector<16xi32>
        %parallel_loop3A_688 = arith.addi %parallel_loop3A_627, %parallel_loop3A_687 : vector<16xi32>
        %parallel_loop3A_689 = vector.broadcast %parallel_loop3A_634 : i32 to vector<16xi32>
        %parallel_loop3A_690 = arith.cmpi sgt, %parallel_loop3A_689, %get3A_453 : vector<16xi32>
        %parallel_loop3A_691 = vector.broadcast %parallel_loop3A_634 : i32 to vector<16xi32>
        %parallel_loop3A_692 = arith.cmpi eq, %parallel_loop3A_691, %get3A_453 : vector<16xi32>
        %parallel_loop3A_693 = vector.broadcast %parallel_loop3A_638 : i32 to vector<16xi32>
        %parallel_loop3A_694 = arith.cmpi slt, %parallel_loop3A_693, %get3A_469 : vector<16xi32>
        %parallel_loop3A_695 = arith.andi %parallel_loop3A_692, %parallel_loop3A_694 : vector<16xi1>
        %parallel_loop3A_696 = arith.ori %parallel_loop3A_690, %parallel_loop3A_695 : vector<16xi1>
        %parallel_loop3A_697 = arith.extui %parallel_loop3A_696 : vector<16xi1> to vector<16xi32>
        %parallel_loop3A_698 = arith.addi %parallel_loop3A_628, %parallel_loop3A_697 : vector<16xi32>
        %parallel_loop3A_699 = vector.broadcast %parallel_loop3A_634 : i32 to vector<16xi32>
        %parallel_loop3A_700 = arith.cmpi sgt, %parallel_loop3A_699, %get3A_455 : vector<16xi32>
        %parallel_loop3A_701 = vector.broadcast %parallel_loop3A_634 : i32 to vector<16xi32>
        %parallel_loop3A_702 = arith.cmpi eq, %parallel_loop3A_701, %get3A_455 : vector<16xi32>
        %parallel_loop3A_703 = vector.broadcast %parallel_loop3A_638 : i32 to vector<16xi32>
        %parallel_loop3A_704 = arith.cmpi slt, %parallel_loop3A_703, %get3A_471 : vector<16xi32>
        %parallel_loop3A_705 = arith.andi %parallel_loop3A_702, %parallel_loop3A_704 : vector<16xi1>
        %parallel_loop3A_706 = arith.ori %parallel_loop3A_700, %parallel_loop3A_705 : vector<16xi1>
        %parallel_loop3A_707 = arith.extui %parallel_loop3A_706 : vector<16xi1> to vector<16xi32>
        %parallel_loop3A_708 = arith.addi %parallel_loop3A_629, %parallel_loop3A_707 : vector<16xi32>
        %parallel_loop3A_709 = vector.broadcast %parallel_loop3A_634 : i32 to vector<16xi32>
        %parallel_loop3A_710 = arith.cmpi sgt, %parallel_loop3A_709, %get3A_457 : vector<16xi32>
        %parallel_loop3A_711 = vector.broadcast %parallel_loop3A_634 : i32 to vector<16xi32>
        %parallel_loop3A_712 = arith.cmpi eq, %parallel_loop3A_711, %get3A_457 : vector<16xi32>
        %parallel_loop3A_713 = vector.broadcast %parallel_loop3A_638 : i32 to vector<16xi32>
        %parallel_loop3A_714 = arith.cmpi slt, %parallel_loop3A_713, %get3A_473 : vector<16xi32>
        %parallel_loop3A_715 = arith.andi %parallel_loop3A_712, %parallel_loop3A_714 : vector<16xi1>
        %parallel_loop3A_716 = arith.ori %parallel_loop3A_710, %parallel_loop3A_715 : vector<16xi1>
        %parallel_loop3A_717 = arith.extui %parallel_loop3A_716 : vector<16xi1> to vector<16xi32>
        %parallel_loop3A_718 = arith.addi %parallel_loop3A_630, %parallel_loop3A_717 : vector<16xi32>
        scf.yield %parallel_loop3A_648, %parallel_loop3A_658, %parallel_loop3A_668, %parallel_loop3A_678, %parallel_loop3A_688, %parallel_loop3A_698, %parallel_loop3A_708, %parallel_loop3A_718 : vector<16xi32>, vector<16xi32>, vector<16xi32>, vector<16xi32>, vector<16xi32>, vector<16xi32>, vector<16xi32>, vector<16xi32>
      } {sc.loop_unroll_factor = 1 : i64, sc.parallel_access}
      tpu.vector_store_idx %arg15[%parallel_loop3A_477#0], %get3A_443 : memref<128xi32, #tpu.memory_space<vmem>>[vector<16xi32>], vector<16xi32>,
      tpu.vector_store_idx %arg16[%parallel_loop3A_477#0], %get3A_459 : memref<128xi32, #tpu.memory_space<vmem>>[vector<16xi32>], vector<16xi32>,
      tpu.vector_store_idx %arg15[%parallel_loop3A_477#1], %get3A_445 : memref<128xi32, #tpu.memory_space<vmem>>[vector<16xi32>], vector<16xi32>,
      tpu.vector_store_idx %arg16[%parallel_loop3A_477#1], %get3A_461 : memref<128xi32, #tpu.memory_space<vmem>>[vector<16xi32>], vector<16xi32>,
      tpu.vector_store_idx %arg15[%parallel_loop3A_477#2], %get3A_447 : memref<128xi32, #tpu.memory_space<vmem>>[vector<16xi32>], vector<16xi32>,
      tpu.vector_store_idx %arg16[%parallel_loop3A_477#2], %get3A_463 : memref<128xi32, #tpu.memory_space<vmem>>[vector<16xi32>], vector<16xi32>,
      tpu.vector_store_idx %arg15[%parallel_loop3A_477#3], %get3A_449 : memref<128xi32, #tpu.memory_space<vmem>>[vector<16xi32>], vector<16xi32>,
      tpu.vector_store_idx %arg16[%parallel_loop3A_477#3], %get3A_465 : memref<128xi32, #tpu.memory_space<vmem>>[vector<16xi32>], vector<16xi32>,
      tpu.vector_store_idx %arg15[%parallel_loop3A_477#4], %get3A_451 : memref<128xi32, #tpu.memory_space<vmem>>[vector<16xi32>], vector<16xi32>,
      tpu.vector_store_idx %arg16[%parallel_loop3A_477#4], %get3A_467 : memref<128xi32, #tpu.memory_space<vmem>>[vector<16xi32>], vector<16xi32>,
      tpu.vector_store_idx %arg15[%parallel_loop3A_477#5], %get3A_453 : memref<128xi32, #tpu.memory_space<vmem>>[vector<16xi32>], vector<16xi32>,
      tpu.vector_store_idx %arg16[%parallel_loop3A_477#5], %get3A_469 : memref<128xi32, #tpu.memory_space<vmem>>[vector<16xi32>], vector<16xi32>,
      tpu.vector_store_idx %arg15[%parallel_loop3A_477#6], %get3A_455 : memref<128xi32, #tpu.memory_space<vmem>>[vector<16xi32>], vector<16xi32>,
      tpu.vector_store_idx %arg16[%parallel_loop3A_477#6], %get3A_471 : memref<128xi32, #tpu.memory_space<vmem>>[vector<16xi32>], vector<16xi32>,
      tpu.vector_store_idx %arg15[%parallel_loop3A_477#7], %get3A_457 : memref<128xi32, #tpu.memory_space<vmem>>[vector<16xi32>], vector<16xi32>,
      tpu.vector_store_idx %arg16[%parallel_loop3A_477#7], %get3A_473 : memref<128xi32, #tpu.memory_space<vmem>>[vector<16xi32>], vector<16xi32>,
      %get3A_478 = arith.constant 0 : index
      %get3A_479 = tpu.vector_load %arg15[%get3A_478] {strides = array<i32>} : memref<128xi32, #tpu.memory_space<vmem>>, vector<16xi32>,
      %ge3A_480 = arith.constant 0 : i32
      %ge3A_481 = vector.broadcast %ge3A_480 : i32 to vector<16xi32>
      %ge3A_482 = arith.cmpi sge, %get3A_479, %ge3A_481 : vector<16xi32>
      %xor3A_483 = arith.constant 2147483647 : i32
      %xor3A_484 = vector.broadcast %xor3A_483 : i32 to vector<16xi32>
      %xor3A_485 = arith.xori %get3A_479, %xor3A_484 : vector<16xi32>
      %select_n3A_486 = arith.select %ge3A_482, %get3A_479, %xor3A_485 : vector<16xi1>, vector<16xi32>
      %eq3A_487 = arith.constant -2147483648 : i32
      %eq3A_488 = vector.broadcast %eq3A_487 : i32 to vector<16xi32>
      %eq3A_489 = arith.cmpi eq, %get3A_479, %eq3A_488 : vector<16xi32>
      %jit3A_490 = arith.constant -8388608 : i32
      %broadcast_in_dim3A_491 = vector.broadcast %jit3A_490 : i32 to vector<16xi32>
      %select_n3A_492 = arith.select %eq3A_489, %broadcast_in_dim3A_491, %select_n3A_486 : vector<16xi1>, vector<16xi32>
      %bitcast_convert_type3A = tpu.bitcast %select_n3A_492 : vector<16xi32> -> vector<16xf32>
      %swap3A_493 = arith.constant 0 : index
      %swap3A_494 = tpu.vector_load %arg17[%swap3A_493] {strides = array<i32>} : memref<128xf32, #tpu.memory_space<vmem>>, vector<16xf32>,
      tpu.vector_store %arg17[%swap3A_493], %bitcast_convert_type3A {strides = array<i32>} : memref<128xf32, #tpu.memory_space<vmem>>, vector<16xf32>,
      %get3A_495 = arith.constant 16 : index
      %get3A_496 = tpu.vector_load %arg15[%get3A_495] {strides = array<i32>} : memref<128xi32, #tpu.memory_space<vmem>>, vector<16xi32>,
      %ge3A_497 = arith.constant 0 : i32
      %ge3A_498 = vector.broadcast %ge3A_497 : i32 to vector<16xi32>
      %ge3A_499 = arith.cmpi sge, %get3A_496, %ge3A_498 : vector<16xi32>
      %xor3A_500 = arith.constant 2147483647 : i32
      %xor3A_501 = vector.broadcast %xor3A_500 : i32 to vector<16xi32>
      %xor3A_502 = arith.xori %get3A_496, %xor3A_501 : vector<16xi32>
      %select_n3A_503 = arith.select %ge3A_499, %get3A_496, %xor3A_502 : vector<16xi1>, vector<16xi32>
      %eq3A_504 = arith.constant -2147483648 : i32
      %eq3A_505 = vector.broadcast %eq3A_504 : i32 to vector<16xi32>
      %eq3A_506 = arith.cmpi eq, %get3A_496, %eq3A_505 : vector<16xi32>
      %jit3A_507 = arith.constant -8388608 : i32
      %broadcast_in_dim3A_508 = vector.broadcast %jit3A_507 : i32 to vector<16xi32>
      %select_n3A_509 = arith.select %eq3A_506, %broadcast_in_dim3A_508, %select_n3A_503 : vector<16xi1>, vector<16xi32>
      %bitcast_convert_type3A_510 = tpu.bitcast %select_n3A_509 : vector<16xi32> -> vector<16xf32>
      %swap3A_511 = arith.constant 16 : index
      %swap3A_512 = tpu.vector_load %arg17[%swap3A_511] {strides = array<i32>} : memref<128xf32, #tpu.memory_space<vmem>>, vector<16xf32>,
      tpu.vector_store %arg17[%swap3A_511], %bitcast_convert_type3A_510 {strides = array<i32>} : memref<128xf32, #tpu.memory_space<vmem>>, vector<16xf32>,
      %get3A_513 = arith.constant 32 : index
      %get3A_514 = tpu.vector_load %arg15[%get3A_513] {strides = array<i32>} : memref<128xi32, #tpu.memory_space<vmem>>, vector<16xi32>,
      %ge3A_515 = arith.constant 0 : i32
      %ge3A_516 = vector.broadcast %ge3A_515 : i32 to vector<16xi32>
      %ge3A_517 = arith.cmpi sge, %get3A_514, %ge3A_516 : vector<16xi32>
      %xor3A_518 = arith.constant 2147483647 : i32
      %xor3A_519 = vector.broadcast %xor3A_518 : i32 to vector<16xi32>
      %xor3A_520 = arith.xori %get3A_514, %xor3A_519 : vector<16xi32>
      %select_n3A_521 = arith.select %ge3A_517, %get3A_514, %xor3A_520 : vector<16xi1>, vector<16xi32>
      %eq3A_522 = arith.constant -2147483648 : i32
      %eq3A_523 = vector.broadcast %eq3A_522 : i32 to vector<16xi32>
      %eq3A_524 = arith.cmpi eq, %get3A_514, %eq3A_523 : vector<16xi32>
      %jit3A_525 = arith.constant -8388608 : i32
      %broadcast_in_dim3A_526 = vector.broadcast %jit3A_525 : i32 to vector<16xi32>
      %select_n3A_527 = arith.select %eq3A_524, %broadcast_in_dim3A_526, %select_n3A_521 : vector<16xi1>, vector<16xi32>
      %bitcast_convert_type3A_528 = tpu.bitcast %select_n3A_527 : vector<16xi32> -> vector<16xf32>
      %swap3A_529 = arith.constant 32 : index
      %swap3A_530 = tpu.vector_load %arg17[%swap3A_529] {strides = array<i32>} : memref<128xf32, #tpu.memory_space<vmem>>, vector<16xf32>,
      tpu.vector_store %arg17[%swap3A_529], %bitcast_convert_type3A_528 {strides = array<i32>} : memref<128xf32, #tpu.memory_space<vmem>>, vector<16xf32>,
      %get3A_531 = arith.constant 48 : index
      %get3A_532 = tpu.vector_load %arg15[%get3A_531] {strides = array<i32>} : memref<128xi32, #tpu.memory_space<vmem>>, vector<16xi32>,
      %ge3A_533 = arith.constant 0 : i32
      %ge3A_534 = vector.broadcast %ge3A_533 : i32 to vector<16xi32>
      %ge3A_535 = arith.cmpi sge, %get3A_532, %ge3A_534 : vector<16xi32>
      %xor3A_536 = arith.constant 2147483647 : i32
      %xor3A_537 = vector.broadcast %xor3A_536 : i32 to vector<16xi32>
      %xor3A_538 = arith.xori %get3A_532, %xor3A_537 : vector<16xi32>
      %select_n3A_539 = arith.select %ge3A_535, %get3A_532, %xor3A_538 : vector<16xi1>, vector<16xi32>
      %eq3A_540 = arith.constant -2147483648 : i32
      %eq3A_541 = vector.broadcast %eq3A_540 : i32 to vector<16xi32>
      %eq3A_542 = arith.cmpi eq, %get3A_532, %eq3A_541 : vector<16xi32>
      %jit3A_543 = arith.constant -8388608 : i32
      %broadcast_in_dim3A_544 = vector.broadcast %jit3A_543 : i32 to vector<16xi32>
      %select_n3A_545 = arith.select %eq3A_542, %broadcast_in_dim3A_544, %select_n3A_539 : vector<16xi1>, vector<16xi32>
      %bitcast_convert_type3A_546 = tpu.bitcast %select_n3A_545 : vector<16xi32> -> vector<16xf32>
      %swap3A_547 = arith.constant 48 : index
      %swap3A_548 = tpu.vector_load %arg17[%swap3A_547] {strides = array<i32>} : memref<128xf32, #tpu.memory_space<vmem>>, vector<16xf32>,
      tpu.vector_store %arg17[%swap3A_547], %bitcast_convert_type3A_546 {strides = array<i32>} : memref<128xf32, #tpu.memory_space<vmem>>, vector<16xf32>,
      %get3A_549 = arith.constant 64 : index
      %get3A_550 = tpu.vector_load %arg15[%get3A_549] {strides = array<i32>} : memref<128xi32, #tpu.memory_space<vmem>>, vector<16xi32>,
      %ge3A_551 = arith.constant 0 : i32
      %ge3A_552 = vector.broadcast %ge3A_551 : i32 to vector<16xi32>
      %ge3A_553 = arith.cmpi sge, %get3A_550, %ge3A_552 : vector<16xi32>
      %xor3A_554 = arith.constant 2147483647 : i32
      %xor3A_555 = vector.broadcast %xor3A_554 : i32 to vector<16xi32>
      %xor3A_556 = arith.xori %get3A_550, %xor3A_555 : vector<16xi32>
      %select_n3A_557 = arith.select %ge3A_553, %get3A_550, %xor3A_556 : vector<16xi1>, vector<16xi32>
      %eq3A_558 = arith.constant -2147483648 : i32
      %eq3A_559 = vector.broadcast %eq3A_558 : i32 to vector<16xi32>
      %eq3A_560 = arith.cmpi eq, %get3A_550, %eq3A_559 : vector<16xi32>
      %jit3A_561 = arith.constant -8388608 : i32
      %broadcast_in_dim3A_562 = vector.broadcast %jit3A_561 : i32 to vector<16xi32>
      %select_n3A_563 = arith.select %eq3A_560, %broadcast_in_dim3A_562, %select_n3A_557 : vector<16xi1>, vector<16xi32>
      %bitcast_convert_type3A_564 = tpu.bitcast %select_n3A_563 : vector<16xi32> -> vector<16xf32>
      %swap3A_565 = arith.constant 64 : index
      %swap3A_566 = tpu.vector_load %arg17[%swap3A_565] {strides = array<i32>} : memref<128xf32, #tpu.memory_space<vmem>>, vector<16xf32>,
      tpu.vector_store %arg17[%swap3A_565], %bitcast_convert_type3A_564 {strides = array<i32>} : memref<128xf32, #tpu.memory_space<vmem>>, vector<16xf32>,
      %get3A_567 = arith.constant 80 : index
      %get3A_568 = tpu.vector_load %arg15[%get3A_567] {strides = array<i32>} : memref<128xi32, #tpu.memory_space<vmem>>, vector<16xi32>,
      %ge3A_569 = arith.constant 0 : i32
      %ge3A_570 = vector.broadcast %ge3A_569 : i32 to vector<16xi32>
      %ge3A_571 = arith.cmpi sge, %get3A_568, %ge3A_570 : vector<16xi32>
      %xor3A_572 = arith.constant 2147483647 : i32
      %xor3A_573 = vector.broadcast %xor3A_572 : i32 to vector<16xi32>
      %xor3A_574 = arith.xori %get3A_568, %xor3A_573 : vector<16xi32>
      %select_n3A_575 = arith.select %ge3A_571, %get3A_568, %xor3A_574 : vector<16xi1>, vector<16xi32>
      %eq3A_576 = arith.constant -2147483648 : i32
      %eq3A_577 = vector.broadcast %eq3A_576 : i32 to vector<16xi32>
      %eq3A_578 = arith.cmpi eq, %get3A_568, %eq3A_577 : vector<16xi32>
      %jit3A_579 = arith.constant -8388608 : i32
      %broadcast_in_dim3A_580 = vector.broadcast %jit3A_579 : i32 to vector<16xi32>
      %select_n3A_581 = arith.select %eq3A_578, %broadcast_in_dim3A_580, %select_n3A_575 : vector<16xi1>, vector<16xi32>
      %bitcast_convert_type3A_582 = tpu.bitcast %select_n3A_581 : vector<16xi32> -> vector<16xf32>
      %swap3A_583 = arith.constant 80 : index
      %swap3A_584 = tpu.vector_load %arg17[%swap3A_583] {strides = array<i32>} : memref<128xf32, #tpu.memory_space<vmem>>, vector<16xf32>,
      tpu.vector_store %arg17[%swap3A_583], %bitcast_convert_type3A_582 {strides = array<i32>} : memref<128xf32, #tpu.memory_space<vmem>>, vector<16xf32>,
      %get3A_585 = arith.constant 96 : index
      %get3A_586 = tpu.vector_load %arg15[%get3A_585] {strides = array<i32>} : memref<128xi32, #tpu.memory_space<vmem>>, vector<16xi32>,
      %ge3A_587 = arith.constant 0 : i32
      %ge3A_588 = vector.broadcast %ge3A_587 : i32 to vector<16xi32>
      %ge3A_589 = arith.cmpi sge, %get3A_586, %ge3A_588 : vector<16xi32>
      %xor3A_590 = arith.constant 2147483647 : i32
      %xor3A_591 = vector.broadcast %xor3A_590 : i32 to vector<16xi32>
      %xor3A_592 = arith.xori %get3A_586, %xor3A_591 : vector<16xi32>
      %select_n3A_593 = arith.select %ge3A_589, %get3A_586, %xor3A_592 : vector<16xi1>, vector<16xi32>
      %eq3A_594 = arith.constant -2147483648 : i32
      %eq3A_595 = vector.broadcast %eq3A_594 : i32 to vector<16xi32>
      %eq3A_596 = arith.cmpi eq, %get3A_586, %eq3A_595 : vector<16xi32>
      %jit3A_597 = arith.constant -8388608 : i32
      %broadcast_in_dim3A_598 = vector.broadcast %jit3A_597 : i32 to vector<16xi32>
      %select_n3A_599 = arith.select %eq3A_596, %broadcast_in_dim3A_598, %select_n3A_593 : vector<16xi1>, vector<16xi32>
      %bitcast_convert_type3A_600 = tpu.bitcast %select_n3A_599 : vector<16xi32> -> vector<16xf32>
      %swap3A_601 = arith.constant 96 : index
      %swap3A_602 = tpu.vector_load %arg17[%swap3A_601] {strides = array<i32>} : memref<128xf32, #tpu.memory_space<vmem>>, vector<16xf32>,
      tpu.vector_store %arg17[%swap3A_601], %bitcast_convert_type3A_600 {strides = array<i32>} : memref<128xf32, #tpu.memory_space<vmem>>, vector<16xf32>,
      %get3A_603 = arith.constant 112 : index
      %get3A_604 = tpu.vector_load %arg15[%get3A_603] {strides = array<i32>} : memref<128xi32, #tpu.memory_space<vmem>>, vector<16xi32>,
      %ge3A_605 = arith.constant 0 : i32
      %ge3A_606 = vector.broadcast %ge3A_605 : i32 to vector<16xi32>
      %ge3A_607 = arith.cmpi sge, %get3A_604, %ge3A_606 : vector<16xi32>
      %xor3A_608 = arith.constant 2147483647 : i32
      %xor3A_609 = vector.broadcast %xor3A_608 : i32 to vector<16xi32>
      %xor3A_610 = arith.xori %get3A_604, %xor3A_609 : vector<16xi32>
      %select_n3A_611 = arith.select %ge3A_607, %get3A_604, %xor3A_610 : vector<16xi1>, vector<16xi32>
      %eq3A_612 = arith.constant -2147483648 : i32
      %eq3A_613 = vector.broadcast %eq3A_612 : i32 to vector<16xi32>
      %eq3A_614 = arith.cmpi eq, %get3A_604, %eq3A_613 : vector<16xi32>
      %jit3A_615 = arith.constant -8388608 : i32
      %broadcast_in_dim3A_616 = vector.broadcast %jit3A_615 : i32 to vector<16xi32>
      %select_n3A_617 = arith.select %eq3A_614, %broadcast_in_dim3A_616, %select_n3A_611 : vector<16xi1>, vector<16xi32>
      %bitcast_convert_type3A_618 = tpu.bitcast %select_n3A_617 : vector<16xi32> -> vector<16xf32>
      %swap3A_619 = arith.constant 112 : index
      %swap3A_620 = tpu.vector_load %arg17[%swap3A_619] {strides = array<i32>} : memref<128xf32, #tpu.memory_space<vmem>>, vector<16xf32>,
      tpu.vector_store %arg17[%swap3A_619], %bitcast_convert_type3A_618 {strides = array<i32>} : memref<128xf32, #tpu.memory_space<vmem>>, vector<16xf32>,
      "tpu.region"() ({
        %run_scoped3A = tpu.sem_alloc : memref<!tpu.dma_semaphore, #tpu.memory_space<semaphore_mem>>
        %dma_start3A = arith.constant 0 : i32
        %dma_start3A_622 = tpu.memref_slice %arg5[%add3A_19, %dma_start3A] : memref<64x128xf32, #tpu.memory_space<hbm>> -> memref<1x128xf32, #tpu.memory_space<hbm>>
        %dma_start3A_623 = tpu.memref_squeeze %dma_start3A_622 : memref<1x128xf32, #tpu.memory_space<hbm>> -> memref<128xf32, #tpu.memory_space<hbm>>
        %dma_start3A_624 = arith.constant 0 : i32
        %dma_start3A_625 = tpu.memref_slice %arg5[%add3A_19, %dma_start3A_624] : memref<64x128xf32, #tpu.memory_space<hbm>> -> memref<1x128xf32, #tpu.memory_space<hbm>>
        %dma_start3A_626 = tpu.memref_squeeze %dma_start3A_625 : memref<1x128xf32, #tpu.memory_space<hbm>> -> memref<128xf32, #tpu.memory_space<hbm>>
        tpu.enqueue_dma source(%arg17 : memref<128xf32, #tpu.memory_space<vmem>>) target(%dma_start3A_626 : memref<128xf32, #tpu.memory_space<hbm>>) target_semaphore(%run_scoped3A : memref<!tpu.dma_semaphore, #tpu.memory_space<semaphore_mem>>)
        %dma_wait3A = arith.constant 0 : i32
        %dma_wait3A_627 = tpu.memref_slice %arg5[%add3A_19, %dma_wait3A] : memref<64x128xf32, #tpu.memory_space<hbm>> -> memref<1x128xf32, #tpu.memory_space<hbm>>
        %dma_wait3A_628 = tpu.memref_squeeze %dma_wait3A_627 : memref<1x128xf32, #tpu.memory_space<hbm>> -> memref<128xf32, #tpu.memory_space<hbm>>
        %dma_wait3A_629 = arith.constant 0 : i32
        %dma_wait3A_630 = tpu.memref_slice %arg5[%add3A_19, %dma_wait3A_629] : memref<64x128xf32, #tpu.memory_space<hbm>> -> memref<1x128xf32, #tpu.memory_space<hbm>>
        %dma_wait3A_631 = tpu.memref_squeeze %dma_wait3A_630 : memref<1x128xf32, #tpu.memory_space<hbm>> -> memref<128xf32, #tpu.memory_space<hbm>>
        tpu.wait_dma2 semaphore(%run_scoped3A : memref<!tpu.dma_semaphore, #tpu.memory_space<semaphore_mem>>) src(%arg17 : memref<128xf32, #tpu.memory_space<vmem>>) dst(%dma_wait3A_631 : memref<128xf32, #tpu.memory_space<hbm>>)
        tpu.yield
      }) : () -> ()
      "tpu.region"() ({
        %run_scoped3A = tpu.sem_alloc : memref<!tpu.dma_semaphore, #tpu.memory_space<semaphore_mem>>
        %dma_start3A = arith.constant 0 : i32
        %dma_start3A_622 = tpu.memref_slice %arg6[%add3A_19, %dma_start3A] : memref<64x128xi32, #tpu.memory_space<hbm>> -> memref<1x128xi32, #tpu.memory_space<hbm>>
        %dma_start3A_623 = tpu.memref_squeeze %dma_start3A_622 : memref<1x128xi32, #tpu.memory_space<hbm>> -> memref<128xi32, #tpu.memory_space<hbm>>
        %dma_start3A_624 = arith.constant 0 : i32
        %dma_start3A_625 = tpu.memref_slice %arg6[%add3A_19, %dma_start3A_624] : memref<64x128xi32, #tpu.memory_space<hbm>> -> memref<1x128xi32, #tpu.memory_space<hbm>>
        %dma_start3A_626 = tpu.memref_squeeze %dma_start3A_625 : memref<1x128xi32, #tpu.memory_space<hbm>> -> memref<128xi32, #tpu.memory_space<hbm>>
        tpu.enqueue_dma source(%arg16 : memref<128xi32, #tpu.memory_space<vmem>>) target(%dma_start3A_626 : memref<128xi32, #tpu.memory_space<hbm>>) target_semaphore(%run_scoped3A : memref<!tpu.dma_semaphore, #tpu.memory_space<semaphore_mem>>)
        %dma_wait3A = arith.constant 0 : i32
        %dma_wait3A_627 = tpu.memref_slice %arg6[%add3A_19, %dma_wait3A] : memref<64x128xi32, #tpu.memory_space<hbm>> -> memref<1x128xi32, #tpu.memory_space<hbm>>
        %dma_wait3A_628 = tpu.memref_squeeze %dma_wait3A_627 : memref<1x128xi32, #tpu.memory_space<hbm>> -> memref<128xi32, #tpu.memory_space<hbm>>
        %dma_wait3A_629 = arith.constant 0 : i32
        %dma_wait3A_630 = tpu.memref_slice %arg6[%add3A_19, %dma_wait3A_629] : memref<64x128xi32, #tpu.memory_space<hbm>> -> memref<1x128xi32, #tpu.memory_space<hbm>>
        %dma_wait3A_631 = tpu.memref_squeeze %dma_wait3A_630 : memref<1x128xi32, #tpu.memory_space<hbm>> -> memref<128xi32, #tpu.memory_space<hbm>>
        tpu.wait_dma2 semaphore(%run_scoped3A : memref<!tpu.dma_semaphore, #tpu.memory_space<semaphore_mem>>) src(%arg16 : memref<128xi32, #tpu.memory_space<vmem>>) dst(%dma_wait3A_631 : memref<128xi32, #tpu.memory_space<hbm>>)
        tpu.yield
      }) : () -> ()
      %scan3A_621 = arith.constant 0 : i32
      scf.yield %scan3A_621 : i32
    }
    %scan3A_16 = arith.constant 2 : i32
    return
  }
}

</mosaic_0001>

<sc_bundles>
// kernel: kernel.3.cloned.1.call-start
scs
__scs_entry_jumppad:
0x0: {  	(pc) =	sbr.rel $0x88, $3  }
0x1: {  	(tag) =	ssettag $0x0;
	lr =	simm.s32 $0x1  }
0x2: {  	[smem:$0x3F9E] =	sst lr;
	_ =	strace $0xD0000000  }
0x3: {  	_ = 	snop  }
0x4: {  	_ = 	snop  }
0x5: {  	_ = 	snop  }
0x6: {  	_ = 	snop  }
0x7: {  	_ = 	snop  }
__scs_overlays_trampoline_lowered:
0x8: {  	[smem:$0x3FAD] =	sst s0  }
0x9: {  	[smem:$0x3FAE] =	sst s1  }
0xa: {  	[smem:$0x3FAF] =	sst s2  }
0xb: {  	[smem:$0x3FB0] =	sst s3  }
0xc: {  	[smem:$0x3FB1] =	sst s4  }
0xd: {  	[smem:$0x3FB2] =	sst s5  }
0xe: {  	[smem:$0x3FB3] =	sst s6  }
0xf: {  	[smem:$0x3FB4] =	sst s7  }
0x10: {  	[smem:$0x3FB5] =	sst s8  }
0x11: {  	[smem:$0x3FB6] =	sst s9;
	s0 =	simm.s32 @!p0 $0x0  }
0x12: {  	s1 =	sld [smem:$0x3F9C];
	s0 =	simm.s32 @p0 $0x1  }
0x13: {  	[smem:$0x3FB7] =	sst s0;
	s0 =	simm.s32 @!p1 $0x0  }
0x14: {  	s2 =	sld [smem:$0x3F9B];
	s0 =	simm.s32 @p1 $0x1  }
0x15: {  	[smem:$0x3FB8] =	sst s0;
	s0 =	simm.s32 @!p2 $0x0  }
0x16: {  	s3 =	sld [smem:$0x3FDB];
	s0 =	simm.s32 @p2 $0x1  }
0x17: {  	s4 =	simm.s32 $0x1BF5;
	[smem:$0x3FBA] =	sst s0  }
0x18: {  	s0 =	sld [smem:$0x3F9D];
	_ =	swait.ge [sflag:s4], $0x0  }
0x19: {  	s7 =	sld [smem:$0x3F9E]  }
0x1a: {  	s8 =	sadd.s32 $0xFFFFE003, lr  }
0x1b: {  	s9 =	sadd.s32 $0xFFFFFEF7, lr;
	s5 =	simm.s32 $0xFFFFFFFF;
	p2 =	slt.u32 s8, $0xFFFFF086  }
0x1c: {  	p1 =	slt.u32 s9, $0xF7A;
	s5 =	simm.s32 @!p2 $0x0  }
0x1d: {  	s5 =	simm.s32 @p1 $0x1;
	p0 =	seq.s32 s7, s2  }
0x1e: {  	s7 =	smul.u32 @!p0 $0xF7A, s2;
	p2 =	seq.s32 @!p0 s5, $0x0  }
0x1f: {  	s9 =	smul.u32 $0xF7A, s1;
	s8 =	simm.s32 @!p0 $0x1BF5;
	p2 =	por !p2, p0  }
0x20: {  	[sflag:s8] =	ssyncset.s32 @!p0 $0xFFFFF086;
	s6 =	sadd.s32 @!p0 s3, s7;
	s7 =	simm.s32 @!p0 $0x108  }
0x21: {  	s3 =	sadd.s32 s3, s9;
	s6 =	sadd.s32 @!p0 $0x88, s6;
	s7 =	simm.s32 @p2 $0x1082  }
0x22: {  	[simem:s7], [sflag:s8] =	dma.local @!p0 [hbm:s6], $0xF7A  }
0x23: {  	s9 =	sor.u32 $0xD0000000, s2;
	s6 =	simm.s32 $0x108;
	_ =	swait.ge @!p0 [sflag:s8], $0x0  }
0x24: {  	s3 =	sadd.s32 $0x88, s3;
	s6 =	simm.s32 @!p1 $0x1082;
	[sflag:s4] =	ssyncset.s32 $0xFFFFF086  }
0x25: {  	[simem:s6], [sflag:s4] =	dma.local [hbm:s3], $0xF7A  }
0x26: {  	[smem:$0x3F9E] =	sst s1;
	(tag) =	ssettag s2;
	_ =	strace s9  }
0x27: {  	s1 =	sld [smem:$0x3FAE]  }
0x28: {  	s2 =	sld [smem:$0x3FAF]  }
0x29: {  	s4 =	sld [smem:$0x3FB1]  }
0x2a: {  	p0 =	seq.s32 s5, $0x0;
	s5 =	sld [smem:$0x3FB2]  }
0x2b: {  	s6 =	sld [smem:$0x3FB3]  }
0x2c: {  	s7 =	sld [smem:$0x3FB4]  }
0x2d: {  	s3 =	simm.s32 $0x108;
	s8 =	sld [smem:$0x3FB5]  }
0x2e: {  	s3 =	simm.s32 @!p0 $0x1082;
	s9 =	sld [smem:$0x3FB6]  }
0x2f: {  	lr =	sadd.s32 s0, s3;
	s0 =	sld [smem:$0x3FAD]  }
0x30: {  	s3 =	sld [smem:$0x3FB0]  }
0x31: {  	[smem:$0x3FB9] =	sst s10  }
0x32: {  	s10 =	sld [smem:$0x3FB7];
	_ =	sdelay $0x3  }
0x33: {  	p0 =	seq.s32 s10, $0x1;
	s10 =	sld [smem:$0x3FB9];
	_ =	sdelay $0x3  }
0x34: {  	[smem:$0x3FB9] =	sst s10  }
0x35: {  	s10 =	sld [smem:$0x3FB8];
	_ =	sdelay $0x3  }
0x36: {  	p1 =	seq.s32 s10, $0x1;
	s10 =	sld [smem:$0x3FB9];
	_ =	sdelay $0x3  }
0x37: {  	[smem:$0x3FB9] =	sst s10  }
0x38: {  	s10 =	sld [smem:$0x3FBA]  }
0x39: {  	_ = 	snop;
	(pc) =	sbr.ind lr, $3  }
0x3a: {  	_ = 	snop  }
0x3b: {  	_ = 	snop  }
0x3c: {  	p2 =	seq.s32 s10, $0x1;
	s10 =	sld [smem:$0x3FB9]  }
0x3d: {  	_ =	shalt  }
0x3e: {  	_ =	shalt  }
0x3f: {  	_ =	shalt  }
0x40: {  	_ =	shalt  }
0x41: {  	_ =	shalt  }
0x42: {  	_ =	shalt  }
0x43: {  	_ =	shalt  }
0x44: {  	_ =	shalt  }
0x45: {  	_ =	shalt  }
0x46: {  	_ =	shalt  }
0x47: {  	_ =	shalt  }
0x48: {  	_ =	shalt  }
0x49: {  	_ =	shalt  }
0x4a: {  	_ =	shalt  }
0x4b: {  	_ =	shalt  }
0x4c: {  	_ =	shalt  }
0x4d: {  	_ =	shalt  }
0x4e: {  	_ =	shalt  }
0x4f: {  	_ =	shalt  }
0x50: {  	_ =	shalt  }
0x51: {  	_ =	shalt  }
0x52: {  	_ =	shalt  }
0x53: {  	_ =	shalt  }
0x54: {  	_ =	shalt  }
0x55: {  	_ =	shalt  }
0x56: {  	_ =	shalt  }
0x57: {  	_ =	shalt  }
0x58: {  	_ =	shalt  }
0x59: {  	_ =	shalt  }
0x5a: {  	_ =	shalt  }
0x5b: {  	_ =	shalt  }
0x5c: {  	_ =	shalt  }
0x5d: {  	_ =	shalt  }
0x5e: {  	_ =	shalt  }
0x5f: {  	_ =	shalt  }
0x60: {  	_ =	shalt  }
0x61: {  	_ =	shalt  }
0x62: {  	_ =	shalt  }
0x63: {  	_ =	shalt  }
0x64: {  	_ =	shalt  }
0x65: {  	_ =	shalt  }
0x66: {  	_ =	shalt  }
0x67: {  	_ =	shalt  }
0x68: {  	_ =	shalt  }
0x69: {  	_ =	shalt  }
0x6a: {  	_ =	shalt  }
0x6b: {  	_ =	shalt  }
0x6c: {  	_ =	shalt  }
0x6d: {  	_ =	shalt  }
0x6e: {  	_ =	shalt  }
0x6f: {  	_ =	shalt  }
0x70: {  	_ =	shalt  }
0x71: {  	_ =	shalt  }
0x72: {  	_ =	shalt  }
0x73: {  	_ =	shalt  }
0x74: {  	_ =	shalt  }
0x75: {  	_ =	shalt  }
0x76: {  	_ =	shalt  }
0x77: {  	_ =	shalt  }
0x78: {  	_ =	shalt  }
0x79: {  	_ =	shalt  }
0x7a: {  	_ =	shalt  }
0x7b: {  	_ =	shalt  }
0x7c: {  	_ =	shalt  }
0x7d: {  	_ =	shalt  }
0x7e: {  	_ =	shalt  }
0x7f: {  	_ =	shalt  }
0x80: {  	_ =	shalt  }
0x81: {  	_ =	shalt  }
0x82: {  	_ =	shalt  }
0x83: {  	_ =	shalt  }
0x84: {  	_ =	shalt  }
0x85: {  	_ =	shalt  }
0x86: {  	_ =	shalt  }
0x87: {  	_ =	shalt  }
.Lfunc_end0:
.L_simem_size_0:
called_computation_lowered:
.L_overlay_start_0:
0x88: {  	s2 =	sld [smem:$0x3FD9]  }
0x89: {  	s3 =	sld [smem:$0x3FFE];
	_ =	sdelay $0x1  }
0x8a: {  	s1 =	srdreg.scid  }
0x8b: {  	s0 =	sand.u32 $0x1, s1  }
0x8c: {  	s14 =	sshll.u32 s0, $0xA;
	s2 =	sadd.s32 s3, s2  }
0x8d: {  	s2 =	sadd.s32 s2, s14  }
0x8e: {  	[smem:$0x3FC5] =	sst s2  }
0x8f: {  	_ = 	snop  }
0x90: {  	s2 =	sld [smem:$0x3FD0];
	_ =	sdelay $0x1  }
0x91: {  	s15 =	sld [smem:$0x3FC8]  }
0x92: {  	s5 =	simm.s32 $0xA;
	s6 =	simm.s32 $0x10;
	s4 =	sld [smem:$0x3FC7]  }
0x93: {  	[smem:s6], [sflag:s5] =	dma.local [hbm:s2], $0x1  }
0x94: {  	_ =	swait.eq [sflag:s5], $0x1  }
0x95: {  	[sflag:s5] =	ssyncset.done $0x0  }
0x96: {  	s16 =	sld [smem:$0x10];
	[sflag:s5] =	ssyncadd.s32 $0xFFFFFFFF  }
0x97: {  	s17 =	sld [smem:$0x11];
	(tm) =	ssettm $0x1  }
0x98: {  	s18 =	sld [smem:$0x3FFB];
	_ =	sdelay $0x3  }
0x99: {  	_ =	strace s18  }
0x9a: {  	s6 =	sld [smem:$0x3FFC];
	_ =	sdelay $0x3  }
0x9b: {  	_ =	strace s6  }
0x9c: {  	s6 =	sld [smem:$0x3FFD];
	_ =	sdelay $0x3  }
0x9d: {  	_ =	strace s6  }
0x9e: {  	_ =	strace $0x8FFFFFFF  }
0x9f: {  	s19 =	sld [smem:$0x3FDB];
	_ =	sdelay $0x1  }
0xa0: {  	s7 =	simm.s32 $_scs_section_size  }
0xa1: {  	s8 =	simm.s32 $_size__tile_overlayer_lowered;
	s9 =	simm.s32 $_tile_overlayer_lowered  }
0xa2: {  	s22 =	simm.s32 $0x1BFF;
	s21 =	sshll.u32 s9, $0x1;
	s6 =	sadd.s32 s7, s19  }
0xa3: {  	s10 =	simm.s32 $0x0;
	s20 =	sshll.u32 s8, $0x1;
	s8 =	sadd.s32 s21, s6  }
0xa4: {  	[timem:s10], [sflag:s22] =	dma.local [hbm:s8], s20  }
0xa5: {  	_ =	swait.ge [sflag:s22], s20  }
0xa6: {  	s7 =	ssub.s32 $0x0, s20;
	[sflag:s22] =	ssyncset.done $0x0  }
0xa7: {  	[sflag:s22] =	ssyncadd.s32 s7;
	_ =	sdelay $0x1  }
0xa8: {  	s23 =	simm.s32 $0x1B8B  }
0xa9: {  	_ =	swait.ge [sflag:s23], $0x1  }
0xaa: {  	[sflag:s23] =	ssyncset.done $0x0  }
0xab: {  	s25 =	simm.s32 $0x1B8E;
	s24 =	sld [smem:$0x3FFE];
	[sflag:s23] =	ssyncadd.s32 $0xFFFFFFFF  }
0xac: {  	s26 =	simm.s32 $execute0_lowered;
	[smem:$0x3FD2] =	sst s25  }
0xad: {  	s8 =	sshll.u32 s26, $0x1;
	_ =	strace $0x80000046;
	[dreg:$0x1] =	wrdreg $0xFFFFFFFF  }
0xae: {  	s28 =	simm.s32 $_size_execute0_lowered;
	s6 =	sadd.s32 s6, s8;
	[dreg:$0x0] =	wrdreg $0x0  }
0xaf: {  	s8 =	sshll.u32 s28, $0x1;
	[dreg:$0x2] =	wrdreg s6  }
0xb0: {  	[dreg:$0x3] =	wrdreg s8  }
0xb1: {  	[dreg:$0x4] =	wrdreg $0xC0  }
0xb2: {  	_ =	task [dreg:s10], $0x5FFFF  }
0xb3: {  	[dreg:$0x1] =	wrdreg $0xFFFFFFFF  }
0xb4: {  	[dreg:$0x0] =	wrdreg $0x60  }
0xb5: {  	[dreg:$0x2] =	wrdreg s24  }
0xb6: {  	[dreg:$0x3] =	wrdreg s15  }
0xb7: {  	[dreg:$0x4] =	wrdreg s4  }
0xb8: {  	[dreg:$0x5] =	wrdreg s16  }
0xb9: {  	[dreg:$0x6] =	wrdreg s17  }
0xba: {  	[dreg:$0x7] =	wrdreg $0x9  }
0xbb: {  	_ =	task.clear_ibuf [dreg:s10], $0x8FFFF;
	_ =	strace $0x90000046  }
0xbc: {  	s29 =	simm.s32 $0x9;
	_ =	strace $0x80000048  }
0xbd: {  	_ =	swait.ge [sflag:s29], $0x1  }
0xbe: {  	[sflag:s29] =	ssyncadd.s32 $0xFFFFFFFF  }
0xbf: {  	_ =	strace $0x90000048  }
0xc0: {  	_ =	sfence  }
0xc1: {  	s30 =	sld [smem:$0x0];
	_ =	sdelay $0x2  }
0xc2: {  	s31 =	sshll.u32 s1, $0xD;
	s1 =	sshrl.u32 s1, $0x2  }
0xc3: {  	s3 =	sand.u32 $0x4000, s31;
	s1 =	sadd.s32 s1, s30  }
0xc4: {  	s0 =	sor.u32 s3, s0;
	s1 =	sshll.u32 s1, $0x11  }
0xc5: {  	s0 =	sor.u32 s1, s0  }
0xc6: {  	s0 =	sadd.s32 $0x8F2B, s0  }
0xc7: {  	[sflag:s0] =	ssyncadd.remote.s32 $0x1  }
0xc8: {  	_ =	sfence.sel $0xFFFF  }
0xc9: {  	[dreg:$0x0] =	wrdreg $0xFFFFFFFF;
	(pc) =	sbr.abs _section_cstart, $3  }
0xca: {  	[dreg:$0x1] =	wrdreg $0xFFFFFFFF  }
0xcb: {  	_ =	task.clear_ibuf [dreg:s10], $0x2FFFF;
	_ =	strace $0x9FFFFFFF  }
0xcc: {  	(tm) =	ssettm $0x7FFFFFFF  }
0xcd: {  	_ =	shalt  }
tec
execute0_lowered:
.L_overlay_start_1:
0x0: {  	(tag) =	ssettag $0x1  }
0x1: {  	s0 =	rddreg [dreg:$0x0];
	s5 =	simm.s32 $0x0;
	s1 =	srdreg.scid  }
0x2: {  	s4 =	stileid.u32;
	s13 =	simm.s32 $0x1;
	s16 =	simm.s32 $0x400  }
0x3: {  	s17 =	simm.s32 $0x8000;
	s18 =	simm.s32 $0xBB80;
	s19 =	simm.s32 $0xBC00  }
0x4: {  	s20 =	simm.s32 $0xBC80;
	[smem:$0x7FF] =	sst s5;
	s1 =	sand.u32 $0x1, s1  }
.Ltmp0:
0x5: {  	s7 =	sadd.s32 $0x600, s0;
	s2 =	ssub.s32 $0x2, s1;
	(pc) =	sbr.rel .LBB2_1-.Ltmp0, $4  }
0x6: {  	v0 =	vlaneseq.u32;
	s3 =	sshll.u32 s4, $0x2;
	s4 =	sshrl.u32 s4, $0x1;
	s31 =	sshrl.u32 s2, $0x1  }
0x7: {  	v4 =	vmul.u32 $0xFFFFFFFF, v0;
	_ =	strace $0x80000047;
	s1 =	sshll.u32 s1, $0x1;
	s0 =	ssub.s32 s2, s31  }
0x8: {  	v1 =	vimm.s32 $0x0;
	v2 =	vmul.u32 $0x100, v0;
	s9 =	sshll.u32 s4, $0x12;
	s10 =	sshll.u32 s4, $0xA;
	s0 =	smax.u32 s0, $0x1  }
0x9: {  	v3 =	vimm.s32 $0x1;
	vm14 =	vmxor vm14, vm14;
	s8 =	sor.u32 s1, s3;
	v4 =	vadd.s32 $0xF, v4;
	s1 =	simm.s32 $0x0;
	[dreg:$0x6] =	wrdreg s0  }
.LBB2_73:
0xa: {  	s1 =	rddreg [dreg:$0x7]  }
0xb: {  	s0 =	rddreg [dreg:$0x6];
	s1 =	sadd.s32 $0x1, s1  }
0xc: {  	p0 =	sne.s32 s1, s0  }
.Ltmp1:
0xd: {  	_ = 	snop;
	(pc) =	sbr.rel @!p0 .LBB2_74-.Ltmp1, $1  }
0xe: {  	_ =	sdelay $0x3  }
.LBB2_1:
0xf: {  	[dreg:$0x7] =	wrdreg s1  }
0x10: {  	s0 =	rddreg [dreg:$0x1];
	s29 =	simm.s32 $0xBD00  }
0x11: {  	[tilespmem:s29], [sflag:$0x1] =	stream.linear.gather [hbm4b:s0+s5], $0x40, $0x38;
	[tilespmem:$0xBE00] =	vst v63  }
0x12: {  	_ =	swait.ge [sflag:s13], $0x40  }
0x13: {  	[sflag:s13] =	ssyncset.done $0x0  }
0x14: {  	[sflag:s13] =	ssyncadd.s32 $0xFFFFFFC0  }
0x15: {  	s31 =	simm.s32 $0xBD80;
	s30 =	rddreg [dreg:$0x2]  }
0x16: {  	[tilespmem:s31], [sflag:$0x1] =	stream.linear.gather [hbm4b:s30+s5], $0x40, $0x38;
	[tilespmem:$0xBE00] =	vst v63  }
0x17: {  	_ =	swait.ge [sflag:s13], $0x40  }
0x18: {  	[sflag:s13] =	ssyncset.done $0x0  }
0x19: {  	p1 =	por $0x1, $0x1;
	s0 =	simm.s32 $0x0;
	[sflag:s13] =	ssyncadd.s32 $0xFFFFFFC0  }
.LBB2_2:
0x1a: {  	s1 =	sor.u32 s8, s0  }
0x1b: {  	s0 =	sshll.u32 s1, $0x7  }
0x1c: {  	s22 =	sand.u32 $0x380, s0  }
0x1d: {  	s0 =	sor.u32 s9, s22  }
0x1e: {  	s0 =	sshrl.u32 s0, $0x3  }
0x1f: {  	s31 =	simm.s32 $0x0;
	s3 =	simm.s32 $0x80;
	s2 =	sadd.s32 s7, s0  }
0x20: {  	[tilespmem:s31], [sflag:$0x1] =	stream.strided.gather [hbm4b:s2+s3], $0x8000, s16, s3, $0x38;
	[tilespmem:$0xBE00] =	vst v63  }
0x21: {  	_ =	swait.ge [sflag:s13], $0x8000  }
0x22: {  	[sflag:s13] =	ssyncset.done $0x0  }
0x23: {  	[sflag:s13] =	ssyncadd.s32 $0xFFFF8000  }
0x24: {  	v7 =	vld [tilespmem:s1+$0xBD00]  }
0x25: {  	v8 =	vld [tilespmem:s1+$0xBD80];
	s1 =	simm.s32 $0x8000  }
0x26: {  	p0 =	por p1, p1;
	s0 =	sand.u32 $0xF0, s31;
	s2 =	simm.s32 $0x10;
	[tilespmem:s1+$0x0] =	vst v1  }
.LBB2_3:
0x27: {  	p1 =	seq.s32 s2, $0xF0;
	[tilespmem:s0+$0x8100] =	vst v1  }
0x28: {  	[tilespmem:s0+$0x8200] =	vst v1  }
0x29: {  	[tilespmem:s0+$0x8300] =	vst v1  }
0x2a: {  	[tilespmem:s0+$0x8400] =	vst v1  }
0x2b: {  	[tilespmem:s0+$0x8500] =	vst v1  }
0x2c: {  	[tilespmem:s0+$0x8600] =	vst v1  }
0x2d: {  	[tilespmem:s0+$0x8700] =	vst v1  }
0x2e: {  	[tilespmem:s0+$0x8800] =	vst v1  }
0x2f: {  	[tilespmem:s0+$0x8900] =	vst v1  }
0x30: {  	[tilespmem:s0+$0x8A00] =	vst v1  }
0x31: {  	[tilespmem:s0+$0x8B00] =	vst v1  }
.Ltmp2:
0x32: {  	[tilespmem:s0+$0x8C00] =	vst v1;
	(pc) =	sbr.rel @!p1 .LBB2_3-.Ltmp2, $4  }
0x33: {  	[tilespmem:s0+$0x8D00] =	vst v1  }
0x34: {  	[tilespmem:s0+$0x8E00] =	vst v1  }
0x35: {  	s1 =	sadd.s32 $0x10, s1;
	[tilespmem:s0+$0x8F00] =	vst v1  }
0x36: {  	s0 =	sand.u32 $0xF0, s2;
	s2 =	sadd.s32 $0x10, s2;
	[tilespmem:s1+$0x0] =	vst v1  }
0x37: {  	[tilespmem:s0+$0x8100] =	vst v1  }
0x38: {  	[tilespmem:s0+$0x8200] =	vst v1  }
0x39: {  	[tilespmem:s0+$0x8300] =	vst v1  }
0x3a: {  	[tilespmem:s0+$0x8400] =	vst v1  }
0x3b: {  	[tilespmem:s0+$0x8500] =	vst v1  }
0x3c: {  	[tilespmem:s0+$0x8600] =	vst v1  }
0x3d: {  	[tilespmem:s0+$0x8700] =	vst v1  }
0x3e: {  	[tilespmem:s0+$0x8800] =	vst v1  }
0x3f: {  	[tilespmem:s0+$0x8900] =	vst v1  }
0x40: {  	[tilespmem:s0+$0x8A00] =	vst v1  }
0x41: {  	[tilespmem:s0+$0x8B00] =	vst v1  }
0x42: {  	[tilespmem:s0+$0x8C00] =	vst v1  }
0x43: {  	[tilespmem:s0+$0x8D00] =	vst v1  }
0x44: {  	[tilespmem:s0+$0x8E00] =	vst v1  }
0x45: {  	[tilespmem:s0+$0x8F00] =	vst v1;
	s2 =	simm.s32 $0x70;
	s6 =	simm.s32 $0x40  }
0x46: {  	v5 =	vbroadcast v7, $0x0;
	v6 =	vbroadcast v8, $0x0;
	s26 =	simm.s32 $0x0;
	s1 =	simm.s32 $0x10;
	s28 =	simm.s32 $0x20;
	v9 =	vld [tilespmem:s6+$0x30];
	v16 =	vor.u32 s2, v0  }
0x47: {  	s29 =	simm.s32 $0x30;
	s3 =	simm.s32 $0x40;
	s30 =	simm.s32 $0x50;
	v10 =	vld [tilespmem:s6+$0xFFFFFFC0];
	v20 =	vor.u32 s26, v0;
	v23 =	vor.u32 s1, v0;
	v27 =	vor.u32 s28, v0  }
0x48: {  	s31 =	simm.s32 $0x60;
	v12 =	vld [tilespmem:s6+$0xFFFFFFE0];
	v61 =	vor.u32 s29, v0;
	v29 =	vor.u32 s3, v0;
	v30 =	vor.u32 s30, v0  }
0x49: {  	v13 =	vld [tilespmem:s6+$0xFFFFFFF0];
	v31 =	vor.u32 s31, v0;
	vm0 =	vge.s32 v16, v5;
	vm1 =	vlt.s32 v16, v6  }
0x4a: {  	v14 =	vld [tilespmem:s6+$0x0];
	vm2 =	vge.s32 v23, v5;
	vm3 =	vlt.s32 v23, v6;
	vm4 =	vge.s32 v27, v5  }
0x4b: {  	v17 =	vld [tilespmem:s6+$0x10];
	vm5 =	vlt.s32 v27, v6;
	vm6 =	vge.s32 v61, v5;
	vm7 =	vlt.s32 v61, v6  }
0x4c: {  	v18 =	vld [tilespmem:s6+$0x20];
	vm8 =	vge.s32 v29, v5;
	vm9 =	vlt.s32 v29, v6;
	vm10 =	vge.s32 v30, v5  }
0x4d: {  	vm11 =	vlt.s32 v30, v6;
	vm12 =	vge.s32 v31, v5;
	vm13 =	vlt.s32 v31, v6  }
0x4e: {  	vm0 =	vmand vm0, vm1;
	vm1 =	vlt.s32 v20, v6;
	vm9 =	vmand vm8, vm9  }
0x4f: {  	v11 =	vld [tilespmem:s6+$0xFFFFFFD0];
	vm10 =	vmand vm10, vm11;
	vm11 =	vmand vm12, vm13;
	v15 =	vshra.s32 v9, $0x1F  }
0x50: {  	v16 =	vshra.s32 v10, $0x1F;
	v19 =	vshra.s32 v12, $0x1F;
	v21 =	vshra.s32 v13, $0x1F  }
0x51: {  	v24 =	vshra.s32 v14, $0x1F;
	v26 =	vshra.s32 v17, $0x1F;
	v28 =	vshra.s32 v18, $0x1F  }
0x52: {  	v15 =	vor.u32 $0x80000000, v15;
	v16 =	vor.u32 $0x80000000, v16;
	v19 =	vor.u32 $0x80000000, v19  }
0x53: {  	v21 =	vor.u32 $0x80000000, v21;
	v24 =	vor.u32 $0x80000000, v24;
	v26 =	vor.u32 $0x80000000, v26  }
0x54: {  	v28 =	vor.u32 $0x80000000, v28;
	v9 =	vxor.u32 v9, v15;
	v15 =	vshra.s32 v11, $0x1F  }
0x55: {  	v10 =	vxor.u32 v10, v16;
	v12 =	vxor.u32 v12, v19;
	v13 =	vxor.u32 v13, v21  }
0x56: {  	v14 =	vxor.u32 v14, v24;
	v16 =	vxor.u32 v18, v28;
	v9 =	vnsel vm0, $0x0, v9  }
0x57: {  	v15 =	vor.u32 $0x80000000, v15;
	vm0 =	vge.s32 v20, v5;
	v19 =	vnsel vm9, $0x0, v14  }
0x58: {  	v21 =	vnsel vm11, $0x0, v16;
	v22 =	vshrl.u32 v9, $0x18;
	v11 =	vxor.u32 v11, v15  }
0x59: {  	v15 =	vxor.u32 v17, v26;
	vm0 =	vmand vm0, vm1;
	vm1 =	vmand vm2, vm3  }
0x5a: {  	vm2 =	vmand vm4, vm5;
	vm3 =	vmand vm6, vm7;
	v25 =	vand.u32 $0x80, v22  }
0x5b: {  	[tilespmem:s6+$0x30] =	vst v9;
	v22 =	vand.u32 $0x7F, v22;
	v9 =	vnsel vm0, $0x0, v10;
	v11 =	vnsel vm1, $0x0, v11  }
0x5c: {  	[tilespmem:s6+$0x0] =	vst v19;
	v17 =	vnsel vm2, $0x0, v12;
	v18 =	vnsel vm3, $0x0, v13;
	v20 =	vnsel vm10, $0x0, v15  }
0x5d: {  	[tilespmem:s6+$0x20] =	vst v21;
	v13 =	vshrl.u32 v19, $0x18;
	v25 =	vor.u32 v2, v25;
	v10 =	vshrl.u32 v9, $0x18  }
0x5e: {  	[tilespmem:s6+$0xFFFFFFC0] =	vst v9;
	v14 =	vshrl.u32 v11, $0x18;
	v15 =	vshrl.u32 v17, $0x18;
	v22 =	vor.u32 v22, v25  }
0x5f: {  	[tilespmem:s6+$0xFFFFFFD0] =	vst v11;
	v12 =	vshrl.u32 v18, $0x18;
	v9 =	vshrl.u32 v20, $0x18;
	v11 =	vshrl.u32 v21, $0x18  }
0x60: {  	[tilespmem:s6+$0xFFFFFFF0] =	vst v18;
	v63 =	vand.u32 $0x80, v13;
	v16 =	vand.u32 $0x80, v10;
	v18 =	vand.u32 $0x80, v14  }
0x61: {  	[tilespmem:s6+$0xFFFFFFE0] =	vst v17;
	v23 =	vand.u32 $0x80, v15;
	v62 =	vand.u32 $0x80, v12;
	v19 =	vand.u32 $0x80, v9  }
0x62: {  	s1 =	simm.s32 $0x8000;
	[tilespmem:s6+$0x10] =	vst v20;
	v17 =	vor.u32 v2, v16;
	v16 =	vor.u32 v2, v18;
	v21 =	vor.u32 v2, v23  }
0x63: {  	s0 =	simm.s32 $0x9000;
	s3 =	simm.s32 $0x0;
	s6 =	simm.s32 $0xC0;
	v20 =	vor.u32 v2, v62;
	v18 =	vor.u32 v2, v63;
	[tilespmem:v22+s1+$0x0] =	vst.idx.add.s32.msk $0xffff, v3;
	v22 =	vand.u32 $0x80, v11  }
.LBB2_5:
0x64: {  	v23 =	vld [tilespmem:s6+$0x30];
	s3 =	sadd.s32 $0x8, s3;
	v10 =	vand.u32 $0x7F, v10;
	v19 =	vor.u32 v2, v19;
	v22 =	vor.u32 v2, v22  }
0x65: {  	v14 =	vand.u32 $0x7F, v14;
	v15 =	vand.u32 $0x7F, v15;
	v12 =	vand.u32 $0x7F, v12;
	v24 =	vld [tilespmem:s6+$0xFFFFFFC0];
	p1 =	slt.u32 s3, $0x7F8  }
0x66: {  	v13 =	vand.u32 $0x7F, v13;
	v9 =	vand.u32 $0x7F, v9;
	v11 =	vand.u32 $0x7F, v11;
	v25 =	vld [tilespmem:s6+$0xFFFFFFD0]  }
0x67: {  	v10 =	vor.u32 v10, v17;
	v14 =	vor.u32 v14, v16;
	v15 =	vor.u32 v15, v21;
	v26 =	vld [tilespmem:s6+$0xFFFFFFE0]  }
0x68: {  	s2 =	sadd.s32 $0x80, s2;
	v12 =	vor.u32 v12, v20;
	v13 =	vor.u32 v13, v18;
	v9 =	vor.u32 v9, v19;
	v16 =	vld [tilespmem:s6+$0xFFFFFFF0]  }
0x69: {  	s4 =	sadd.s32 $0xFFFFFFA0, s2;
	s11 =	sadd.s32 $0xFFFFFFB0, s2;
	s12 =	sadd.s32 $0xFFFFFFC0, s2;
	v19 =	vor.u32 s2, v0;
	v11 =	vor.u32 v11, v22;
	v17 =	vld [tilespmem:s6+$0x0];
	v18 =	vshra.s32 v23, $0x1F  }
0x6a: {  	s14 =	sadd.s32 $0xFFFFFFD0, s2;
	s15 =	sadd.s32 $0xFFFFFFE0, s2;
	s21 =	sadd.s32 $0xFFFFFFF0, s2;
	vm0 =	vge.s32 v19, v5;
	vm1 =	vlt.s32 v19, v6;
	v20 =	vld [tilespmem:s6+$0x10];
	v18 =	vor.u32 $0x80000000, v18  }
0x6b: {  	s23 =	sadd.s32 $0xFFFFFF90, s2;
	vm0 =	vmand vm0, vm1;
	v19 =	vshra.s32 v24, $0x1F;
	v21 =	vld [tilespmem:s6+$0x20];
	v18 =	vxor.u32 v23, v18  }
0x6c: {  	v22 =	vshra.s32 v25, $0x1F;
	v23 =	vshra.s32 v26, $0x1F;
	v18 =	vnsel vm0, $0x0, v18;
	[tilespmem:v10+s1+$0x0] =	vst.idx.add.s32.msk $0xffff, v3  }
0x6d: {  	v10 =	vor.u32 s23, v0;
	v27 =	vshra.s32 v16, $0x1F;
	v28 =	vshrl.u32 v18, $0x18;
	[tilespmem:v14+s1+$0x0] =	vst.idx.add.s32.msk $0xffff, v3  }
0x6e: {  	v14 =	vor.u32 s4, v0;
	v29 =	vshra.s32 v17, $0x1F;
	v30 =	vand.u32 $0x80, v28;
	[tilespmem:v15+s1+$0x0] =	vst.idx.add.s32.msk $0xffff, v3  }
0x6f: {  	v28 =	vand.u32 $0x7F, v28;
	v15 =	vshra.s32 v20, $0x1F;
	v30 =	vor.u32 v2, v30;
	[tilespmem:v12+s1+$0x0] =	vst.idx.add.s32.msk $0xffff, v3  }
0x70: {  	v12 =	vor.u32 s11, v0;
	v31 =	vshra.s32 v21, $0x1F;
	v28 =	vor.u32 v28, v30;
	[tilespmem:v13+s1+$0x0] =	vst.idx.add.s32.msk $0xffff, v3  }
0x71: {  	v32 =	vor.u32 s15, v0;
	v13 =	vor.u32 s12, v0;
	v30 =	vor.u32 s14, v0;
	[tilespmem:v11+s1+$0x0] =	vst.idx.add.s32.msk $0xffff, v3  }
0x72: {  	v11 =	vor.u32 $0x80000000, v19;
	v19 =	vor.u32 $0x80000000, v22;
	v22 =	vor.u32 s21, v0;
	[tilespmem:v9+s1+$0x0] =	vst.idx.add.s32.msk $0xffff, v3  }
0x73: {  	v9 =	vor.u32 $0x80000000, v23;
	v23 =	vor.u32 $0x80000000, v27;
	v27 =	vor.u32 $0x80000000, v29  }
0x74: {  	vm0 =	vge.s32 v10, v5;
	v15 =	vor.u32 $0x80000000, v15;
	v29 =	vor.u32 $0x80000000, v31;
	[tilespmem:s6+$0x30] =	vst v18  }
0x75: {  	s23 =	simm.s32 $0x0;
	vm1 =	vlt.s32 v10, v6;
	vm2 =	vge.s32 v14, v5;
	[tilespmem:v28+s1+$0x0] =	vst.idx.add.s32.msk $0xffff, v3  }
0x76: {  	vm3 =	vlt.s32 v14, v6;
	vm4 =	vge.s32 v12, v5;
	vm5 =	vlt.s32 v12, v6  }
0x77: {  	vm6 =	vge.s32 v13, v5;
	vm7 =	vlt.s32 v13, v6;
	vm8 =	vge.s32 v30, v5  }
0x78: {  	vm10 =	vge.s32 v32, v5;
	vm11 =	vlt.s32 v32, v6;
	vm9 =	vlt.s32 v30, v6  }
0x79: {  	v10 =	vxor.u32 v24, v11;
	vm12 =	vge.s32 v22, v5;
	vm13 =	vlt.s32 v22, v6  }
0x7a: {  	v11 =	vxor.u32 v25, v19;
	v9 =	vxor.u32 v26, v9;
	v12 =	vxor.u32 v16, v23  }
0x7b: {  	v14 =	vxor.u32 v20, v15;
	v13 =	vxor.u32 v17, v27;
	v15 =	vxor.u32 v21, v29  }
0x7c: {  	vm0 =	vmand vm0, vm1;
	vm1 =	vmand vm2, vm3;
	vm2 =	vmand vm4, vm5  }
0x7d: {  	vm5 =	vmand vm10, vm11;
	vm3 =	vmand vm6, vm7;
	vm4 =	vmand vm8, vm9  }
0x7e: {  	v10 =	vnsel vm0, $0x0, v10;
	v11 =	vnsel vm1, $0x0, v11;
	vm0 =	vmand vm12, vm13  }
0x7f: {  	v9 =	vnsel vm2, $0x0, v9;
	v16 =	vnsel vm3, $0x0, v12;
	v17 =	vnsel vm4, $0x0, v13;
	[tilespmem:s6+$0xFFFFFFC0] =	vst v10  }
0x80: {  	v18 =	vnsel vm5, $0x0, v14;
	v20 =	vnsel vm0, $0x0, v15;
	v10 =	vshrl.u32 v10, $0x18;
	[tilespmem:s6+$0xFFFFFFD0] =	vst v11  }
0x81: {  	v14 =	vshrl.u32 v11, $0x18;
	v15 =	vshrl.u32 v9, $0x18;
	v12 =	vshrl.u32 v16, $0x18;
	[tilespmem:s6+$0xFFFFFFE0] =	vst v9  }
.Ltmp3:
0x82: {  	v13 =	vshrl.u32 v17, $0x18;
	v11 =	vshrl.u32 v20, $0x18;
	v9 =	vshrl.u32 v18, $0x18;
	[tilespmem:s6+$0xFFFFFFF0] =	vst v16;
	(pc) =	sbr.rel @p1 .LBB2_5-.Ltmp3, $4  }
0x83: {  	v21 =	vand.u32 $0x80, v14;
	v23 =	vand.u32 $0x80, v15;
	v16 =	vand.u32 $0x80, v10;
	[tilespmem:s6+$0x0] =	vst v17  }
0x84: {  	v24 =	vand.u32 $0x80, v12;
	v25 =	vand.u32 $0x80, v13;
	v19 =	vand.u32 $0x80, v9;
	[tilespmem:s6+$0x10] =	vst v18  }
0x85: {  	v22 =	vand.u32 $0x80, v11;
	v17 =	vor.u32 v2, v16;
	v16 =	vor.u32 v2, v21;
	[tilespmem:s6+$0x20] =	vst v20  }
0x86: {  	v21 =	vor.u32 v2, v23;
	v18 =	vor.u32 v2, v25;
	v20 =	vor.u32 v2, v24;
	s6 =	sadd.s32 $0x80, s6  }
0x87: {  	v10 =	vand.u32 $0x7F, v10  }
0x88: {  	v14 =	vand.u32 $0x7F, v14;
	v10 =	vor.u32 v10, v17  }
0x89: {  	v15 =	vand.u32 $0x7F, v15;
	v14 =	vor.u32 v14, v16  }
0x8a: {  	v12 =	vand.u32 $0x7F, v12;
	v15 =	vor.u32 v15, v21  }
0x8b: {  	v13 =	vand.u32 $0x7F, v13;
	v12 =	vor.u32 v12, v20  }
0x8c: {  	v62 =	vor.u32 v2, v22;
	v11 =	vand.u32 $0x7F, v11;
	v13 =	vor.u32 v13, v18  }
0x8d: {  	v63 =	vor.u32 v2, v19;
	v9 =	vand.u32 $0x7F, v9;
	v11 =	vor.u32 v11, v62;
	[tilespmem:v10+s1+$0x0] =	vst.idx.add.s32.msk $0xffff, v3  }
0x8e: {  	v9 =	vor.u32 v9, v63;
	[tilespmem:v14+s1+$0x0] =	vst.idx.add.s32.msk $0xffff, v3  }
0x8f: {  	p2 =	por $0x0, $0x0;
	[tilespmem:v15+s1+$0x0] =	vst.idx.add.s32.msk $0xffff, v3  }
.Ltmp4:
0x90: {  	[tilespmem:v12+s1+$0x0] =	vst.idx.add.s32.msk $0xffff, v3;
	(pc) =	sbr.rel @p2 .LBB2_7-.Ltmp4, $4  }
0x91: {  	[tilespmem:v13+s1+$0x0] =	vst.idx.add.s32.msk $0xffff, v3  }
0x92: {  	[tilespmem:v11+s1+$0x0] =	vst.idx.add.s32.msk $0xffff, v3  }
0x93: {  	s2 =	sand.u32 $0xF0, s23;
	[tilespmem:v9+s1+$0x0] =	vst.idx.add.s32.msk $0xffff, v3  }
0x94: {  	s3 =	simm.s32 $0x10;
	p1 =	por $0x0, $0x0;
	v9 =	vld [tilespmem:s2+$0x8100]  }
0x95: {  	v10 =	vld [tilespmem:s1+$0x0]  }
0x96: {  	v11 =	vld [tilespmem:s2+$0x8200]  }
0x97: {  	v12 =	vld [tilespmem:s2+$0x8300]  }
0x98: {  	v13 =	vld [tilespmem:s2+$0x8400]  }
0x99: {  	v14 =	vld [tilespmem:s2+$0x8500]  }
0x9a: {  	v9 =	vadd.s32 v10, v9;
	v10 =	vld [tilespmem:s2+$0x8600]  }
0x9b: {  	v9 =	vadd.s32 v11, v9;
	v11 =	vld [tilespmem:s2+$0x8700]  }
0x9c: {  	v58 =	vld [tilespmem:s2+$0x8800];
	v9 =	vadd.s32 v12, v9  }
0x9d: {  	v59 =	vld [tilespmem:s2+$0x8900];
	v9 =	vadd.s32 v13, v9  }
0x9e: {  	v60 =	vld [tilespmem:s2+$0x8A00];
	v9 =	vadd.s32 v14, v9  }
0x9f: {  	v9 =	vadd.s32 v10, v9;
	v10 =	vld [tilespmem:s2+$0x8B00]  }
0xa0: {  	v9 =	vadd.s32 v11, v9;
	v11 =	vld [tilespmem:s2+$0x8C00]  }
0xa1: {  	v61 =	vld [tilespmem:s2+$0x8D00];
	v9 =	vadd.s32 v58, v9  }
0xa2: {  	v62 =	vld [tilespmem:s2+$0x8E00];
	v9 =	vadd.s32 v59, v9  }
0xa3: {  	v63 =	vld [tilespmem:s2+$0x8F00];
	v9 =	vadd.s32 v60, v9  }
0xa4: {  	v9 =	vadd.s32 v10, v9  }
0xa5: {  	p2 =	por $0x0, $0x0;
	v9 =	vadd.s32 v11, v9  }
.Ltmp5:
0xa6: {  	v9 =	vadd.s32 v61, v9;
	(pc) =	sbr.rel @p2 .LBB2_9-.Ltmp5, $4  }
0xa7: {  	v9 =	vadd.s32 v62, v9  }
0xa8: {  	v9 =	vadd.s32 v63, v9  }
0xa9: {  	s4 =	simm.s32 $0x20;
	s2 =	sand.u32 $0xF0, s3;
	[tilespmem:s0+$0x0] =	vst v9  }
0xaa: {  	s1 =	simm.s32 $0x8010;
	p1 =	por $0x1, $0x1;
	s3 =	simm.s32 $0x9000;
	v9 =	vld [tilespmem:s2+$0x8100]  }
.LBB2_10:
0xab: {  	p2 =	seq.s32 s4, $0xF0;
	v10 =	vld [tilespmem:s1+$0x0]  }
0xac: {  	v11 =	vld [tilespmem:s2+$0x8200]  }
0xad: {  	v12 =	vld [tilespmem:s2+$0x8300]  }
0xae: {  	v13 =	vld [tilespmem:s2+$0x8400]  }
0xaf: {  	v14 =	vld [tilespmem:s2+$0x8500]  }
0xb0: {  	v9 =	vadd.s32 v10, v9;
	v10 =	vld [tilespmem:s2+$0x8600]  }
0xb1: {  	v9 =	vadd.s32 v11, v9;
	v11 =	vld [tilespmem:s2+$0x8700]  }
0xb2: {  	v9 =	vadd.s32 v12, v9;
	v12 =	vld [tilespmem:s2+$0x8800]  }
0xb3: {  	v9 =	vadd.s32 v13, v9;
	v13 =	vld [tilespmem:s2+$0x8900]  }
0xb4: {  	v9 =	vadd.s32 v14, v9;
	v14 =	vld [tilespmem:s2+$0x8A00]  }
0xb5: {  	v9 =	vadd.s32 v10, v9;
	v10 =	vld [tilespmem:s2+$0x8B00]  }
0xb6: {  	v9 =	vadd.s32 v11, v9;
	v11 =	vld [tilespmem:s2+$0x8C00]  }
0xb7: {  	v9 =	vadd.s32 v12, v9;
	v12 =	vld [tilespmem:s2+$0x8D00]  }
0xb8: {  	v9 =	vadd.s32 v13, v9;
	v13 =	vld [tilespmem:s2+$0x8E00]  }
0xb9: {  	v9 =	vadd.s32 v14, v9;
	v14 =	vld [tilespmem:s2+$0x8F00]  }
0xba: {  	v9 =	vadd.s32 v10, v9  }
0xbb: {  	v9 =	vadd.s32 v11, v9  }
.Ltmp6:
0xbc: {  	v9 =	vadd.s32 v12, v9;
	(pc) =	sbr.rel @!p2 .LBB2_10-.Ltmp6, $4  }
0xbd: {  	v9 =	vadd.s32 v13, v9  }
0xbe: {  	s3 =	sadd.s32 $0x10, s3;
	v9 =	vadd.s32 v14, v9  }
0xbf: {  	s2 =	sand.u32 $0xF0, s4;
	[tilespmem:s3+$0x0] =	vst v9  }
0xc0: {  	s1 =	sadd.s32 $0x10, s1;
	s4 =	sadd.s32 $0x10, s4;
	v9 =	vld [tilespmem:s2+$0x8100]  }
.LBB2_11:
0xc1: {  	v10 =	vld [tilespmem:s1+$0x0]  }
0xc2: {  	v11 =	vld [tilespmem:s2+$0x8200]  }
0xc3: {  	v12 =	vld [tilespmem:s2+$0x8300]  }
0xc4: {  	v13 =	vld [tilespmem:s2+$0x8400]  }
0xc5: {  	v14 =	vld [tilespmem:s2+$0x8500]  }
0xc6: {  	v9 =	vadd.s32 v10, v9;
	v10 =	vld [tilespmem:s2+$0x8600]  }
0xc7: {  	v9 =	vadd.s32 v11, v9;
	v11 =	vld [tilespmem:s2+$0x8700]  }
0xc8: {  	v57 =	vld [tilespmem:s2+$0x8800];
	v9 =	vadd.s32 v12, v9  }
0xc9: {  	v58 =	vld [tilespmem:s2+$0x8900];
	v9 =	vadd.s32 v13, v9  }
0xca: {  	v59 =	vld [tilespmem:s2+$0x8A00];
	v9 =	vadd.s32 v14, v9  }
0xcb: {  	v9 =	vadd.s32 v10, v9;
	v10 =	vld [tilespmem:s2+$0x8B00]  }
0xcc: {  	v9 =	vadd.s32 v11, v9;
	v11 =	vld [tilespmem:s2+$0x8C00]  }
0xcd: {  	v60 =	vld [tilespmem:s2+$0x8D00];
	v9 =	vadd.s32 v57, v9  }
0xce: {  	v61 =	vld [tilespmem:s2+$0x8E00];
	v9 =	vadd.s32 v58, v9  }
0xcf: {  	v62 =	vld [tilespmem:s2+$0x8F00];
	v9 =	vadd.s32 v59, v9  }
0xd0: {  	v9 =	vadd.s32 v10, v9  }
0xd1: {  	v9 =	vadd.s32 v11, v9  }
0xd2: {  	v9 =	vadd.s32 v60, v9  }
0xd3: {  	s1 =	sadd.s32 @p1 $0x10, s3;
	v9 =	vadd.s32 v61, v9  }
0xd4: {  	s0 =	smov.u32 @p1 s1;
	v9 =	vadd.s32 v62, v9  }
0xd5: {  	s29 =	simm.s32 $0x90F0;
	[tilespmem:s0+$0x0] =	vst v9  }
0xd6: {  	v9 =	vld [tilespmem:s29+$0x0];
	_ =	sdelay $0x4  }
0xd7: {  	(xrf0) =	vadd.scan.msk.s32 $0xffff, v9;
	_ =	sdelay $0x5  }
0xd8: {  	v10, _, _ =	vpop (xrf0)  }
0xd9: {  	(v2sf) =	vpush v10, $0xF;
	_ =	sdelay $0x6  }
0xda: {  	v10 =	vperm.xlane v9, v4;
	_ =	sdelay $0x1  }
0xdb: {  	(xrf0) =	vadd.scan.msk.s32 $0xffff, v10;
	_ =	sdelay $0x5  }
0xdc: {  	v10, _, _ =	vpop (xrf0);
	s30 =	spop (v2sf)  }
0xdd: {  	v10 =	vperm.xlane v10, v4;
	s0 =	sadd.s32 $0x0, s30  }
0xde: {  	p6 =	por $0x1, $0x1;
	p2 =	sgt.s32 s0, $0x7F  }
0xdf: {  	v9 =	vsub.s32 v10, v9;
	p1 =	por !p6, !p2  }
0xe0: {  	vm0 =	vmmov vm14;
	v11 =	vadd.s32 s23, v9;
	p1 =	por !p1, !p1  }
0xe1: {  	v10 =	vadd.s32 s23, v10;
	vm1 =	vlt.s32 v11, $0x80;
	vm0 =	vmneg @p1 vm0  }
0xe2: {  	vm11 =	vgt.s32 v10, $0x7F;
	vm0 =	vmand vm1, vm0  }
0xe3: {  	vm0 =	vmand vm11, vm0  }
0xe4: {  	v10 =	vnsel vm0, $0x0, v0  }
0xe5: {  	(xrf0) =	vadd.scan.msk.s32 $0xffff, v10;
	_ =	sdelay $0x5  }
0xe6: {  	v10, _, _ =	vpop (xrf0)  }
0xe7: {  	s2 =	simm.s32 $0x90E0;
	(v2sf) =	vpush v10, $0xF  }
0xe8: {  	v63 =	vld [tilespmem:s2+$0x0];
	_ =	sdelay $0x4  }
0xe9: {  	(xrf0) =	vadd.scan.msk.s32 $0xffff, v63  }
0xea: {  	v9 =	vnsel vm0, $0x0, v9  }
0xeb: {  	(xrf0) =	vadd.scan.msk.s32 $0xffff, v9;
	_ =	sdelay $0x1  }
0xec: {  	v10 =	vperm.xlane v63, v4;
	_ =	sdelay $0x1  }
0xed: {  	v11, _, _ =	vpop (xrf0)  }
0xee: {  	(v2sf) =	vpush v11, $0xF  }
0xef: {  	(xrf0) =	vadd.scan.msk.s32 $0xffff, v10;
	v10, _, _ =	vpop (xrf0)  }
0xf0: {  	s31 =	spop (v2sf);
	(v2sf) =	vpush v10, $0xF;
	_ =	sdelay $0x8  }
0xf1: {  	v9, _, _ =	vpop (xrf0)  }
0xf2: {  	s24 =	simm.s32 $0xFFFFFFFF;
	v11 =	vperm.xlane v9, v4  }
0xf3: {  	s4 =	simm.s32 $0xD0;
	s0 =	smov.u32 @p2 s23;
	p2 =	por $0x0, $0x0  }
0xf4: {  	s6 =	simm.s32 $0x0;
	s1 =	simm.s32 $0xE0;
	s0 =	smov.u32 @p2 s23;
	v9 =	vsub.s32 v11, v63  }
0xf5: {  	s3 =	smov.u32 s0;
	v10 =	vadd.s32 s0, v11;
	v11 =	vadd.s32 s0, v9;
	s12 =	spop (v2sf);
	s14 =	sadd.s32 $0xF0, s31  }
.LBB2_12:
0xf6: {  	s15 =	smov.u32 s0;
	s0 =	sadd.s32 s0, s12  }
0xf7: {  	s24 =	smov.u32 @p1 s14;
	s11 =	smov.u32 s4;
	s12 =	spop (v2sf)  }
0xf8: {  	p2 =	slt.s32 s24, $0x0;
	p3 =	sgt.s32 s0, $0x7F;
	s6 =	sadd.s32 s6, s12  }
0xf9: {  	p2 =	por !p2, !p3;
	s0 =	smov.u32 @p3 s15;
	s23 =	smov.u32 @p1 s6  }
0xfa: {  	s2 =	sadd.s32 $0xFFFFFFF0, s2;
	vm1 =	vmmov vm14;
	p3 =	sgt.s32 s24, $0xFFFFFFFF;
	p1 =	por !p2, !p2  }
0xfb: {  	vm0 =	vlt.s32 v11, $0x80;
	p2 =	seq.s32 s4, $0x0;
	s4 =	sadd.s32 $0xFFFFFFF0, s4;
	s0 =	smov.u32 @p3 s15;
	vm1 =	vmneg @p1 vm1;
	v12 =	vld [tilespmem:s2+$0x0]  }
0xfc: {  	s6 =	smov.u32 s3;
	s3 =	smov.u32 s0;
	vm0 =	vmand vm0, vm1;
	vm1 =	vgt.s32 v10, $0x7F  }
0xfd: {  	vm0 =	vmand vm1, vm0  }
0xfe: {  	v10 =	vnsel vm0, $0x0, v0;
	v9 =	vnsel vm0, $0x0, v9  }
0xff: {  	(xrf0) =	vadd.scan.msk.s32 $0xffff, v10  }
0x100: {  	v10 =	vperm.xlane v12, v4;
	(xrf0) =	vadd.scan.msk.s32 $0xffff, v12  }
0x101: {  	(xrf0) =	vadd.scan.msk.s32 $0xffff, v9  }
0x102: {  	(xrf0) =	vadd.scan.msk.s32 $0xffff, v10;
	_ =	sdelay $0x2  }
0x103: {  	v9, _, _ =	vpop (xrf0)  }
0x104: {  	v10, _, _ =	vpop (xrf0);
	(v2sf) =	vpush v9, $0xF  }
0x105: {  	(v2sf) =	vpush v10, $0xF;
	v9, _, _ =	vpop (xrf0)  }
0x106: {  	v10, _, _ =	vpop (xrf0);
	(v2sf) =	vpush v9, $0xF  }
0x107: {  	v10 =	vperm.xlane v10, v4;
	_ =	sdelay $0x1  }
0x108: {  	v9 =	vsub.s32 v10, v12;
	v10 =	vadd.s32 s0, v10  }
0x109: {  	v11 =	vadd.s32 s0, v9;
	_ =	sdelay $0x5  }
.Ltmp7:
0x10a: {  	(pc) =	sbr.rel @!p2 .LBB2_12-.Ltmp7, $3  }
0x10b: {  	_ =	sdelay $0x1  }
0x10c: {  	s14 =	spop (v2sf)  }
0x10d: {  	s12 =	spop (v2sf);
	s14 =	sadd.s32 s1, s14;
	s1 =	smov.u32 s11  }
0x10e: {  	s0 =	sadd.s32 s0, s12;
	s24 =	smov.u32 @p1 s14  }
0x10f: {  	p2 =	slt.s32 s24, $0x0;
	p3 =	sgt.s32 s0, $0x7F  }
0x110: {  	p2 =	por !p2, !p3  }
0x111: {  	vm0 =	vmmov vm14;
	p2 =	por !p2, !p2  }
0x112: {  	vm1 =	vlt.s32 v11, $0x80;
	vm0 =	vmneg @p2 vm0  }
0x113: {  	vm0 =	vmand vm1, vm0;
	vm1 =	vgt.s32 v10, $0x7F  }
0x114: {  	vm0 =	vmand vm1, vm0  }
0x115: {  	v10 =	vnsel vm0, $0x0, v0  }
0x116: {  	(xrf0) =	vadd.scan.msk.s32 $0xffff, v10;
	_ =	sdelay $0x2  }
0x117: {  	v9 =	vnsel vm0, $0x0, v9;
	_ =	sdelay $0x2  }
0x118: {  	(xrf0) =	vadd.scan.msk.s32 $0xffff, v9;
	v9, _, _ =	vpop (xrf0)  }
0x119: {  	(v2sf) =	vpush v9, $0xF;
	_ =	sdelay $0xb  }
0x11a: {  	s15 =	simm.s32 $0x40  }
0x11b: {  	v10 =	vld [tilespmem:s15+$0xFFFFFFC0]  }
0x11c: {  	s14 =	spop (v2sf)  }
0x11d: {  	s0 =	sadd.s32 s6, s14;
	s2 =	spop (v2sf)  }
0x11e: {  	s23 =	smov.u32 @p1 s0;
	s0 =	sadd.s32 s1, s2  }
0x11f: {  	v9, _, _ =	vpop (xrf0);
	s24 =	smov.u32 @p2 s0  }
0x120: {  	v11 =	vshrl.u32 v10, $0x18;
	(v2sf) =	vpush v9, $0xF;
	v9 =	vmov s24  }
0x121: {  	vm0 =	vne.s32 v10, $0x0;
	vm1 =	vge.s32 v11, v9  }
0x122: {  	vm0 =	vmand vm0, vm1  }
0x123: {  	v10 =	vmpcnt.ones.xlane vm0  }
0x124: {  	s25 =	simm.s32 $0x9104  }
0x125: {  	[tilespmem:s25+$0xFFFFFFFC] =	vst.msk $0x1, v10  }
0x126: {  	s31 =	simm.s32 $0xC0;
	v10 =	vld [tilespmem:s15+$0xFFFFFFD0]  }
0x127: {  	v11 =	vld [tilespmem:s31+$0xFFFFFFC0];
	_ =	sdelay $0x3  }
0x128: {  	v12 =	vshrl.u32 v10, $0x18  }
0x129: {  	vm0 =	vne.s32 v10, $0x0;
	v10 =	vshrl.u32 v11, $0x18;
	vm1 =	vge.s32 v12, v9  }
0x12a: {  	vm2 =	vge.s32 v10, v9;
	vm0 =	vmand vm0, vm1;
	vm1 =	vne.s32 v11, $0x0  }
0x12b: {  	vm1 =	vmand vm1, vm2;
	v10 =	vmpcnt.ones.xlane vm0  }
0x12c: {  	v11 =	vmpcnt.ones.xlane vm1  }
0x12d: {  	s26 =	simm.s32 $0x910C;
	[tilespmem:s25+$0xFFFFFFFD] =	vst.msk $0x1, v10  }
0x12e: {  	[tilespmem:s26+$0xFFFFFFFC] =	vst.msk $0x1, v11;
	v10 =	vld [tilespmem:s15+$0xFFFFFFE0]  }
0x12f: {  	v11 =	vld [tilespmem:s31+$0xFFFFFFD0]  }
0x130: {  	s29 =	simm.s32 $0x140  }
0x131: {  	v12 =	vld [tilespmem:s29+$0xFFFFFFC0];
	_ =	sdelay $0x1  }
0x132: {  	v13 =	vshrl.u32 v10, $0x18  }
0x133: {  	vm0 =	vne.s32 v10, $0x0;
	v14 =	vshrl.u32 v11, $0x18;
	vm1 =	vge.s32 v13, v9  }
0x134: {  	vm2 =	vne.s32 v11, $0x0;
	vm3 =	vge.s32 v14, v9;
	vm0 =	vmand vm0, vm1  }
0x135: {  	v10 =	vshrl.u32 v12, $0x18;
	vm1 =	vmand vm2, vm3;
	v11 =	vmpcnt.ones.xlane vm0  }
0x136: {  	vm0 =	vne.s32 v12, $0x0;
	vm2 =	vge.s32 v10, v9;
	v10 =	vmpcnt.ones.xlane vm1  }
0x137: {  	vm0 =	vmand vm0, vm2;
	[tilespmem:s25+$0xFFFFFFFE] =	vst.msk $0x1, v11  }
0x138: {  	v11 =	vmpcnt.ones.xlane vm0;
	v12 =	vld [tilespmem:s15+$0xFFFFFFF0];
	[tilespmem:s26+$0xFFFFFFFD] =	vst.msk $0x1, v10  }
0x139: {  	s28 =	simm.s32 $0x9114;
	v10 =	vld [tilespmem:s31+$0xFFFFFFE0]  }
0x13a: {  	[tilespmem:s28+$0xFFFFFFFC] =	vst.msk $0x1, v11  }
0x13b: {  	v11 =	vld [tilespmem:s29+$0xFFFFFFD0]  }
0x13c: {  	s0 =	simm.s32 $0x1C0  }
0x13d: {  	v13 =	vld [tilespmem:s0+$0xFFFFFFC0];
	v14 =	vshrl.u32 v12, $0x18  }
0x13e: {  	vm0 =	vne.s32 v12, $0x0;
	vm1 =	vge.s32 v14, v9;
	v12 =	vshrl.u32 v10, $0x18  }
0x13f: {  	vm0 =	vmand vm0, vm1;
	vm1 =	vne.s32 v10, $0x0;
	vm2 =	vge.s32 v12, v9  }
0x140: {  	v10 =	vshrl.u32 v11, $0x18;
	v12 =	vmpcnt.ones.xlane vm0;
	vm0 =	vmand vm1, vm2  }
0x141: {  	vm1 =	vne.s32 v11, $0x0;
	vm2 =	vge.s32 v10, v9;
	v10 =	vmpcnt.ones.xlane vm0  }
0x142: {  	v11 =	vshrl.u32 v13, $0x18;
	vm0 =	vmand vm1, vm2;
	[tilespmem:s25+$0xFFFFFFFF] =	vst.msk $0x1, v12  }
0x143: {  	vm1 =	vne.s32 v13, $0x0;
	vm2 =	vge.s32 v11, v9;
	v11 =	vmpcnt.ones.xlane vm0;
	v12 =	vld [tilespmem:s15+$0x0];
	[tilespmem:s26+$0xFFFFFFFE] =	vst.msk $0x1, v10  }
0x144: {  	vm0 =	vmand vm1, vm2;
	v10 =	vld [tilespmem:s31+$0xFFFFFFF0]  }
0x145: {  	v13 =	vmpcnt.ones.xlane vm0;
	[tilespmem:s28+$0xFFFFFFFD] =	vst.msk $0x1, v11  }
0x146: {  	s30 =	simm.s32 $0x911C;
	v11 =	vld [tilespmem:s29+$0xFFFFFFE0]  }
0x147: {  	[tilespmem:s30+$0xFFFFFFFC] =	vst.msk $0x1, v13  }
0x148: {  	s4 =	spop (v2sf);
	v13 =	vld [tilespmem:s0+$0xFFFFFFD0];
	v14 =	vshrl.u32 v12, $0x18  }
0x149: {  	s12 =	simm.s32 $0x240;
	s1 =	sadd.s32 s3, s4;
	vm0 =	vne.s32 v12, $0x0;
	vm1 =	vge.s32 v14, v9;
	v12 =	vshrl.u32 v10, $0x18  }
0x14a: {  	s23 =	smov.u32 @p2 s1;
	s1 =	simm.s32 $0x2C0;
	v14 =	vld [tilespmem:s12+$0xFFFFFFC0];
	vm0 =	vmand vm0, vm1;
	vm1 =	vne.s32 v10, $0x0;
	vm2 =	vge.s32 v12, v9  }
0x14b: {  	v10 =	vld [tilespmem:s1+$0xFFFFFFC0];
	v15 =	vshrl.u32 v11, $0x18;
	v12 =	vmpcnt.ones.xlane vm0;
	vm0 =	vmand vm1, vm2  }
0x14c: {  	vm1 =	vne.s32 v11, $0x0;
	v11 =	vmpcnt.ones.xlane vm0;
	vm0 =	vge.s32 v15, v9  }
0x14d: {  	v15 =	vshrl.u32 v13, $0x18;
	[tilespmem:s25+$0x0] =	vst.msk $0x1, v12;
	vm0 =	vmand vm1, vm0  }
0x14e: {  	vm1 =	vne.s32 v13, $0x0;
	vm2 =	vge.s32 v15, v9;
	[tilespmem:s26+$0xFFFFFFFF] =	vst.msk $0x1, v11;
	v11 =	vld [tilespmem:s15+$0x10];
	v12 =	vmpcnt.ones.xlane vm0  }
0x14f: {  	vm0 =	vmand vm1, vm2;
	v13 =	vshrl.u32 v14, $0x18;
	vm1 =	vne.s32 v14, $0x0;
	v14 =	vld [tilespmem:s31+$0x0]  }
0x150: {  	vm2 =	vge.s32 v13, v9;
	v13 =	vmpcnt.ones.xlane vm0;
	v15 =	vshrl.u32 v10, $0x18;
	[tilespmem:s28+$0xFFFFFFFE] =	vst.msk $0x1, v12  }
0x151: {  	vm0 =	vmand vm1, vm2;
	vm1 =	vne.s32 v10, $0x0;
	vm2 =	vge.s32 v15, v9;
	v10 =	vld [tilespmem:s29+$0xFFFFFFF0]  }
0x152: {  	v12 =	vmpcnt.ones.xlane vm0;
	vm0 =	vmand vm1, vm2;
	[tilespmem:s30+$0xFFFFFFFD] =	vst.msk $0x1, v13  }
0x153: {  	s6 =	simm.s32 $0x9124;
	v13 =	vmpcnt.ones.xlane vm0;
	v16 =	vld [tilespmem:s0+$0xFFFFFFE0];
	v15 =	vshrl.u32 v11, $0x18  }
0x154: {  	[tilespmem:s6+$0xFFFFFFFC] =	vst.msk $0x1, v12;
	vm0 =	vne.s32 v11, $0x0;
	v11 =	vshrl.u32 v14, $0x18;
	vm1 =	vge.s32 v15, v9  }
0x155: {  	v12 =	vld [tilespmem:s12+$0xFFFFFFD0];
	vm2 =	vne.s32 v14, $0x0;
	vm3 =	vge.s32 v11, v9;
	vm0 =	vmand vm0, vm1  }
0x156: {  	s14 =	simm.s32 $0x340;
	s2 =	simm.s32 $0x912C;
	vm1 =	vmand vm2, vm3;
	v11 =	vmpcnt.ones.xlane vm0;
	v14 =	vshrl.u32 v10, $0x18  }
0x157: {  	[tilespmem:s2+$0xFFFFFFFC] =	vst.msk $0x1, v13;
	vm0 =	vne.s32 v10, $0x0;
	v10 =	vld [tilespmem:s14+$0xFFFFFFC0];
	vm2 =	vge.s32 v14, v9;
	v13 =	vmpcnt.ones.xlane vm1  }
0x158: {  	v14 =	vld [tilespmem:s1+$0xFFFFFFD0];
	[tilespmem:s25+$0x1] =	vst.msk $0x1, v11;
	vm0 =	vmand vm0, vm2;
	v11 =	vshrl.u32 v16, $0x18  }
0x159: {  	vm1 =	vne.s32 v16, $0x0;
	v15 =	vld [tilespmem:s15+$0x20];
	v56 =	vmpcnt.ones.xlane vm0;
	[tilespmem:s26+$0x0] =	vst.msk $0x1, v13;
	vm0 =	vge.s32 v11, v9  }
0x15a: {  	v11 =	vshrl.u32 v12, $0x18;
	vm0 =	vmand vm1, vm0;
	v13 =	vld [tilespmem:s31+$0x10]  }
0x15b: {  	vm1 =	vne.s32 v12, $0x0;
	vm2 =	vge.s32 v11, v9;
	v11 =	vmpcnt.ones.xlane vm0  }
0x15c: {  	[tilespmem:s28+$0xFFFFFFFF] =	vst.msk $0x1, v56;
	vm0 =	vmand vm1, vm2;
	v57 =	vshrl.u32 v10, $0x18  }
0x15d: {  	vm1 =	vne.s32 v10, $0x0;
	v12 =	vld [tilespmem:s29+$0x0];
	v17 =	vmpcnt.ones.xlane vm0;
	vm2 =	vge.s32 v57, v9;
	[tilespmem:s30+$0xFFFFFFFE] =	vst.msk $0x1, v11  }
0x15e: {  	vm0 =	vne.s32 v14, $0x0;
	vm1 =	vmand vm1, vm2;
	v10 =	vshrl.u32 v15, $0x18;
	v11 =	vld [tilespmem:s0+$0xFFFFFFF0]  }
0x15f: {  	vm2 =	vge.s32 v10, v9;
	v10 =	vmpcnt.ones.xlane vm1;
	v58 =	vshrl.u32 v13, $0x18  }
0x160: {  	s11 =	simm.s32 $0x9134;
	[tilespmem:s6+$0xFFFFFFFD] =	vst.msk $0x1, v17;
	vm4 =	vne.s32 v15, $0x0;
	vm1 =	vne.s32 v13, $0x0;
	vm3 =	vge.s32 v58, v9  }
0x161: {  	v14 =	vshrl.u32 v14, $0x18;
	vm2 =	vmand vm4, vm2;
	[tilespmem:s11+$0xFFFFFFFC] =	vst.msk $0x1, v10;
	v10 =	vld [tilespmem:s12+$0xFFFFFFE0];
	vm1 =	vmand vm1, vm3  }
0x162: {  	v13 =	vshrl.u32 v12, $0x18;
	vm3 =	vne.s32 v12, $0x0;
	v12 =	vld [tilespmem:s14+$0xFFFFFFD0];
	v15 =	vmpcnt.ones.xlane vm1  }
0x163: {  	s21 =	simm.s32 $0x3C0;
	vm1 =	vge.s32 v13, v9;
	v13 =	vmpcnt.ones.xlane vm2;
	v59 =	vshrl.u32 v11, $0x18  }
0x164: {  	vm1 =	vmand vm3, vm1;
	vm2 =	vne.s32 v11, $0x0;
	v11 =	vld [tilespmem:s21+$0xFFFFFFC0];
	vm3 =	vge.s32 v59, v9;
	[tilespmem:s26+$0x1] =	vst.msk $0x1, v15  }
0x165: {  	vm4 =	vge.s32 v14, v9;
	v14 =	vmpcnt.ones.xlane vm1;
	[tilespmem:s25+$0x2] =	vst.msk $0x1, v13;
	vm1 =	vmand vm2, vm3;
	v15 =	vld [tilespmem:s31+$0x20]  }
0x166: {  	vm0 =	vmand vm0, vm4;
	v61 =	vld [tilespmem:s15+$0x30];
	v13 =	vshrl.u32 v10, $0x18;
	v60 =	vmpcnt.ones.xlane vm1  }
0x167: {  	vm1 =	vne.s32 v10, $0x0;
	[tilespmem:s28+$0x0] =	vst.msk $0x1, v14;
	v10 =	vshrl.u32 v12, $0x18;
	vm2 =	vge.s32 v13, v9  }
0x168: {  	vm3 =	vne.s32 v12, $0x0;
	vm4 =	vge.s32 v10, v9;
	vm1 =	vmand vm1, vm2;
	v10 =	vld [tilespmem:s29+$0x10]  }
0x169: {  	v12 =	vmpcnt.ones.xlane vm0;
	[tilespmem:s30+$0xFFFFFFFF] =	vst.msk $0x1, v60;
	v62 =	vshrl.u32 v11, $0x18;
	v13 =	vmpcnt.ones.xlane vm1  }
0x16a: {  	vm0 =	vne.s32 v11, $0x0;
	vm4 =	vmand vm3, vm4;
	v14 =	vld [tilespmem:s0+$0x0];
	vm1 =	vge.s32 v62, v9  }
0x16b: {  	v11 =	vshrl.u32 v15, $0x18;
	v63 =	vshrl.u32 v61, $0x18;
	vm0 =	vmand vm0, vm1;
	[tilespmem:s6+$0xFFFFFFFE] =	vst.msk $0x1, v13  }
0x16c: {  	vm1 =	vne.s32 v15, $0x0;
	vm2 =	vne.s32 v61, $0x0;
	vm3 =	vge.s32 v11, v9;
	v18 =	vld [tilespmem:s12+$0xFFFFFFF0]  }
0x16d: {  	v11 =	vmpcnt.ones.xlane vm0;
	vm1 =	vmand vm1, vm3;
	v13 =	vshrl.u32 v10, $0x18  }
0x16e: {  	s3 =	simm.s32 $0x913C;
	[tilespmem:s2+$0xFFFFFFFD] =	vst.msk $0x1, v12;
	vm3 =	vge.s32 v63, v9;
	vm0 =	vne.s32 v10, $0x0;
	vm6 =	vge.s32 v13, v9  }
0x16f: {  	v12 =	vld [tilespmem:s1+$0xFFFFFFE0];
	[tilespmem:s3+$0xFFFFFFFC] =	vst.msk $0x1, v11;
	v10 =	vshrl.u32 v14, $0x18;
	vm5 =	vne.s32 v14, $0x0;
	vm0 =	vmand vm0, vm6  }
0x170: {  	v14 =	vld [tilespmem:s21+$0xFFFFFFD0];
	vm7 =	vge.s32 v10, v9;
	v10 =	vmpcnt.ones.xlane vm1;
	v11 =	vmpcnt.ones.xlane vm0  }
0x171: {  	s4 =	simm.s32 $0x38;
	s15 =	simm.s32 $0x440;
	vm5 =	vmand vm5, vm7;
	v13 =	vshrl.u32 v18, $0x18;
	vm1 =	vne.s32 v18, $0x0  }
.LBB2_14:
0x172: {  	v15 =	vld [tilespmem:s15+$0xFFFFFFC0];
	s4 =	sadd.s32 $0x8, s4;
	vm0 =	vge.s32 v13, v9;
	v13 =	vmpcnt.ones.xlane vm5;
	[tilespmem:s28+$0x1] =	vst.msk $0x1, v11;
	vm2 =	vmand vm2, vm3  }
0x173: {  	v11 =	vmpcnt.ones.xlane vm4;
	p1 =	slt.u32 s4, $0x7F8;
	vm0 =	vmand vm1, vm0;
	v16 =	vld [tilespmem:s29+$0x20];
	[tilespmem:s26+$0x2] =	vst.msk $0x1, v10;
	v10 =	vmpcnt.ones.xlane vm2  }
0x174: {  	v17 =	vshrl.u32 v12, $0x18;
	vm1 =	vne.s32 v12, $0x0;
	v12 =	vmpcnt.ones.xlane vm0;
	[tilespmem:s30+$0x0] =	vst.msk $0x1, v13;
	v13 =	vld [tilespmem:s31+$0x30];
	s31 =	smov.u32 s29;
	s29 =	smov.u32 s0;
	s0 =	smov.u32 s12  }
0x175: {  	v18 =	vshrl.u32 v14, $0x18;
	vm0 =	vne.s32 v14, $0x0;
	vm2 =	vge.s32 v17, v9;
	[tilespmem:s25+$0x3] =	vst.msk $0x1, v10;
	s25 =	smov.u32 s26;
	s26 =	smov.u32 s28;
	s28 =	smov.u32 s30  }
0x176: {  	s30 =	smov.u32 s6;
	vm3 =	vge.s32 v18, v9;
	vm1 =	vmand vm1, vm2;
	[tilespmem:s6+$0xFFFFFFFF] =	vst.msk $0x1, v12;
	v10 =	vld [tilespmem:s29+$0x10];
	s6 =	smov.u32 s2;
	s2 =	smov.u32 s11  }
0x177: {  	s12 =	smov.u32 s1;
	s1 =	smov.u32 s14;
	s11 =	smov.u32 s3;
	vm4 =	vmand vm0, vm3;
	v12 =	vmpcnt.ones.xlane vm1;
	v14 =	vld [tilespmem:s0+$0x0]  }
0x178: {  	s14 =	smov.u32 s21;
	s21 =	smov.u32 s15;
	v17 =	vshrl.u32 v15, $0x18;
	vm0 =	vne.s32 v15, $0x0;
	v15 =	vshrl.u32 v16, $0x18  }
0x179: {  	vm1 =	vge.s32 v17, v9;
	[tilespmem:s6+$0xFFFFFFFE] =	vst.msk $0x1, v12;
	vm3 =	vge.s32 v15, v9;
	v15 =	vshrl.u32 v13, $0x18  }
0x17a: {  	vm0 =	vmand vm0, vm1;
	vm1 =	vne.s32 v16, $0x0;
	vm2 =	vne.s32 v13, $0x0;
	v17 =	vld [tilespmem:s12+$0xFFFFFFF0]  }
.Ltmp8:
0x17b: {  	s3 =	sadd.s32 $0x8, s3;
	v12 =	vmpcnt.ones.xlane vm0;
	v13 =	vshrl.u32 v10, $0x18;
	vm0 =	vne.s32 v10, $0x0;
	(pc) =	sbr.rel @p1 .LBB2_14-.Ltmp8, $4  }
0x17c: {  	[tilespmem:s2+$0xFFFFFFFD] =	vst.msk $0x1, v11;
	v10 =	vshrl.u32 v14, $0x18;
	vm5 =	vne.s32 v14, $0x0;
	vm6 =	vge.s32 v13, v9  }
0x17d: {  	vm1 =	vmand vm1, vm3;
	[tilespmem:s3+$0xFFFFFFFC] =	vst.msk $0x1, v12;
	v12 =	vld [tilespmem:s1+$0xFFFFFFE0];
	vm7 =	vge.s32 v10, v9;
	vm0 =	vmand vm0, vm6  }
0x17e: {  	v10 =	vmpcnt.ones.xlane vm1;
	v14 =	vld [tilespmem:s15+$0xFFFFFFD0];
	vm5 =	vmand vm5, vm7;
	v11 =	vmpcnt.ones.xlane vm0  }
0x17f: {  	vm3 =	vge.s32 v15, v9;
	s15 =	sadd.s32 $0x80, s15;
	v13 =	vshrl.u32 v17, $0x18;
	vm1 =	vne.s32 v17, $0x0  }
0x180: {  	_ =	sdelay $0x2  }
0x181: {  	v15 =	vshrl.u32 v14, $0x18  }
0x182: {  	vm0 =	vne.s32 v14, $0x0;
	vm6 =	vge.s32 v15, v9  }
0x183: {  	v46 =	vmpcnt.ones.xlane vm4;
	vm0 =	vmand vm0, vm6  }
0x184: {  	v47 =	vmpcnt.ones.xlane vm0  }
0x185: {  	[tilespmem:s11+$0xFFFFFFFD] =	vst.msk $0x1, v46  }
0x186: {  	v14 =	vld [tilespmem:s14+$0xFFFFFFE0];
	[tilespmem:s3+$0xFFFFFFFD] =	vst.msk $0x1, v47  }
0x187: {  	v16 =	vshrl.u32 v12, $0x18;
	v15 =	vld [tilespmem:s21+$0xFFFFFFE0]  }
0x188: {  	vm10 =	vne.s32 v12, $0x0;
	vm11 =	vge.s32 v16, v9  }
0x189: {  	vm0 =	vmand vm10, vm11  }
0x18a: {  	v48 =	vmpcnt.ones.xlane vm0  }
0x18b: {  	v49 =	vshrl.u32 v14, $0x18  }
0x18c: {  	vm8 =	vne.s32 v14, $0x0;
	vm9 =	vge.s32 v49, v9;
	[tilespmem:s2+$0xFFFFFFFE] =	vst.msk $0x1, v48;
	v50 =	vshrl.u32 v15, $0x18  }
0x18d: {  	vm0 =	vmand vm8, vm9;
	v12 =	vld [tilespmem:s1+$0xFFFFFFF0];
	vm10 =	vne.s32 v15, $0x0;
	vm11 =	vge.s32 v50, v9  }
0x18e: {  	v51 =	vmpcnt.ones.xlane vm0;
	vm8 =	vmand vm10, vm11  }
0x18f: {  	v52 =	vmpcnt.ones.xlane vm8  }
0x190: {  	[tilespmem:s11+$0xFFFFFFFE] =	vst.msk $0x1, v51  }
0x191: {  	vm9 =	vge.s32 v13, v9;
	v14 =	vld [tilespmem:s14+$0xFFFFFFF0];
	[tilespmem:s3+$0xFFFFFFFE] =	vst.msk $0x1, v52  }
0x192: {  	vm0 =	vmand vm1, vm9;
	v53 =	vshrl.u32 v12, $0x18;
	v15 =	vld [tilespmem:s21+$0xFFFFFFF0]  }
0x193: {  	v54 =	vmpcnt.ones.xlane vm0;
	vm10 =	vne.s32 v12, $0x0;
	vm11 =	vge.s32 v53, v9  }
0x194: {  	vm7 =	vmand vm10, vm11  }
0x195: {  	[tilespmem:s6+$0xFFFFFFFF] =	vst.msk $0x1, v54;
	v55 =	vmpcnt.ones.xlane vm7  }
0x196: {  	v58 =	vld [tilespmem:s12+$0x0];
	v56 =	vshrl.u32 v14, $0x18  }
0x197: {  	vm8 =	vne.s32 v14, $0x0;
	vm9 =	vge.s32 v56, v9;
	[tilespmem:s2+$0xFFFFFFFF] =	vst.msk $0x1, v55;
	v57 =	vshrl.u32 v15, $0x18  }
0x198: {  	vm0 =	vmand vm8, vm9;
	v59 =	vld [tilespmem:s1+$0x0];
	vm10 =	vne.s32 v15, $0x0;
	vm11 =	vge.s32 v57, v9  }
0x199: {  	v60 =	vmpcnt.ones.xlane vm0;
	vm7 =	vmand vm10, vm11  }
0x19a: {  	v61 =	vmpcnt.ones.xlane vm7  }
0x19b: {  	v63 =	vshrl.u32 v58, $0x18;
	[tilespmem:s11+$0xFFFFFFFF] =	vst.msk $0x1, v60  }
0x19c: {  	vm8 =	vne.s32 v58, $0x0;
	vm9 =	vge.s32 v63, v9;
	v13 =	vld [tilespmem:s14+$0x0];
	[tilespmem:s3+$0xFFFFFFFF] =	vst.msk $0x1, v61  }
0x19d: {  	v62 =	vmpcnt.ones.xlane vm5;
	vm0 =	vmand vm8, vm9;
	v20 =	vshrl.u32 v59, $0x18;
	v17 =	vld [tilespmem:s21+$0x0]  }
0x19e: {  	v22 =	vmpcnt.ones.xlane vm0;
	vm10 =	vne.s32 v59, $0x0;
	vm11 =	vge.s32 v20, v9  }
0x19f: {  	[tilespmem:s30+$0x0] =	vst.msk $0x1, v62;
	vm7 =	vmand vm10, vm11  }
0x1a0: {  	v21 =	vld [tilespmem:s0+$0x10];
	[tilespmem:s6+$0x0] =	vst.msk $0x1, v22;
	v23 =	vmpcnt.ones.xlane vm7  }
0x1a1: {  	v14 =	vld [tilespmem:s12+$0x10];
	v24 =	vshrl.u32 v13, $0x18  }
0x1a2: {  	vm8 =	vne.s32 v13, $0x0;
	vm9 =	vge.s32 v24, v9;
	[tilespmem:s2+$0x0] =	vst.msk $0x1, v23;
	v25 =	vshrl.u32 v17, $0x18  }
0x1a3: {  	vm0 =	vmand vm8, vm9;
	v26 =	vld [tilespmem:s1+$0x10];
	vm10 =	vne.s32 v17, $0x0;
	vm11 =	vge.s32 v25, v9  }
0x1a4: {  	[tilespmem:s28+$0x1] =	vst.msk $0x1, v11;
	v27 =	vmpcnt.ones.xlane vm0;
	vm5 =	vmand vm10, vm11  }
0x1a5: {  	[tilespmem:s26+$0x2] =	vst.msk $0x1, v10;
	v33 =	vld [tilespmem:s29+$0x20];
	v28 =	vshrl.u32 v21, $0x18;
	v29 =	vmpcnt.ones.xlane vm5  }
0x1a6: {  	v41 =	vld [tilespmem:s31+$0x30];
	vm6 =	vne.s32 v21, $0x0;
	vm7 =	vge.s32 v28, v9;
	v32 =	vshrl.u32 v14, $0x18;
	[tilespmem:s11+$0x0] =	vst.msk $0x1, v27  }
0x1a7: {  	vm8 =	vne.s32 v14, $0x0;
	vm9 =	vge.s32 v32, v9;
	vm0 =	vmand vm6, vm7;
	v30 =	vld [tilespmem:s14+$0x10];
	[tilespmem:s3+$0x0] =	vst.msk $0x1, v29  }
0x1a8: {  	v31 =	vmpcnt.ones.xlane vm0;
	vm0 =	vmand vm8, vm9;
	v11 =	vshrl.u32 v26, $0x18;
	v17 =	vld [tilespmem:s21+$0x10]  }
0x1a9: {  	v34 =	vmpcnt.ones.xlane vm0;
	vm10 =	vne.s32 v26, $0x0;
	vm11 =	vge.s32 v11, v9  }
0x1aa: {  	[tilespmem:s30+$0x1] =	vst.msk $0x1, v31;
	vm8 =	vmand vm10, vm11  }
0x1ab: {  	[tilespmem:s6+$0x1] =	vst.msk $0x1, v34;
	v11 =	vld [tilespmem:s0+$0x20];
	v35 =	vmpcnt.ones.xlane vm8  }
0x1ac: {  	v38 =	vshrl.u32 v33, $0x18;
	v46 =	vshrl.u32 v41, $0x18;
	v13 =	vld [tilespmem:s12+$0x20];
	v36 =	vshrl.u32 v30, $0x18  }
0x1ad: {  	vm9 =	vne.s32 v30, $0x0;
	vm10 =	vge.s32 v36, v9;
	[tilespmem:s2+$0x1] =	vst.msk $0x1, v35;
	v37 =	vshrl.u32 v17, $0x18  }
0x1ae: {  	vm0 =	vmand vm9, vm10;
	v15 =	vld [tilespmem:s1+$0x20];
	vm11 =	vne.s32 v17, $0x0;
	vm6 =	vge.s32 v37, v9  }
0x1af: {  	vm1 =	vmand vm2, vm3;
	v39 =	vmpcnt.ones.xlane vm0;
	vm7 =	vmand vm11, vm6  }
0x1b0: {  	vm8 =	vge.s32 v38, v9;
	vm9 =	vne.s32 v33, $0x0;
	v40 =	vmpcnt.ones.xlane vm7  }
0x1b1: {  	v10 =	vshrl.u32 v11, $0x18;
	v44 =	vshrl.u32 v13, $0x18;
	vm0 =	vmand vm9, vm8;
	[tilespmem:s11+$0x1] =	vst.msk $0x1, v39  }
0x1b2: {  	vm10 =	vge.s32 v10, v9;
	v42 =	vmpcnt.ones.xlane vm0;
	vm11 =	vne.s32 v11, $0x0;
	v11 =	vld [tilespmem:s14+$0x20];
	[tilespmem:s3+$0x1] =	vst.msk $0x1, v40  }
0x1b3: {  	v10 =	vmpcnt.ones.xlane vm1;
	vm9 =	vge.s32 v44, v9;
	v45 =	vshrl.u32 v15, $0x18;
	v18 =	vld [tilespmem:s21+$0x20]  }
0x1b4: {  	[tilespmem:s28+$0x2] =	vst.msk $0x1, v42;
	vm4 =	vne.s32 v15, $0x0;
	vm8 =	vmand vm11, vm10;
	vm10 =	vne.s32 v13, $0x0  }
0x1b5: {  	v47 =	vld [tilespmem:s29+$0x30];
	vm11 =	vge.s32 v45, v9;
	v43 =	vmpcnt.ones.xlane vm8;
	vm0 =	vmand vm10, vm9  }
0x1b6: {  	vm1 =	vne.s32 v41, $0x0;
	vm5 =	vmand vm4, vm11;
	v48 =	vmpcnt.ones.xlane vm0  }
0x1b7: {  	vm10 =	vge.s32 v46, v9;
	v50 =	vmpcnt.ones.xlane vm5;
	[tilespmem:s30+$0x2] =	vst.msk $0x1, v43;
	v51 =	vshrl.u32 v11, $0x18  }
0x1b8: {  	v49 =	vld [tilespmem:s0+$0x30];
	[tilespmem:s6+$0x2] =	vst.msk $0x1, v48;
	vm7 =	vne.s32 v11, $0x0;
	vm6 =	vge.s32 v51, v9;
	v11 =	vshrl.u32 v18, $0x18  }
0x1b9: {  	v14 =	vld [tilespmem:s12+$0x30];
	vm0 =	vmand vm7, vm6;
	vm9 =	vne.s32 v18, $0x0;
	vm8 =	vge.s32 v11, v9  }
0x1ba: {  	v53 =	vshrl.u32 v47, $0x18;
	[tilespmem:s2+$0x2] =	vst.msk $0x1, v50;
	v52 =	vmpcnt.ones.xlane vm0;
	vm11 =	vmand vm9, vm8  }
0x1bb: {  	vm4 =	vne.s32 v47, $0x0;
	vm5 =	vge.s32 v53, v9;
	v11 =	vld [tilespmem:s1+$0x30];
	v54 =	vmpcnt.ones.xlane vm11  }
0x1bc: {  	vm1 =	vmand vm1, vm10;
	vm0 =	vmand vm4, vm5;
	[tilespmem:s11+$0x2] =	vst.msk $0x1, v52  }
0x1bd: {  	v56 =	vmpcnt.ones.xlane vm1;
	v57 =	vmpcnt.ones.xlane vm0;
	v55 =	vshrl.u32 v49, $0x18;
	v12 =	vld [tilespmem:s14+$0x30];
	[tilespmem:s3+$0x2] =	vst.msk $0x1, v54  }
0x1be: {  	vm6 =	vne.s32 v49, $0x0;
	vm7 =	vge.s32 v55, v9;
	v59 =	vshrl.u32 v14, $0x18;
	v58 =	vld [tilespmem:s21+$0x30]  }
0x1bf: {  	vm8 =	vne.s32 v14, $0x0;
	vm0 =	vmand vm6, vm7;
	vm9 =	vge.s32 v59, v9  }
0x1c0: {  	[tilespmem:s25+$0x3] =	vst.msk $0x1, v10;
	v10 =	vmpcnt.ones.xlane vm0;
	vm5 =	vmand vm8, vm9;
	v60 =	vshrl.u32 v11, $0x18  }
0x1c1: {  	vm10 =	vne.s32 v11, $0x0;
	v11 =	vmpcnt.ones.xlane vm5;
	vm11 =	vge.s32 v60, v9  }
0x1c2: {  	[tilespmem:s26+$0x3] =	vst.msk $0x1, v56;
	v62 =	vshrl.u32 v12, $0x18;
	vm7 =	vne.s32 v12, $0x0;
	vm6 =	vmand vm10, vm11  }
0x1c3: {  	p2 =	por $0x1, $0x1;
	[tilespmem:s28+$0x3] =	vst.msk $0x1, v57;
	vm8 =	vge.s32 v62, v9;
	v61 =	vmpcnt.ones.xlane vm6;
	v63 =	vshrl.u32 v58, $0x18  }
.Ltmp9:
0x1c4: {  	[tilespmem:s30+$0x3] =	vst.msk $0x1, v10;
	vm0 =	vmand vm7, vm8;
	vm9 =	vne.s32 v58, $0x0;
	vm10 =	vge.s32 v63, v9;
	(pc) =	sbr.rel @!p2 .LBB2_16-.Ltmp9, $4  }
0x1c5: {  	[tilespmem:s6+$0x3] =	vst.msk $0x1, v11;
	v10 =	vmpcnt.ones.xlane vm0;
	vm11 =	vmand vm9, vm10  }
0x1c6: {  	[tilespmem:s2+$0x3] =	vst.msk $0x1, v61;
	v11 =	vmpcnt.ones.xlane vm11  }
0x1c7: {  	[tilespmem:s11+$0x3] =	vst.msk $0x1, v10  }
0x1c8: {  	s4 =	simm.s32 $0x0;
	p1 =	por $0x0, $0x0;
	s0 =	simm.s32 $0x0;
	[tilespmem:s3+$0x3] =	vst.msk $0x1, v11  }
0x1c9: {  	v10 =	vld [tilespmem:s4+$0x9100];
	_ =	sdelay $0x4  }
0x1ca: {  	(xrf0) =	vadd.scan.msk.s32 $0xffff, v10;
	_ =	sdelay $0x4  }
0x1cb: {  	p2 =	por $0x1, $0x1  }
.Ltmp10:
0x1cc: {  	v11, _, _ =	vpop (xrf0);
	(pc) =	sbr.rel @!p2 .LBB2_18-.Ltmp10, $4  }
0x1cd: {  	(v2sf) =	vpush v11, $0xF  }
0x1ce: {  	v10 =	vsub.s32 s0, v10  }
0x1cf: {  	s2 =	simm.s32 $0x10;
	v10 =	vadd.s32 v11, v10  }
0x1d0: {  	s3 =	simm.s32 $0x80;
	p1 =	por $0x1, $0x1;
	s1 =	simm.s32 $0x0;
	[tilespmem:s4+$0x9100] =	vst v10  }
.LBB2_19:
0x1d1: {  	p2 =	sne.s32 s3, $0x1FC0;
	v10 =	vld [tilespmem:s2+$0x9100];
	_ =	sdelay $0x4  }
0x1d2: {  	(xrf0) =	vadd.scan.msk.s32 $0xffff, v10;
	_ =	sdelay $0x5  }
.Ltmp11:
0x1d3: {  	v11, _, _ =	vpop (xrf0);
	s4 =	spop (v2sf);
	(pc) =	sbr.rel @p2 .LBB2_19-.Ltmp11, $4  }
0x1d4: {  	(v2sf) =	vpush v11, $0xF;
	s1 =	sadd.s32 s1, s4  }
0x1d5: {  	v10 =	vsub.s32 s1, v10  }
0x1d6: {  	v10 =	vadd.s32 v11, v10  }
0x1d7: {  	[tilespmem:s2+$0x9100] =	vst v10;
	s2 =	sshra.s32 s3, $0x2;
	s3 =	sadd.s32 $0x40, s3  }
0x1d8: {  	s4 =	smov.u32 s2  }
.LBB2_21:
0x1d9: {  	v10 =	vld [tilespmem:s4+$0x9100];
	_ =	sdelay $0x4  }
0x1da: {  	(xrf0) =	vadd.scan.msk.s32 $0xffff, v10;
	_ =	sdelay $0x5  }
0x1db: {  	v11, _, _ =	vpop (xrf0)  }
0x1dc: {  	(v2sf) =	vpush v11, $0xF;
	_ =	sdelay $0x8  }
0x1dd: {  	s2 =	spop @p1 (v2sf)  }
0x1de: {  	s2 =	sadd.s32 @p1 s1, s2  }
0x1df: {  	s1 =	sand.u32 $0xF0, s0;
	s0 =	smov.u32 @p1 s2;
	p1 =	por $0x1, $0x1  }
.Ltmp12:
0x1e0: {  	_ = 	snop;
	(pc) =	sbr.rel @!p1 .LBB2_23-.Ltmp12, $4  }
0x1e1: {  	v10 =	vsub.s32 s0, v10  }
0x1e2: {  	v10 =	vadd.s32 v11, v10  }
0x1e3: {  	s2 =	simm.s32 $0x8000;
	[tilespmem:s4+$0x9100] =	vst v10;
	s3 =	spop (v2sf)  }
0x1e4: {  	[tilespmem:s2+$0x0] =	vst v1;
	s26 =	sadd.s32 s0, s3;
	s0 =	simm.s32 $0x10  }
.LBB2_22:
0x1e5: {  	p1 =	sne.s32 s0, $0xF0;
	[tilespmem:s1+$0x8100] =	vst v1  }
0x1e6: {  	[tilespmem:s1+$0x8200] =	vst v1  }
0x1e7: {  	[tilespmem:s1+$0x8300] =	vst v1  }
0x1e8: {  	[tilespmem:s1+$0x8400] =	vst v1  }
0x1e9: {  	[tilespmem:s1+$0x8500] =	vst v1  }
0x1ea: {  	[tilespmem:s1+$0x8600] =	vst v1  }
0x1eb: {  	[tilespmem:s1+$0x8700] =	vst v1  }
0x1ec: {  	[tilespmem:s1+$0x8800] =	vst v1  }
0x1ed: {  	[tilespmem:s1+$0x8900] =	vst v1  }
0x1ee: {  	[tilespmem:s1+$0x8A00] =	vst v1  }
0x1ef: {  	[tilespmem:s1+$0x8B00] =	vst v1  }
.Ltmp13:
0x1f0: {  	[tilespmem:s1+$0x8C00] =	vst v1;
	(pc) =	sbr.rel @p1 .LBB2_22-.Ltmp13, $4  }
0x1f1: {  	[tilespmem:s1+$0x8D00] =	vst v1  }
0x1f2: {  	[tilespmem:s1+$0x8E00] =	vst v1  }
0x1f3: {  	s2 =	sadd.s32 $0x10, s2;
	[tilespmem:s1+$0x8F00] =	vst v1  }
0x1f4: {  	s1 =	sand.u32 $0xF0, s0;
	s0 =	sadd.s32 $0x10, s0;
	[tilespmem:s2+$0x0] =	vst v1  }
.LBB2_23:
0x1f5: {  	[tilespmem:s1+$0x8100] =	vst v1  }
0x1f6: {  	[tilespmem:s1+$0x8200] =	vst v1  }
0x1f7: {  	[tilespmem:s1+$0x8300] =	vst v1  }
0x1f8: {  	[tilespmem:s1+$0x8400] =	vst v1  }
0x1f9: {  	[tilespmem:s1+$0x8500] =	vst v1  }
0x1fa: {  	[tilespmem:s1+$0x8600] =	vst v1  }
0x1fb: {  	[tilespmem:s1+$0x8700] =	vst v1  }
0x1fc: {  	[tilespmem:s1+$0x8800] =	vst v1  }
0x1fd: {  	[tilespmem:s1+$0x8900] =	vst v1  }
0x1fe: {  	[tilespmem:s1+$0x8A00] =	vst v1  }
0x1ff: {  	[tilespmem:s1+$0x8B00] =	vst v1  }
0x200: {  	[tilespmem:s1+$0x8C00] =	vst v1  }
0x201: {  	[tilespmem:s1+$0x8D00] =	vst v1  }
0x202: {  	[tilespmem:s1+$0x8E00] =	vst v1  }
0x203: {  	[tilespmem:s1+$0x8F00] =	vst v1;
	s0 =	simm.s32 $0x40  }
0x204: {  	v17 =	vld [tilespmem:s0+$0x0]  }
0x205: {  	v10 =	vld [tilespmem:s0+$0xFFFFFFF0]  }
0x206: {  	s31 =	simm.s32 $0x9104;
	v19 =	vld [tilespmem:s0+$0xFFFFFFC0]  }
0x207: {  	v12 =	vld [tilespmem:s31+$0x2]  }
0x208: {  	v15 =	vld [tilespmem:s31+$0xFFFFFFFE]  }
0x209: {  	v24 =	vld [tilespmem:s0+$0xFFFFFFE0]  }
0x20a: {  	s4 =	simm.s32 $0x40;
	v33 =	vld [tilespmem:s0+$0x20]  }
0x20b: {  	s12 =	simm.s32 $0x60;
	v14 =	vld [tilespmem:s0+$0x30];
	v35 =	vor.u32 s4, v0  }
0x20c: {  	v16 =	vld [tilespmem:s31+$0xFFFFFFFD];
	v63 =	vor.u32 s12, v0;
	v11 =	vshrl.u32 v17, $0x18;
	(v2sf) =	vpush v12, $0x0  }
0x20d: {  	v13 =	vld [tilespmem:s0+$0x10];
	v18 =	vshrl.u32 v17, $0x10;
	v20 =	vshrl.u32 v19, $0x10;
	v25 =	vshrl.u32 v19, $0x18  }
0x20e: {  	v26 =	vshrl.u32 v10, $0x10;
	v23 =	vshrl.u32 v24, $0x18;
	vm0 =	vne.s32 v24, $0x0  }
0x20f: {  	v30 =	vshrl.u32 v24, $0x10;
	v34 =	vshrl.u32 v33, $0x18;
	(v2sf) =	vpush v15, $0x0  }
0x210: {  	v32 =	vshrl.u32 v14, $0x10;
	vm8 =	vne.s32 v33, $0x0;
	vm1 =	vge.s32 v11, v9  }
0x211: {  	v22 =	vld [tilespmem:s31+$0xFFFFFFFC];
	v18 =	vand.u32 $0xFF, v18;
	v21 =	vand.u32 $0xFF, v20;
	(v2sf) =	vpush v16, $0x0  }
0x212: {  	v27 =	vld [tilespmem:s31+$0x0];
	vm6 =	vge.s32 v25, v9;
	vm3 =	vge.s32 v23, v9;
	v20 =	vshrl.u32 v13, $0x18  }
0x213: {  	v12 =	vld [tilespmem:s0+$0xFFFFFFD0];
	v15 =	vshrl.u32 v10, $0x18;
	vm7 =	vge.s32 v34, v9;
	v36 =	vand.u32 $0xFF, v32  }
0x214: {  	v28 =	vld [tilespmem:s31+$0x1];
	s0 =	simm.s32 $0x10;
	vm4 =	vge.s32 v20, v9;
	vm10 =	vmand vm0, vm3;
	vm3 =	veq.s32 v23, v9  }
0x215: {  	vm0 =	vne.s32 v17, $0x0;
	v23 =	vor.u32 s0, v0;
	vm11 =	vge.s32 v15, v9  }
0x216: {  	v31 =	vld [tilespmem:s31+$0xFFFFFFFF];
	(v2sf) =	vpush v22, $0x0;
	vm9 =	vmand vm0, vm1;
	vm0 =	vne.s32 v14, $0x0  }
0x217: {  	vm1 =	vmand vm8, vm7;
	vm8 =	vmmov vm14;
	(v2sf) =	vpush v27, $0x0  }
0x218: {  	v27 =	vshrl.u32 v33, $0x10;
	v16 =	vshrl.u32 v12, $0x18;
	vm2 =	vne.s32 v12, $0x0  }
0x219: {  	v22 =	vld [tilespmem:s31+$0x3];
	v29 =	vshrl.u32 v12, $0x10;
	v27 =	vand.u32 $0xFF, v27;
	(v2sf) =	vpush v28, $0x0  }
0x21a: {  	s11 =	simm.s32 $0x30;
	vm5 =	vge.s32 v16, v9;
	v32 =	vand.u32 $0xFF, v29;
	v29 =	vshrl.u32 v13, $0x10  }
0x21b: {  	(v2sf) =	vpush v31, $0x0;
	v31 =	vand.u32 $0xFF, v26;
	v26 =	vor.u32 s11, v0;
	s2 =	spop (v2sf)  }
0x21c: {  	s1 =	simm.s32 $0x0;
	s3 =	simm.s32 $0x0;
	vm2 =	vmand vm2, vm5;
	vm5 =	veq.s32 v34, v9;
	v28 =	vand.u32 $0xFF, v29;
	p1 =	slt.s32 s2, $0xFF1  }
0x21d: {  	s6 =	simm.s32 $0xC0;
	s14 =	simm.s32 $0x70;
	v29 =	vor.u32 v2, v27;
	v27 =	vand.u32 $0xFF, v30;
	p2 =	slt.s32 s2, $0xFF0;
	vm8 =	vmneg @p1 vm8  }
0x21e: {  	s15 =	simm.s32 $0x20;
	v30 =	vshrl.u32 v14, $0x18;
	(v2sf) =	vpush v22, $0x0;
	s4 =	spop (v2sf);
	s2 =	simm.s32 @!p2 $0xFF0;
	vm1 =	vmand vm1, vm8  }
0x21f: {  	s21 =	simm.s32 $0x0;
	s12 =	simm.s32 $0x910C;
	vm7 =	vge.s32 v30, v9;
	v22 =	vor.u32 v2, v36;
	v27 =	vor.u32 v2, v27;
	p2 =	slt.s32 s4, $0xFF0;
	[tilespmem:s2+$0x9980] =	vst.msk vm1, v33  }
0x220: {  	vm15 =	vmand vm0, vm7;
	p3 =	slt.s32 s4, $0xFF1;
	s25 =	spop (v2sf);
	vm8 =	vne.s32 v10, $0x0;
	v33 =	vor.u32 s14, v0;
	[tilespmem:s2+$0xA980] =	vst.msk vm1, v63;
	s2 =	simm.s32 $0x0  }
.LBB2_24:
0x221: {  	_ =	sdelay $0x2  }
0x222: {  	v34 =	vor.u32 v2, v32;
	v53 =	vor.u32 s15, v0  }
0x223: {  	v38 =	vld [tilespmem:s6+$0x0];
	vm11 =	vmand vm8, vm11;
	vm0 =	vne.s32 v19, $0x0;
	vm1 =	vmmov vm14  }
0x224: {  	v36 =	vld [tilespmem:s6+$0xFFFFFFF0];
	vm12 =	vne.s32 v13, $0x0;
	v37 =	vor.u32 v2, v18;
	vm1 =	vmneg @p3 vm1;
	s14 =	spop (v2sf)  }
0x225: {  	v39 =	vld [tilespmem:s6+$0xFFFFFFC0];
	s4 =	simm.s32 @!p2 $0xFF0;
	vm0 =	vmand vm0, vm6;
	vm6 =	vmmov vm14;
	vm13 =	vmand vm10, vm1;
	p5 =	slt.s32 s14, $0xFF1  }
0x226: {  	v41 =	vld [tilespmem:s12+$0x2];
	v42 =	vor.u32 v2, v21;
	vm7 =	veq.s32 v20, v9;
	[tilespmem:s4+$0x9980] =	vst.msk vm13, v24;
	p4 =	slt.s32 s14, $0xFF0;
	vm6 =	vmneg @p5 vm6  }
0x227: {  	v54 =	vld [tilespmem:s12+$0xFFFFFFFC];
	[tilespmem:s4+$0xA980] =	vst.msk vm13, v53;
	s14 =	simm.s32 @!p4 $0xFF0;
	vm1 =	vmand vm0, vm6;
	vm0 =	veq.s32 v11, v9;
	v11 =	vimm.s32 $0x0  }
0x228: {  	s21 =	sadd.s32 $0x80, s21;
	v55 =	vld [tilespmem:s6+$0x10];
	v28 =	vor.u32 v2, v28;
	s31 =	sadd.s32 $0x50, s2;
	v31 =	vor.u32 v2, v31;
	s15 =	spop (v2sf);
	v11 =	vsel vm0, $0xFFFFFFFF, v11;
	[tilespmem:s14+$0x9980] =	vst.msk vm1, v19  }
0x229: {  	v57 =	vor.u32 s31, v0;
	s31 =	sadd.s32 $0x60, s21;
	vm10 =	veq.s32 v25, v9;
	v25 =	vor.u32 s2, v0;
	v44 =	vld [tilespmem:s12+$0xFFFFFFFE];
	s4 =	spop (v2sf);
	[tilespmem:$0x1FFF0] =	vst v11  }
0x22a: {  	vm8 =	veq.s32 v15, v9;
	vm4 =	vmand vm12, vm4;
	v24 =	vld [tilespmem:s6+$0xFFFFFFE0];
	p3 =	slt.s32 s15, $0xFF1;
	s11 =	spop (v2sf);
	vm0 =	vmmov vm14;
	[tilespmem:s14+$0xA980] =	vst.msk vm1, v25;
	s14 =	simm.s32 $0x8000  }
0x22b: {  	vm12 =	vmmov vm14;
	v63 =	vor.u32 s31, v0;
	p2 =	slt.s32 s15, $0xFF0;
	p5 =	slt.s32 s11, $0xFF1;
	vm0 =	vmneg @p3 vm0;
	[tilespmem:v29+s14+$0x0] =	vst.idx.add.s32.msk vm5, v3  }
0x22c: {  	v18 =	vshrl.u32 v38, $0x10;
	s15 =	simm.s32 @!p2 $0xFF0;
	p4 =	slt.s32 s11, $0xFF0;
	vm12 =	vmneg @p5 vm12;
	vm0 =	vmand vm9, vm0;
	[tilespmem:v27+s14+$0x0] =	vst.idx.add.s32.msk vm3, v3  }
0x22d: {  	v43 =	vld [tilespmem:s12+$0x0];
	v56 =	vshrl.u32 v36, $0x10;
	vm6 =	vmmov vm14;
	p3 =	slt.s32 s4, $0xFF1;
	s11 =	simm.s32 @!p4 $0xFF0;
	vm11 =	vmand vm11, vm12;
	[tilespmem:s15+$0x9980] =	vst.msk vm0, v17  }
0x22e: {  	v61 =	vld [tilespmem:s12+$0xFFFFFFFF];
	v20 =	vshrl.u32 v55, $0x18;
	v15 =	vshrl.u32 v36, $0x18;
	p2 =	slt.s32 s4, $0xFF0;
	vm6 =	vmneg @p3 vm6;
	[tilespmem:s11+$0x9980] =	vst.msk vm11, v10  }
0x22f: {  	v18 =	vand.u32 $0xFF, v18;
	v58 =	vshrl.u32 v24, $0x18;
	s4 =	simm.s32 @!p2 $0xFF0;
	vm13 =	vmand vm4, vm6;
	[tilespmem:s15+$0xA980] =	vst.msk vm0, v35  }
0x230: {  	v40 =	vld [tilespmem:s6+$0x30];
	v60 =	vshrl.u32 v24, $0x10;
	s28 =	spop (v2sf);
	v19 =	vmovc v39;
	(v2sf) =	vpush v41, $0x0;
	v11 =	vshrl.u32 v38, $0x18;
	[tilespmem:s4+$0x9980] =	vst.msk vm13, v13  }
0x231: {  	v21 =	vshrl.u32 v19, $0x10;
	v25 =	vshrl.u32 v19, $0x18;
	vm1 =	vge.s32 v58, v9;
	v29 =	vld [tilespmem:s12+$0xFFFFFFFD];
	[tilespmem:s11+$0xA980] =	vst.msk vm11, v26  }
0x232: {  	(v2sf) =	vpush v44, $0x0;
	vm9 =	vge.s32 v11, v9;
	vm12 =	veq.s32 v30, v9;
	v30 =	vld [tilespmem:s6+$0xFFFFFFD0];
	[tilespmem:s4+$0xA980] =	vst.msk vm13, v57  }
0x233: {  	p4 =	slt.s32 s28, $0xFF1;
	v21 =	vand.u32 $0xFF, v21;
	vm5 =	vmmov vm14;
	vm0 =	vmmov vm14;
	[tilespmem:v31+s14+$0x0] =	vst.idx.add.s32.msk vm8, v3  }
0x234: {  	p2 =	slt.s32 s25, $0xFF1;
	p3 =	slt.s32 s28, $0xFF0;
	vm3 =	veq.s32 v58, v9;
	vm6 =	vge.s32 v25, v9;
	vm0 =	vmneg @p4 vm0;
	v39 =	vld [tilespmem:s12+$0x1]  }
0x235: {  	s28 =	simm.s32 @!p3 $0xFF0;
	vm4 =	vge.s32 v20, v9;
	vm5 =	vmneg @p2 vm5;
	vm0 =	vmand vm15, vm0;
	[tilespmem:v28+s14+$0x0] =	vst.idx.add.s32.msk vm7, v3  }
0x236: {  	s29 =	sadd.s32 $0x40, s21;
	v45 =	vld [tilespmem:s6+$0x20];
	vm5 =	vmand vm2, vm5;
	v26 =	vand.u32 $0xFF, v60;
	[tilespmem:s28+$0x9980] =	vst.msk vm0, v14;
	(v2sf) =	vpush v29, $0x0  }
0x237: {  	p3 =	slt.s32 s25, $0xFF0;
	v13 =	vmovc v55;
	v35 =	vor.u32 s29, v0;
	vm11 =	vge.s32 v15, v9;
	vm8 =	vmmov vm14;
	v59 =	vld [tilespmem:s12+$0x3];
	[tilespmem:s28+$0xA980] =	vst.msk vm0, v33  }
0x238: {  	s25 =	simm.s32 @!p3 $0xFF0;
	v31 =	vand.u32 $0xFF, v56;
	vm15 =	vne.s32 v24, $0x0;
	[tilespmem:v22+s14+$0x0] =	vst.idx.add.s32.msk vm12, v3;
	v22 =	vshrl.u32 v13, $0x10  }
0x239: {  	[tilespmem:s25+$0x9980] =	vst.msk vm5, v12;
	vm2 =	vne.s32 v30, $0x0;
	v12 =	vmovc v30;
	vm0 =	veq.s32 v16, v9;
	v28 =	vand.u32 $0xFF, v22;
	v22 =	vld [tilespmem:$0x1FFF0]  }
0x23a: {  	v14 =	vmovc v40;
	v16 =	vshrl.u32 v30, $0x18;
	v29 =	vshrl.u32 v12, $0x10;
	(v2sf) =	vpush v54, $0x0  }
0x23b: {  	s29 =	sadd.s32 $0x70, s21;
	[tilespmem:s25+$0xA980] =	vst.msk vm5, v23;
	v27 =	vshrl.u32 v45, $0x18;
	v30 =	vshrl.u32 v14, $0x10;
	v23 =	vshrl.u32 v45, $0x10  }
0x23c: {  	[tilespmem:v42+s14+$0x0] =	vst.idx.add.s32.msk vm10, v3;
	v33 =	vor.u32 s29, v0;
	vm10 =	vge.s32 v16, v9;
	vm13 =	vge.s32 v27, v9  }
0x23d: {  	v62 =	vand.u32 $0xFF, v30;
	(v2sf) =	vpush v43, $0x0;
	v32 =	vand.u32 $0xFF, v29  }
0x23e: {  	s30 =	sadd.s32 $0x30, s21;
	vm5 =	veq.s32 v27, v9;
	v23 =	vand.u32 $0xFF, v23;
	vm7 =	vnez.u8 v22  }
0x23f: {  	s3 =	sadd.s32 $0x8, s3;
	v30 =	vshrl.u32 v14, $0x18;
	v27 =	vor.u32 v2, v26;
	v26 =	vor.u32 s30, v0;
	s25 =	spop (v2sf)  }
0x240: {  	p1 =	slt.u32 s3, $0x7F8;
	vm2 =	vmand vm2, vm10;
	vm10 =	vmand vm15, vm1;
	vm1 =	vne.s32 v45, $0x0;
	p2 =	slt.s32 s25, $0xFF1  }
.Ltmp14:
0x241: {  	(v2sf) =	vpush v39, $0x0;
	vm1 =	vmand vm1, vm13;
	vm8 =	vmneg @p2 vm8;
	p2 =	slt.s32 s25, $0xFF0;
	(pc) =	sbr.rel @p1 .LBB2_24-.Ltmp14, $4  }
0x242: {  	v17 =	vmovc v38;
	s28 =	sadd.s32 $0x10, s21;
	v29 =	vor.u32 v2, v23;
	(v2sf) =	vpush v61, $0x0;
	[tilespmem:v34+s14+$0x0] =	vst.idx.add.s32.msk vm0, v3;
	vm1 =	vmand vm1, vm8;
	s25 =	simm.s32 @!p2 $0xFF0  }
0x243: {  	s2 =	smov.u32 s21;
	s6 =	sadd.s32 $0x80, s6;
	s11 =	simm.s32 $0x9000;
	v23 =	vor.u32 s28, v0;
	(v2sf) =	vpush v59, $0x0;
	vm0 =	vne.s32 v17, $0x0;
	[tilespmem:s25+$0x9980] =	vst.msk vm1, v45  }
0x244: {  	v10 =	vmovc v36;
	s15 =	sadd.s32 $0x20, s21;
	s12 =	sadd.s32 $0x8, s12;
	vm9 =	vmand vm0, vm9;
	vm0 =	vne.s32 v14, $0x0;
	s4 =	spop (v2sf);
	[tilespmem:v37+s14+$0x0] =	vst.idx.add.s32.msk vm7, v3;
	vm7 =	vge.s32 v30, v9  }
0x245: {  	v22 =	vor.u32 v2, v62;
	p3 =	slt.s32 s4, $0xFF1;
	vm8 =	vne.s32 v10, $0x0;
	p2 =	slt.s32 s4, $0xFF0;
	[tilespmem:s25+$0xA980] =	vst.msk vm1, v63;
	vm15 =	vmand vm0, vm7;
	s25 =	spop (v2sf)  }
0x246: {  	_ =	sdelay $0x3  }
0x247: {  	vm0 =	vmmov vm14  }
0x248: {  	vm0 =	vmneg @p3 vm0;
	s3 =	spop (v2sf)  }
0x249: {  	vm1 =	vne.s32 v19, $0x0;
	vm0 =	vmand vm10, vm0;
	vm10 =	vmmov vm14;
	p1 =	slt.s32 s3, $0xFF1;
	s6 =	spop (v2sf)  }
0x24a: {  	s4 =	simm.s32 @!p2 $0xFF0;
	[tilespmem:v29+s14+$0x0] =	vst.idx.add.s32.msk vm5, v3;
	vm1 =	vmand vm1, vm6;
	vm6 =	vmmov vm14;
	vm10 =	vmneg @p1 vm10;
	p1 =	slt.s32 s6, $0xFF1  }
0x24b: {  	v34 =	vor.u32 s15, v0;
	[tilespmem:s4+$0x9980] =	vst.msk vm0, v24;
	vm6 =	vmneg @p1 vm6  }
0x24c: {  	p2 =	slt.s32 s3, $0xFF0;
	[tilespmem:s4+$0xA980] =	vst.msk vm0, v34;
	vm0 =	vmand vm9, vm6;
	vm6 =	veq.s32 v25, v9  }
0x24d: {  	v54 =	vor.u32 v2, v21;
	s3 =	simm.s32 @!p2 $0xFF0;
	[tilespmem:v27+s14+$0x0] =	vst.idx.add.s32.msk vm3, v3;
	vm1 =	vmand vm1, vm10;
	p2 =	slt.s32 s6, $0xFF0;
	s4 =	spop (v2sf)  }
0x24e: {  	[tilespmem:s3+$0x9980] =	vst.msk vm1, v19;
	s6 =	simm.s32 @!p2 $0xFF0;
	s12 =	spop (v2sf)  }
0x24f: {  	[tilespmem:s6+$0x9980] =	vst.msk vm0, v17;
	s15 =	spop (v2sf)  }
0x250: {  	v53 =	vor.u32 s2, v0;
	[tilespmem:s6+$0xA980] =	vst.msk vm0, v35;
	vm0 =	vmmov vm14;
	p1 =	slt.s32 s15, $0xFF1  }
0x251: {  	[tilespmem:s3+$0xA980] =	vst.msk vm1, v53;
	p2 =	slt.s32 s15, $0xFF0;
	vm0 =	vmneg @p1 vm0  }
0x252: {  	vm1 =	vne.s32 v13, $0x0;
	vm9 =	vmmov vm14;
	p1 =	slt.s32 s4, $0xFF1;
	s15 =	simm.s32 @!p2 $0xFF0;
	vm0 =	vmand vm15, vm0;
	[tilespmem:v54+s14+$0x0] =	vst.idx.add.s32.msk vm6, v3  }
0x253: {  	vm10 =	veq.s32 v20, v9;
	vm1 =	vmand vm1, vm4;
	p2 =	slt.s32 s4, $0xFF0;
	vm9 =	vmneg @p1 vm9;
	[tilespmem:s15+$0x9980] =	vst.msk vm0, v14  }
0x254: {  	s31 =	sadd.s32 $0x50, s2;
	vm5 =	vmmov vm14;
	v55 =	vor.u32 v2, v28;
	s4 =	simm.s32 @!p2 $0xFF0;
	p1 =	slt.s32 s25, $0xFF1;
	vm1 =	vmand vm1, vm9;
	[tilespmem:s15+$0xA980] =	vst.msk vm0, v33  }
0x255: {  	v56 =	vor.u32 s31, v0;
	p2 =	slt.s32 s25, $0xFF0;
	vm5 =	vmneg @p1 vm5;
	[tilespmem:s4+$0x9980] =	vst.msk vm1, v13  }
0x256: {  	s25 =	simm.s32 @!p2 $0xFF0;
	vm0 =	veq.s32 v30, v9;
	vm2 =	vmand vm2, vm5;
	[tilespmem:s4+$0xA980] =	vst.msk vm1, v56  }
0x257: {  	v57 =	vor.u32 v2, v32;
	p1 =	slt.s32 s12, $0xFF1;
	vm5 =	vmmov vm14;
	[tilespmem:s25+$0x9980] =	vst.msk vm2, v12;
	vm1 =	veq.s32 v16, v9  }
0x258: {  	vm3 =	vmand vm8, vm11;
	vm11 =	veq.s32 v15, v9;
	p2 =	slt.s32 s12, $0xFF0;
	vm5 =	vmneg @p1 vm5;
	[tilespmem:s25+$0xA980] =	vst.msk vm2, v23  }
0x259: {  	s12 =	simm.s32 @!p2 $0xFF0;
	vm2 =	veq.s32 v11, v9;
	v9 =	vor.u32 v2, v31;
	[tilespmem:v55+s14+$0x0] =	vst.idx.add.s32.msk vm10, v3;
	vm3 =	vmand vm3, vm5  }
0x25a: {  	v11 =	vor.u32 v2, v18;
	[tilespmem:s12+$0x9980] =	vst.msk vm3, v10  }
0x25b: {  	[tilespmem:s12+$0xA980] =	vst.msk vm3, v26  }
0x25c: {  	[tilespmem:v22+s14+$0x0] =	vst.idx.add.s32.msk vm0, v3  }
0x25d: {  	[tilespmem:v57+s14+$0x0] =	vst.idx.add.s32.msk vm1, v3  }
0x25e: {  	[tilespmem:v9+s14+$0x0] =	vst.idx.add.s32.msk vm11, v3  }
0x25f: {  	s1 =	sand.u32 $0xF0, s1;
	[tilespmem:v11+s14+$0x0] =	vst.idx.add.s32.msk vm2, v3  }
0x260: {  	v9 =	vld [tilespmem:s1+$0x8100]  }
0x261: {  	v10 =	vld [tilespmem:s14+$0x0]  }
0x262: {  	v11 =	vld [tilespmem:s1+$0x8200]  }
0x263: {  	v12 =	vld [tilespmem:s1+$0x8300]  }
0x264: {  	v13 =	vld [tilespmem:s1+$0x8400]  }
0x265: {  	v14 =	vld [tilespmem:s1+$0x8500]  }
0x266: {  	v9 =	vadd.s32 v10, v9;
	v10 =	vld [tilespmem:s1+$0x8600]  }
0x267: {  	v9 =	vadd.s32 v11, v9;
	v11 =	vld [tilespmem:s1+$0x8700]  }
0x268: {  	v58 =	vld [tilespmem:s1+$0x8800];
	v9 =	vadd.s32 v12, v9  }
0x269: {  	v59 =	vld [tilespmem:s1+$0x8900];
	v9 =	vadd.s32 v13, v9  }
0x26a: {  	v60 =	vld [tilespmem:s1+$0x8A00];
	v9 =	vadd.s32 v14, v9  }
0x26b: {  	v9 =	vadd.s32 v10, v9;
	v10 =	vld [tilespmem:s1+$0x8B00]  }
0x26c: {  	v9 =	vadd.s32 v11, v9;
	v11 =	vld [tilespmem:s1+$0x8C00]  }
0x26d: {  	v61 =	vld [tilespmem:s1+$0x8D00];
	v9 =	vadd.s32 v58, v9  }
0x26e: {  	v62 =	vld [tilespmem:s1+$0x8E00];
	v9 =	vadd.s32 v59, v9  }
0x26f: {  	v63 =	vld [tilespmem:s1+$0x8F00];
	v9 =	vadd.s32 v60, v9  }
0x270: {  	v9 =	vadd.s32 v10, v9  }
0x271: {  	v9 =	vadd.s32 v11, v9  }
0x272: {  	v9 =	vadd.s32 v61, v9  }
0x273: {  	v9 =	vadd.s32 v62, v9  }
0x274: {  	v9 =	vadd.s32 v63, v9  }
0x275: {  	s0 =	sand.u32 $0xF0, s0;
	[tilespmem:s11+$0x0] =	vst v9  }
0x276: {  	s2 =	simm.s32 $0x20;
	vm2 =	vcmask $0x300;
	s1 =	simm.s32 $0x8010;
	v9 =	vld [tilespmem:s0+$0x8100]  }
.LBB2_26:
0x277: {  	p1 =	seq.s32 s2, $0xF0;
	v10 =	vld [tilespmem:s1+$0x0]  }
0x278: {  	v11 =	vld [tilespmem:s0+$0x8200]  }
0x279: {  	v12 =	vld [tilespmem:s0+$0x8300]  }
0x27a: {  	v13 =	vld [tilespmem:s0+$0x8400]  }
0x27b: {  	v14 =	vld [tilespmem:s0+$0x8500]  }
0x27c: {  	v9 =	vadd.s32 v10, v9;
	v10 =	vld [tilespmem:s0+$0x8600]  }
0x27d: {  	v9 =	vadd.s32 v11, v9;
	v11 =	vld [tilespmem:s0+$0x8700]  }
0x27e: {  	v9 =	vadd.s32 v12, v9;
	v12 =	vld [tilespmem:s0+$0x8800]  }
0x27f: {  	v9 =	vadd.s32 v13, v9;
	v13 =	vld [tilespmem:s0+$0x8900]  }
0x280: {  	v9 =	vadd.s32 v14, v9;
	v14 =	vld [tilespmem:s0+$0x8A00]  }
0x281: {  	v9 =	vadd.s32 v10, v9;
	v10 =	vld [tilespmem:s0+$0x8B00]  }
0x282: {  	v9 =	vadd.s32 v11, v9;
	v11 =	vld [tilespmem:s0+$0x8C00]  }
0x283: {  	v9 =	vadd.s32 v12, v9;
	v12 =	vld [tilespmem:s0+$0x8D00]  }
0x284: {  	v9 =	vadd.s32 v13, v9;
	v13 =	vld [tilespmem:s0+$0x8E00]  }
0x285: {  	v9 =	vadd.s32 v14, v9;
	v14 =	vld [tilespmem:s0+$0x8F00]  }
0x286: {  	v9 =	vadd.s32 v10, v9  }
0x287: {  	v9 =	vadd.s32 v11, v9  }
.Ltmp15:
0x288: {  	v9 =	vadd.s32 v12, v9;
	(pc) =	sbr.rel @!p1 .LBB2_26-.Ltmp15, $4  }
0x289: {  	v9 =	vadd.s32 v13, v9  }
0x28a: {  	s11 =	sadd.s32 $0x10, s11;
	v9 =	vadd.s32 v14, v9  }
0x28b: {  	s0 =	sand.u32 $0xF0, s2;
	[tilespmem:s11+$0x0] =	vst v9  }
0x28c: {  	s1 =	sadd.s32 $0x10, s1;
	s2 =	sadd.s32 $0x10, s2;
	v9 =	vld [tilespmem:s0+$0x8100]  }
0x28d: {  	v10 =	vld [tilespmem:s1+$0x0]  }
0x28e: {  	v11 =	vld [tilespmem:s0+$0x8200]  }
0x28f: {  	v12 =	vld [tilespmem:s0+$0x8300]  }
0x290: {  	v13 =	vld [tilespmem:s0+$0x8400]  }
0x291: {  	v14 =	vld [tilespmem:s0+$0x8500]  }
0x292: {  	v9 =	vadd.s32 v10, v9;
	v10 =	vld [tilespmem:s0+$0x8600]  }
0x293: {  	v9 =	vadd.s32 v11, v9;
	v11 =	vld [tilespmem:s0+$0x8700]  }
0x294: {  	v9 =	vadd.s32 v12, v9;
	v12 =	vld [tilespmem:s0+$0x8800]  }
0x295: {  	v9 =	vadd.s32 v13, v9;
	v13 =	vld [tilespmem:s0+$0x8900]  }
0x296: {  	v9 =	vadd.s32 v14, v9;
	v14 =	vld [tilespmem:s0+$0x8A00]  }
0x297: {  	v9 =	vadd.s32 v10, v9;
	v10 =	vld [tilespmem:s0+$0x8B00]  }
0x298: {  	v9 =	vadd.s32 v11, v9;
	v11 =	vld [tilespmem:s0+$0x8C00]  }
0x299: {  	v9 =	vadd.s32 v12, v9;
	v12 =	vld [tilespmem:s0+$0x8D00]  }
0x29a: {  	v9 =	vadd.s32 v13, v9;
	v13 =	vld [tilespmem:s0+$0x8E00]  }
0x29b: {  	v9 =	vadd.s32 v14, v9;
	v14 =	vld [tilespmem:s0+$0x8F00]  }
0x29c: {  	v9 =	vadd.s32 v10, v9  }
0x29d: {  	v9 =	vadd.s32 v11, v9  }
0x29e: {  	v9 =	vadd.s32 v12, v9  }
0x29f: {  	v9 =	vadd.s32 v13, v9  }
0x2a0: {  	s31 =	sadd.s32 $0x10, s11;
	v9 =	vadd.s32 v14, v9  }
0x2a1: {  	s3 =	simm.s32 $0x90F0;
	[tilespmem:s31+$0x0] =	vst v9  }
0x2a2: {  	v10 =	vld [tilespmem:s3+$0x0];
	_ =	sdelay $0x4  }
0x2a3: {  	(xrf0) =	vadd.scan.msk.s32 $0xffff, v10;
	_ =	sdelay $0x5  }
0x2a4: {  	v11, _, _ =	vpop (xrf0)  }
0x2a5: {  	(v2sf) =	vpush v11, $0xF;
	_ =	sdelay $0x2  }
0x2a6: {  	v11 =	vperm.xlane v10, v4;
	_ =	sdelay $0x1  }
0x2a7: {  	(xrf0) =	vadd.scan.msk.s32 $0xffff, v11;
	_ =	sdelay $0x4  }
0x2a8: {  	p2 =	por $0x0, $0x0  }
.Ltmp16:
0x2a9: {  	v11, _, _ =	vpop (xrf0);
	(pc) =	sbr.rel @p2 .LBB2_28-.Ltmp16, $4  }
0x2aa: {  	v11 =	vperm.xlane v11, v4  }
0x2ab: {  	s2 =	ssub.s32 $0x80, s23  }
0x2ac: {  	s1 =	simm.s32 $0x0;
	s4 =	simm.s32 $0xF0;
	s6 =	simm.s32 $0xE0;
	v10 =	vsub.s32 v11, v10  }
0x2ad: {  	p1 =	por $0x0, $0x0;
	s0 =	simm.s32 $0xFFFFFFFF;
	v9 =	vmov s2;
	v11 =	vadd.s32 s1, v11;
	v12 =	vadd.s32 s1, v10;
	s28 =	spop (v2sf)  }
0x2ae: {  	s3 =	sadd.s32 $0x0, s28  }
0x2af: {  	p2 =	por $0x1, $0x1;
	p1 =	sge.s32 s3, s2  }
0x2b0: {  	p2 =	por !p2, !p1  }
0x2b1: {  	vm0 =	vmmov vm14;
	p2 =	por !p2, !p2  }
0x2b2: {  	vm1 =	vlt.s32 v12, v9;
	vm0 =	vmneg @p2 vm0  }
0x2b3: {  	vm0 =	vmand vm1, vm0;
	vm1 =	vge.s32 v11, v9  }
0x2b4: {  	vm0 =	vmand vm1, vm0  }
0x2b5: {  	v11 =	vnsel vm0, $0x0, v0  }
0x2b6: {  	(xrf0) =	vadd.scan.msk.s32 $0xffff, v11;
	_ =	sdelay $0x5  }
0x2b7: {  	v11, _, _ =	vpop (xrf0)  }
0x2b8: {  	s11 =	simm.s32 $0x90E0;
	(v2sf) =	vpush v11, $0xF  }
0x2b9: {  	v13 =	vld [tilespmem:s11+$0x0];
	_ =	sdelay $0x4  }
0x2ba: {  	(xrf0) =	vadd.scan.msk.s32 $0xffff, v13  }
0x2bb: {  	v10 =	vnsel vm0, $0x0, v10  }
0x2bc: {  	(xrf0) =	vadd.scan.msk.s32 $0xffff, v10;
	_ =	sdelay $0x1  }
0x2bd: {  	v11 =	vperm.xlane v13, v4;
	_ =	sdelay $0x1  }
0x2be: {  	v12, _, _ =	vpop (xrf0)  }
0x2bf: {  	(v2sf) =	vpush v12, $0xF  }
0x2c0: {  	(xrf0) =	vadd.scan.msk.s32 $0xffff, v11;
	v11, _, _ =	vpop (xrf0)  }
0x2c1: {  	s12 =	spop (v2sf);
	(v2sf) =	vpush v11, $0xF;
	_ =	sdelay $0x7  }
0x2c2: {  	p3 =	por $0x0, $0x0  }
.Ltmp17:
0x2c3: {  	v10, _, _ =	vpop (xrf0);
	(pc) =	sbr.rel @p3 .LBB2_30-.Ltmp17, $4  }
0x2c4: {  	s4 =	simm.s32 $0xD0;
	s21 =	simm.s32 $0xFFFFFFFF;
	v12 =	vperm.xlane v10, v4  }
0x2c5: {  	s25 =	simm.s32 $0x0;
	s3 =	smov.u32 @p1 s1;
	p1 =	por $0x0, $0x0  }
0x2c6: {  	s14 =	simm.s32 $0x0;
	s3 =	smov.u32 @p1 s1;
	p1 =	por $0x1, $0x1;
	v10 =	vsub.s32 v12, v13  }
0x2c7: {  	v11 =	vadd.s32 s3, v12;
	v12 =	vadd.s32 s3, v10;
	s28 =	spop (v2sf);
	s29 =	sadd.s32 $0xF0, s12;
	s12 =	smov.u32 s3  }
.LBB2_31:
0x2c8: {  	s30 =	smov.u32 s3;
	s3 =	sadd.s32 s3, s28  }
0x2c9: {  	s21 =	smov.u32 @p2 s29;
	s15 =	smov.u32 s4;
	s28 =	spop (v2sf)  }
0x2ca: {  	p3 =	slt.s32 s21, $0x0;
	p4 =	sge.s32 s3, s2;
	s25 =	sadd.s32 s25, s28  }
0x2cb: {  	p3 =	por !p3, !p4;
	s3 =	smov.u32 @p4 s30;
	s14 =	smov.u32 @p2 s25  }
0x2cc: {  	s11 =	sadd.s32 $0xFFFFFFF0, s11;
	vm1 =	vmmov vm14;
	p4 =	sgt.s32 s21, $0xFFFFFFFF;
	p2 =	por !p3, !p3  }
0x2cd: {  	vm0 =	vlt.s32 v12, v9;
	p3 =	seq.s32 s4, $0x0;
	s4 =	sadd.s32 $0xFFFFFFF0, s4;
	s3 =	smov.u32 @p4 s30;
	vm1 =	vmneg @p2 vm1;
	v13 =	vld [tilespmem:s11+$0x0]  }
0x2ce: {  	s25 =	smov.u32 s12;
	s12 =	smov.u32 s3;
	vm0 =	vmand vm0, vm1;
	vm1 =	vge.s32 v11, v9  }
0x2cf: {  	vm0 =	vmand vm1, vm0  }
0x2d0: {  	v11 =	vnsel vm0, $0x0, v0;
	v10 =	vnsel vm0, $0x0, v10  }
0x2d1: {  	(xrf0) =	vadd.scan.msk.s32 $0xffff, v11  }
0x2d2: {  	v11 =	vperm.xlane v13, v4;
	(xrf0) =	vadd.scan.msk.s32 $0xffff, v13  }
0x2d3: {  	(xrf0) =	vadd.scan.msk.s32 $0xffff, v10  }
0x2d4: {  	(xrf0) =	vadd.scan.msk.s32 $0xffff, v11;
	_ =	sdelay $0x2  }
0x2d5: {  	v10, _, _ =	vpop (xrf0)  }
0x2d6: {  	v11, _, _ =	vpop (xrf0);
	(v2sf) =	vpush v10, $0xF  }
0x2d7: {  	(v2sf) =	vpush v11, $0xF;
	v10, _, _ =	vpop (xrf0)  }
0x2d8: {  	v11, _, _ =	vpop (xrf0);
	(v2sf) =	vpush v10, $0xF  }
0x2d9: {  	v11 =	vperm.xlane v11, v4;
	_ =	sdelay $0x1  }
0x2da: {  	v10 =	vsub.s32 v11, v13;
	v11 =	vadd.s32 s3, v11  }
0x2db: {  	v12 =	vadd.s32 s3, v10;
	_ =	sdelay $0x5  }
.Ltmp18:
0x2dc: {  	(pc) =	sbr.rel @!p3 .LBB2_31-.Ltmp18, $3  }
0x2dd: {  	_ =	sdelay $0x1  }
0x2de: {  	s29 =	spop (v2sf)  }
0x2df: {  	s28 =	spop (v2sf);
	s29 =	sadd.s32 s6, s29;
	s6 =	smov.u32 s15  }
0x2e0: {  	s4 =	smov.u32 s6  }
.LBB2_33:
0x2e1: {  	p3 =	por !p2, !p1  }
0x2e2: {  	s29 =	smov.u32 @p3 s21  }
0x2e3: {  	s3 =	sadd.s32 s3, s28;
	s0 =	smov.u32 @p1 s29  }
0x2e4: {  	p4 =	sge.s32 s3, s2;
	p6 =	slt.s32 s0, $0x0  }
0x2e5: {  	p2 =	por !p6, !p4  }
0x2e6: {  	vm0 =	vmmov vm14;
	p2 =	por !p2, !p2  }
0x2e7: {  	vm1 =	vlt.s32 v12, v9;
	vm0 =	vmneg @p2 vm0  }
0x2e8: {  	vm0 =	vmand vm1, vm0;
	vm1 =	vge.s32 v11, v9  }
0x2e9: {  	vm0 =	vmand vm1, vm0  }
0x2ea: {  	v9 =	vnsel vm0, $0x0, v0  }
0x2eb: {  	v10 =	vnsel vm0, $0x0, v10;
	(xrf0) =	vadd.scan.msk.s32 $0xffff, v9  }
0x2ec: {  	(xrf0) =	vadd.scan.msk.s32 $0xffff, v10;
	_ =	sdelay $0x4  }
0x2ed: {  	v9, _, _ =	vpop (xrf0)  }
0x2ee: {  	(v2sf) =	vpush v9, $0xF;
	v9, _, _ =	vpop (xrf0)  }
0x2ef: {  	(v2sf) =	vpush v9, $0xF;
	_ =	sdelay $0xc  }
0x2f0: {  	s2 =	spop @p1 (v2sf)  }
0x2f1: {  	s3 =	sadd.s32 @p1 s25, s2;
	s6 =	spop (v2sf)  }
0x2f2: {  	s2 =	simm.s32 $0x0;
	s3 =	smov.u32 @p3 s14;
	s11 =	spop (v2sf)  }
0x2f3: {  	s2 =	smov.u32 @p1 s3;
	s3 =	sadd.s32 s12, s11  }
0x2f4: {  	s4 =	sadd.s32 s4, s6;
	s2 =	smov.u32 @p2 s3;
	s3 =	simm.s32 $0x8000  }
0x2f5: {  	s1 =	sand.u32 $0xF0, s1;
	s0 =	smov.u32 @p2 s4;
	s4 =	simm.s32 $0x10;
	[tilespmem:s3+$0x0] =	vst v1  }
.LBB2_34:
0x2f6: {  	p1 =	seq.s32 s4, $0xF0;
	[tilespmem:s1+$0x8100] =	vst v1  }
0x2f7: {  	[tilespmem:s1+$0x8200] =	vst v1  }
0x2f8: {  	[tilespmem:s1+$0x8300] =	vst v1  }
0x2f9: {  	[tilespmem:s1+$0x8400] =	vst v1  }
0x2fa: {  	[tilespmem:s1+$0x8500] =	vst v1  }
0x2fb: {  	[tilespmem:s1+$0x8600] =	vst v1  }
0x2fc: {  	[tilespmem:s1+$0x8700] =	vst v1  }
0x2fd: {  	[tilespmem:s1+$0x8800] =	vst v1  }
0x2fe: {  	[tilespmem:s1+$0x8900] =	vst v1  }
0x2ff: {  	[tilespmem:s1+$0x8A00] =	vst v1  }
0x300: {  	[tilespmem:s1+$0x8B00] =	vst v1  }
.Ltmp19:
0x301: {  	[tilespmem:s1+$0x8C00] =	vst v1;
	(pc) =	sbr.rel @!p1 .LBB2_34-.Ltmp19, $4  }
0x302: {  	[tilespmem:s1+$0x8D00] =	vst v1  }
0x303: {  	[tilespmem:s1+$0x8E00] =	vst v1  }
0x304: {  	s3 =	sadd.s32 $0x10, s3;
	[tilespmem:s1+$0x8F00] =	vst v1  }
0x305: {  	s1 =	sand.u32 $0xF0, s4;
	s4 =	sadd.s32 $0x10, s4;
	[tilespmem:s3+$0x0] =	vst v1  }
0x306: {  	[tilespmem:s1+$0x8100] =	vst v1  }
0x307: {  	[tilespmem:s1+$0x8200] =	vst v1  }
0x308: {  	[tilespmem:s1+$0x8300] =	vst v1  }
0x309: {  	[tilespmem:s1+$0x8400] =	vst v1  }
0x30a: {  	[tilespmem:s1+$0x8500] =	vst v1  }
0x30b: {  	[tilespmem:s1+$0x8600] =	vst v1  }
0x30c: {  	[tilespmem:s1+$0x8700] =	vst v1;
	(v2sf) =	vpush v7, $0x0  }
0x30d: {  	[tilespmem:s1+$0x8800] =	vst v1;
	(v2sf) =	vpush v8, $0x0  }
0x30e: {  	[tilespmem:s1+$0x8900] =	vst v1  }
0x30f: {  	[tilespmem:s1+$0x8A00] =	vst v1  }
0x310: {  	[tilespmem:s1+$0x8B00] =	vst v1;
	s29 =	sadd.s32 $0xF, s26  }
0x311: {  	[tilespmem:s1+$0x8C00] =	vst v1;
	s3 =	sand.u32 $0xF, s29  }
0x312: {  	[tilespmem:s1+$0x8D00] =	vst v1;
	s4 =	sshra.s32 s29, $0x1F;
	p1 =	slt.s32 s29, $0x1;
	p2 =	sne.s32 s3, $0x0  }
0x313: {  	[tilespmem:s1+$0x8E00] =	vst v1;
	s30 =	sshrl.u32 s4, $0x1C;
	p1 =	por !p1, !p2  }
0x314: {  	[tilespmem:s1+$0x8F00] =	vst v1;
	s3 =	simm.s32 $0x1;
	s1 =	sadd.s32 s30, s29;
	p1 =	por !p1, !p1  }
0x315: {  	s1 =	sshra.s32 s1, $0x4;
	s3 =	simm.s32 @!p1 $0x0  }
0x316: {  	s25 =	ssub.s32 s1, s3  }
0x317: {  	p1 =	slt.s32 s25, $0x1  }
.Ltmp20:
0x318: {  	_ = 	snop;
	(pc) =	sbr.rel @p1 .LBB2_42-.Ltmp20, $3  }
0x319: {  	_ =	sdelay $0x1  }
0x31a: {  	s31 =	sshll.u32 s24, $0x8;
	s1 =	spop (v2sf)  }
0x31b: {  	v7 =	vmov s26;
	s24 =	sadd.s32 s31, s0;
	s3 =	spop (v2sf)  }
0x31c: {  	p3 =	sne.s32 s25, $0x1  }
.Ltmp21:
0x31d: {  	_ = 	snop;
	(pc) =	sbr.rel @!p3 .LBB2_37-.Ltmp21, $3  }
0x31e: {  	_ =	sdelay $0x1  }
0x31f: {  	s4 =	simm.s32 $0x9980  }
0x320: {  	v8 =	vmov s24;
	s0 =	simm.s32 $0x0;
	p2 =	por $0x0, $0x0;
	v9 =	vld [tilespmem:s4+$0x0];
	s4 =	sadd.s32 $0xFFFFFFFF, s25  }
0x321: {  	_ =	sdelay $0x3  }
0x322: {  	v10 =	vor.u32 s0, v0;
	v11 =	vshrl.u32 v9, $0x10  }
0x323: {  	vm0 =	vlt.s32 v10, v7;
	v9 =	vshrl.u32 v9, $0x8;
	vm1 =	veq.s32 v11, v8  }
0x324: {  	v9 =	vand.u32 $0xFF, v9;
	vm0 =	vmand vm0, vm1  }
0x325: {  	v9 =	vor.u32 v2, v9  }
0x326: {  	p3 =	sne.s32 s4, $0x1  }
.Ltmp22:
0x327: {  	_ = 	snop;
	(pc) =	sbr.rel @!p3 .LBB2_39-.Ltmp22, $3  }
0x328: {  	_ =	sdelay $0x1  }
0x329: {  	s6 =	simm.s32 $0x9990;
	[tilespmem:v9+s17+$0x0] =	vst.idx.add.s32.msk vm0, v3  }
0x32a: {  	s11 =	sadd.s32 $0xFFFFFFFF, s4;
	p2 =	por $0x1, $0x1;
	s4 =	simm.s32 $0x0;
	v9 =	vld [tilespmem:s6+$0x0]  }
.LBB2_40:
0x32b: {  	p3 =	sne.s32 s11, $0x1;
	_ =	sdelay $0x2  }
0x32c: {  	s4 =	sadd.s32 $0x10, s4  }
0x32d: {  	v10 =	vor.u32 s4, v0;
	v11 =	vshrl.u32 v9, $0x10  }
0x32e: {  	vm0 =	vlt.s32 v10, v7;
	v9 =	vshrl.u32 v9, $0x8;
	vm1 =	veq.s32 v11, v8  }
0x32f: {  	v9 =	vand.u32 $0xFF, v9;
	vm0 =	vmand vm0, vm1  }
0x330: {  	v9 =	vor.u32 v2, v9;
	_ =	sdelay $0x1  }
.Ltmp23:
0x331: {  	(pc) =	sbr.rel @p3 .LBB2_40-.Ltmp23, $3  }
0x332: {  	_ =	sdelay $0x1  }
0x333: {  	s6 =	sadd.s32 $0x10, s6;
	[tilespmem:v9+s17+$0x0] =	vst.idx.add.s32.msk vm0, v3  }
0x334: {  	s11 =	sadd.s32 $0xFFFFFFFF, s11;
	v9 =	vld [tilespmem:s6+$0x0]  }
.LBB2_41:
0x335: {  	_ =	sdelay $0x1  }
0x336: {  	s4 =	sadd.s32 @p2 $0x10, s4  }
0x337: {  	s0 =	smov.u32 @p2 s4  }
0x338: {  	v10 =	vor.u32 s0, v0;
	v11 =	vshrl.u32 v9, $0x10  }
0x339: {  	vm0 =	vlt.s32 v10, v7;
	vm1 =	veq.s32 v11, v8;
	v8 =	vshrl.u32 v9, $0x8  }
0x33a: {  	vm0 =	vmand vm0, vm1;
	v8 =	vand.u32 $0xFF, v8  }
0x33b: {  	v8 =	vor.u32 v2, v8;
	_ =	sdelay $0x4  }
0x33c: {  	[tilespmem:v8+s17+$0x0] =	vst.idx.add.s32.msk vm0, v3  }
.LBB2_42:
0x33d: {  	s0 =	ssub.s32 s3, s1  }
0x33e: {  	p2 =	sgt.s32 s0, $0x0  }
0x33f: {  	s0 =	simm.s32 @!p2 $0x0  }
0x340: {  	v8 =	vld [tilespmem:$0x8000];
	s26 =	ssub.s32 $0x8000, s0  }
0x341: {  	p2 =	seq.s32 s24, $0x0;
	s0 =	smov.u32 s26  }
0x342: {  	s0 =	simm.s32 @!p2 $0x0  }
0x343: {  	v9 =	vmov s0  }
0x344: {  	v9 =	vnsel vm2, $0x0, v9  }
0x345: {  	s29 =	simm.s32 $0x0;
	v8 =	vadd.s32 v9, v8  }
0x346: {  	s23 =	sadd.s32 s23, s2;
	s2 =	sand.u32 $0xF0, s29;
	[tilespmem:$0x8000] =	vst v8  }
0x347: {  	s30 =	simm.s32 $0x8000;
	v8 =	vld [tilespmem:s2+$0x8100]  }
0x348: {  	v9 =	vld [tilespmem:s30+$0x0]  }
0x349: {  	v10 =	vld [tilespmem:s2+$0x8200]  }
0x34a: {  	v11 =	vld [tilespmem:s2+$0x8300]  }
0x34b: {  	v12 =	vld [tilespmem:s2+$0x8400]  }
0x34c: {  	v13 =	vld [tilespmem:s2+$0x8500]  }
0x34d: {  	v8 =	vadd.s32 v9, v8;
	v9 =	vld [tilespmem:s2+$0x8600]  }
0x34e: {  	v8 =	vadd.s32 v10, v8;
	v10 =	vld [tilespmem:s2+$0x8700]  }
0x34f: {  	v8 =	vadd.s32 v11, v8;
	v11 =	vld [tilespmem:s2+$0x8800]  }
0x350: {  	v60 =	vld [tilespmem:s2+$0x8900];
	v8 =	vadd.s32 v12, v8  }
0x351: {  	v61 =	vld [tilespmem:s2+$0x8A00];
	v8 =	vadd.s32 v13, v8  }
0x352: {  	v8 =	vadd.s32 v9, v8;
	v9 =	vld [tilespmem:s2+$0x8B00]  }
0x353: {  	v8 =	vadd.s32 v10, v8;
	v10 =	vld [tilespmem:s2+$0x8C00]  }
0x354: {  	v8 =	vadd.s32 v11, v8;
	v11 =	vld [tilespmem:s2+$0x8D00]  }
0x355: {  	v62 =	vld [tilespmem:s2+$0x8E00];
	v8 =	vadd.s32 v60, v8  }
0x356: {  	v63 =	vld [tilespmem:s2+$0x8F00];
	v8 =	vadd.s32 v61, v8  }
0x357: {  	v8 =	vadd.s32 v9, v8  }
0x358: {  	v8 =	vadd.s32 v10, v8  }
0x359: {  	v8 =	vadd.s32 v11, v8  }
0x35a: {  	v8 =	vadd.s32 v62, v8  }
0x35b: {  	s31 =	simm.s32 $0x10;
	s0 =	simm.s32 $0x9000;
	v8 =	vadd.s32 v63, v8  }
0x35c: {  	s1 =	sand.u32 $0xF0, s31;
	[tilespmem:s0+$0x0] =	vst v8  }
0x35d: {  	s3 =	simm.s32 $0x20;
	s2 =	simm.s32 $0x8010;
	v8 =	vld [tilespmem:s1+$0x8100]  }
.LBB2_43:
0x35e: {  	p2 =	seq.s32 s3, $0xF0;
	v9 =	vld [tilespmem:s2+$0x0]  }
0x35f: {  	v10 =	vld [tilespmem:s1+$0x8200]  }
0x360: {  	v11 =	vld [tilespmem:s1+$0x8300]  }
0x361: {  	v12 =	vld [tilespmem:s1+$0x8400]  }
0x362: {  	v13 =	vld [tilespmem:s1+$0x8500]  }
0x363: {  	v8 =	vadd.s32 v9, v8;
	v9 =	vld [tilespmem:s1+$0x8600]  }
0x364: {  	v8 =	vadd.s32 v10, v8;
	v10 =	vld [tilespmem:s1+$0x8700]  }
0x365: {  	v8 =	vadd.s32 v11, v8;
	v11 =	vld [tilespmem:s1+$0x8800]  }
0x366: {  	v8 =	vadd.s32 v12, v8;
	v12 =	vld [tilespmem:s1+$0x8900]  }
0x367: {  	v8 =	vadd.s32 v13, v8;
	v13 =	vld [tilespmem:s1+$0x8A00]  }
0x368: {  	v8 =	vadd.s32 v9, v8;
	v9 =	vld [tilespmem:s1+$0x8B00]  }
0x369: {  	v8 =	vadd.s32 v10, v8;
	v10 =	vld [tilespmem:s1+$0x8C00]  }
0x36a: {  	v8 =	vadd.s32 v11, v8;
	v11 =	vld [tilespmem:s1+$0x8D00]  }
0x36b: {  	v8 =	vadd.s32 v12, v8;
	v12 =	vld [tilespmem:s1+$0x8E00]  }
0x36c: {  	v8 =	vadd.s32 v13, v8;
	v13 =	vld [tilespmem:s1+$0x8F00]  }
0x36d: {  	v8 =	vadd.s32 v9, v8  }
0x36e: {  	v8 =	vadd.s32 v10, v8  }
.Ltmp24:
0x36f: {  	v8 =	vadd.s32 v11, v8;
	(pc) =	sbr.rel @!p2 .LBB2_43-.Ltmp24, $4  }
0x370: {  	v8 =	vadd.s32 v12, v8  }
0x371: {  	s0 =	sadd.s32 $0x10, s0;
	v8 =	vadd.s32 v13, v8  }
0x372: {  	s1 =	sand.u32 $0xF0, s3;
	[tilespmem:s0+$0x0] =	vst v8  }
0x373: {  	s2 =	sadd.s32 $0x10, s2;
	s3 =	sadd.s32 $0x10, s3;
	v8 =	vld [tilespmem:s1+$0x8100]  }
0x374: {  	v9 =	vld [tilespmem:s2+$0x0]  }
0x375: {  	v10 =	vld [tilespmem:s1+$0x8200]  }
0x376: {  	v11 =	vld [tilespmem:s1+$0x8300]  }
0x377: {  	v12 =	vld [tilespmem:s1+$0x8400]  }
0x378: {  	v13 =	vld [tilespmem:s1+$0x8500]  }
0x379: {  	v8 =	vadd.s32 v9, v8;
	v9 =	vld [tilespmem:s1+$0x8600]  }
0x37a: {  	v8 =	vadd.s32 v10, v8;
	v10 =	vld [tilespmem:s1+$0x8700]  }
0x37b: {  	v8 =	vadd.s32 v11, v8;
	v11 =	vld [tilespmem:s1+$0x8800]  }
0x37c: {  	v60 =	vld [tilespmem:s1+$0x8900];
	v8 =	vadd.s32 v12, v8  }
0x37d: {  	v61 =	vld [tilespmem:s1+$0x8A00];
	v8 =	vadd.s32 v13, v8  }
0x37e: {  	v8 =	vadd.s32 v9, v8;
	v9 =	vld [tilespmem:s1+$0x8B00]  }
0x37f: {  	v8 =	vadd.s32 v10, v8;
	v10 =	vld [tilespmem:s1+$0x8C00]  }
0x380: {  	v8 =	vadd.s32 v11, v8;
	v11 =	vld [tilespmem:s1+$0x8D00]  }
0x381: {  	v62 =	vld [tilespmem:s1+$0x8E00];
	v8 =	vadd.s32 v60, v8  }
0x382: {  	v63 =	vld [tilespmem:s1+$0x8F00];
	v8 =	vadd.s32 v61, v8  }
0x383: {  	v8 =	vadd.s32 v9, v8  }
0x384: {  	v8 =	vadd.s32 v10, v8  }
0x385: {  	v8 =	vadd.s32 v11, v8  }
0x386: {  	v8 =	vadd.s32 v62, v8  }
0x387: {  	s0 =	sadd.s32 $0x10, s0;
	v8 =	vadd.s32 v63, v8  }
0x388: {  	s3 =	simm.s32 $0x90F0;
	[tilespmem:s0+$0x0] =	vst v8  }
0x389: {  	v9 =	vld [tilespmem:s3+$0x0];
	_ =	sdelay $0x4  }
0x38a: {  	(xrf0) =	vadd.scan.msk.s32 $0xffff, v9;
	_ =	sdelay $0x5  }
0x38b: {  	v10, _, _ =	vpop (xrf0)  }
0x38c: {  	(v2sf) =	vpush v10, $0xF;
	_ =	sdelay $0x2  }
0x38d: {  	v10 =	vperm.xlane v9, v4;
	_ =	sdelay $0x1  }
0x38e: {  	(xrf0) =	vadd.scan.msk.s32 $0xffff, v10;
	_ =	sdelay $0x4  }
0x38f: {  	p3 =	por $0x0, $0x0  }
.Ltmp25:
0x390: {  	v10, _, _ =	vpop (xrf0);
	(pc) =	sbr.rel @p3 .LBB2_45-.Ltmp25, $4  }
0x391: {  	v10 =	vperm.xlane v10, v4  }
0x392: {  	s2 =	ssub.s32 $0x80, s23  }
0x393: {  	s4 =	simm.s32 $0xF0;
	s6 =	simm.s32 $0xE0;
	s1 =	simm.s32 $0x0;
	v9 =	vsub.s32 v10, v9  }
0x394: {  	p2 =	por $0x0, $0x0;
	s0 =	simm.s32 $0xFFFFFFFF;
	v8 =	vmov s2;
	v10 =	vadd.s32 s1, v10;
	v11 =	vadd.s32 s1, v9;
	s29 =	spop (v2sf)  }
0x395: {  	s3 =	sadd.s32 $0x0, s29  }
0x396: {  	p3 =	por $0x1, $0x1;
	p2 =	sge.s32 s3, s2  }
0x397: {  	p3 =	por !p3, !p2  }
0x398: {  	vm0 =	vmmov vm14;
	p3 =	por !p3, !p3  }
0x399: {  	vm1 =	vlt.s32 v11, v8;
	vm0 =	vmneg @p3 vm0  }
0x39a: {  	vm0 =	vmand vm1, vm0;
	vm1 =	vge.s32 v10, v8  }
0x39b: {  	vm0 =	vmand vm1, vm0  }
0x39c: {  	v10 =	vnsel vm0, $0x0, v0  }
0x39d: {  	(xrf0) =	vadd.scan.msk.s32 $0xffff, v10;
	_ =	sdelay $0x5  }
0x39e: {  	v10, _, _ =	vpop (xrf0)  }
0x39f: {  	s11 =	simm.s32 $0x90E0;
	(v2sf) =	vpush v10, $0xF  }
0x3a0: {  	v12 =	vld [tilespmem:s11+$0x0];
	_ =	sdelay $0x4  }
0x3a1: {  	(xrf0) =	vadd.scan.msk.s32 $0xffff, v12  }
0x3a2: {  	v9 =	vnsel vm0, $0x0, v9  }
0x3a3: {  	(xrf0) =	vadd.scan.msk.s32 $0xffff, v9;
	_ =	sdelay $0x1  }
0x3a4: {  	v10 =	vperm.xlane v12, v4;
	_ =	sdelay $0x1  }
0x3a5: {  	v11, _, _ =	vpop (xrf0)  }
0x3a6: {  	(v2sf) =	vpush v11, $0xF  }
0x3a7: {  	(xrf0) =	vadd.scan.msk.s32 $0xffff, v10;
	v10, _, _ =	vpop (xrf0)  }
0x3a8: {  	s12 =	spop (v2sf);
	(v2sf) =	vpush v10, $0xF;
	_ =	sdelay $0x7  }
0x3a9: {  	p4 =	por $0x0, $0x0  }
.Ltmp26:
0x3aa: {  	v9, _, _ =	vpop (xrf0);
	(pc) =	sbr.rel @p4 .LBB2_47-.Ltmp26, $4  }
0x3ab: {  	s4 =	simm.s32 $0xD0;
	s21 =	simm.s32 $0xFFFFFFFF;
	v11 =	vperm.xlane v9, v4  }
0x3ac: {  	s28 =	simm.s32 $0x0;
	s3 =	smov.u32 @p2 s1;
	p2 =	por $0x0, $0x0  }
0x3ad: {  	s14 =	simm.s32 $0x0;
	s3 =	smov.u32 @p2 s1;
	p2 =	por $0x1, $0x1;
	v9 =	vsub.s32 v11, v12  }
0x3ae: {  	v10 =	vadd.s32 s3, v11;
	v11 =	vadd.s32 s3, v9;
	s29 =	spop (v2sf);
	s30 =	sadd.s32 $0xF0, s12;
	s12 =	smov.u32 s3  }
.LBB2_48:
0x3af: {  	s31 =	smov.u32 s3;
	s3 =	sadd.s32 s3, s29  }
0x3b0: {  	s21 =	smov.u32 @p3 s30;
	s15 =	smov.u32 s4;
	s29 =	spop (v2sf)  }
0x3b1: {  	p4 =	slt.s32 s21, $0x0;
	p5 =	sge.s32 s3, s2;
	s28 =	sadd.s32 s28, s29  }
0x3b2: {  	p4 =	por !p4, !p5;
	s3 =	smov.u32 @p5 s31;
	s14 =	smov.u32 @p3 s28  }
0x3b3: {  	s11 =	sadd.s32 $0xFFFFFFF0, s11;
	vm1 =	vmmov vm14;
	p5 =	sgt.s32 s21, $0xFFFFFFFF;
	p3 =	por !p4, !p4  }
0x3b4: {  	vm0 =	vlt.s32 v11, v8;
	p4 =	seq.s32 s4, $0x0;
	s4 =	sadd.s32 $0xFFFFFFF0, s4;
	s3 =	smov.u32 @p5 s31;
	vm1 =	vmneg @p3 vm1;
	v12 =	vld [tilespmem:s11+$0x0]  }
0x3b5: {  	s28 =	smov.u32 s12;
	s12 =	smov.u32 s3;
	vm0 =	vmand vm0, vm1;
	vm1 =	vge.s32 v10, v8  }
0x3b6: {  	vm0 =	vmand vm1, vm0  }
0x3b7: {  	v10 =	vnsel vm0, $0x0, v0;
	v9 =	vnsel vm0, $0x0, v9  }
0x3b8: {  	(xrf0) =	vadd.scan.msk.s32 $0xffff, v10  }
0x3b9: {  	v10 =	vperm.xlane v12, v4;
	(xrf0) =	vadd.scan.msk.s32 $0xffff, v12  }
0x3ba: {  	(xrf0) =	vadd.scan.msk.s32 $0xffff, v9  }
0x3bb: {  	(xrf0) =	vadd.scan.msk.s32 $0xffff, v10;
	_ =	sdelay $0x2  }
0x3bc: {  	v9, _, _ =	vpop (xrf0)  }
0x3bd: {  	v10, _, _ =	vpop (xrf0);
	(v2sf) =	vpush v9, $0xF  }
0x3be: {  	(v2sf) =	vpush v10, $0xF;
	v9, _, _ =	vpop (xrf0)  }
0x3bf: {  	v10, _, _ =	vpop (xrf0);
	(v2sf) =	vpush v9, $0xF  }
0x3c0: {  	v10 =	vperm.xlane v10, v4;
	_ =	sdelay $0x1  }
0x3c1: {  	v9 =	vsub.s32 v10, v12;
	v10 =	vadd.s32 s3, v10  }
0x3c2: {  	v11 =	vadd.s32 s3, v9;
	_ =	sdelay $0x5  }
.Ltmp27:
0x3c3: {  	(pc) =	sbr.rel @!p4 .LBB2_48-.Ltmp27, $3  }
0x3c4: {  	_ =	sdelay $0x1  }
0x3c5: {  	s30 =	spop (v2sf)  }
0x3c6: {  	s29 =	spop (v2sf);
	s30 =	sadd.s32 s6, s30;
	s6 =	smov.u32 s15  }
0x3c7: {  	s4 =	smov.u32 s6  }
.LBB2_50:
0x3c8: {  	p4 =	por !p3, !p2  }
0x3c9: {  	s30 =	smov.u32 @p4 s21  }
0x3ca: {  	s3 =	sadd.s32 s3, s29;
	s0 =	smov.u32 @p2 s30  }
0x3cb: {  	p5 =	sge.s32 s3, s2;
	p6 =	slt.s32 s0, $0x0  }
0x3cc: {  	p3 =	por !p6, !p5  }
0x3cd: {  	vm0 =	vmmov vm14;
	p3 =	por !p3, !p3  }
0x3ce: {  	vm1 =	vlt.s32 v11, v8;
	vm0 =	vmneg @p3 vm0  }
0x3cf: {  	vm0 =	vmand vm1, vm0;
	vm1 =	vge.s32 v10, v8  }
0x3d0: {  	vm0 =	vmand vm1, vm0  }
0x3d1: {  	v8 =	vnsel vm0, $0x0, v0  }
0x3d2: {  	v9 =	vnsel vm0, $0x0, v9;
	(xrf0) =	vadd.scan.msk.s32 $0xffff, v8  }
0x3d3: {  	(xrf0) =	vadd.scan.msk.s32 $0xffff, v9;
	_ =	sdelay $0x4  }
0x3d4: {  	v8, _, _ =	vpop (xrf0)  }
0x3d5: {  	(v2sf) =	vpush v8, $0xF;
	v8, _, _ =	vpop (xrf0)  }
0x3d6: {  	(v2sf) =	vpush v8, $0xF;
	_ =	sdelay $0xc  }
0x3d7: {  	s2 =	spop @p2 (v2sf)  }
0x3d8: {  	s3 =	sadd.s32 @p2 s28, s2;
	s6 =	spop (v2sf)  }
0x3d9: {  	s2 =	simm.s32 $0x0;
	s3 =	smov.u32 @p4 s14;
	s11 =	spop (v2sf)  }
0x3da: {  	s2 =	smov.u32 @p2 s3;
	s3 =	sadd.s32 s12, s11  }
0x3db: {  	s4 =	sadd.s32 s4, s6;
	s2 =	smov.u32 @p3 s3;
	s3 =	simm.s32 $0x8000  }
0x3dc: {  	s1 =	sand.u32 $0xF0, s1;
	s0 =	smov.u32 @p3 s4;
	s4 =	simm.s32 $0x10;
	[tilespmem:s3+$0x0] =	vst v1  }
.LBB2_51:
0x3dd: {  	p2 =	seq.s32 s4, $0xF0;
	[tilespmem:s1+$0x8100] =	vst v1  }
0x3de: {  	[tilespmem:s1+$0x8200] =	vst v1  }
0x3df: {  	[tilespmem:s1+$0x8300] =	vst v1  }
0x3e0: {  	[tilespmem:s1+$0x8400] =	vst v1  }
0x3e1: {  	[tilespmem:s1+$0x8500] =	vst v1  }
0x3e2: {  	[tilespmem:s1+$0x8600] =	vst v1  }
0x3e3: {  	[tilespmem:s1+$0x8700] =	vst v1  }
0x3e4: {  	[tilespmem:s1+$0x8800] =	vst v1  }
0x3e5: {  	[tilespmem:s1+$0x8900] =	vst v1  }
0x3e6: {  	[tilespmem:s1+$0x8A00] =	vst v1  }
0x3e7: {  	[tilespmem:s1+$0x8B00] =	vst v1  }
.Ltmp28:
0x3e8: {  	[tilespmem:s1+$0x8C00] =	vst v1;
	(pc) =	sbr.rel @!p2 .LBB2_51-.Ltmp28, $4  }
0x3e9: {  	[tilespmem:s1+$0x8D00] =	vst v1  }
0x3ea: {  	[tilespmem:s1+$0x8E00] =	vst v1  }
0x3eb: {  	s3 =	sadd.s32 $0x10, s3;
	[tilespmem:s1+$0x8F00] =	vst v1  }
0x3ec: {  	s1 =	sand.u32 $0xF0, s4;
	s4 =	sadd.s32 $0x10, s4;
	[tilespmem:s3+$0x0] =	vst v1  }
0x3ed: {  	[tilespmem:s1+$0x8100] =	vst v1  }
0x3ee: {  	[tilespmem:s1+$0x8200] =	vst v1  }
0x3ef: {  	[tilespmem:s1+$0x8300] =	vst v1  }
0x3f0: {  	[tilespmem:s1+$0x8400] =	vst v1  }
0x3f1: {  	[tilespmem:s1+$0x8500] =	vst v1  }
0x3f2: {  	[tilespmem:s1+$0x8600] =	vst v1  }
0x3f3: {  	[tilespmem:s1+$0x8700] =	vst v1  }
0x3f4: {  	[tilespmem:s1+$0x8800] =	vst v1  }
0x3f5: {  	[tilespmem:s1+$0x8900] =	vst v1  }
0x3f6: {  	[tilespmem:s1+$0x8A00] =	vst v1  }
.Ltmp29:
0x3f7: {  	[tilespmem:s1+$0x8B00] =	vst v1;
	(pc) =	sbr.rel @p1 .LBB2_59-.Ltmp29, $4  }
0x3f8: {  	[tilespmem:s1+$0x8C00] =	vst v1  }
0x3f9: {  	[tilespmem:s1+$0x8D00] =	vst v1  }
0x3fa: {  	[tilespmem:s1+$0x8E00] =	vst v1;
	s31 =	sshll.u32 s24, $0x8  }
0x3fb: {  	[tilespmem:s1+$0x8F00] =	vst v1;
	s0 =	sadd.s32 s31, s0  }
0x3fc: {  	p3 =	sne.s32 s25, $0x1  }
.Ltmp30:
0x3fd: {  	_ = 	snop;
	(pc) =	sbr.rel @!p3 .LBB2_54-.Ltmp30, $3  }
0x3fe: {  	_ =	sdelay $0x1  }
0x3ff: {  	s3 =	simm.s32 $0x9980  }
0x400: {  	v8 =	vmov s0;
	s1 =	simm.s32 $0x0;
	p2 =	por $0x0, $0x0;
	v9 =	vld [tilespmem:s3+$0x0];
	s3 =	sadd.s32 $0xFFFFFFFF, s25  }
0x401: {  	_ =	sdelay $0x3  }
0x402: {  	v10 =	vor.u32 s1, v0;
	v11 =	vshrl.u32 v9, $0x8  }
0x403: {  	vm0 =	vlt.s32 v10, v7;
	vm1 =	veq.s32 v11, v8  }
0x404: {  	v9 =	vand.u32 $0xFF, v9;
	vm0 =	vmand vm0, vm1  }
0x405: {  	v9 =	vor.u32 v2, v9  }
0x406: {  	p3 =	sne.s32 s3, $0x1  }
.Ltmp31:
0x407: {  	_ = 	snop;
	(pc) =	sbr.rel @!p3 .LBB2_56-.Ltmp31, $3  }
0x408: {  	_ =	sdelay $0x1  }
0x409: {  	s4 =	simm.s32 $0x9990;
	[tilespmem:v9+s17+$0x0] =	vst.idx.add.s32.msk vm0, v3  }
0x40a: {  	s6 =	sadd.s32 $0xFFFFFFFF, s3;
	p2 =	por $0x1, $0x1;
	s3 =	simm.s32 $0x0;
	v9 =	vld [tilespmem:s4+$0x0]  }
.LBB2_57:
0x40b: {  	p3 =	sne.s32 s6, $0x1;
	_ =	sdelay $0x2  }
0x40c: {  	s3 =	sadd.s32 $0x10, s3  }
0x40d: {  	v10 =	vor.u32 s3, v0;
	v11 =	vshrl.u32 v9, $0x8  }
0x40e: {  	vm0 =	vlt.s32 v10, v7;
	vm1 =	veq.s32 v11, v8  }
0x40f: {  	v9 =	vand.u32 $0xFF, v9;
	vm0 =	vmand vm0, vm1  }
0x410: {  	v9 =	vor.u32 v2, v9;
	_ =	sdelay $0x1  }
.Ltmp32:
0x411: {  	(pc) =	sbr.rel @p3 .LBB2_57-.Ltmp32, $3  }
0x412: {  	_ =	sdelay $0x1  }
0x413: {  	s4 =	sadd.s32 $0x10, s4;
	[tilespmem:v9+s17+$0x0] =	vst.idx.add.s32.msk vm0, v3  }
0x414: {  	s6 =	sadd.s32 $0xFFFFFFFF, s6;
	v9 =	vld [tilespmem:s4+$0x0]  }
.LBB2_58:
0x415: {  	_ =	sdelay $0x1  }
0x416: {  	s3 =	sadd.s32 @p2 $0x10, s3  }
0x417: {  	s1 =	smov.u32 @p2 s3  }
0x418: {  	v10 =	vor.u32 s1, v0;
	v11 =	vshrl.u32 v9, $0x8  }
0x419: {  	vm0 =	vlt.s32 v10, v7;
	vm1 =	veq.s32 v11, v8  }
0x41a: {  	v8 =	vand.u32 $0xFF, v9;
	vm0 =	vmand vm0, vm1  }
0x41b: {  	v8 =	vor.u32 v2, v8;
	_ =	sdelay $0x4  }
0x41c: {  	[tilespmem:v8+s17+$0x0] =	vst.idx.add.s32.msk vm0, v3  }
.LBB2_59:
0x41d: {  	v8 =	vld [tilespmem:$0x8000]  }
0x41e: {  	p2 =	seq.s32 s0, $0x0  }
0x41f: {  	s26 =	simm.s32 @!p2 $0x0  }
0x420: {  	v9 =	vmov s26  }
0x421: {  	v9 =	vnsel vm2, $0x0, v9  }
0x422: {  	s4 =	simm.s32 $0x0;
	v8 =	vadd.s32 v9, v8  }
0x423: {  	s4 =	sand.u32 $0xF0, s4;
	[tilespmem:$0x8000] =	vst v8  }
0x424: {  	s3 =	simm.s32 $0x8000;
	v8 =	vld [tilespmem:s4+$0x8100]  }
0x425: {  	v9 =	vld [tilespmem:s3+$0x0]  }
0x426: {  	v10 =	vld [tilespmem:s4+$0x8200]  }
0x427: {  	v11 =	vld [tilespmem:s4+$0x8300]  }
0x428: {  	v12 =	vld [tilespmem:s4+$0x8400]  }
0x429: {  	v13 =	vld [tilespmem:s4+$0x8500]  }
0x42a: {  	v8 =	vadd.s32 v9, v8;
	v9 =	vld [tilespmem:s4+$0x8600]  }
0x42b: {  	v8 =	vadd.s32 v10, v8;
	v10 =	vld [tilespmem:s4+$0x8700]  }
0x42c: {  	v8 =	vadd.s32 v11, v8;
	v11 =	vld [tilespmem:s4+$0x8800]  }
0x42d: {  	v60 =	vld [tilespmem:s4+$0x8900];
	v8 =	vadd.s32 v12, v8  }
0x42e: {  	v61 =	vld [tilespmem:s4+$0x8A00];
	v8 =	vadd.s32 v13, v8  }
0x42f: {  	v8 =	vadd.s32 v9, v8;
	v9 =	vld [tilespmem:s4+$0x8B00]  }
0x430: {  	v8 =	vadd.s32 v10, v8;
	v10 =	vld [tilespmem:s4+$0x8C00]  }
0x431: {  	v8 =	vadd.s32 v11, v8;
	v11 =	vld [tilespmem:s4+$0x8D00]  }
0x432: {  	v62 =	vld [tilespmem:s4+$0x8E00];
	v8 =	vadd.s32 v60, v8  }
0x433: {  	v63 =	vld [tilespmem:s4+$0x8F00];
	v8 =	vadd.s32 v61, v8  }
0x434: {  	v8 =	vadd.s32 v9, v8  }
0x435: {  	v8 =	vadd.s32 v10, v8  }
0x436: {  	v8 =	vadd.s32 v11, v8  }
0x437: {  	v8 =	vadd.s32 v62, v8  }
0x438: {  	s1 =	sadd.s32 s23, s2;
	s2 =	simm.s32 $0x9000;
	s31 =	simm.s32 $0x10;
	v8 =	vadd.s32 v63, v8  }
0x439: {  	s3 =	sand.u32 $0xF0, s31;
	[tilespmem:s2+$0x0] =	vst v8  }
0x43a: {  	s6 =	simm.s32 $0x20;
	s4 =	simm.s32 $0x8010;
	v8 =	vld [tilespmem:s3+$0x8100]  }
.LBB2_60:
0x43b: {  	p2 =	seq.s32 s6, $0xF0;
	v9 =	vld [tilespmem:s4+$0x0]  }
0x43c: {  	v10 =	vld [tilespmem:s3+$0x8200]  }
0x43d: {  	v11 =	vld [tilespmem:s3+$0x8300]  }
0x43e: {  	v12 =	vld [tilespmem:s3+$0x8400]  }
0x43f: {  	v13 =	vld [tilespmem:s3+$0x8500]  }
0x440: {  	v8 =	vadd.s32 v9, v8;
	v9 =	vld [tilespmem:s3+$0x8600]  }
0x441: {  	v8 =	vadd.s32 v10, v8;
	v10 =	vld [tilespmem:s3+$0x8700]  }
0x442: {  	v8 =	vadd.s32 v11, v8;
	v11 =	vld [tilespmem:s3+$0x8800]  }
0x443: {  	v8 =	vadd.s32 v12, v8;
	v12 =	vld [tilespmem:s3+$0x8900]  }
0x444: {  	v8 =	vadd.s32 v13, v8;
	v13 =	vld [tilespmem:s3+$0x8A00]  }
0x445: {  	v8 =	vadd.s32 v9, v8;
	v9 =	vld [tilespmem:s3+$0x8B00]  }
0x446: {  	v8 =	vadd.s32 v10, v8;
	v10 =	vld [tilespmem:s3+$0x8C00]  }
0x447: {  	v8 =	vadd.s32 v11, v8;
	v11 =	vld [tilespmem:s3+$0x8D00]  }
0x448: {  	v8 =	vadd.s32 v12, v8;
	v12 =	vld [tilespmem:s3+$0x8E00]  }
0x449: {  	v8 =	vadd.s32 v13, v8;
	v13 =	vld [tilespmem:s3+$0x8F00]  }
0x44a: {  	v8 =	vadd.s32 v9, v8  }
0x44b: {  	v8 =	vadd.s32 v10, v8  }
.Ltmp33:
0x44c: {  	v8 =	vadd.s32 v11, v8;
	(pc) =	sbr.rel @!p2 .LBB2_60-.Ltmp33, $4  }
0x44d: {  	v8 =	vadd.s32 v12, v8  }
0x44e: {  	s2 =	sadd.s32 $0x10, s2;
	v8 =	vadd.s32 v13, v8  }
0x44f: {  	s3 =	sand.u32 $0xF0, s6;
	[tilespmem:s2+$0x0] =	vst v8  }
0x450: {  	s4 =	sadd.s32 $0x10, s4;
	s6 =	sadd.s32 $0x10, s6;
	v8 =	vld [tilespmem:s3+$0x8100]  }
0x451: {  	v9 =	vld [tilespmem:s4+$0x0]  }
0x452: {  	v10 =	vld [tilespmem:s3+$0x8200]  }
0x453: {  	v11 =	vld [tilespmem:s3+$0x8300]  }
0x454: {  	v12 =	vld [tilespmem:s3+$0x8400]  }
0x455: {  	v13 =	vld [tilespmem:s3+$0x8500]  }
0x456: {  	v8 =	vadd.s32 v9, v8;
	v9 =	vld [tilespmem:s3+$0x8600]  }
0x457: {  	v8 =	vadd.s32 v10, v8;
	v10 =	vld [tilespmem:s3+$0x8700]  }
0x458: {  	v8 =	vadd.s32 v11, v8;
	v11 =	vld [tilespmem:s3+$0x8800]  }
0x459: {  	v59 =	vld [tilespmem:s3+$0x8900];
	v8 =	vadd.s32 v12, v8  }
0x45a: {  	v60 =	vld [tilespmem:s3+$0x8A00];
	v8 =	vadd.s32 v13, v8  }
0x45b: {  	v8 =	vadd.s32 v9, v8;
	v9 =	vld [tilespmem:s3+$0x8B00]  }
0x45c: {  	v8 =	vadd.s32 v10, v8;
	v10 =	vld [tilespmem:s3+$0x8C00]  }
0x45d: {  	v8 =	vadd.s32 v11, v8;
	v11 =	vld [tilespmem:s3+$0x8D00]  }
0x45e: {  	v61 =	vld [tilespmem:s3+$0x8E00];
	v8 =	vadd.s32 v59, v8  }
0x45f: {  	v62 =	vld [tilespmem:s3+$0x8F00];
	v8 =	vadd.s32 v60, v8  }
0x460: {  	v8 =	vadd.s32 v9, v8  }
0x461: {  	v8 =	vadd.s32 v10, v8  }
0x462: {  	v8 =	vadd.s32 v11, v8  }
0x463: {  	v8 =	vadd.s32 v61, v8  }
0x464: {  	s2 =	sadd.s32 $0x10, s2;
	v8 =	vadd.s32 v62, v8  }
0x465: {  	s30 =	simm.s32 $0x90F0;
	[tilespmem:s2+$0x0] =	vst v8  }
0x466: {  	v9 =	vld [tilespmem:s30+$0x0];
	_ =	sdelay $0x4  }
0x467: {  	(xrf0) =	vadd.scan.msk.s32 $0xffff, v9;
	_ =	sdelay $0x5  }
0x468: {  	v10, _, _ =	vpop (xrf0)  }
0x469: {  	(v2sf) =	vpush v10, $0xF;
	_ =	sdelay $0x6  }
0x46a: {  	v10 =	vperm.xlane v9, v4;
	_ =	sdelay $0x1  }
0x46b: {  	(xrf0) =	vadd.scan.msk.s32 $0xffff, v10;
	_ =	sdelay $0x5  }
0x46c: {  	v10, _, _ =	vpop (xrf0);
	s31 =	spop (v2sf)  }
0x46d: {  	s6 =	ssub.s32 $0x80, s1;
	v10 =	vperm.xlane v10, v4;
	s11 =	sadd.s32 $0x0, s31  }
0x46e: {  	p2 =	por $0x1, $0x1;
	p3 =	sge.s32 s11, s6  }
0x46f: {  	s3 =	simm.s32 $0x0;
	v9 =	vsub.s32 v10, v9;
	p2 =	por !p2, !p3  }
0x470: {  	vm0 =	vmmov vm14;
	v8 =	vmov s6;
	v11 =	vadd.s32 s3, v9;
	p2 =	por !p2, !p2  }
0x471: {  	v10 =	vadd.s32 s3, v10;
	vm1 =	vlt.s32 v11, v8;
	vm0 =	vmneg @p2 vm0  }
0x472: {  	vm11 =	vge.s32 v10, v8;
	vm0 =	vmand vm1, vm0  }
0x473: {  	vm0 =	vmand vm11, vm0  }
0x474: {  	v10 =	vnsel vm0, $0x0, v0  }
0x475: {  	(xrf0) =	vadd.scan.msk.s32 $0xffff, v10;
	_ =	sdelay $0x5  }
0x476: {  	v10, _, _ =	vpop (xrf0)  }
0x477: {  	s14 =	simm.s32 $0x90E0;
	(v2sf) =	vpush v10, $0xF  }
0x478: {  	v63 =	vld [tilespmem:s14+$0x0];
	_ =	sdelay $0x4  }
0x479: {  	(xrf0) =	vadd.scan.msk.s32 $0xffff, v63  }
0x47a: {  	v9 =	vnsel vm0, $0x0, v9  }
0x47b: {  	(xrf0) =	vadd.scan.msk.s32 $0xffff, v9;
	_ =	sdelay $0x1  }
0x47c: {  	v10 =	vperm.xlane v63, v4;
	_ =	sdelay $0x1  }
0x47d: {  	v11, _, _ =	vpop (xrf0)  }
0x47e: {  	(v2sf) =	vpush v11, $0xF  }
0x47f: {  	(xrf0) =	vadd.scan.msk.s32 $0xffff, v10;
	v10, _, _ =	vpop (xrf0)  }
0x480: {  	s15 =	spop (v2sf);
	(v2sf) =	vpush v10, $0xF;
	_ =	sdelay $0x8  }
0x481: {  	v9, _, _ =	vpop (xrf0)  }
0x482: {  	s11 =	smov.u32 @p3 s3;
	p3 =	por $0x0, $0x0;
	v11 =	vperm.xlane v9, v4  }
0x483: {  	s12 =	simm.s32 $0xE0;
	s11 =	smov.u32 @p3 s3  }
0x484: {  	s4 =	simm.s32 $0xD0;
	s2 =	simm.s32 $0xFFFFFFFF;
	s21 =	smov.u32 s11;
	v9 =	vsub.s32 v11, v63  }
0x485: {  	v10 =	vadd.s32 s11, v11;
	v11 =	vadd.s32 s11, v9;
	s24 =	spop (v2sf);
	s26 =	sadd.s32 $0xF0, s15;
	s15 =	simm.s32 $0x0  }
.LBB2_62:
0x486: {  	s28 =	smov.u32 s11;
	s11 =	sadd.s32 s11, s24  }
0x487: {  	s2 =	smov.u32 @p2 s26;
	s23 =	smov.u32 s4;
	s24 =	spop (v2sf)  }
0x488: {  	p3 =	slt.s32 s2, $0x0;
	p4 =	sge.s32 s11, s6;
	s15 =	sadd.s32 s15, s24  }
0x489: {  	p3 =	por !p3, !p4;
	s11 =	smov.u32 @p4 s28;
	s3 =	smov.u32 @p2 s15  }
0x48a: {  	s14 =	sadd.s32 $0xFFFFFFF0, s14;
	vm1 =	vmmov vm14;
	p4 =	sgt.s32 s2, $0xFFFFFFFF;
	p2 =	por !p3, !p3  }
0x48b: {  	vm0 =	vlt.s32 v11, v8;
	p3 =	sne.s32 s4, $0x0;
	s4 =	sadd.s32 $0xFFFFFFF0, s4;
	s11 =	smov.u32 @p4 s28;
	vm1 =	vmneg @p2 vm1;
	v12 =	vld [tilespmem:s14+$0x0]  }
0x48c: {  	s15 =	smov.u32 s21;
	s21 =	smov.u32 s11;
	vm0 =	vmand vm0, vm1;
	vm1 =	vge.s32 v10, v8  }
0x48d: {  	vm0 =	vmand vm1, vm0  }
0x48e: {  	v10 =	vnsel vm0, $0x0, v0;
	v9 =	vnsel vm0, $0x0, v9  }
0x48f: {  	(xrf0) =	vadd.scan.msk.s32 $0xffff, v10  }
0x490: {  	v10 =	vperm.xlane v12, v4;
	(xrf0) =	vadd.scan.msk.s32 $0xffff, v12  }
0x491: {  	(xrf0) =	vadd.scan.msk.s32 $0xffff, v9  }
0x492: {  	(xrf0) =	vadd.scan.msk.s32 $0xffff, v10;
	_ =	sdelay $0x2  }
0x493: {  	v9, _, _ =	vpop (xrf0)  }
0x494: {  	v10, _, _ =	vpop (xrf0);
	(v2sf) =	vpush v9, $0xF  }
0x495: {  	(v2sf) =	vpush v10, $0xF;
	v9, _, _ =	vpop (xrf0)  }
0x496: {  	v10, _, _ =	vpop (xrf0);
	(v2sf) =	vpush v9, $0xF  }
0x497: {  	v10 =	vperm.xlane v10, v4;
	_ =	sdelay $0x1  }
0x498: {  	v9 =	vsub.s32 v10, v12;
	v10 =	vadd.s32 s11, v10  }
0x499: {  	v11 =	vadd.s32 s11, v9;
	_ =	sdelay $0x5  }
.Ltmp34:
0x49a: {  	(pc) =	sbr.rel @p3 .LBB2_62-.Ltmp34, $3  }
0x49b: {  	_ =	sdelay $0x1  }
0x49c: {  	s26 =	spop (v2sf)  }
0x49d: {  	s24 =	spop (v2sf);
	s26 =	sadd.s32 s12, s26;
	s12 =	smov.u32 s23  }
0x49e: {  	s4 =	sadd.s32 s11, s24;
	s2 =	smov.u32 @p2 s26  }
0x49f: {  	p3 =	slt.s32 s2, $0x0;
	p4 =	sge.s32 s4, s6  }
0x4a0: {  	p3 =	por !p3, !p4  }
0x4a1: {  	vm0 =	vmmov vm14;
	p3 =	por !p3, !p3  }
0x4a2: {  	vm1 =	vlt.s32 v11, v8;
	vm0 =	vmneg @p3 vm0  }
0x4a3: {  	vm11 =	vge.s32 v10, v8;
	vm0 =	vmand vm1, vm0  }
0x4a4: {  	vm0 =	vmand vm11, vm0  }
0x4a5: {  	v8 =	vnsel vm0, $0x0, v0  }
0x4a6: {  	v9 =	vnsel vm0, $0x0, v9;
	(xrf0) =	vadd.scan.msk.s32 $0xffff, v8  }
0x4a7: {  	(xrf0) =	vadd.scan.msk.s32 $0xffff, v9;
	_ =	sdelay $0x4  }
0x4a8: {  	v8, _, _ =	vpop (xrf0)  }
0x4a9: {  	(v2sf) =	vpush v8, $0xF;
	v8, _, _ =	vpop (xrf0)  }
0x4aa: {  	(v2sf) =	vpush v8, $0xF;
	_ =	sdelay $0xc  }
.Ltmp35:
0x4ab: {  	s29 =	spop (v2sf);
	(pc) =	sbr.rel @p1 .LBB2_70-.Ltmp35, $4  }
0x4ac: {  	s30 =	spop (v2sf)  }
0x4ad: {  	s4 =	sadd.s32 s15, s29;
	s31 =	spop (v2sf)  }
0x4ae: {  	s3 =	smov.u32 @p2 s4;
	s4 =	sadd.s32 s12, s30;
	s6 =	sadd.s32 s21, s31  }
0x4af: {  	s2 =	smov.u32 @p3 s4;
	s4 =	simm.s32 $0x0;
	s3 =	smov.u32 @p3 s6  }
0x4b0: {  	p2 =	sne.s32 s25, $0x1  }
.Ltmp36:
0x4b1: {  	_ = 	snop;
	(pc) =	sbr.rel @!p2 .LBB2_65-.Ltmp36, $4  }
0x4b2: {  	s0 =	sshll.u32 s0, $0x8  }
0x4b3: {  	s1 =	sadd.s32 s3, s1;
	s4 =	simm.s32 $0x9980;
	s0 =	sadd.s32 s0, s2  }
0x4b4: {  	p1 =	por $0x0, $0x0;
	s30 =	ssub.s32 $0x80, s1;
	s31 =	sxor.u32 $0x80000000, s0  }
0x4b5: {  	s1 =	simm.s32 $0xA980;
	v11 =	vld [tilespmem:s4+$0x0];
	s2 =	sadd.s32 $0xFFFFFFFF, s25;
	v10 =	vmov s0;
	v9 =	vmov s30;
	s0 =	simm.s32 $0x0;
	v8 =	vmov s31  }
0x4b6: {  	_ =	sdelay $0x2  }
0x4b7: {  	v12 =	vor.u32 s0, v0  }
0x4b8: {  	vm0 =	vlt.s32 v12, v7;
	vm1 =	veq.s32 v11, v10  }
0x4b9: {  	vm1 =	vmand vm0, vm1  }
0x4ba: {  	v62 =	vsel vm1, $0x1, v1;
	v63 =	vmpcnt.ones.xlane vm1  }
0x4bb: {  	(xrf0) =	vadd.scan.msk.s32 $0xffff, v62  }
0x4bc: {  	(v2sf) =	vpush v63, $0x0;
	_ =	sdelay $0x4  }
0x4bd: {  	v12, _, _ =	vpop (xrf0)  }
0x4be: {  	v13 =	vld [tilespmem:s1+$0x0];
	v11 =	vxor.u32 $0x80000000, v11;
	v12 =	vadd.s32 s0, v12  }
0x4bf: {  	p2 =	sne.s32 s2, $0x1;
	vm2 =	vgt.s32 v11, v8;
	vm3 =	vle.s32 v12, v9  }
.Ltmp37:
0x4c0: {  	vm0 =	vmand vm0, vm2;
	vm11 =	vmand vm1, vm3;
	(pc) =	sbr.rel @!p2 .LBB2_67-.Ltmp37, $4  }
0x4c1: {  	vm0 =	vmor vm0, vm11  }
0x4c2: {  	s11 =	simm.s32 $0x9990;
	[tilespmem:s0+$0xB980] =	vst.msk vm0, v11;
	v14 =	vmpcnt.ones.xlane vm0  }
0x4c3: {  	s12 =	sadd.s32 $0xFFFFFFFF, s2;
	p1 =	por $0x1, $0x1;
	s6 =	simm.s32 $0x0;
	[tilespmem:s0+$0xBA80] =	vst.msk vm0, v13  }
0x4c4: {  	s4 =	simm.s32 $0x0;
	s2 =	simm.s32 $0xA980;
	s3 =	simm.s32 $0x0;
	v11 =	vld [tilespmem:s11+$0x0];
	(v2sf) =	vpush v14, $0x0  }
.LBB2_68:
0x4c5: {  	p2 =	sne.s32 s12, $0x1;
	_ =	sdelay $0x1  }
0x4c6: {  	s6 =	sadd.s32 $0x10, s6;
	s14 =	spop (v2sf)  }
0x4c7: {  	v12 =	vor.u32 s6, v0;
	s4 =	sadd.s32 s4, s14  }
0x4c8: {  	vm0 =	vlt.s32 v12, v7;
	vm1 =	veq.s32 v11, v10  }
0x4c9: {  	vm1 =	vmand vm0, vm1  }
0x4ca: {  	v12 =	vsel vm1, $0x1, v1;
	v13 =	vmpcnt.ones.xlane vm1  }
0x4cb: {  	(xrf0) =	vadd.scan.msk.s32 $0xffff, v12  }
0x4cc: {  	(v2sf) =	vpush v13, $0x0;
	_ =	sdelay $0x4  }
0x4cd: {  	s2 =	sadd.s32 $0x10, s2;
	v12, _, _ =	vpop (xrf0)  }
0x4ce: {  	v11 =	vxor.u32 $0x80000000, v11;
	v13 =	vld [tilespmem:s2+$0x0];
	v12 =	vadd.s32 s4, v12;
	s14 =	spop (v2sf)  }
0x4cf: {  	vm2 =	vgt.s32 v11, v8;
	vm3 =	vle.s32 v12, v9;
	s3 =	sadd.s32 s3, s14  }
.Ltmp38:
0x4d0: {  	vm0 =	vmand vm0, vm2;
	vm1 =	vmand vm1, vm3;
	(pc) =	sbr.rel @p2 .LBB2_68-.Ltmp38, $4  }
0x4d1: {  	vm0 =	vmor vm0, vm1  }
0x4d2: {  	[tilespmem:s3+$0xB980] =	vst.msk vm0, v11;
	v12 =	vmpcnt.ones.xlane vm0  }
0x4d3: {  	s11 =	sadd.s32 $0x10, s11;
	[tilespmem:s3+$0xBA80] =	vst.msk vm0, v13  }
0x4d4: {  	s12 =	sadd.s32 $0xFFFFFFFF, s12;
	v11 =	vld [tilespmem:s11+$0x0];
	(v2sf) =	vpush v12, $0x0  }
.LBB2_69:
0x4d5: {  	_ = 	snop  }
0x4d6: {  	s6 =	sadd.s32 @p1 $0x10, s6;
	s11 =	simm.s32 $0x0  }
0x4d7: {  	s11 =	smov.u32 @p1 s6  }
0x4d8: {  	v12 =	vor.u32 s11, v0  }
0x4d9: {  	vm0 =	vlt.s32 v12, v7;
	vm1 =	veq.s32 v11, v10  }
0x4da: {  	vm1 =	vmand vm0, vm1  }
0x4db: {  	v7 =	vsel vm1, $0x1, v1  }
0x4dc: {  	(xrf0) =	vadd.scan.msk.s32 $0xffff, v7;
	_ =	sdelay $0x3  }
0x4dd: {  	s6 =	spop @p1 (v2sf)  }
0x4de: {  	s4 =	sadd.s32 @p1 s4, s6;
	s6 =	simm.s32 $0x0  }
0x4df: {  	s6 =	smov.u32 @p1 s4;
	v7, _, _ =	vpop (xrf0)  }
0x4e0: {  	v63 =	vxor.u32 $0x80000000, v11;
	v7 =	vadd.s32 s6, v7  }
0x4e1: {  	vm2 =	vgt.s32 v63, v8;
	vm3 =	vle.s32 v7, v9  }
0x4e2: {  	vm0 =	vmand vm0, vm2;
	vm11 =	vmand vm1, vm3  }
0x4e3: {  	v7 =	vmpcnt.ones.xlane vm1;
	vm0 =	vmor vm0, vm11  }
0x4e4: {  	v8 =	vmpcnt.ones.xlane vm0  }
0x4e5: {  	(v2sf) =	vpush v7, $0x0  }
0x4e6: {  	(v2sf) =	vpush v8, $0x0;
	_ =	sdelay $0x8  }
0x4e7: {  	s2 =	sadd.s32 @p1 $0x10, s2  }
0x4e8: {  	s1 =	smov.u32 @p1 s2  }
0x4e9: {  	v7 =	vld [tilespmem:s1+$0x0]  }
0x4ea: {  	s1 =	spop @p1 (v2sf)  }
0x4eb: {  	s1 =	sadd.s32 @p1 s3, s1  }
0x4ec: {  	s0 =	smov.u32 @p1 s1;
	s31 =	spop (v2sf)  }
0x4ed: {  	[tilespmem:s0+$0xB980] =	vst.msk vm0, v63;
	s1 =	spop (v2sf)  }
0x4ee: {  	[tilespmem:s0+$0xBA80] =	vst.msk vm0, v7;
	s4 =	sadd.s32 s0, s1  }
.LBB2_70:
0x4ef: {  	v7 =	vld [tilespmem:$0xB980]  }
0x4f0: {  	v9 =	vmov s4;
	v8 =	vld [tilespmem:$0xBA80]  }
0x4f1: {  	v11 =	vsub.s32 v6, v5;
	v12 =	vadd.s32 $0x1, v0;
	v10 =	vsub.s32 v0, v9  }
0x4f2: {  	v6 =	vld [tilespmem:$0xB990];
	v14 =	vor.u32 $0x10, v0;
	v16 =	vor.u32 $0x20, v0;
	vm0 =	vlt.s32 v10, v5  }
0x4f3: {  	v15 =	vld [tilespmem:$0xBA90];
	v18 =	vor.u32 $0x30, v0;
	v13 =	vsel vm0, $0x0, v11;
	vm0 =	vlt.s32 v9, v12  }
0x4f4: {  	v12 =	vsub.s32 v14, v9;
	v10 =	vadd.s32 v13, v10;
	v13 =	vadd.s32 $0x11, v0  }
0x4f5: {  	v17 =	vld [tilespmem:$0xBAA0];
	v7 =	vsel vm0, $0x80000000, v7;
	v8 =	vsel vm0, v10, v8;
	vm0 =	vlt.s32 v12, v5  }
0x4f6: {  	v20 =	vor.u32 $0x40, v0;
	v10 =	vld [tilespmem:$0xB9A0];
	v14 =	vsel vm0, $0x0, v11;
	vm0 =	vlt.s32 v9, v13  }
0x4f7: {  	v13 =	vsub.s32 v16, v9;
	[tilespmem:$0xB980] =	vst v7;
	v7 =	vadd.s32 $0x31, v0;
	v12 =	vadd.s32 v14, v12  }
0x4f8: {  	v6 =	vsel vm0, $0x80000000, v6;
	v14 =	vld [tilespmem:$0xB9B0];
	v12 =	vsel vm0, v12, v15;
	vm0 =	vlt.s32 v13, v5  }
0x4f9: {  	v19 =	vld [tilespmem:$0xBAB0];
	[tilespmem:$0xBA80] =	vst v8;
	v8 =	vsub.s32 v20, v9;
	v15 =	vadd.s32 $0x21, v0;
	v16 =	vsel vm0, $0x0, v11  }
0x4fa: {  	v21 =	vld [tilespmem:$0xB9D0];
	vm0 =	vlt.s32 v9, v15;
	v15 =	vsub.s32 v18, v9;
	v13 =	vadd.s32 v16, v13  }
0x4fb: {  	[tilespmem:$0xB990] =	vst v6;
	v16 =	vld [tilespmem:$0xB9C0];
	v10 =	vsel vm0, $0x80000000, v10;
	v13 =	vsel vm0, v13, v17;
	vm0 =	vlt.s32 v15, v5  }
0x4fc: {  	[tilespmem:$0xBA90] =	vst v12;
	v12 =	vadd.s32 $0x41, v0;
	v17 =	vld [tilespmem:$0xBAC0];
	v18 =	vsel vm0, $0x0, v11;
	vm0 =	vlt.s32 v9, v7  }
0x4fd: {  	v20 =	vld [tilespmem:$0xBAE0];
	[tilespmem:$0xBAA0] =	vst v13;
	v13 =	vadd.s32 $0x51, v0;
	v7 =	vadd.s32 v18, v15;
	v6 =	vsel vm0, $0x80000000, v14  }
0x4fe: {  	v15 =	vld [tilespmem:$0xBAD0];
	v7 =	vsel vm0, v7, v19;
	vm0 =	vlt.s32 v8, v5;
	v19 =	vor.u32 $0x50, v0  }
0x4ff: {  	[tilespmem:$0xB9A0] =	vst v10;
	v14 =	vld [tilespmem:$0xB9E0];
	v18 =	vsel vm0, $0x0, v11;
	vm0 =	vlt.s32 v9, v12;
	v10 =	vsub.s32 v19, v9  }
0x500: {  	v12 =	vld [tilespmem:$0xB9F0];
	[tilespmem:$0xBAB0] =	vst v7;
	v7 =	vadd.s32 $0x61, v0;
	v8 =	vadd.s32 v18, v8;
	v16 =	vsel vm0, $0x80000000, v16  }
0x501: {  	[tilespmem:$0xB9B0] =	vst v6;
	vm1 =	vlt.s32 v10, v5;
	v18 =	vld [tilespmem:$0xBAF0];
	v6 =	vsel vm0, v8, v17;
	vm0 =	vlt.s32 v9, v13  }
0x502: {  	v8 =	vsel vm1, $0x0, v11;
	v13 =	vld [tilespmem:$0xB980];
	vm1 =	vlt.s32 v9, v7;
	v7 =	vadd.s32 $0x71, v0  }
0x503: {  	[tilespmem:$0xB9C0] =	vst v16;
	v17 =	vadd.s32 v8, v10;
	v8 =	vor.u32 $0x60, v0;
	v10 =	vld [tilespmem:$0xB990];
	v16 =	vsel vm0, $0x80000000, v21  }
0x504: {  	[tilespmem:$0xBAC0] =	vst v6;
	v21 =	vor.u32 $0x70, v0;
	v6 =	vld [tilespmem:$0xB9B0];
	v14 =	vsel vm1, $0x80000000, v14;
	v19 =	vsub.s32 v8, v9  }
0x505: {  	vm3 =	vlt.s32 v9, v7;
	v7 =	vld [tilespmem:$0xB9C0];
	[tilespmem:$0xB9D0] =	vst v16;
	v16 =	vsub.s32 v21, v9;
	vm2 =	vlt.s32 v19, v5  }
0x506: {  	v8 =	vld [tilespmem:$0xB9A0];
	[tilespmem:$0xB9E0] =	vst v14;
	v14 =	vsel vm0, v17, v15;
	v9 =	vsel vm2, $0x0, v11;
	vm2 =	vlt.s32 v16, v5  }
0x507: {  	v12 =	vsel vm3, $0x80000000, v12;
	[tilespmem:$0xBAD0] =	vst v14;
	v5 =	vld [tilespmem:$0xB9D0];
	v15 =	vadd.s32 v9, v19;
	v11 =	vsel vm2, $0x0, v11  }
0x508: {  	[tilespmem:$0xB9F0] =	vst v12;
	v9 =	vld [tilespmem:$0xB9E0];
	v12 =	vsel vm1, v15, v20;
	v14 =	vadd.s32 v11, v16  }
0x509: {  	v19 =	vld [tilespmem:$0xBA90];
	[tilespmem:$0xBAE0] =	vst v12;
	v12 =	vsel vm3, v14, v18  }
0x50a: {  	s0 =	simm.s32 $0x0;
	v20 =	vld [tilespmem:$0xBA80];
	[tilespmem:$0xBAF0] =	vst v12  }
0x50b: {  	v22 =	vld.msk [tilespmem:s0+$0xB980 ss:$0x0], $0xffff  }
0x50c: {  	v24 =	vld.msk [tilespmem:s0+$0xBA80 ss:$0x0], $0xffff  }
0x50d: {  	v11 =	vld [tilespmem:$0xB9F0]  }
0x50e: {  	v23 =	vimm.s32 $0x0;
	v18 =	vld [tilespmem:$0xBAA0]  }
0x50f: {  	v26 =	vimm.s32 $0x0;
	v25 =	vimm.s32 $0x0;
	v27 =	vimm.s32 $0x0;
	v14 =	vld [tilespmem:$0xBAD0]  }
0x510: {  	v28 =	vimm.s32 $0x0;
	v29 =	vimm.s32 $0x0;
	v16 =	vld [tilespmem:$0xBAE0];
	vm0 =	veq.s32 v22, v13  }
0x511: {  	vm1 =	veq.s32 v22, v10;
	vm2 =	veq.s32 v22, v8;
	vm3 =	vlt.s32 v24, v20  }
0x512: {  	v17 =	vld [tilespmem:$0xBAB0];
	vm4 =	veq.s32 v22, v11;
	vm5 =	vlt.s32 v24, v12;
	vm6 =	vlt.s32 v24, v19  }
0x513: {  	v15 =	vld [tilespmem:$0xBAC0];
	vm7 =	vgt.s32 v22, v11;
	vm8 =	veq.s32 v22, v6;
	vm9 =	veq.s32 v22, v7  }
0x514: {  	vm10 =	veq.s32 v22, v5;
	vm11 =	vlt.s32 v24, v14;
	vm12 =	veq.s32 v22, v9  }
0x515: {  	vm13 =	vlt.s32 v24, v16;
	vm4 =	vmand vm4, vm5;
	vm5 =	vlt.s32 v24, v18  }
0x516: {  	vm0 =	vmand vm0, vm3;
	vm1 =	vmand vm1, vm6;
	vm3 =	vgt.s32 v22, v13  }
0x517: {  	vm4 =	vmor vm7, vm4;
	vm7 =	vlt.s32 v24, v17;
	vm2 =	vmand vm2, vm5  }
0x518: {  	vm0 =	vmor vm3, vm0;
	v21 =	vsel vm4, $0x1, v1;
	vm4 =	vlt.s32 v24, v15  }
0x519: {  	vm5 =	vmand vm8, vm7;
	vm7 =	vmand vm10, vm11;
	vm8 =	vmand vm12, vm13  }
0x51a: {  	vm10 =	vgt.s32 v22, v6;
	vm11 =	vgt.s32 v22, v7;
	vm12 =	vgt.s32 v22, v5  }
0x51b: {  	vm13 =	vgt.s32 v22, v9;
	v24 =	vimm.s32 $0x0;
	v21 =	vadd.s32 v21, v23  }
0x51c: {  	vm6 =	vmand vm9, vm4;
	vm4 =	vgt.s32 v22, v10;
	vm9 =	vgt.s32 v22, v8  }
0x51d: {  	s1 =	simm.s32 $0x1;
	vm3 =	vmor vm4, vm1;
	vm4 =	vmor vm9, vm2;
	vm2 =	vmor vm10, vm5  }
0x51e: {  	s0 =	simm.s32 $0x8;
	v22 =	vld.msk [tilespmem:s1+$0xB980 ss:$0x0], $0xffff;
	vm5 =	vmor vm11, vm6;
	vm6 =	vmor vm12, vm7;
	vm1 =	vmor vm13, vm8  }
.LBB2_71:
0x51f: {  	p1 =	sne.s32 s0, $0x1FC;
	v30 =	vld.msk [tilespmem:s1+$0xBA80 ss:$0x0], $0xffff;
	v31 =	vsel vm0, $0x1, v1;
	v32 =	vsel vm3, $0x1, v1;
	v33 =	vsel vm4, $0x1, v1  }
0x520: {  	v34 =	vsel vm2, $0x1, v1;
	v35 =	vsel vm5, $0x1, v1;
	v36 =	vsel vm6, $0x1, v1  }
0x521: {  	v23 =	vadd.s32 v31, v23;
	v26 =	vadd.s32 v32, v26;
	v31 =	vsel vm1, $0x1, v1  }
0x522: {  	v24 =	vadd.s32 v33, v24;
	v25 =	vadd.s32 v34, v25;
	v27 =	vadd.s32 v35, v27  }
0x523: {  	v28 =	vadd.s32 v36, v28;
	v29 =	vadd.s32 v31, v29  }
0x524: {  	vm0 =	veq.s32 v22, v13;
	vm1 =	veq.s32 v22, v10;
	vm2 =	veq.s32 v22, v8  }
0x525: {  	vm4 =	veq.s32 v22, v11;
	vm3 =	vlt.s32 v30, v20;
	vm5 =	vlt.s32 v30, v12  }
0x526: {  	vm7 =	vgt.s32 v22, v11;
	vm6 =	vlt.s32 v30, v19;
	vm4 =	vmand vm4, vm5  }
0x527: {  	vm8 =	veq.s32 v22, v6;
	vm5 =	vlt.s32 v30, v18;
	vm4 =	vmor vm7, vm4  }
0x528: {  	vm9 =	veq.s32 v22, v7;
	vm7 =	vlt.s32 v30, v17;
	v31 =	vsel vm4, $0x1, v1  }
0x529: {  	vm10 =	veq.s32 v22, v5;
	vm4 =	vlt.s32 v30, v15;
	v21 =	vadd.s32 v31, v21  }
0x52a: {  	vm12 =	veq.s32 v22, v9;
	vm11 =	vlt.s32 v30, v14;
	vm13 =	vlt.s32 v30, v16  }
0x52b: {  	vm0 =	vmand vm0, vm3;
	vm1 =	vmand vm1, vm6;
	vm2 =	vmand vm2, vm5  }
0x52c: {  	vm5 =	vmand vm8, vm7;
	vm7 =	vmand vm10, vm11;
	vm6 =	vmand vm9, vm4  }
.Ltmp39:
0x52d: {  	vm3 =	vgt.s32 v22, v13;
	vm8 =	vmand vm12, vm13;
	vm4 =	vgt.s32 v22, v10;
	(pc) =	sbr.rel @p1 .LBB2_71-.Ltmp39, $4  }
0x52e: {  	vm10 =	vgt.s32 v22, v6;
	vm11 =	vgt.s32 v22, v7;
	vm9 =	vgt.s32 v22, v8  }
0x52f: {  	vm0 =	vmor vm3, vm0;
	vm12 =	vgt.s32 v22, v5;
	vm13 =	vgt.s32 v22, v9  }
0x530: {  	s1 =	sshra.s32 s0, $0x2;
	vm3 =	vmor vm4, vm1;
	vm4 =	vmor vm9, vm2;
	vm2 =	vmor vm10, vm5  }
0x531: {  	s0 =	sadd.s32 $0x4, s0;
	vm5 =	vmor vm11, vm6;
	vm6 =	vmor vm12, vm7;
	vm1 =	vmor vm13, vm8;
	v22 =	vld.msk [tilespmem:s1+$0xB980 ss:$0x0], $0xffff  }
0x532: {  	v31 =	vsel vm0, $0x1, v1;
	v32 =	vsel vm3, $0x1, v1;
	v33 =	vsel vm4, $0x1, v1  }
0x533: {  	v30 =	vld.msk [tilespmem:s1+$0xBA80 ss:$0x0], $0xffff;
	v34 =	vsel vm2, $0x1, v1;
	v35 =	vsel vm5, $0x1, v1;
	v36 =	vsel vm6, $0x1, v1  }
0x534: {  	v44 =	vsel vm1, $0x1, v1;
	v23 =	vadd.s32 v31, v23;
	v26 =	vadd.s32 v32, v26  }
0x535: {  	v24 =	vadd.s32 v33, v24;
	v25 =	vadd.s32 v34, v25;
	v27 =	vadd.s32 v35, v27  }
0x536: {  	v28 =	vadd.s32 v36, v28;
	v29 =	vadd.s32 v44, v29;
	vm11 =	veq.s32 v22, v13  }
0x537: {  	vm2 =	veq.s32 v22, v10;
	vm3 =	veq.s32 v22, v8;
	vm1 =	veq.s32 v22, v11  }
0x538: {  	vm7 =	veq.s32 v22, v6;
	vm4 =	vgt.s32 v22, v13;
	vm9 =	vlt.s32 v30, v20  }
0x539: {  	vm10 =	vgt.s32 v22, v10;
	vm5 =	vlt.s32 v30, v19;
	vm0 =	vmand vm11, vm9  }
0x53a: {  	vm6 =	vlt.s32 v30, v18;
	vm8 =	vlt.s32 v30, v17;
	vm0 =	vmor vm4, vm0  }
0x53b: {  	vm9 =	veq.s32 v22, v7;
	vm2 =	vmand vm2, vm5;
	v45 =	vsel vm0, $0x1, v1  }
0x53c: {  	vm3 =	vmand vm3, vm6;
	vm2 =	vmor vm10, vm2;
	v23 =	vadd.s32 v45, v23  }
0x53d: {  	vm11 =	vgt.s32 v22, v8;
	vm6 =	vgt.s32 v22, v5;
	v46 =	vsel vm2, $0x1, v1  }
0x53e: {  	vm3 =	vmor vm11, vm3;
	vm10 =	vmand vm7, vm8;
	v26 =	vadd.s32 v46, v26  }
0x53f: {  	vm11 =	vgt.s32 v22, v6;
	vm8 =	vlt.s32 v30, v14;
	v47 =	vsel vm3, $0x1, v1  }
0x540: {  	vm0 =	vlt.s32 v30, v15;
	vm4 =	vmor vm11, vm10;
	v24 =	vadd.s32 v47, v24  }
0x541: {  	vm10 =	vgt.s32 v22, v7;
	vm0 =	vmand vm9, vm0;
	v48 =	vsel vm4, $0x1, v1;
	[tilespmem:v23+s18+$0x0] =	vst.idx.msk $0xffff, v13  }
0x542: {  	vm2 =	veq.s32 v22, v5;
	vm0 =	vmor vm10, vm0;
	v49 =	vadd.s32 v48, v25;
	[tilespmem:v23+s19+$0x0] =	vst.idx.msk $0xffff, v20  }
0x543: {  	vm7 =	vlt.s32 v30, v16;
	vm2 =	vmand vm2, vm8;
	v50 =	vsel vm0, $0x1, v1;
	[tilespmem:v26+s18+$0x0] =	vst.idx.msk $0xffff, v10  }
0x544: {  	vm11 =	veq.s32 v22, v9;
	vm2 =	vmor vm6, vm2;
	v51 =	vadd.s32 v50, v27;
	[tilespmem:v26+s19+$0x0] =	vst.idx.msk $0xffff, v19  }
0x545: {  	vm8 =	vgt.s32 v22, v9;
	vm0 =	vmand vm11, vm7;
	v52 =	vsel vm2, $0x1, v1;
	[tilespmem:v24+s18+$0x0] =	vst.idx.msk $0xffff, v8  }
0x546: {  	vm9 =	vlt.s32 v30, v12;
	vm0 =	vmor vm8, vm0;
	v53 =	vadd.s32 v52, v28;
	[tilespmem:v24+s19+$0x0] =	vst.idx.msk $0xffff, v18  }
0x547: {  	vm10 =	vgt.s32 v22, v11;
	vm1 =	vmand vm1, vm9;
	v54 =	vsel vm0, $0x1, v1;
	[tilespmem:v49+s18+$0x0] =	vst.idx.msk $0xffff, v6  }
0x548: {  	vm11 =	vmor vm10, vm1;
	v6 =	vadd.s32 v54, v29;
	[tilespmem:v49+s19+$0x0] =	vst.idx.msk $0xffff, v17  }
0x549: {  	v55 =	vsel vm11, $0x1, v1;
	[tilespmem:v51+s18+$0x0] =	vst.idx.msk $0xffff, v7  }
0x54a: {  	v7 =	vadd.s32 v55, v21;
	[tilespmem:v51+s19+$0x0] =	vst.idx.msk $0xffff, v15  }
0x54b: {  	[tilespmem:v53+s18+$0x0] =	vst.idx.msk $0xffff, v5  }
0x54c: {  	[tilespmem:v53+s19+$0x0] =	vst.idx.msk $0xffff, v14  }
0x54d: {  	[tilespmem:v6+s18+$0x0] =	vst.idx.msk $0xffff, v9  }
0x54e: {  	[tilespmem:v6+s19+$0x0] =	vst.idx.msk $0xffff, v16  }
0x54f: {  	[tilespmem:v7+s18+$0x0] =	vst.idx.msk $0xffff, v11  }
0x550: {  	[tilespmem:v7+s19+$0x0] =	vst.idx.msk $0xffff, v12  }
0x551: {  	v5 =	vld [tilespmem:$0xBB80]  }
0x552: {  	v6 =	vld [tilespmem:$0xBB90]  }
0x553: {  	v7 =	vld [tilespmem:$0xBBA0]  }
0x554: {  	v9 =	vld [tilespmem:$0xBBB0];
	_ =	sdelay $0x1  }
0x555: {  	v10 =	vld [tilespmem:$0xBBC0]  }
0x556: {  	v56 =	vxor.u32 $0x7FFFFFFF, v5;
	vm4 =	vlt.s32 v5, $0x0;
	vm5 =	veq.s32 v5, $0x80000000  }
0x557: {  	v59 =	vld [tilespmem:$0xBBE0];
	vm6 =	vlt.s32 v6, $0x0;
	vm7 =	veq.s32 v6, $0x80000000;
	v57 =	vxor.u32 $0x7FFFFFFF, v7  }
0x558: {  	vm8 =	vlt.s32 v7, $0x0;
	v58 =	vxor.u32 $0x7FFFFFFF, v9;
	vm9 =	vlt.s32 v9, $0x0  }
0x559: {  	v62 =	vld [tilespmem:$0xBBF0];
	vm10 =	veq.s32 v7, $0x80000000;
	v8 =	vsel vm4, v56, v5;
	v5 =	vxor.u32 $0x7FFFFFFF, v6  }
0x55a: {  	vm11 =	veq.s32 v9, $0x80000000;
	v61 =	vxor.u32 $0x7FFFFFFF, v10;
	v5 =	vsel vm6, v5, v6;
	v6 =	vld [tilespmem:$0xBBD0]  }
0x55b: {  	v11 =	vsel vm8, v57, v7;
	v7 =	vsel vm9, v58, v9;
	vm4 =	vlt.s32 v10, $0x0  }
0x55c: {  	vm8 =	vlt.s32 v59, $0x0;
	v8 =	vsel vm5, $0xFF800000, v8;
	v5 =	vsel vm7, $0xFF800000, v5  }
0x55d: {  	v60 =	vsel vm10, $0xFF800000, v11;
	vm6 =	veq.s32 v10, $0x80000000;
	[tilespmem:$0xBC90] =	vst v5;
	v5 =	vsel vm4, v61, v10  }
0x55e: {  	v7 =	vsel vm11, $0xFF800000, v7;
	vm10 =	vlt.s32 v62, $0x0;
	[tilespmem:$0xBC80] =	vst v8;
	v5 =	vsel vm6, $0xFF800000, v5  }
0x55f: {  	vm11 =	veq.s32 v62, $0x80000000;
	[tilespmem:$0xBCC0] =	vst v5;
	v5 =	vxor.u32 $0x7FFFFFFF, v62;
	v63 =	vxor.u32 $0x7FFFFFFF, v6  }
0x560: {  	[tilespmem:$0xBCA0] =	vst v60;
	vm5 =	vlt.s32 v6, $0x0;
	vm7 =	veq.s32 v6, $0x80000000;
	v5 =	vsel vm10, v5, v62  }
0x561: {  	[tilespmem:$0xBCB0] =	vst v7;
	v8 =	vsel vm5, v63, v6;
	v6 =	vxor.u32 $0x7FFFFFFF, v59;
	v5 =	vsel vm11, $0xFF800000, v5  }
0x562: {  	s0 =	sor.u32 s10, s22;
	vm9 =	veq.s32 v59, $0x80000000;
	v7 =	vsel vm7, $0xFF800000, v8;
	v6 =	vsel vm8, v6, v59;
	[tilespmem:$0xBCF0] =	vst v5  }
0x563: {  	s31 =	rddreg [dreg:$0x3];
	s30 =	sshrl.u32 s0, $0x3;
	[tilespmem:$0xBCD0] =	vst v7;
	v6 =	vsel vm9, $0xFF800000, v6  }
0x564: {  	s0 =	sadd.s32 s31, s30;
	[tilespmem:$0xBCE0] =	vst v6  }
0x565: {  	[hbm4b:s0+s5] =	stream.linear.scatter [tilespmem:s20], [sflag:$0x1], $0x80, $0x38;
	[tilespmem:$0xBE00] =	vst v63  }
0x566: {  	s0 =	simm.s32 $0x1  }
0x567: {  	_ =	swait.ge [sflag:s0], $0x80  }
0x568: {  	[sflag:s0] =	ssyncset.done $0x0  }
0x569: {  	[sflag:s0] =	ssyncadd.s32 $0xFFFFFF80  }
0x56a: {  	s2 =	rddreg [dreg:$0x4]  }
0x56b: {  	s1 =	sadd.s32 s2, s30  }
0x56c: {  	[hbm4b:s1+s5] =	stream.linear.scatter [tilespmem:s19], [sflag:$0x1], $0x80, $0x38;
	[tilespmem:$0xBE00] =	vst v63  }
.Ltmp40:
0x56d: {  	_ = 	snop;
	(pc) =	sbr.rel @p0 .LBB2_2-.Ltmp40, $4  }
.Ltmp41:
0x56e: {  	_ = 	snop;
	(pc) =	sbr.rel @!p0 .LBB2_73-.Ltmp41, $4  }
0x56f: {  	_ =	swait.ge [sflag:s0], $0x80  }
0x570: {  	[sflag:s0] =	ssyncset.done $0x0  }
0x571: {  	p1 =	por $0x0, $0x0;
	[sflag:s0] =	ssyncadd.s32 $0xFFFFFF80  }
0x572: {  	_ = 	snop  }
.LBB2_7:
.Ltmp42:
0x573: {  	(pc) =	sbr.rel .LBB2_11-.Ltmp42, $2  }
0x574: {  	_ =	sdelay $0x2  }
0x575: {  	s3 =	simm.s32 $0x9000  }
.LBB2_16:
.Ltmp43:
0x576: {  	(pc) =	sbr.rel .LBB2_21-.Ltmp43, $2  }
0x577: {  	_ =	sdelay $0x2  }
0x578: {  	s1 =	simm.s32 $0x0  }
.LBB2_28:
.Ltmp44:
0x579: {  	(pc) =	sbr.rel .LBB2_33-.Ltmp44, $3  }
0x57a: {  	_ =	sdelay $0x1  }
0x57b: {  	s3 =	simm.s32 $0x0  }
0x57c: {  	s21 =	simm.s32 $0xFFFFFFFF;
	s14 =	simm.s32 $0x0;
	s12 =	simm.s32 $0x0  }
.LBB2_45:
.Ltmp45:
0x57d: {  	(pc) =	sbr.rel .LBB2_50-.Ltmp45, $3  }
0x57e: {  	_ =	sdelay $0x1  }
0x57f: {  	s3 =	simm.s32 $0x0  }
0x580: {  	s21 =	simm.s32 $0xFFFFFFFF;
	s14 =	simm.s32 $0x0;
	s12 =	simm.s32 $0x0  }
.LBB2_9:
.Ltmp46:
0x581: {  	(pc) =	sbr.rel .LBB2_11-.Ltmp46, $2  }
0x582: {  	_ =	sdelay $0x2  }
0x583: {  	s3 =	simm.s32 $0x9000  }
.LBB2_18:
.Ltmp47:
0x584: {  	(pc) =	sbr.rel .LBB2_21-.Ltmp47, $2  }
0x585: {  	_ =	sdelay $0x2  }
0x586: {  	s4 =	simm.s32 $0x10;
	s1 =	simm.s32 $0x0  }
.LBB2_30:
.Ltmp48:
0x587: {  	(pc) =	sbr.rel .LBB2_33-.Ltmp48, $3  }
0x588: {  	_ =	sdelay $0x1  }
0x589: {  	s21 =	simm.s32 $0xFFFFFFFF;
	s25 =	simm.s32 $0x0  }
0x58a: {  	s14 =	simm.s32 $0x0;
	s12 =	smov.u32 s3;
	s4 =	simm.s32 $0xE0  }
.LBB2_47:
.Ltmp49:
0x58b: {  	(pc) =	sbr.rel .LBB2_50-.Ltmp49, $3  }
0x58c: {  	_ =	sdelay $0x1  }
0x58d: {  	s21 =	simm.s32 $0xFFFFFFFF;
	s28 =	simm.s32 $0x0  }
0x58e: {  	s14 =	simm.s32 $0x0;
	s12 =	smov.u32 s3;
	s4 =	simm.s32 $0xE0  }
.LBB2_37:
.Ltmp50:
0x58f: {  	(pc) =	sbr.rel .LBB2_41-.Ltmp50, $2  }
0x590: {  	_ =	sdelay $0x2  }
0x591: {  	s4 =	simm.s32 $0x0  }
.LBB2_54:
.Ltmp51:
0x592: {  	(pc) =	sbr.rel .LBB2_58-.Ltmp51, $2  }
0x593: {  	_ =	sdelay $0x2  }
0x594: {  	s3 =	simm.s32 $0x0  }
.LBB2_65:
.Ltmp52:
0x595: {  	(pc) =	sbr.rel .LBB2_69-.Ltmp52, $3  }
0x596: {  	_ =	sdelay $0x1  }
0x597: {  	s6 =	simm.s32 $0x0  }
0x598: {  	s4 =	simm.s32 $0x0;
	s2 =	simm.s32 $0xA980;
	s3 =	simm.s32 $0x0  }
.LBB2_39:
.Ltmp53:
0x599: {  	(pc) =	sbr.rel .LBB2_41-.Ltmp53, $2  }
0x59a: {  	_ =	sdelay $0x2  }
0x59b: {  	s4 =	simm.s32 $0x0  }
.LBB2_56:
.Ltmp54:
0x59c: {  	(pc) =	sbr.rel .LBB2_58-.Ltmp54, $2  }
0x59d: {  	_ =	sdelay $0x2  }
0x59e: {  	s3 =	simm.s32 $0x0  }
.LBB2_67:
.Ltmp55:
0x59f: {  	(pc) =	sbr.rel .LBB2_69-.Ltmp55, $3  }
0x5a0: {  	_ =	sdelay $0x1  }
0x5a1: {  	s6 =	simm.s32 $0x0  }
0x5a2: {  	s4 =	simm.s32 $0x0;
	s2 =	simm.s32 $0xA980;
	s3 =	simm.s32 $0x0  }
.LBB2_74:
0x5a3: {  	_ =	sfence.sel $0x180000  }
0x5a4: {  	[bflag:$0x0] =	sbarrier.arrive $0xFFFF  }
0x5a5: {  	_ =	strace $0x90000047  }
0x5a6: {  	s0 =	stileid.u32;
	[bflag:$0x2] =	sbarrier.arrive $0xFFFF  }
0x5a7: {  	p0 =	sne.s32 s0, $0x0;
	s0 =	rddreg [dreg:$0x5]  }
0x5a8: {  	s0 =	sadd.s32 @!p0 $0x100000, s0  }
0x5a9: {  	[sflag:s0] =	ssyncadd.tile.s32 @!p0 $0x1;
	_ =	shalt  }
.Lfunc_end2:
_tile_overlayer_lowered:
.L_overlay_start_2:
0x5aa: {  	(tag) =	ssettag $0x2  }
0x5ab: {  	s0 =	rddreg [dreg:$0x0];
	s2 =	stileid.u32  }
0x5ac: {  	s1 =	rddreg [dreg:$0x1];
	p0 =	sne.s32 s2, $0x0  }
0x5ad: {  	s3 =	rddreg [dreg:$0x2];
	[bflag:$0x3] =	sbarrier.arrive $0xFFFF;
	s2 =	simm.s32 @!p0 $0x1C01  }
0x5ae: {  	[timem:s3], [sflag:s2] =	dma.local @!p0 [hbm:s0], s1  }
0x5af: {  	s0 =	simm.s32 @!p0 $0x1  }
0x5b0: {  	_ =	swait.ge @!p0 [sflag:s0], s1  }
0x5b1: {  	s1 =	ssub.s32 @!p0 $0x0, s1;
	[sflag:s0] =	ssyncset.done @!p0 $0x0  }
0x5b2: {  	[sflag:s0] =	ssyncadd.s32 @!p0 s1  }
0x5b3: {  	[bflag:$0x3] =	sbarrier.arrive $0xFFFF  }
0x5b4: {  	_ =	shalt  }

</sc_bundles>
